<compile_context>
chip_gen: v7x
topology: tpu7x:2x2x1
jax: 0.10.2.dev20260603
libtpu: 0.0.44.dev20260713+nightly
codegen_flags: <defaults>
</compile_context>

<pallas_src>
import functools

import jax
import jax.numpy as jnp
from jax import lax
from jax.experimental import pallas as pl
from jax.experimental.pallas import tpu as pltpu
from jax.experimental.pallas import tpu_sc as plsc

NN = 10000
NE = 320000
DIN = 128
H = 64
NCLS = 16
CHUNK = 125
ROWS = NE // CHUNK
CHUNKP = 125
ROWSP = NE // CHUNKP
NBUF = 8
SKEW = 4
DGRP = 8

_mesh = plsc.VectorSubcoreMesh(
    core_axis_name="c", subcore_axis_name="s", num_cores=2, num_subcores=16
)



@functools.partial(
    pl.kernel,
    out_type=(
        jax.ShapeDtypeStruct((NN,), jnp.float32),
        jax.ShapeDtypeStruct((NN,), jnp.float32),
    ),
    mesh=_mesh,
    scratch_types=[
        pltpu.VMEM((ROWS // 16, CHUNK), jnp.int32),
        pltpu.VMEM((CHUNK,), jnp.float32),
        pltpu.SemaphoreType.DMA,
        pltpu.VMEM_SHARED((NN,), jnp.float32),
    ],
)
def _deg_kernel(src2_hbm, dst2_hbm, zeros1_hbm, dout_hbm, din_hbm,
                idx_v, ones_v, ssem, deg_sh):
    cid = lax.axis_index("c")
    sid = lax.axis_index("s")
    rpt = ROWS // 16

    @pl.when(sid == 0)
    def _():
        pltpu.sync_copy(zeros1_hbm, deg_sh)

    @pl.when(cid == 0)
    def _():
        pltpu.sync_copy(src2_hbm.at[pl.ds(sid * rpt, rpt), :], idx_v)

    @pl.when(cid == 1)
    def _():
        pltpu.sync_copy(dst2_hbm.at[pl.ds(sid * rpt, rpt), :], idx_v)

    for i in range(CHUNK // 16):
        ones_v[pl.ds(16 * i, 16)] = jnp.ones((16,), jnp.float32)
    ones_v[pl.ds(CHUNK - 16, 16)] = jnp.ones((16,), jnp.float32)
    plsc.subcore_barrier()

    def group(g, carry):
        for b in range(DGRP):
            j = g * DGRP + b
            pltpu.async_copy(ones_v, deg_sh.at[idx_v.at[j]], ssem, add=True)
        for b in range(DGRP):
            j = g * DGRP + b
            pltpu.make_async_copy(ones_v, deg_sh.at[idx_v.at[j]], ssem).wait()
        return carry

    lax.fori_loop(0, rpt // DGRP, group, 0)
    plsc.subcore_barrier()

    @pl.when(jnp.logical_and(sid == 0, cid == 0))
    def _():
        pltpu.sync_copy(deg_sh, dout_hbm)

    @pl.when(jnp.logical_and(sid == 0, cid == 1))
    def _():
        pltpu.sync_copy(deg_sh, din_hbm)



def _make_prop(dt):
    return functools.partial(
        pl.kernel,
        out_type=(
            jax.ShapeDtypeStruct((NN, H), dt),
            jax.ShapeDtypeStruct((NN, H), dt),
        ),
        mesh=_mesh,
        scratch_types=[
            pltpu.VMEM((ROWSP // 32, CHUNKP), jnp.int32),
            pltpu.VMEM((ROWSP // 32, CHUNKP), jnp.int32),
            pltpu.VMEM((NBUF, CHUNKP, H), dt),
            pltpu.SemaphoreType.DMA,
            pltpu.SemaphoreType.DMA,
            pltpu.VMEM_SHARED((NN, H), dt),
        ],
        compiler_params=pltpu.CompilerParams(use_tc_tiling_on_sc=False),
    )


def _prop_body(t_hbm, src2_hbm, dst2_hbm, zeros2_hbm, a0_hbm, a1_hbm,
               sidx_v, didx_v, msg_v, gsem, ssem, agg_sh):
    cid = lax.axis_index("c")
    sid = lax.axis_index("s")
    rpt = ROWSP // 32
    w0 = (cid * 16 + sid) * rpt
    nrows = NN // 16

    pltpu.sync_copy(zeros2_hbm.at[pl.ds(sid * nrows, nrows), :],
                    agg_sh.at[pl.ds(sid * nrows, nrows), :])
    pltpu.sync_copy(src2_hbm.at[pl.ds(w0, rpt), :], sidx_v)
    pltpu.sync_copy(dst2_hbm.at[pl.ds(w0, rpt), :], didx_v)
    plsc.subcore_barrier()

    steps = rpt

    def sidx(j):
        return sidx_v.at[j]

    def didx(j):
        return didx_v.at[j]

    for b in range(NBUF):
        pltpu.async_copy(t_hbm.at[sidx(b)], msg_v.at[b], gsem)

    def group(g, carry):
        for b in range(NBUF):
            j = g * NBUF + b
            pltpu.make_async_copy(t_hbm.at[sidx(j)], msg_v.at[b], gsem).wait()
            pltpu.async_copy(msg_v.at[b], agg_sh.at[didx(j)], ssem, add=True)

            bl = (b - SKEW) % NBUF
            jl = j - SKEW

            @pl.when(jl >= 0)
            def _():
                pltpu.make_async_copy(msg_v.at[bl], agg_sh.at[didx(jl)],
                                      ssem).wait()

                @pl.when(jl + NBUF < steps)
                def _():
                    pltpu.async_copy(t_hbm.at[sidx(jl + NBUF)],
                                     msg_v.at[bl], gsem)
        return carry

    lax.fori_loop(0, steps // NBUF, group, 0)
    for jt in range(steps - SKEW, steps):
        pltpu.make_async_copy(msg_v.at[jt % NBUF], agg_sh.at[didx(jt)],
                              ssem).wait()
    plsc.subcore_barrier()

    @pl.when(cid == 0)
    def _():
        pltpu.sync_copy(agg_sh.at[pl.ds(sid * nrows, nrows), :],
                        a0_hbm.at[pl.ds(sid * nrows, nrows), :])

    @pl.when(cid == 1)
    def _():
        pltpu.sync_copy(agg_sh.at[pl.ds(sid * nrows, nrows), :],
                        a1_hbm.at[pl.ds(sid * nrows, nrows), :])


_prop_f32 = _make_prop(jnp.float32)(_prop_body)
_prop_bf16 = _make_prop(jnp.bfloat16)(_prop_body)



BR = 2000


def _s0a_body(x_ref, w_ref, t_ref):
    t_ref[...] = jnp.dot(x_ref[...], w_ref[...],
                         preferred_element_type=jnp.float32)


_s0a = pl.pallas_call(
    _s0a_body,
    grid=(NN // BR,),
    in_specs=[
        pl.BlockSpec((BR, DIN), lambda i: (i, 0)),
        pl.BlockSpec((DIN, H), lambda i: (0, 0)),
    ],
    out_specs=pl.BlockSpec((BR, H), lambda i: (i, 0)),
    out_shape=jax.ShapeDtypeStruct((NN, H), jnp.float32),
)


def _s0b_body(t_ref, do_ref, di_ref, ts_ref, ns_ref, nd_ref):
    ns = lax.rsqrt(jnp.maximum(do_ref[...], 1.0))
    nd = lax.rsqrt(jnp.maximum(di_ref[...], 1.0))
    ts_ref[...] = (t_ref[...] * ns).astype(jnp.bfloat16)
    ns_ref[...] = ns
    nd_ref[...] = nd


_s0b = pl.pallas_call(
    _s0b_body,
    grid=(NN // BR,),
    in_specs=[
        pl.BlockSpec((BR, H), lambda i: (i, 0)),
        pl.BlockSpec((BR, 1), lambda i: (i, 0)),
        pl.BlockSpec((BR, 1), lambda i: (i, 0)),
    ],
    out_specs=[
        pl.BlockSpec((BR, H), lambda i: (i, 0)),
        pl.BlockSpec((BR, 1), lambda i: (i, 0)),
        pl.BlockSpec((BR, 1), lambda i: (i, 0)),
    ],
    out_shape=[
        jax.ShapeDtypeStruct((NN, H), jnp.bfloat16),
        jax.ShapeDtypeStruct((NN, 1), jnp.float32),
        jax.ShapeDtypeStruct((NN, 1), jnp.float32),
    ],
)


def _mid_body(a0_ref, a1_ref, nd_ref, ns_ref, b_ref, w_ref, t_ref):
    a = a0_ref[...].astype(jnp.float32) + a1_ref[...].astype(jnp.float32)
    h = jnp.maximum(a * nd_ref[...] + b_ref[...], 0.0)
    t_ref[...] = (jnp.dot(h, w_ref[...],
                          preferred_element_type=jnp.float32)
                  * ns_ref[...]).astype(jnp.bfloat16)


_mid = pl.pallas_call(
    _mid_body,
    grid=(NN // BR,),
    in_specs=[
        pl.BlockSpec((BR, H), lambda i: (i, 0)),
        pl.BlockSpec((BR, H), lambda i: (i, 0)),
        pl.BlockSpec((BR, 1), lambda i: (i, 0)),
        pl.BlockSpec((BR, 1), lambda i: (i, 0)),
        pl.BlockSpec((1, H), lambda i: (0, 0)),
        pl.BlockSpec((H, H), lambda i: (0, 0)),
    ],
    out_specs=pl.BlockSpec((BR, H), lambda i: (i, 0)),
    out_shape=jax.ShapeDtypeStruct((NN, H), jnp.bfloat16),
)


def _fin_body(a0_ref, a1_ref, nd_ref, b_ref, wc_ref, bc_ref, o_ref):
    a = a0_ref[...].astype(jnp.float32) + a1_ref[...].astype(jnp.float32)
    h = jnp.maximum(a * nd_ref[...] + b_ref[...], 0.0)
    o_ref[...] = jnp.dot(h, wc_ref[...],
                         preferred_element_type=jnp.float32) + bc_ref[...]


_fin = pl.pallas_call(
    _fin_body,
    grid=(NN // BR,),
    in_specs=[
        pl.BlockSpec((BR, H), lambda i: (i, 0)),
        pl.BlockSpec((BR, H), lambda i: (i, 0)),
        pl.BlockSpec((BR, 1), lambda i: (i, 0)),
        pl.BlockSpec((1, H), lambda i: (0, 0)),
        pl.BlockSpec((H, NCLS), lambda i: (0, 0)),
        pl.BlockSpec((1, NCLS), lambda i: (0, 0)),
    ],
    out_specs=pl.BlockSpec((BR, NCLS), lambda i: (i, 0)),
    out_shape=jax.ShapeDtypeStruct((NN, NCLS), jnp.float32),
)


def kernel(x, edge_index, W1, b1, W2, b2, W3, b3, Wc, bc):
    src = edge_index[0].astype(jnp.int32)
    dst = edge_index[1].astype(jnp.int32)
    srcd = src.reshape(ROWS, CHUNK)
    dstd = dst.reshape(ROWS, CHUNK)
    srcp = src.reshape(ROWSP, CHUNKP)
    dstp = dst.reshape(ROWSP, CHUNKP)
    z1 = jnp.zeros((NN,), jnp.float32)
    z2f = jnp.zeros((NN, H), jnp.float32)
    z2b = jnp.zeros((NN, H), jnp.bfloat16)

    t1raw = _s0a(x, W1)
    dout, din = _deg_kernel(srcd, dstd, z1)
    t1, ns, nd = _s0b(t1raw, dout.reshape(NN, 1), din.reshape(NN, 1))
    a0, a1 = _prop_bf16(t1, srcp, dstp, z2b)
    t2 = _mid(a0, a1, nd, ns, b1.reshape(1, H), W2)
    a0, a1 = _prop_bf16(t2, srcp, dstp, z2b)
    t3 = _mid(a0, a1, nd, ns, b2.reshape(1, H), W3)
    a0, a1 = _prop_bf16(t3, srcp, dstp, z2b)
    return _fin(a0, a1, nd, b3.reshape(1, H), Wc, bc.reshape(1, NCLS))

# --- scband reference (transcript-rebuilt; emitter-appended) ---
"""Pipeline reference for scband-gcn-78589311582712 (READ-ONLY COPY).

The authoritative reference and input builder live on the scoring server;
editing this copy changes nothing except your own understanding.
"""

import jax, jax.numpy as jnp
import numpy as np

N_NODES = 10000
N_EDGES = 320000
D_IN = 128
H1 = 64
H2 = 64
N_CLASSES = 16


def setup_inputs(seed: int = 0) -> dict:
    key = jax.random.key(seed)
    ks = jax.random.split(key, 12)
    x = jax.random.normal(ks[0], (N_NODES, D_IN), dtype=jnp.float32)
    edge_index = jax.random.randint(ks[1], (2, N_EDGES), 0, N_NODES, dtype=jnp.int64)
    def glorot(k, shape):
        fan_in, fan_out = shape[0], shape[1]
        limit = float(np.sqrt(6.0 / (fan_in + fan_out)))
        return jax.random.uniform(k, shape, dtype=jnp.float32, minval=-limit, maxval=limit)
    W1 = glorot(ks[2], (D_IN, H1)); b1 = jnp.zeros((H1,), dtype=jnp.float32)
    W2 = glorot(ks[3], (H1, H2)); b2 = jnp.zeros((H2,), dtype=jnp.float32)
    W3 = glorot(ks[4], (H2, H2)); b3 = jnp.zeros((H2,), dtype=jnp.float32)
    Wc = glorot(ks[5], (H2, N_CLASSES)); bc = jnp.zeros((N_CLASSES,), dtype=jnp.float32)
    return {"x": x, "edge_index": edge_index, "W1": W1, "b1": b1, "W2": W2, "b2": b2, "W3": W3, "b3": b3, "Wc": Wc, "bc": bc}


def _graph_conv(x, edge_index, W, b, n_nodes):
    # DGL GraphConv with norm='both': D_dst^{-1/2} A^T D_src^{-1/2} X W + b
    src = edge_index[0]
    dst = edge_index[1]
    ones = jnp.ones((edge_index.shape[1],), dtype=jnp.float32)
    deg_out = jax.ops.segment_sum(ones, src, num_segments=n_nodes)
    deg_in = jax.ops.segment_sum(ones, dst, num_segments=n_nodes)
    norm_src = jax.lax.rsqrt(jnp.clip(deg_out, 1.0))
    norm_dst = jax.lax.rsqrt(jnp.clip(deg_in, 1.0))
    h = x * norm_src[:, None]
    msgs = jnp.take(h, src, axis=0)
    agg = jax.ops.segment_sum(msgs, dst, num_segments=n_nodes)
    agg = agg * norm_dst[:, None]
    return agg @ W + b


def reference(x, edge_index, W1, b1, W2, b2, W3, b3, Wc, bc):
    h = jax.nn.relu(_graph_conv(x, edge_index, W1, b1, N_NODES))
    h = jax.nn.relu(_graph_conv(h, edge_index, W2, b2, N_NODES))
    h = jax.nn.relu(_graph_conv(h, edge_index, W3, b3, N_NODES))
    return h @ Wc + bc

if __name__ == "__main__":
    import jax
    _d = setup_inputs()
    print(jax.jit(kernel)(*tuple(_d.values())))

</pallas_src>

<mosaic_0001>
#map = affine_map<(d0, d1) -> (0, 0)>
#map1 = affine_map<(d0, d1) -> (0)>
module attributes {stable_mosaic.version = 14 : i64} {
  func.func @_deg_kernel(%arg0: i32, %arg1: i32, %arg2: memref<2560x125xi32, #tpu.memory_space<hbm>>, %arg3: memref<2560x125xi32, #tpu.memory_space<hbm>>, %arg4: memref<10000xf32, #tpu.memory_space<hbm>>, %arg5: memref<10000xf32, #tpu.memory_space<hbm>>, %arg6: memref<10000xf32, #tpu.memory_space<hbm>>, %arg7: memref<160x125xi32, #tpu.memory_space<vmem>>, %arg8: memref<125xf32, #tpu.memory_space<vmem>>, %arg9: memref<!tpu.dma_semaphore, #tpu.memory_space<semaphore_mem>>, %arg10: memref<10000xf32, #tpu.memory_space<vmem_shared>>) attributes {dimension_semantics = [#tpu.dimension_semantics<core_parallel>, #tpu.dimension_semantics<subcore_parallel>], iteration_bounds = array<i64: 2, 16>, scalar_prefetch = 0 : i64, scratch_operands = 4 : i64, tpu.core_type = #tpu.core_type<sc_vector_subcore>, window_params = [{transform_indices = #map}, {transform_indices = #map}, {transform_indices = #map1}, {transform_indices = #map1}, {transform_indices = #map1}]} {
    %eq3A = arith.constant 0 : i32
    %eq3A_0 = arith.cmpi eq, %arg1, %eq3A : i32
    %convert_element_type3A = arith.extui %eq3A_0 : i1 to i32
    %cond3A = arith.constant 0 : i32
    %cond3A_1 = arith.cmpi ne, %convert_element_type3A, %cond3A : i32
    scf.if %cond3A_1 {
      "tpu.region"() ({
        %run_scoped3A = tpu.sem_alloc : memref<!tpu.dma_semaphore, #tpu.memory_space<semaphore_mem>>
        tpu.enqueue_dma source(%arg4 : memref<10000xf32, #tpu.memory_space<hbm>>) target(%arg10 : memref<10000xf32, #tpu.memory_space<vmem_shared>>) target_semaphore(%run_scoped3A : memref<!tpu.dma_semaphore, #tpu.memory_space<semaphore_mem>>)
        tpu.wait_dma2 semaphore(%run_scoped3A : memref<!tpu.dma_semaphore, #tpu.memory_space<semaphore_mem>>) src(%arg4 : memref<10000xf32, #tpu.memory_space<hbm>>) dst(%arg10 : memref<10000xf32, #tpu.memory_space<vmem_shared>>)
        tpu.yield
      }) : () -> ()
    } else {
    }
    %eq3A_2 = arith.constant 0 : i32
    %eq3A_3 = arith.cmpi eq, %arg0, %eq3A_2 : i32
    %convert_element_type3A_4 = arith.extui %eq3A_3 : i1 to i32
    %cond3A_5 = arith.constant 0 : i32
    %cond3A_6 = arith.cmpi ne, %convert_element_type3A_4, %cond3A_5 : i32
    scf.if %cond3A_6 {
      %mul3A = arith.constant 160 : i32
      %mul3A_79 = arith.muli %arg1, %mul3A : i32
      "tpu.region"() ({
        %run_scoped3A = tpu.sem_alloc : memref<!tpu.dma_semaphore, #tpu.memory_space<semaphore_mem>>
        %dma_start3A = arith.constant 0 : i32
        %dma_start3A_80 = tpu.memref_slice %arg2[%mul3A_79, %dma_start3A] : memref<2560x125xi32, #tpu.memory_space<hbm>> -> memref<160x125xi32, #tpu.memory_space<hbm>>
        %dma_start3A_81 = arith.constant 0 : i32
        %dma_start3A_82 = tpu.memref_slice %arg2[%mul3A_79, %dma_start3A_81] : memref<2560x125xi32, #tpu.memory_space<hbm>> -> memref<160x125xi32, #tpu.memory_space<hbm>>
        tpu.enqueue_dma source(%dma_start3A_82 : memref<160x125xi32, #tpu.memory_space<hbm>>) target(%arg7 : memref<160x125xi32, #tpu.memory_space<vmem>>) target_semaphore(%run_scoped3A : memref<!tpu.dma_semaphore, #tpu.memory_space<semaphore_mem>>)
        %dma_wait3A = arith.constant 0 : i32
        %dma_wait3A_83 = tpu.memref_slice %arg2[%mul3A_79, %dma_wait3A] : memref<2560x125xi32, #tpu.memory_space<hbm>> -> memref<160x125xi32, #tpu.memory_space<hbm>>
        %dma_wait3A_84 = arith.constant 0 : i32
        %dma_wait3A_85 = tpu.memref_slice %arg2[%mul3A_79, %dma_wait3A_84] : memref<2560x125xi32, #tpu.memory_space<hbm>> -> memref<160x125xi32, #tpu.memory_space<hbm>>
        tpu.wait_dma2 semaphore(%run_scoped3A : memref<!tpu.dma_semaphore, #tpu.memory_space<semaphore_mem>>) src(%dma_wait3A_85 : memref<160x125xi32, #tpu.memory_space<hbm>>) dst(%arg7 : memref<160x125xi32, #tpu.memory_space<vmem>>)
        tpu.yield
      }) : () -> ()
    } else {
    }
    %eq3A_7 = arith.constant 1 : i32
    %eq3A_8 = arith.cmpi eq, %arg0, %eq3A_7 : i32
    %convert_element_type3A_9 = arith.extui %eq3A_8 : i1 to i32
    %cond3A_10 = arith.constant 0 : i32
    %cond3A_11 = arith.cmpi ne, %convert_element_type3A_9, %cond3A_10 : i32
    scf.if %cond3A_11 {
      %mul3A = arith.constant 160 : i32
      %mul3A_79 = arith.muli %arg1, %mul3A : i32
      "tpu.region"() ({
        %run_scoped3A = tpu.sem_alloc : memref<!tpu.dma_semaphore, #tpu.memory_space<semaphore_mem>>
        %dma_start3A = arith.constant 0 : i32
        %dma_start3A_80 = tpu.memref_slice %arg3[%mul3A_79, %dma_start3A] : memref<2560x125xi32, #tpu.memory_space<hbm>> -> memref<160x125xi32, #tpu.memory_space<hbm>>
        %dma_start3A_81 = arith.constant 0 : i32
        %dma_start3A_82 = tpu.memref_slice %arg3[%mul3A_79, %dma_start3A_81] : memref<2560x125xi32, #tpu.memory_space<hbm>> -> memref<160x125xi32, #tpu.memory_space<hbm>>
        tpu.enqueue_dma source(%dma_start3A_82 : memref<160x125xi32, #tpu.memory_space<hbm>>) target(%arg7 : memref<160x125xi32, #tpu.memory_space<vmem>>) target_semaphore(%run_scoped3A : memref<!tpu.dma_semaphore, #tpu.memory_space<semaphore_mem>>)
        %dma_wait3A = arith.constant 0 : i32
        %dma_wait3A_83 = tpu.memref_slice %arg3[%mul3A_79, %dma_wait3A] : memref<2560x125xi32, #tpu.memory_space<hbm>> -> memref<160x125xi32, #tpu.memory_space<hbm>>
        %dma_wait3A_84 = arith.constant 0 : i32
        %dma_wait3A_85 = tpu.memref_slice %arg3[%mul3A_79, %dma_wait3A_84] : memref<2560x125xi32, #tpu.memory_space<hbm>> -> memref<160x125xi32, #tpu.memory_space<hbm>>
        tpu.wait_dma2 semaphore(%run_scoped3A : memref<!tpu.dma_semaphore, #tpu.memory_space<semaphore_mem>>) src(%dma_wait3A_85 : memref<160x125xi32, #tpu.memory_space<hbm>>) dst(%arg7 : memref<160x125xi32, #tpu.memory_space<vmem>>)
        tpu.yield
      }) : () -> ()
    } else {
    }
    %broadcast_in_dim3A = arith.constant 1.000000e+00 : f32
    %broadcast_in_dim3A_12 = vector.broadcast %broadcast_in_dim3A : f32 to vector<16xf32>
    %swap3A = arith.constant 0 : index
    %swap3A_13 = tpu.vector_load %arg8[%swap3A] {strides = array<i32>} : memref<125xf32, #tpu.memory_space<vmem>>, vector<16xf32>,
    %swap3A_14 = vector.shape_cast %swap3A_13 : vector<16xf32> to vector<16xf32>
    %swap3A_15 = vector.shape_cast %broadcast_in_dim3A_12 : vector<16xf32> to vector<16xf32>
    tpu.vector_store %arg8[%swap3A], %swap3A_15 {strides = array<i32>} : memref<125xf32, #tpu.memory_space<vmem>>, vector<16xf32>,
    %broadcast_in_dim3A_16 = arith.constant 1.000000e+00 : f32
    %broadcast_in_dim3A_17 = vector.broadcast %broadcast_in_dim3A_16 : f32 to vector<16xf32>
    %swap3A_18 = arith.constant 16 : index
    %swap3A_19 = tpu.vector_load %arg8[%swap3A_18] {strides = array<i32>} : memref<125xf32, #tpu.memory_space<vmem>>, vector<16xf32>,
    %swap3A_20 = vector.shape_cast %swap3A_19 : vector<16xf32> to vector<16xf32>
    %swap3A_21 = vector.shape_cast %broadcast_in_dim3A_17 : vector<16xf32> to vector<16xf32>
    tpu.vector_store %arg8[%swap3A_18], %swap3A_21 {strides = array<i32>} : memref<125xf32, #tpu.memory_space<vmem>>, vector<16xf32>,
    %broadcast_in_dim3A_22 = arith.constant 1.000000e+00 : f32
    %broadcast_in_dim3A_23 = vector.broadcast %broadcast_in_dim3A_22 : f32 to vector<16xf32>
    %swap3A_24 = arith.constant 32 : index
    %swap3A_25 = tpu.vector_load %arg8[%swap3A_24] {strides = array<i32>} : memref<125xf32, #tpu.memory_space<vmem>>, vector<16xf32>,
    %swap3A_26 = vector.shape_cast %swap3A_25 : vector<16xf32> to vector<16xf32>
    %swap3A_27 = vector.shape_cast %broadcast_in_dim3A_23 : vector<16xf32> to vector<16xf32>
    tpu.vector_store %arg8[%swap3A_24], %swap3A_27 {strides = array<i32>} : memref<125xf32, #tpu.memory_space<vmem>>, vector<16xf32>,
    %broadcast_in_dim3A_28 = arith.constant 1.000000e+00 : f32
    %broadcast_in_dim3A_29 = vector.broadcast %broadcast_in_dim3A_28 : f32 to vector<16xf32>
    %swap3A_30 = arith.constant 48 : index
    %swap3A_31 = tpu.vector_load %arg8[%swap3A_30] {strides = array<i32>} : memref<125xf32, #tpu.memory_space<vmem>>, vector<16xf32>,
    %swap3A_32 = vector.shape_cast %swap3A_31 : vector<16xf32> to vector<16xf32>
    %swap3A_33 = vector.shape_cast %broadcast_in_dim3A_29 : vector<16xf32> to vector<16xf32>
    tpu.vector_store %arg8[%swap3A_30], %swap3A_33 {strides = array<i32>} : memref<125xf32, #tpu.memory_space<vmem>>, vector<16xf32>,
    %broadcast_in_dim3A_34 = arith.constant 1.000000e+00 : f32
    %broadcast_in_dim3A_35 = vector.broadcast %broadcast_in_dim3A_34 : f32 to vector<16xf32>
    %swap3A_36 = arith.constant 64 : index
    %swap3A_37 = tpu.vector_load %arg8[%swap3A_36] {strides = array<i32>} : memref<125xf32, #tpu.memory_space<vmem>>, vector<16xf32>,
    %swap3A_38 = vector.shape_cast %swap3A_37 : vector<16xf32> to vector<16xf32>
    %swap3A_39 = vector.shape_cast %broadcast_in_dim3A_35 : vector<16xf32> to vector<16xf32>
    tpu.vector_store %arg8[%swap3A_36], %swap3A_39 {strides = array<i32>} : memref<125xf32, #tpu.memory_space<vmem>>, vector<16xf32>,
    %broadcast_in_dim3A_40 = arith.constant 1.000000e+00 : f32
    %broadcast_in_dim3A_41 = vector.broadcast %broadcast_in_dim3A_40 : f32 to vector<16xf32>
    %swap3A_42 = arith.constant 80 : index
    %swap3A_43 = tpu.vector_load %arg8[%swap3A_42] {strides = array<i32>} : memref<125xf32, #tpu.memory_space<vmem>>, vector<16xf32>,
    %swap3A_44 = vector.shape_cast %swap3A_43 : vector<16xf32> to vector<16xf32>
    %swap3A_45 = vector.shape_cast %broadcast_in_dim3A_41 : vector<16xf32> to vector<16xf32>
    tpu.vector_store %arg8[%swap3A_42], %swap3A_45 {strides = array<i32>} : memref<125xf32, #tpu.memory_space<vmem>>, vector<16xf32>,
    %broadcast_in_dim3A_46 = arith.constant 1.000000e+00 : f32
    %broadcast_in_dim3A_47 = vector.broadcast %broadcast_in_dim3A_46 : f32 to vector<16xf32>
    %swap3A_48 = arith.constant 96 : index
    %swap3A_49 = tpu.vector_load %arg8[%swap3A_48] {strides = array<i32>} : memref<125xf32, #tpu.memory_space<vmem>>, vector<16xf32>,
    %swap3A_50 = vector.shape_cast %swap3A_49 : vector<16xf32> to vector<16xf32>
    %swap3A_51 = vector.shape_cast %broadcast_in_dim3A_47 : vector<16xf32> to vector<16xf32>
    tpu.vector_store %arg8[%swap3A_48], %swap3A_51 {strides = array<i32>} : memref<125xf32, #tpu.memory_space<vmem>>, vector<16xf32>,
    %broadcast_in_dim3A_52 = arith.constant 1.000000e+00 : f32
    %broadcast_in_dim3A_53 = vector.broadcast %broadcast_in_dim3A_52 : f32 to vector<16xf32>
    %swap3A_54 = arith.constant 109 : index
    %swap3A_55 = tpu.vector_load %arg8[%swap3A_54] {strides = array<i32>} : memref<125xf32, #tpu.memory_space<vmem>>, vector<16xf32>,
    %swap3A_56 = vector.shape_cast %swap3A_55 : vector<16xf32> to vector<16xf32>
    %swap3A_57 = vector.shape_cast %broadcast_in_dim3A_53 : vector<16xf32> to vector<16xf32>
    tpu.vector_store %arg8[%swap3A_54], %swap3A_57 {strides = array<i32>} : memref<125xf32, #tpu.memory_space<vmem>>, vector<16xf32>,
    %barrier3A = arith.constant 0 : index
    tpu.barrier barrier_id(%barrier3A)
    %scan3A = arith.constant 0 : i32
    %scan3A_58 = arith.constant 0 : i32
    %scan3A_59 = arith.constant 20 : i32
    %scan3A_60 = arith.addi %scan3A_58, %scan3A_59 : i32
    %scan3A_61 = arith.constant 1 : i32
    scf.for %scan3A_79 = %scan3A_58 to %scan3A_60 step %scan3A_61  : i32 {
      %mul3A = arith.constant 8 : i32
      %mul3A_80 = arith.muli %scan3A_79, %mul3A : i32
      %add3A = arith.constant 0 : i32
      %add3A_81 = arith.addi %mul3A_80, %add3A : i32
      %dma_start3A = arith.constant 0 : i32
      %dma_start3A_82 = tpu.memref_slice %arg7[%add3A_81, %dma_start3A] : memref<160x125xi32, #tpu.memory_space<vmem>> -> memref<1x125xi32, #tpu.memory_space<vmem>>
      %dma_start3A_83 = tpu.memref_squeeze %dma_start3A_82 : memref<1x125xi32, #tpu.memory_space<vmem>> -> memref<125xi32, #tpu.memory_space<vmem>>
      %dma_start3A_84 = arith.constant 0 : i32
      %dma_start3A_85 = tpu.memref_slice %arg10[%dma_start3A_84] : memref<10000xf32, #tpu.memory_space<vmem_shared>> -> memref<10000xf32, #tpu.memory_space<vmem_shared>>
      tpu.enqueue_indirect_dma source(%arg8 : memref<125xf32, #tpu.memory_space<vmem>>) target(%dma_start3A_85 : memref<10000xf32, #tpu.memory_space<vmem_shared>>) offsets(%dma_start3A_83 : memref<125xi32, #tpu.memory_space<vmem>>) semaphore(%arg9 : memref<!tpu.dma_semaphore, #tpu.memory_space<semaphore_mem>>) {add = true}
      %mul3A_86 = arith.constant 8 : i32
      %mul3A_87 = arith.muli %scan3A_79, %mul3A_86 : i32
      %add3A_88 = arith.constant 1 : i32
      %add3A_89 = arith.addi %mul3A_87, %add3A_88 : i32
      %dma_start3A_90 = arith.constant 0 : i32
      %dma_start3A_91 = tpu.memref_slice %arg7[%add3A_89, %dma_start3A_90] : memref<160x125xi32, #tpu.memory_space<vmem>> -> memref<1x125xi32, #tpu.memory_space<vmem>>
      %dma_start3A_92 = tpu.memref_squeeze %dma_start3A_91 : memref<1x125xi32, #tpu.memory_space<vmem>> -> memref<125xi32, #tpu.memory_space<vmem>>
      %dma_start3A_93 = arith.constant 0 : i32
      %dma_start3A_94 = tpu.memref_slice %arg10[%dma_start3A_93] : memref<10000xf32, #tpu.memory_space<vmem_shared>> -> memref<10000xf32, #tpu.memory_space<vmem_shared>>
      tpu.enqueue_indirect_dma source(%arg8 : memref<125xf32, #tpu.memory_space<vmem>>) target(%dma_start3A_94 : memref<10000xf32, #tpu.memory_space<vmem_shared>>) offsets(%dma_start3A_92 : memref<125xi32, #tpu.memory_space<vmem>>) semaphore(%arg9 : memref<!tpu.dma_semaphore, #tpu.memory_space<semaphore_mem>>) {add = true}
      %mul3A_95 = arith.constant 8 : i32
      %mul3A_96 = arith.muli %scan3A_79, %mul3A_95 : i32
      %add3A_97 = arith.constant 2 : i32
      %add3A_98 = arith.addi %mul3A_96, %add3A_97 : i32
      %dma_start3A_99 = arith.constant 0 : i32
      %dma_start3A_100 = tpu.memref_slice %arg7[%add3A_98, %dma_start3A_99] : memref<160x125xi32, #tpu.memory_space<vmem>> -> memref<1x125xi32, #tpu.memory_space<vmem>>
      %dma_start3A_101 = tpu.memref_squeeze %dma_start3A_100 : memref<1x125xi32, #tpu.memory_space<vmem>> -> memref<125xi32, #tpu.memory_space<vmem>>
      %dma_start3A_102 = arith.constant 0 : i32
      %dma_start3A_103 = tpu.memref_slice %arg10[%dma_start3A_102] : memref<10000xf32, #tpu.memory_space<vmem_shared>> -> memref<10000xf32, #tpu.memory_space<vmem_shared>>
      tpu.enqueue_indirect_dma source(%arg8 : memref<125xf32, #tpu.memory_space<vmem>>) target(%dma_start3A_103 : memref<10000xf32, #tpu.memory_space<vmem_shared>>) offsets(%dma_start3A_101 : memref<125xi32, #tpu.memory_space<vmem>>) semaphore(%arg9 : memref<!tpu.dma_semaphore, #tpu.memory_space<semaphore_mem>>) {add = true}
      %mul3A_104 = arith.constant 8 : i32
      %mul3A_105 = arith.muli %scan3A_79, %mul3A_104 : i32
      %add3A_106 = arith.constant 3 : i32
      %add3A_107 = arith.addi %mul3A_105, %add3A_106 : i32
      %dma_start3A_108 = arith.constant 0 : i32
      %dma_start3A_109 = tpu.memref_slice %arg7[%add3A_107, %dma_start3A_108] : memref<160x125xi32, #tpu.memory_space<vmem>> -> memref<1x125xi32, #tpu.memory_space<vmem>>
      %dma_start3A_110 = tpu.memref_squeeze %dma_start3A_109 : memref<1x125xi32, #tpu.memory_space<vmem>> -> memref<125xi32, #tpu.memory_space<vmem>>
      %dma_start3A_111 = arith.constant 0 : i32
      %dma_start3A_112 = tpu.memref_slice %arg10[%dma_start3A_111] : memref<10000xf32, #tpu.memory_space<vmem_shared>> -> memref<10000xf32, #tpu.memory_space<vmem_shared>>
      tpu.enqueue_indirect_dma source(%arg8 : memref<125xf32, #tpu.memory_space<vmem>>) target(%dma_start3A_112 : memref<10000xf32, #tpu.memory_space<vmem_shared>>) offsets(%dma_start3A_110 : memref<125xi32, #tpu.memory_space<vmem>>) semaphore(%arg9 : memref<!tpu.dma_semaphore, #tpu.memory_space<semaphore_mem>>) {add = true}
      %mul3A_113 = arith.constant 8 : i32
      %mul3A_114 = arith.muli %scan3A_79, %mul3A_113 : i32
      %add3A_115 = arith.constant 4 : i32
      %add3A_116 = arith.addi %mul3A_114, %add3A_115 : i32
      %dma_start3A_117 = arith.constant 0 : i32
      %dma_start3A_118 = tpu.memref_slice %arg7[%add3A_116, %dma_start3A_117] : memref<160x125xi32, #tpu.memory_space<vmem>> -> memref<1x125xi32, #tpu.memory_space<vmem>>
      %dma_start3A_119 = tpu.memref_squeeze %dma_start3A_118 : memref<1x125xi32, #tpu.memory_space<vmem>> -> memref<125xi32, #tpu.memory_space<vmem>>
      %dma_start3A_120 = arith.constant 0 : i32
      %dma_start3A_121 = tpu.memref_slice %arg10[%dma_start3A_120] : memref<10000xf32, #tpu.memory_space<vmem_shared>> -> memref<10000xf32, #tpu.memory_space<vmem_shared>>
      tpu.enqueue_indirect_dma source(%arg8 : memref<125xf32, #tpu.memory_space<vmem>>) target(%dma_start3A_121 : memref<10000xf32, #tpu.memory_space<vmem_shared>>) offsets(%dma_start3A_119 : memref<125xi32, #tpu.memory_space<vmem>>) semaphore(%arg9 : memref<!tpu.dma_semaphore, #tpu.memory_space<semaphore_mem>>) {add = true}
      %mul3A_122 = arith.constant 8 : i32
      %mul3A_123 = arith.muli %scan3A_79, %mul3A_122 : i32
      %add3A_124 = arith.constant 5 : i32
      %add3A_125 = arith.addi %mul3A_123, %add3A_124 : i32
      %dma_start3A_126 = arith.constant 0 : i32
      %dma_start3A_127 = tpu.memref_slice %arg7[%add3A_125, %dma_start3A_126] : memref<160x125xi32, #tpu.memory_space<vmem>> -> memref<1x125xi32, #tpu.memory_space<vmem>>
      %dma_start3A_128 = tpu.memref_squeeze %dma_start3A_127 : memref<1x125xi32, #tpu.memory_space<vmem>> -> memref<125xi32, #tpu.memory_space<vmem>>
      %dma_start3A_129 = arith.constant 0 : i32
      %dma_start3A_130 = tpu.memref_slice %arg10[%dma_start3A_129] : memref<10000xf32, #tpu.memory_space<vmem_shared>> -> memref<10000xf32, #tpu.memory_space<vmem_shared>>
      tpu.enqueue_indirect_dma source(%arg8 : memref<125xf32, #tpu.memory_space<vmem>>) target(%dma_start3A_130 : memref<10000xf32, #tpu.memory_space<vmem_shared>>) offsets(%dma_start3A_128 : memref<125xi32, #tpu.memory_space<vmem>>) semaphore(%arg9 : memref<!tpu.dma_semaphore, #tpu.memory_space<semaphore_mem>>) {add = true}
      %mul3A_131 = arith.constant 8 : i32
      %mul3A_132 = arith.muli %scan3A_79, %mul3A_131 : i32
      %add3A_133 = arith.constant 6 : i32
      %add3A_134 = arith.addi %mul3A_132, %add3A_133 : i32
      %dma_start3A_135 = arith.constant 0 : i32
      %dma_start3A_136 = tpu.memref_slice %arg7[%add3A_134, %dma_start3A_135] : memref<160x125xi32, #tpu.memory_space<vmem>> -> memref<1x125xi32, #tpu.memory_space<vmem>>
      %dma_start3A_137 = tpu.memref_squeeze %dma_start3A_136 : memref<1x125xi32, #tpu.memory_space<vmem>> -> memref<125xi32, #tpu.memory_space<vmem>>
      %dma_start3A_138 = arith.constant 0 : i32
      %dma_start3A_139 = tpu.memref_slice %arg10[%dma_start3A_138] : memref<10000xf32, #tpu.memory_space<vmem_shared>> -> memref<10000xf32, #tpu.memory_space<vmem_shared>>
      tpu.enqueue_indirect_dma source(%arg8 : memref<125xf32, #tpu.memory_space<vmem>>) target(%dma_start3A_139 : memref<10000xf32, #tpu.memory_space<vmem_shared>>) offsets(%dma_start3A_137 : memref<125xi32, #tpu.memory_space<vmem>>) semaphore(%arg9 : memref<!tpu.dma_semaphore, #tpu.memory_space<semaphore_mem>>) {add = true}
      %mul3A_140 = arith.constant 8 : i32
      %mul3A_141 = arith.muli %scan3A_79, %mul3A_140 : i32
      %add3A_142 = arith.constant 7 : i32
      %add3A_143 = arith.addi %mul3A_141, %add3A_142 : i32
      %dma_start3A_144 = arith.constant 0 : i32
      %dma_start3A_145 = tpu.memref_slice %arg7[%add3A_143, %dma_start3A_144] : memref<160x125xi32, #tpu.memory_space<vmem>> -> memref<1x125xi32, #tpu.memory_space<vmem>>
      %dma_start3A_146 = tpu.memref_squeeze %dma_start3A_145 : memref<1x125xi32, #tpu.memory_space<vmem>> -> memref<125xi32, #tpu.memory_space<vmem>>
      %dma_start3A_147 = arith.constant 0 : i32
      %dma_start3A_148 = tpu.memref_slice %arg10[%dma_start3A_147] : memref<10000xf32, #tpu.memory_space<vmem_shared>> -> memref<10000xf32, #tpu.memory_space<vmem_shared>>
      tpu.enqueue_indirect_dma source(%arg8 : memref<125xf32, #tpu.memory_space<vmem>>) target(%dma_start3A_148 : memref<10000xf32, #tpu.memory_space<vmem_shared>>) offsets(%dma_start3A_146 : memref<125xi32, #tpu.memory_space<vmem>>) semaphore(%arg9 : memref<!tpu.dma_semaphore, #tpu.memory_space<semaphore_mem>>) {add = true}
      %mul3A_149 = arith.constant 8 : i32
      %mul3A_150 = arith.muli %scan3A_79, %mul3A_149 : i32
      %add3A_151 = arith.constant 0 : i32
      %add3A_152 = arith.addi %mul3A_150, %add3A_151 : i32
      %dma_wait3A = arith.constant 0 : i32
      %dma_wait3A_153 = tpu.memref_slice %arg7[%add3A_152, %dma_wait3A] : memref<160x125xi32, #tpu.memory_space<vmem>> -> memref<1x125xi32, #tpu.memory_space<vmem>>
      %dma_wait3A_154 = tpu.memref_squeeze %dma_wait3A_153 : memref<1x125xi32, #tpu.memory_space<vmem>> -> memref<125xi32, #tpu.memory_space<vmem>>
      %dma_wait3A_155 = arith.constant 0 : i32
      %dma_wait3A_156 = tpu.memref_slice %arg10[%dma_wait3A_155] : memref<10000xf32, #tpu.memory_space<vmem_shared>> -> memref<10000xf32, #tpu.memory_space<vmem_shared>>
      tpu.wait_indirect_dma semaphore(%arg9 : memref<!tpu.dma_semaphore, #tpu.memory_space<semaphore_mem>>) src(%arg8 : memref<125xf32, #tpu.memory_space<vmem>>) dst(%dma_wait3A_156 : memref<10000xf32, #tpu.memory_space<vmem_shared>>)
      %mul3A_157 = arith.constant 8 : i32
      %mul3A_158 = arith.muli %scan3A_79, %mul3A_157 : i32
      %add3A_159 = arith.constant 1 : i32
      %add3A_160 = arith.addi %mul3A_158, %add3A_159 : i32
      %dma_wait3A_161 = arith.constant 0 : i32
      %dma_wait3A_162 = tpu.memref_slice %arg7[%add3A_160, %dma_wait3A_161] : memref<160x125xi32, #tpu.memory_space<vmem>> -> memref<1x125xi32, #tpu.memory_space<vmem>>
      %dma_wait3A_163 = tpu.memref_squeeze %dma_wait3A_162 : memref<1x125xi32, #tpu.memory_space<vmem>> -> memref<125xi32, #tpu.memory_space<vmem>>
      %dma_wait3A_164 = arith.constant 0 : i32
      %dma_wait3A_165 = tpu.memref_slice %arg10[%dma_wait3A_164] : memref<10000xf32, #tpu.memory_space<vmem_shared>> -> memref<10000xf32, #tpu.memory_space<vmem_shared>>
      tpu.wait_indirect_dma semaphore(%arg9 : memref<!tpu.dma_semaphore, #tpu.memory_space<semaphore_mem>>) src(%arg8 : memref<125xf32, #tpu.memory_space<vmem>>) dst(%dma_wait3A_165 : memref<10000xf32, #tpu.memory_space<vmem_shared>>)
      %mul3A_166 = arith.constant 8 : i32
      %mul3A_167 = arith.muli %scan3A_79, %mul3A_166 : i32
      %add3A_168 = arith.constant 2 : i32
      %add3A_169 = arith.addi %mul3A_167, %add3A_168 : i32
      %dma_wait3A_170 = arith.constant 0 : i32
      %dma_wait3A_171 = tpu.memref_slice %arg7[%add3A_169, %dma_wait3A_170] : memref<160x125xi32, #tpu.memory_space<vmem>> -> memref<1x125xi32, #tpu.memory_space<vmem>>
      %dma_wait3A_172 = tpu.memref_squeeze %dma_wait3A_171 : memref<1x125xi32, #tpu.memory_space<vmem>> -> memref<125xi32, #tpu.memory_space<vmem>>
      %dma_wait3A_173 = arith.constant 0 : i32
      %dma_wait3A_174 = tpu.memref_slice %arg10[%dma_wait3A_173] : memref<10000xf32, #tpu.memory_space<vmem_shared>> -> memref<10000xf32, #tpu.memory_space<vmem_shared>>
      tpu.wait_indirect_dma semaphore(%arg9 : memref<!tpu.dma_semaphore, #tpu.memory_space<semaphore_mem>>) src(%arg8 : memref<125xf32, #tpu.memory_space<vmem>>) dst(%dma_wait3A_174 : memref<10000xf32, #tpu.memory_space<vmem_shared>>)
      %mul3A_175 = arith.constant 8 : i32
      %mul3A_176 = arith.muli %scan3A_79, %mul3A_175 : i32
      %add3A_177 = arith.constant 3 : i32
      %add3A_178 = arith.addi %mul3A_176, %add3A_177 : i32
      %dma_wait3A_179 = arith.constant 0 : i32
      %dma_wait3A_180 = tpu.memref_slice %arg7[%add3A_178, %dma_wait3A_179] : memref<160x125xi32, #tpu.memory_space<vmem>> -> memref<1x125xi32, #tpu.memory_space<vmem>>
      %dma_wait3A_181 = tpu.memref_squeeze %dma_wait3A_180 : memref<1x125xi32, #tpu.memory_space<vmem>> -> memref<125xi32, #tpu.memory_space<vmem>>
      %dma_wait3A_182 = arith.constant 0 : i32
      %dma_wait3A_183 = tpu.memref_slice %arg10[%dma_wait3A_182] : memref<10000xf32, #tpu.memory_space<vmem_shared>> -> memref<10000xf32, #tpu.memory_space<vmem_shared>>
      tpu.wait_indirect_dma semaphore(%arg9 : memref<!tpu.dma_semaphore, #tpu.memory_space<semaphore_mem>>) src(%arg8 : memref<125xf32, #tpu.memory_space<vmem>>) dst(%dma_wait3A_183 : memref<10000xf32, #tpu.memory_space<vmem_shared>>)
      %mul3A_184 = arith.constant 8 : i32
      %mul3A_185 = arith.muli %scan3A_79, %mul3A_184 : i32
      %add3A_186 = arith.constant 4 : i32
      %add3A_187 = arith.addi %mul3A_185, %add3A_186 : i32
      %dma_wait3A_188 = arith.constant 0 : i32
      %dma_wait3A_189 = tpu.memref_slice %arg7[%add3A_187, %dma_wait3A_188] : memref<160x125xi32, #tpu.memory_space<vmem>> -> memref<1x125xi32, #tpu.memory_space<vmem>>
      %dma_wait3A_190 = tpu.memref_squeeze %dma_wait3A_189 : memref<1x125xi32, #tpu.memory_space<vmem>> -> memref<125xi32, #tpu.memory_space<vmem>>
      %dma_wait3A_191 = arith.constant 0 : i32
      %dma_wait3A_192 = tpu.memref_slice %arg10[%dma_wait3A_191] : memref<10000xf32, #tpu.memory_space<vmem_shared>> -> memref<10000xf32, #tpu.memory_space<vmem_shared>>
      tpu.wait_indirect_dma semaphore(%arg9 : memref<!tpu.dma_semaphore, #tpu.memory_space<semaphore_mem>>) src(%arg8 : memref<125xf32, #tpu.memory_space<vmem>>) dst(%dma_wait3A_192 : memref<10000xf32, #tpu.memory_space<vmem_shared>>)
      %mul3A_193 = arith.constant 8 : i32
      %mul3A_194 = arith.muli %scan3A_79, %mul3A_193 : i32
      %add3A_195 = arith.constant 5 : i32
      %add3A_196 = arith.addi %mul3A_194, %add3A_195 : i32
      %dma_wait3A_197 = arith.constant 0 : i32
      %dma_wait3A_198 = tpu.memref_slice %arg7[%add3A_196, %dma_wait3A_197] : memref<160x125xi32, #tpu.memory_space<vmem>> -> memref<1x125xi32, #tpu.memory_space<vmem>>
      %dma_wait3A_199 = tpu.memref_squeeze %dma_wait3A_198 : memref<1x125xi32, #tpu.memory_space<vmem>> -> memref<125xi32, #tpu.memory_space<vmem>>
      %dma_wait3A_200 = arith.constant 0 : i32
      %dma_wait3A_201 = tpu.memref_slice %arg10[%dma_wait3A_200] : memref<10000xf32, #tpu.memory_space<vmem_shared>> -> memref<10000xf32, #tpu.memory_space<vmem_shared>>
      tpu.wait_indirect_dma semaphore(%arg9 : memref<!tpu.dma_semaphore, #tpu.memory_space<semaphore_mem>>) src(%arg8 : memref<125xf32, #tpu.memory_space<vmem>>) dst(%dma_wait3A_201 : memref<10000xf32, #tpu.memory_space<vmem_shared>>)
      %mul3A_202 = arith.constant 8 : i32
      %mul3A_203 = arith.muli %scan3A_79, %mul3A_202 : i32
      %add3A_204 = arith.constant 6 : i32
      %add3A_205 = arith.addi %mul3A_203, %add3A_204 : i32
      %dma_wait3A_206 = arith.constant 0 : i32
      %dma_wait3A_207 = tpu.memref_slice %arg7[%add3A_205, %dma_wait3A_206] : memref<160x125xi32, #tpu.memory_space<vmem>> -> memref<1x125xi32, #tpu.memory_space<vmem>>
      %dma_wait3A_208 = tpu.memref_squeeze %dma_wait3A_207 : memref<1x125xi32, #tpu.memory_space<vmem>> -> memref<125xi32, #tpu.memory_space<vmem>>
      %dma_wait3A_209 = arith.constant 0 : i32
      %dma_wait3A_210 = tpu.memref_slice %arg10[%dma_wait3A_209] : memref<10000xf32, #tpu.memory_space<vmem_shared>> -> memref<10000xf32, #tpu.memory_space<vmem_shared>>
      tpu.wait_indirect_dma semaphore(%arg9 : memref<!tpu.dma_semaphore, #tpu.memory_space<semaphore_mem>>) src(%arg8 : memref<125xf32, #tpu.memory_space<vmem>>) dst(%dma_wait3A_210 : memref<10000xf32, #tpu.memory_space<vmem_shared>>)
      %mul3A_211 = arith.constant 8 : i32
      %mul3A_212 = arith.muli %scan3A_79, %mul3A_211 : i32
      %add3A_213 = arith.constant 7 : i32
      %add3A_214 = arith.addi %mul3A_212, %add3A_213 : i32
      %dma_wait3A_215 = arith.constant 0 : i32
      %dma_wait3A_216 = tpu.memref_slice %arg7[%add3A_214, %dma_wait3A_215] : memref<160x125xi32, #tpu.memory_space<vmem>> -> memref<1x125xi32, #tpu.memory_space<vmem>>
      %dma_wait3A_217 = tpu.memref_squeeze %dma_wait3A_216 : memref<1x125xi32, #tpu.memory_space<vmem>> -> memref<125xi32, #tpu.memory_space<vmem>>
      %dma_wait3A_218 = arith.constant 0 : i32
      %dma_wait3A_219 = tpu.memref_slice %arg10[%dma_wait3A_218] : memref<10000xf32, #tpu.memory_space<vmem_shared>> -> memref<10000xf32, #tpu.memory_space<vmem_shared>>
      tpu.wait_indirect_dma semaphore(%arg9 : memref<!tpu.dma_semaphore, #tpu.memory_space<semaphore_mem>>) src(%arg8 : memref<125xf32, #tpu.memory_space<vmem>>) dst(%dma_wait3A_219 : memref<10000xf32, #tpu.memory_space<vmem_shared>>)
    }
    %scan3A_62 = arith.constant 20 : i32
    %barrier3A_63 = arith.constant 0 : index
    tpu.barrier barrier_id(%barrier3A_63)
    %eq3A_64 = arith.constant 0 : i32
    %eq3A_65 = arith.cmpi eq, %arg1, %eq3A_64 : i32
    %eq3A_66 = arith.constant 0 : i32
    %eq3A_67 = arith.cmpi eq, %arg0, %eq3A_66 : i32
    %and3A = arith.andi %eq3A_65, %eq3A_67 : i1
    %convert_element_type3A_68 = arith.extui %and3A : i1 to i32
    %cond3A_69 = arith.constant 0 : i32
    %cond3A_70 = arith.cmpi ne, %convert_element_type3A_68, %cond3A_69 : i32
    scf.if %cond3A_70 {
      "tpu.region"() ({
        %run_scoped3A = tpu.sem_alloc : memref<!tpu.dma_semaphore, #tpu.memory_space<semaphore_mem>>
        tpu.enqueue_dma source(%arg10 : memref<10000xf32, #tpu.memory_space<vmem_shared>>) target(%arg5 : memref<10000xf32, #tpu.memory_space<hbm>>) target_semaphore(%run_scoped3A : memref<!tpu.dma_semaphore, #tpu.memory_space<semaphore_mem>>)
        tpu.wait_dma2 semaphore(%run_scoped3A : memref<!tpu.dma_semaphore, #tpu.memory_space<semaphore_mem>>) src(%arg10 : memref<10000xf32, #tpu.memory_space<vmem_shared>>) dst(%arg5 : memref<10000xf32, #tpu.memory_space<hbm>>)
        tpu.yield
      }) : () -> ()
    } else {
    }
    %eq3A_71 = arith.constant 0 : i32
    %eq3A_72 = arith.cmpi eq, %arg1, %eq3A_71 : i32
    %eq3A_73 = arith.constant 1 : i32
    %eq3A_74 = arith.cmpi eq, %arg0, %eq3A_73 : i32
    %and3A_75 = arith.andi %eq3A_72, %eq3A_74 : i1
    %convert_element_type3A_76 = arith.extui %and3A_75 : i1 to i32
    %cond3A_77 = arith.constant 0 : i32
    %cond3A_78 = arith.cmpi ne, %convert_element_type3A_76, %cond3A_77 : i32
    scf.if %cond3A_78 {
      "tpu.region"() ({
        %run_scoped3A = tpu.sem_alloc : memref<!tpu.dma_semaphore, #tpu.memory_space<semaphore_mem>>
        tpu.enqueue_dma source(%arg10 : memref<10000xf32, #tpu.memory_space<vmem_shared>>) target(%arg6 : memref<10000xf32, #tpu.memory_space<hbm>>) target_semaphore(%run_scoped3A : memref<!tpu.dma_semaphore, #tpu.memory_space<semaphore_mem>>)
        tpu.wait_dma2 semaphore(%run_scoped3A : memref<!tpu.dma_semaphore, #tpu.memory_space<semaphore_mem>>) src(%arg10 : memref<10000xf32, #tpu.memory_space<vmem_shared>>) dst(%arg6 : memref<10000xf32, #tpu.memory_space<hbm>>)
        tpu.yield
      }) : () -> ()
    } else {
    }
    return
  }
}

#map = affine_map<(d0, d1) -> (0, 0)>
module attributes {stable_mosaic.version = 14 : i64} {
  func.func @_prop_body(%arg0: i32, %arg1: i32, %arg2: memref<10000x64xbf16, #tpu.memory_space<hbm>>, %arg3: memref<2560x125xi32, #tpu.memory_space<hbm>>, %arg4: memref<2560x125xi32, #tpu.memory_space<hbm>>, %arg5: memref<10000x64xbf16, #tpu.memory_space<hbm>>, %arg6: memref<10000x64xbf16, #tpu.memory_space<hbm>>, %arg7: memref<10000x64xbf16, #tpu.memory_space<hbm>>, %arg8: memref<80x125xi32, #tpu.memory_space<vmem>>, %arg9: memref<80x125xi32, #tpu.memory_space<vmem>>, %arg10: memref<8x125x64xbf16, #tpu.memory_space<vmem>>, %arg11: memref<!tpu.dma_semaphore, #tpu.memory_space<semaphore_mem>>, %arg12: memref<!tpu.dma_semaphore, #tpu.memory_space<semaphore_mem>>, %arg13: memref<10000x64xbf16, #tpu.memory_space<vmem_shared>>) attributes {dimension_semantics = [#tpu.dimension_semantics<core_parallel>, #tpu.dimension_semantics<subcore_parallel>], iteration_bounds = array<i64: 2, 16>, scalar_prefetch = 0 : i64, scratch_operands = 6 : i64, tpu.core_type = #tpu.core_type<sc_vector_subcore>, window_params = [{transform_indices = #map}, {transform_indices = #map}, {transform_indices = #map}, {transform_indices = #map}, {transform_indices = #map}, {transform_indices = #map}]} {
    %mul3A = arith.constant 16 : i32
    %mul3A_0 = arith.muli %arg0, %mul3A : i32
    %add3A = arith.addi %mul3A_0, %arg1 : i32
    %mul3A_1 = arith.constant 80 : i32
    %mul3A_2 = arith.muli %add3A, %mul3A_1 : i32
    %mul3A_3 = arith.constant 625 : i32
    %mul3A_4 = arith.muli %arg1, %mul3A_3 : i32
    %mul3A_5 = arith.constant 625 : i32
    %mul3A_6 = arith.muli %arg1, %mul3A_5 : i32
    "tpu.region"() ({
      %run_scoped3A = tpu.sem_alloc : memref<!tpu.dma_semaphore, #tpu.memory_space<semaphore_mem>>
      %dma_start3A_162 = arith.constant 0 : i32
      %dma_start3A_163 = tpu.memref_slice %arg13[%mul3A_6, %dma_start3A_162] : memref<10000x64xbf16, #tpu.memory_space<vmem_shared>> -> memref<625x64xbf16, #tpu.memory_space<vmem_shared>>
      %dma_start3A_164 = arith.constant 0 : i32
      %dma_start3A_165 = tpu.memref_slice %arg5[%mul3A_4, %dma_start3A_164] : memref<10000x64xbf16, #tpu.memory_space<hbm>> -> memref<625x64xbf16, #tpu.memory_space<hbm>>
      tpu.enqueue_dma source(%dma_start3A_165 : memref<625x64xbf16, #tpu.memory_space<hbm>>) target(%dma_start3A_163 : memref<625x64xbf16, #tpu.memory_space<vmem_shared>>) target_semaphore(%run_scoped3A : memref<!tpu.dma_semaphore, #tpu.memory_space<semaphore_mem>>)
      %dma_wait3A_166 = arith.constant 0 : i32
      %dma_wait3A_167 = tpu.memref_slice %arg13[%mul3A_6, %dma_wait3A_166] : memref<10000x64xbf16, #tpu.memory_space<vmem_shared>> -> memref<625x64xbf16, #tpu.memory_space<vmem_shared>>
      %dma_wait3A_168 = arith.constant 0 : i32
      %dma_wait3A_169 = tpu.memref_slice %arg5[%mul3A_4, %dma_wait3A_168] : memref<10000x64xbf16, #tpu.memory_space<hbm>> -> memref<625x64xbf16, #tpu.memory_space<hbm>>
      tpu.wait_dma2 semaphore(%run_scoped3A : memref<!tpu.dma_semaphore, #tpu.memory_space<semaphore_mem>>) src(%dma_wait3A_169 : memref<625x64xbf16, #tpu.memory_space<hbm>>) dst(%dma_wait3A_167 : memref<625x64xbf16, #tpu.memory_space<vmem_shared>>)
      tpu.yield
    }) : () -> ()
    "tpu.region"() ({
      %run_scoped3A = tpu.sem_alloc : memref<!tpu.dma_semaphore, #tpu.memory_space<semaphore_mem>>
      %dma_start3A_162 = arith.constant 0 : i32
      %dma_start3A_163 = tpu.memref_slice %arg3[%mul3A_2, %dma_start3A_162] : memref<2560x125xi32, #tpu.memory_space<hbm>> -> memref<80x125xi32, #tpu.memory_space<hbm>>
      %dma_start3A_164 = arith.constant 0 : i32
      %dma_start3A_165 = tpu.memref_slice %arg3[%mul3A_2, %dma_start3A_164] : memref<2560x125xi32, #tpu.memory_space<hbm>> -> memref<80x125xi32, #tpu.memory_space<hbm>>
      tpu.enqueue_dma source(%dma_start3A_165 : memref<80x125xi32, #tpu.memory_space<hbm>>) target(%arg8 : memref<80x125xi32, #tpu.memory_space<vmem>>) target_semaphore(%run_scoped3A : memref<!tpu.dma_semaphore, #tpu.memory_space<semaphore_mem>>)
      %dma_wait3A_166 = arith.constant 0 : i32
      %dma_wait3A_167 = tpu.memref_slice %arg3[%mul3A_2, %dma_wait3A_166] : memref<2560x125xi32, #tpu.memory_space<hbm>> -> memref<80x125xi32, #tpu.memory_space<hbm>>
      %dma_wait3A_168 = arith.constant 0 : i32
      %dma_wait3A_169 = tpu.memref_slice %arg3[%mul3A_2, %dma_wait3A_168] : memref<2560x125xi32, #tpu.memory_space<hbm>> -> memref<80x125xi32, #tpu.memory_space<hbm>>
      tpu.wait_dma2 semaphore(%run_scoped3A : memref<!tpu.dma_semaphore, #tpu.memory_space<semaphore_mem>>) src(%dma_wait3A_169 : memref<80x125xi32, #tpu.memory_space<hbm>>) dst(%arg8 : memref<80x125xi32, #tpu.memory_space<vmem>>)
      tpu.yield
    }) : () -> ()
    "tpu.region"() ({
      %run_scoped3A = tpu.sem_alloc : memref<!tpu.dma_semaphore, #tpu.memory_space<semaphore_mem>>
      %dma_start3A_162 = arith.constant 0 : i32
      %dma_start3A_163 = tpu.memref_slice %arg4[%mul3A_2, %dma_start3A_162] : memref<2560x125xi32, #tpu.memory_space<hbm>> -> memref<80x125xi32, #tpu.memory_space<hbm>>
      %dma_start3A_164 = arith.constant 0 : i32
      %dma_start3A_165 = tpu.memref_slice %arg4[%mul3A_2, %dma_start3A_164] : memref<2560x125xi32, #tpu.memory_space<hbm>> -> memref<80x125xi32, #tpu.memory_space<hbm>>
      tpu.enqueue_dma source(%dma_start3A_165 : memref<80x125xi32, #tpu.memory_space<hbm>>) target(%arg9 : memref<80x125xi32, #tpu.memory_space<vmem>>) target_semaphore(%run_scoped3A : memref<!tpu.dma_semaphore, #tpu.memory_space<semaphore_mem>>)
      %dma_wait3A_166 = arith.constant 0 : i32
      %dma_wait3A_167 = tpu.memref_slice %arg4[%mul3A_2, %dma_wait3A_166] : memref<2560x125xi32, #tpu.memory_space<hbm>> -> memref<80x125xi32, #tpu.memory_space<hbm>>
      %dma_wait3A_168 = arith.constant 0 : i32
      %dma_wait3A_169 = tpu.memref_slice %arg4[%mul3A_2, %dma_wait3A_168] : memref<2560x125xi32, #tpu.memory_space<hbm>> -> memref<80x125xi32, #tpu.memory_space<hbm>>
      tpu.wait_dma2 semaphore(%run_scoped3A : memref<!tpu.dma_semaphore, #tpu.memory_space<semaphore_mem>>) src(%dma_wait3A_169 : memref<80x125xi32, #tpu.memory_space<hbm>>) dst(%arg9 : memref<80x125xi32, #tpu.memory_space<vmem>>)
      tpu.yield
    }) : () -> ()
    %barrier3A = arith.constant 0 : index
    tpu.barrier barrier_id(%barrier3A)
    %dma_start3A = arith.constant 0 : i32
    %dma_start3A_7 = arith.constant 0 : i32
    %dma_start3A_8 = arith.constant 0 : i32
    %dma_start3A_9 = arith.constant 0 : i32
    %dma_start3A_10 = tpu.memref_slice %arg10[%dma_start3A_7, %dma_start3A_8, %dma_start3A_9] : memref<8x125x64xbf16, #tpu.memory_space<vmem>> -> memref<1x125x64xbf16, #tpu.memory_space<vmem>>
    %dma_start3A_11 = tpu.memref_squeeze %dma_start3A_10 : memref<1x125x64xbf16, #tpu.memory_space<vmem>> -> memref<125x64xbf16, #tpu.memory_space<vmem>>
    %dma_start3A_12 = arith.constant 0 : i32
    %dma_start3A_13 = tpu.memref_slice %arg8[%dma_start3A, %dma_start3A_12] : memref<80x125xi32, #tpu.memory_space<vmem>> -> memref<1x125xi32, #tpu.memory_space<vmem>>
    %dma_start3A_14 = tpu.memref_squeeze %dma_start3A_13 : memref<1x125xi32, #tpu.memory_space<vmem>> -> memref<125xi32, #tpu.memory_space<vmem>>
    %dma_start3A_15 = arith.constant 0 : i32
    %dma_start3A_16 = arith.constant 0 : i32
    %dma_start3A_17 = tpu.memref_slice %arg2[%dma_start3A_15, %dma_start3A_16] : memref<10000x64xbf16, #tpu.memory_space<hbm>> -> memref<10000x64xbf16, #tpu.memory_space<hbm>>
    tpu.enqueue_indirect_dma source(%dma_start3A_17 : memref<10000x64xbf16, #tpu.memory_space<hbm>>) target(%dma_start3A_11 : memref<125x64xbf16, #tpu.memory_space<vmem>>) offsets(%dma_start3A_14 : memref<125xi32, #tpu.memory_space<vmem>>) semaphore(%arg11 : memref<!tpu.dma_semaphore, #tpu.memory_space<semaphore_mem>>)
    %dma_start3A_18 = arith.constant 1 : i32
    %dma_start3A_19 = arith.constant 1 : i32
    %dma_start3A_20 = arith.constant 0 : i32
    %dma_start3A_21 = arith.constant 0 : i32
    %dma_start3A_22 = tpu.memref_slice %arg10[%dma_start3A_19, %dma_start3A_20, %dma_start3A_21] : memref<8x125x64xbf16, #tpu.memory_space<vmem>> -> memref<1x125x64xbf16, #tpu.memory_space<vmem>>
    %dma_start3A_23 = tpu.memref_squeeze %dma_start3A_22 : memref<1x125x64xbf16, #tpu.memory_space<vmem>> -> memref<125x64xbf16, #tpu.memory_space<vmem>>
    %dma_start3A_24 = arith.constant 0 : i32
    %dma_start3A_25 = tpu.memref_slice %arg8[%dma_start3A_18, %dma_start3A_24] : memref<80x125xi32, #tpu.memory_space<vmem>> -> memref<1x125xi32, #tpu.memory_space<vmem>>
    %dma_start3A_26 = tpu.memref_squeeze %dma_start3A_25 : memref<1x125xi32, #tpu.memory_space<vmem>> -> memref<125xi32, #tpu.memory_space<vmem>>
    %dma_start3A_27 = arith.constant 0 : i32
    %dma_start3A_28 = arith.constant 0 : i32
    %dma_start3A_29 = tpu.memref_slice %arg2[%dma_start3A_27, %dma_start3A_28] : memref<10000x64xbf16, #tpu.memory_space<hbm>> -> memref<10000x64xbf16, #tpu.memory_space<hbm>>
    tpu.enqueue_indirect_dma source(%dma_start3A_29 : memref<10000x64xbf16, #tpu.memory_space<hbm>>) target(%dma_start3A_23 : memref<125x64xbf16, #tpu.memory_space<vmem>>) offsets(%dma_start3A_26 : memref<125xi32, #tpu.memory_space<vmem>>) semaphore(%arg11 : memref<!tpu.dma_semaphore, #tpu.memory_space<semaphore_mem>>)
    %dma_start3A_30 = arith.constant 2 : i32
    %dma_start3A_31 = arith.constant 2 : i32
    %dma_start3A_32 = arith.constant 0 : i32
    %dma_start3A_33 = arith.constant 0 : i32
    %dma_start3A_34 = tpu.memref_slice %arg10[%dma_start3A_31, %dma_start3A_32, %dma_start3A_33] : memref<8x125x64xbf16, #tpu.memory_space<vmem>> -> memref<1x125x64xbf16, #tpu.memory_space<vmem>>
    %dma_start3A_35 = tpu.memref_squeeze %dma_start3A_34 : memref<1x125x64xbf16, #tpu.memory_space<vmem>> -> memref<125x64xbf16, #tpu.memory_space<vmem>>
    %dma_start3A_36 = arith.constant 0 : i32
    %dma_start3A_37 = tpu.memref_slice %arg8[%dma_start3A_30, %dma_start3A_36] : memref<80x125xi32, #tpu.memory_space<vmem>> -> memref<1x125xi32, #tpu.memory_space<vmem>>
    %dma_start3A_38 = tpu.memref_squeeze %dma_start3A_37 : memref<1x125xi32, #tpu.memory_space<vmem>> -> memref<125xi32, #tpu.memory_space<vmem>>
    %dma_start3A_39 = arith.constant 0 : i32
    %dma_start3A_40 = arith.constant 0 : i32
    %dma_start3A_41 = tpu.memref_slice %arg2[%dma_start3A_39, %dma_start3A_40] : memref<10000x64xbf16, #tpu.memory_space<hbm>> -> memref<10000x64xbf16, #tpu.memory_space<hbm>>
    tpu.enqueue_indirect_dma source(%dma_start3A_41 : memref<10000x64xbf16, #tpu.memory_space<hbm>>) target(%dma_start3A_35 : memref<125x64xbf16, #tpu.memory_space<vmem>>) offsets(%dma_start3A_38 : memref<125xi32, #tpu.memory_space<vmem>>) semaphore(%arg11 : memref<!tpu.dma_semaphore, #tpu.memory_space<semaphore_mem>>)
    %dma_start3A_42 = arith.constant 3 : i32
    %dma_start3A_43 = arith.constant 3 : i32
    %dma_start3A_44 = arith.constant 0 : i32
    %dma_start3A_45 = arith.constant 0 : i32
    %dma_start3A_46 = tpu.memref_slice %arg10[%dma_start3A_43, %dma_start3A_44, %dma_start3A_45] : memref<8x125x64xbf16, #tpu.memory_space<vmem>> -> memref<1x125x64xbf16, #tpu.memory_space<vmem>>
    %dma_start3A_47 = tpu.memref_squeeze %dma_start3A_46 : memref<1x125x64xbf16, #tpu.memory_space<vmem>> -> memref<125x64xbf16, #tpu.memory_space<vmem>>
    %dma_start3A_48 = arith.constant 0 : i32
    %dma_start3A_49 = tpu.memref_slice %arg8[%dma_start3A_42, %dma_start3A_48] : memref<80x125xi32, #tpu.memory_space<vmem>> -> memref<1x125xi32, #tpu.memory_space<vmem>>
    %dma_start3A_50 = tpu.memref_squeeze %dma_start3A_49 : memref<1x125xi32, #tpu.memory_space<vmem>> -> memref<125xi32, #tpu.memory_space<vmem>>
    %dma_start3A_51 = arith.constant 0 : i32
    %dma_start3A_52 = arith.constant 0 : i32
    %dma_start3A_53 = tpu.memref_slice %arg2[%dma_start3A_51, %dma_start3A_52] : memref<10000x64xbf16, #tpu.memory_space<hbm>> -> memref<10000x64xbf16, #tpu.memory_space<hbm>>
    tpu.enqueue_indirect_dma source(%dma_start3A_53 : memref<10000x64xbf16, #tpu.memory_space<hbm>>) target(%dma_start3A_47 : memref<125x64xbf16, #tpu.memory_space<vmem>>) offsets(%dma_start3A_50 : memref<125xi32, #tpu.memory_space<vmem>>) semaphore(%arg11 : memref<!tpu.dma_semaphore, #tpu.memory_space<semaphore_mem>>)
    %dma_start3A_54 = arith.constant 4 : i32
    %dma_start3A_55 = arith.constant 4 : i32
    %dma_start3A_56 = arith.constant 0 : i32
    %dma_start3A_57 = arith.constant 0 : i32
    %dma_start3A_58 = tpu.memref_slice %arg10[%dma_start3A_55, %dma_start3A_56, %dma_start3A_57] : memref<8x125x64xbf16, #tpu.memory_space<vmem>> -> memref<1x125x64xbf16, #tpu.memory_space<vmem>>
    %dma_start3A_59 = tpu.memref_squeeze %dma_start3A_58 : memref<1x125x64xbf16, #tpu.memory_space<vmem>> -> memref<125x64xbf16, #tpu.memory_space<vmem>>
    %dma_start3A_60 = arith.constant 0 : i32
    %dma_start3A_61 = tpu.memref_slice %arg8[%dma_start3A_54, %dma_start3A_60] : memref<80x125xi32, #tpu.memory_space<vmem>> -> memref<1x125xi32, #tpu.memory_space<vmem>>
    %dma_start3A_62 = tpu.memref_squeeze %dma_start3A_61 : memref<1x125xi32, #tpu.memory_space<vmem>> -> memref<125xi32, #tpu.memory_space<vmem>>
    %dma_start3A_63 = arith.constant 0 : i32
    %dma_start3A_64 = arith.constant 0 : i32
    %dma_start3A_65 = tpu.memref_slice %arg2[%dma_start3A_63, %dma_start3A_64] : memref<10000x64xbf16, #tpu.memory_space<hbm>> -> memref<10000x64xbf16, #tpu.memory_space<hbm>>
    tpu.enqueue_indirect_dma source(%dma_start3A_65 : memref<10000x64xbf16, #tpu.memory_space<hbm>>) target(%dma_start3A_59 : memref<125x64xbf16, #tpu.memory_space<vmem>>) offsets(%dma_start3A_62 : memref<125xi32, #tpu.memory_space<vmem>>) semaphore(%arg11 : memref<!tpu.dma_semaphore, #tpu.memory_space<semaphore_mem>>)
    %dma_start3A_66 = arith.constant 5 : i32
    %dma_start3A_67 = arith.constant 5 : i32
    %dma_start3A_68 = arith.constant 0 : i32
    %dma_start3A_69 = arith.constant 0 : i32
    %dma_start3A_70 = tpu.memref_slice %arg10[%dma_start3A_67, %dma_start3A_68, %dma_start3A_69] : memref<8x125x64xbf16, #tpu.memory_space<vmem>> -> memref<1x125x64xbf16, #tpu.memory_space<vmem>>
    %dma_start3A_71 = tpu.memref_squeeze %dma_start3A_70 : memref<1x125x64xbf16, #tpu.memory_space<vmem>> -> memref<125x64xbf16, #tpu.memory_space<vmem>>
    %dma_start3A_72 = arith.constant 0 : i32
    %dma_start3A_73 = tpu.memref_slice %arg8[%dma_start3A_66, %dma_start3A_72] : memref<80x125xi32, #tpu.memory_space<vmem>> -> memref<1x125xi32, #tpu.memory_space<vmem>>
    %dma_start3A_74 = tpu.memref_squeeze %dma_start3A_73 : memref<1x125xi32, #tpu.memory_space<vmem>> -> memref<125xi32, #tpu.memory_space<vmem>>
    %dma_start3A_75 = arith.constant 0 : i32
    %dma_start3A_76 = arith.constant 0 : i32
    %dma_start3A_77 = tpu.memref_slice %arg2[%dma_start3A_75, %dma_start3A_76] : memref<10000x64xbf16, #tpu.memory_space<hbm>> -> memref<10000x64xbf16, #tpu.memory_space<hbm>>
    tpu.enqueue_indirect_dma source(%dma_start3A_77 : memref<10000x64xbf16, #tpu.memory_space<hbm>>) target(%dma_start3A_71 : memref<125x64xbf16, #tpu.memory_space<vmem>>) offsets(%dma_start3A_74 : memref<125xi32, #tpu.memory_space<vmem>>) semaphore(%arg11 : memref<!tpu.dma_semaphore, #tpu.memory_space<semaphore_mem>>)
    %dma_start3A_78 = arith.constant 6 : i32
    %dma_start3A_79 = arith.constant 6 : i32
    %dma_start3A_80 = arith.constant 0 : i32
    %dma_start3A_81 = arith.constant 0 : i32
    %dma_start3A_82 = tpu.memref_slice %arg10[%dma_start3A_79, %dma_start3A_80, %dma_start3A_81] : memref<8x125x64xbf16, #tpu.memory_space<vmem>> -> memref<1x125x64xbf16, #tpu.memory_space<vmem>>
    %dma_start3A_83 = tpu.memref_squeeze %dma_start3A_82 : memref<1x125x64xbf16, #tpu.memory_space<vmem>> -> memref<125x64xbf16, #tpu.memory_space<vmem>>
    %dma_start3A_84 = arith.constant 0 : i32
    %dma_start3A_85 = tpu.memref_slice %arg8[%dma_start3A_78, %dma_start3A_84] : memref<80x125xi32, #tpu.memory_space<vmem>> -> memref<1x125xi32, #tpu.memory_space<vmem>>
    %dma_start3A_86 = tpu.memref_squeeze %dma_start3A_85 : memref<1x125xi32, #tpu.memory_space<vmem>> -> memref<125xi32, #tpu.memory_space<vmem>>
    %dma_start3A_87 = arith.constant 0 : i32
    %dma_start3A_88 = arith.constant 0 : i32
    %dma_start3A_89 = tpu.memref_slice %arg2[%dma_start3A_87, %dma_start3A_88] : memref<10000x64xbf16, #tpu.memory_space<hbm>> -> memref<10000x64xbf16, #tpu.memory_space<hbm>>
    tpu.enqueue_indirect_dma source(%dma_start3A_89 : memref<10000x64xbf16, #tpu.memory_space<hbm>>) target(%dma_start3A_83 : memref<125x64xbf16, #tpu.memory_space<vmem>>) offsets(%dma_start3A_86 : memref<125xi32, #tpu.memory_space<vmem>>) semaphore(%arg11 : memref<!tpu.dma_semaphore, #tpu.memory_space<semaphore_mem>>)
    %dma_start3A_90 = arith.constant 7 : i32
    %dma_start3A_91 = arith.constant 7 : i32
    %dma_start3A_92 = arith.constant 0 : i32
    %dma_start3A_93 = arith.constant 0 : i32
    %dma_start3A_94 = tpu.memref_slice %arg10[%dma_start3A_91, %dma_start3A_92, %dma_start3A_93] : memref<8x125x64xbf16, #tpu.memory_space<vmem>> -> memref<1x125x64xbf16, #tpu.memory_space<vmem>>
    %dma_start3A_95 = tpu.memref_squeeze %dma_start3A_94 : memref<1x125x64xbf16, #tpu.memory_space<vmem>> -> memref<125x64xbf16, #tpu.memory_space<vmem>>
    %dma_start3A_96 = arith.constant 0 : i32
    %dma_start3A_97 = tpu.memref_slice %arg8[%dma_start3A_90, %dma_start3A_96] : memref<80x125xi32, #tpu.memory_space<vmem>> -> memref<1x125xi32, #tpu.memory_space<vmem>>
    %dma_start3A_98 = tpu.memref_squeeze %dma_start3A_97 : memref<1x125xi32, #tpu.memory_space<vmem>> -> memref<125xi32, #tpu.memory_space<vmem>>
    %dma_start3A_99 = arith.constant 0 : i32
    %dma_start3A_100 = arith.constant 0 : i32
    %dma_start3A_101 = tpu.memref_slice %arg2[%dma_start3A_99, %dma_start3A_100] : memref<10000x64xbf16, #tpu.memory_space<hbm>> -> memref<10000x64xbf16, #tpu.memory_space<hbm>>
    tpu.enqueue_indirect_dma source(%dma_start3A_101 : memref<10000x64xbf16, #tpu.memory_space<hbm>>) target(%dma_start3A_95 : memref<125x64xbf16, #tpu.memory_space<vmem>>) offsets(%dma_start3A_98 : memref<125xi32, #tpu.memory_space<vmem>>) semaphore(%arg11 : memref<!tpu.dma_semaphore, #tpu.memory_space<semaphore_mem>>)
    %scan3A = arith.constant 0 : i32
    %scan3A_102 = arith.constant 0 : i32
    %scan3A_103 = arith.constant 10 : i32
    %scan3A_104 = arith.addi %scan3A_102, %scan3A_103 : i32
    %scan3A_105 = arith.constant 1 : i32
    scf.for %scan3A_162 = %scan3A_102 to %scan3A_104 step %scan3A_105  : i32 {
      %mul3A_163 = arith.constant 8 : i32
      %mul3A_164 = arith.muli %scan3A_162, %mul3A_163 : i32
      %add3A_165 = arith.constant 0 : i32
      %add3A_166 = arith.addi %mul3A_164, %add3A_165 : i32
      %dma_wait3A_167 = arith.constant 0 : i32
      %dma_wait3A_168 = arith.constant 0 : i32
      %dma_wait3A_169 = arith.constant 0 : i32
      %dma_wait3A_170 = tpu.memref_slice %arg10[%dma_wait3A_167, %dma_wait3A_168, %dma_wait3A_169] : memref<8x125x64xbf16, #tpu.memory_space<vmem>> -> memref<1x125x64xbf16, #tpu.memory_space<vmem>>
      %dma_wait3A_171 = tpu.memref_squeeze %dma_wait3A_170 : memref<1x125x64xbf16, #tpu.memory_space<vmem>> -> memref<125x64xbf16, #tpu.memory_space<vmem>>
      %dma_wait3A_172 = arith.constant 0 : i32
      %dma_wait3A_173 = tpu.memref_slice %arg8[%add3A_166, %dma_wait3A_172] : memref<80x125xi32, #tpu.memory_space<vmem>> -> memref<1x125xi32, #tpu.memory_space<vmem>>
      %dma_wait3A_174 = tpu.memref_squeeze %dma_wait3A_173 : memref<1x125xi32, #tpu.memory_space<vmem>> -> memref<125xi32, #tpu.memory_space<vmem>>
      %dma_wait3A_175 = arith.constant 0 : i32
      %dma_wait3A_176 = arith.constant 0 : i32
      %dma_wait3A_177 = tpu.memref_slice %arg2[%dma_wait3A_175, %dma_wait3A_176] : memref<10000x64xbf16, #tpu.memory_space<hbm>> -> memref<10000x64xbf16, #tpu.memory_space<hbm>>
      tpu.wait_indirect_dma semaphore(%arg11 : memref<!tpu.dma_semaphore, #tpu.memory_space<semaphore_mem>>) src(%dma_wait3A_177 : memref<10000x64xbf16, #tpu.memory_space<hbm>>) dst(%dma_wait3A_171 : memref<125x64xbf16, #tpu.memory_space<vmem>>)
      %dma_start3A_178 = arith.constant 0 : i32
      %dma_start3A_179 = arith.constant 0 : i32
      %dma_start3A_180 = arith.constant 0 : i32
      %dma_start3A_181 = tpu.memref_slice %arg10[%dma_start3A_178, %dma_start3A_179, %dma_start3A_180] : memref<8x125x64xbf16, #tpu.memory_space<vmem>> -> memref<1x125x64xbf16, #tpu.memory_space<vmem>>
      %dma_start3A_182 = tpu.memref_squeeze %dma_start3A_181 : memref<1x125x64xbf16, #tpu.memory_space<vmem>> -> memref<125x64xbf16, #tpu.memory_space<vmem>>
      %dma_start3A_183 = arith.constant 0 : i32
      %dma_start3A_184 = tpu.memref_slice %arg9[%add3A_166, %dma_start3A_183] : memref<80x125xi32, #tpu.memory_space<vmem>> -> memref<1x125xi32, #tpu.memory_space<vmem>>
      %dma_start3A_185 = tpu.memref_squeeze %dma_start3A_184 : memref<1x125xi32, #tpu.memory_space<vmem>> -> memref<125xi32, #tpu.memory_space<vmem>>
      %dma_start3A_186 = arith.constant 0 : i32
      %dma_start3A_187 = arith.constant 0 : i32
      %dma_start3A_188 = tpu.memref_slice %arg13[%dma_start3A_186, %dma_start3A_187] : memref<10000x64xbf16, #tpu.memory_space<vmem_shared>> -> memref<10000x64xbf16, #tpu.memory_space<vmem_shared>>
      tpu.enqueue_indirect_dma source(%dma_start3A_182 : memref<125x64xbf16, #tpu.memory_space<vmem>>) target(%dma_start3A_188 : memref<10000x64xbf16, #tpu.memory_space<vmem_shared>>) offsets(%dma_start3A_185 : memref<125xi32, #tpu.memory_space<vmem>>) semaphore(%arg12 : memref<!tpu.dma_semaphore, #tpu.memory_space<semaphore_mem>>) {add = true}
      %sub3A = arith.constant 4 : i32
      %sub3A_189 = arith.subi %add3A_166, %sub3A : i32
      %ge3A = arith.constant 0 : i32
      %ge3A_190 = arith.cmpi sge, %sub3A_189, %ge3A : i32
      %convert_element_type3A_191 = arith.extui %ge3A_190 : i1 to i32
      %cond3A_192 = arith.constant 0 : i32
      %cond3A_193 = arith.cmpi ne, %convert_element_type3A_191, %cond3A_192 : i32
      scf.if %cond3A_193 {
        %dma_wait3A_425 = arith.constant 4 : i32
        %dma_wait3A_426 = arith.constant 0 : i32
        %dma_wait3A_427 = arith.constant 0 : i32
        %dma_wait3A_428 = tpu.memref_slice %arg10[%dma_wait3A_425, %dma_wait3A_426, %dma_wait3A_427] : memref<8x125x64xbf16, #tpu.memory_space<vmem>> -> memref<1x125x64xbf16, #tpu.memory_space<vmem>>
        %dma_wait3A_429 = tpu.memref_squeeze %dma_wait3A_428 : memref<1x125x64xbf16, #tpu.memory_space<vmem>> -> memref<125x64xbf16, #tpu.memory_space<vmem>>
        %dma_wait3A_430 = arith.constant 0 : i32
        %dma_wait3A_431 = tpu.memref_slice %arg9[%sub3A_189, %dma_wait3A_430] : memref<80x125xi32, #tpu.memory_space<vmem>> -> memref<1x125xi32, #tpu.memory_space<vmem>>
        %dma_wait3A_432 = tpu.memref_squeeze %dma_wait3A_431 : memref<1x125xi32, #tpu.memory_space<vmem>> -> memref<125xi32, #tpu.memory_space<vmem>>
        %dma_wait3A_433 = arith.constant 0 : i32
        %dma_wait3A_434 = arith.constant 0 : i32
        %dma_wait3A_435 = tpu.memref_slice %arg13[%dma_wait3A_433, %dma_wait3A_434] : memref<10000x64xbf16, #tpu.memory_space<vmem_shared>> -> memref<10000x64xbf16, #tpu.memory_space<vmem_shared>>
        tpu.wait_indirect_dma semaphore(%arg12 : memref<!tpu.dma_semaphore, #tpu.memory_space<semaphore_mem>>) src(%dma_wait3A_429 : memref<125x64xbf16, #tpu.memory_space<vmem>>) dst(%dma_wait3A_435 : memref<10000x64xbf16, #tpu.memory_space<vmem_shared>>)
        %add3A_436 = arith.constant 8 : i32
        %add3A_437 = arith.addi %sub3A_189, %add3A_436 : i32
        %lt3A = arith.constant 80 : i32
        %lt3A_438 = arith.cmpi slt, %add3A_437, %lt3A : i32
        %convert_element_type3A_439 = arith.extui %lt3A_438 : i1 to i32
        %cond3A_440 = arith.constant 0 : i32
        %cond3A_441 = arith.cmpi ne, %convert_element_type3A_439, %cond3A_440 : i32
        scf.if %cond3A_441 {
          %add3A_442 = arith.constant 8 : i32
          %add3A_443 = arith.addi %sub3A_189, %add3A_442 : i32
          %dma_start3A_444 = arith.constant 4 : i32
          %dma_start3A_445 = arith.constant 0 : i32
          %dma_start3A_446 = arith.constant 0 : i32
          %dma_start3A_447 = tpu.memref_slice %arg10[%dma_start3A_444, %dma_start3A_445, %dma_start3A_446] : memref<8x125x64xbf16, #tpu.memory_space<vmem>> -> memref<1x125x64xbf16, #tpu.memory_space<vmem>>
          %dma_start3A_448 = tpu.memref_squeeze %dma_start3A_447 : memref<1x125x64xbf16, #tpu.memory_space<vmem>> -> memref<125x64xbf16, #tpu.memory_space<vmem>>
          %dma_start3A_449 = arith.constant 0 : i32
          %dma_start3A_450 = tpu.memref_slice %arg8[%add3A_443, %dma_start3A_449] : memref<80x125xi32, #tpu.memory_space<vmem>> -> memref<1x125xi32, #tpu.memory_space<vmem>>
          %dma_start3A_451 = tpu.memref_squeeze %dma_start3A_450 : memref<1x125xi32, #tpu.memory_space<vmem>> -> memref<125xi32, #tpu.memory_space<vmem>>
          %dma_start3A_452 = arith.constant 0 : i32
          %dma_start3A_453 = arith.constant 0 : i32
          %dma_start3A_454 = tpu.memref_slice %arg2[%dma_start3A_452, %dma_start3A_453] : memref<10000x64xbf16, #tpu.memory_space<hbm>> -> memref<10000x64xbf16, #tpu.memory_space<hbm>>
          tpu.enqueue_indirect_dma source(%dma_start3A_454 : memref<10000x64xbf16, #tpu.memory_space<hbm>>) target(%dma_start3A_448 : memref<125x64xbf16, #tpu.memory_space<vmem>>) offsets(%dma_start3A_451 : memref<125xi32, #tpu.memory_space<vmem>>) semaphore(%arg11 : memref<!tpu.dma_semaphore, #tpu.memory_space<semaphore_mem>>)
        } else {
        }
      } else {
      }
      %mul3A_194 = arith.constant 8 : i32
      %mul3A_195 = arith.muli %scan3A_162, %mul3A_194 : i32
      %add3A_196 = arith.constant 1 : i32
      %add3A_197 = arith.addi %mul3A_195, %add3A_196 : i32
      %dma_wait3A_198 = arith.constant 1 : i32
      %dma_wait3A_199 = arith.constant 0 : i32
      %dma_wait3A_200 = arith.constant 0 : i32
      %dma_wait3A_201 = tpu.memref_slice %arg10[%dma_wait3A_198, %dma_wait3A_199, %dma_wait3A_200] : memref<8x125x64xbf16, #tpu.memory_space<vmem>> -> memref<1x125x64xbf16, #tpu.memory_space<vmem>>
      %dma_wait3A_202 = tpu.memref_squeeze %dma_wait3A_201 : memref<1x125x64xbf16, #tpu.memory_space<vmem>> -> memref<125x64xbf16, #tpu.memory_space<vmem>>
      %dma_wait3A_203 = arith.constant 0 : i32
      %dma_wait3A_204 = tpu.memref_slice %arg8[%add3A_197, %dma_wait3A_203] : memref<80x125xi32, #tpu.memory_space<vmem>> -> memref<1x125xi32, #tpu.memory_space<vmem>>
      %dma_wait3A_205 = tpu.memref_squeeze %dma_wait3A_204 : memref<1x125xi32, #tpu.memory_space<vmem>> -> memref<125xi32, #tpu.memory_space<vmem>>
      %dma_wait3A_206 = arith.constant 0 : i32
      %dma_wait3A_207 = arith.constant 0 : i32
      %dma_wait3A_208 = tpu.memref_slice %arg2[%dma_wait3A_206, %dma_wait3A_207] : memref<10000x64xbf16, #tpu.memory_space<hbm>> -> memref<10000x64xbf16, #tpu.memory_space<hbm>>
      tpu.wait_indirect_dma semaphore(%arg11 : memref<!tpu.dma_semaphore, #tpu.memory_space<semaphore_mem>>) src(%dma_wait3A_208 : memref<10000x64xbf16, #tpu.memory_space<hbm>>) dst(%dma_wait3A_202 : memref<125x64xbf16, #tpu.memory_space<vmem>>)
      %dma_start3A_209 = arith.constant 1 : i32
      %dma_start3A_210 = arith.constant 0 : i32
      %dma_start3A_211 = arith.constant 0 : i32
      %dma_start3A_212 = tpu.memref_slice %arg10[%dma_start3A_209, %dma_start3A_210, %dma_start3A_211] : memref<8x125x64xbf16, #tpu.memory_space<vmem>> -> memref<1x125x64xbf16, #tpu.memory_space<vmem>>
      %dma_start3A_213 = tpu.memref_squeeze %dma_start3A_212 : memref<1x125x64xbf16, #tpu.memory_space<vmem>> -> memref<125x64xbf16, #tpu.memory_space<vmem>>
      %dma_start3A_214 = arith.constant 0 : i32
      %dma_start3A_215 = tpu.memref_slice %arg9[%add3A_197, %dma_start3A_214] : memref<80x125xi32, #tpu.memory_space<vmem>> -> memref<1x125xi32, #tpu.memory_space<vmem>>
      %dma_start3A_216 = tpu.memref_squeeze %dma_start3A_215 : memref<1x125xi32, #tpu.memory_space<vmem>> -> memref<125xi32, #tpu.memory_space<vmem>>
      %dma_start3A_217 = arith.constant 0 : i32
      %dma_start3A_218 = arith.constant 0 : i32
      %dma_start3A_219 = tpu.memref_slice %arg13[%dma_start3A_217, %dma_start3A_218] : memref<10000x64xbf16, #tpu.memory_space<vmem_shared>> -> memref<10000x64xbf16, #tpu.memory_space<vmem_shared>>
      tpu.enqueue_indirect_dma source(%dma_start3A_213 : memref<125x64xbf16, #tpu.memory_space<vmem>>) target(%dma_start3A_219 : memref<10000x64xbf16, #tpu.memory_space<vmem_shared>>) offsets(%dma_start3A_216 : memref<125xi32, #tpu.memory_space<vmem>>) semaphore(%arg12 : memref<!tpu.dma_semaphore, #tpu.memory_space<semaphore_mem>>) {add = true}
      %sub3A_220 = arith.constant 4 : i32
      %sub3A_221 = arith.subi %add3A_197, %sub3A_220 : i32
      %ge3A_222 = arith.constant 0 : i32
      %ge3A_223 = arith.cmpi sge, %sub3A_221, %ge3A_222 : i32
      %convert_element_type3A_224 = arith.extui %ge3A_223 : i1 to i32
      %cond3A_225 = arith.constant 0 : i32
      %cond3A_226 = arith.cmpi ne, %convert_element_type3A_224, %cond3A_225 : i32
      scf.if %cond3A_226 {
        %dma_wait3A_425 = arith.constant 5 : i32
        %dma_wait3A_426 = arith.constant 0 : i32
        %dma_wait3A_427 = arith.constant 0 : i32
        %dma_wait3A_428 = tpu.memref_slice %arg10[%dma_wait3A_425, %dma_wait3A_426, %dma_wait3A_427] : memref<8x125x64xbf16, #tpu.memory_space<vmem>> -> memref<1x125x64xbf16, #tpu.memory_space<vmem>>
        %dma_wait3A_429 = tpu.memref_squeeze %dma_wait3A_428 : memref<1x125x64xbf16, #tpu.memory_space<vmem>> -> memref<125x64xbf16, #tpu.memory_space<vmem>>
        %dma_wait3A_430 = arith.constant 0 : i32
        %dma_wait3A_431 = tpu.memref_slice %arg9[%sub3A_221, %dma_wait3A_430] : memref<80x125xi32, #tpu.memory_space<vmem>> -> memref<1x125xi32, #tpu.memory_space<vmem>>
        %dma_wait3A_432 = tpu.memref_squeeze %dma_wait3A_431 : memref<1x125xi32, #tpu.memory_space<vmem>> -> memref<125xi32, #tpu.memory_space<vmem>>
        %dma_wait3A_433 = arith.constant 0 : i32
        %dma_wait3A_434 = arith.constant 0 : i32
        %dma_wait3A_435 = tpu.memref_slice %arg13[%dma_wait3A_433, %dma_wait3A_434] : memref<10000x64xbf16, #tpu.memory_space<vmem_shared>> -> memref<10000x64xbf16, #tpu.memory_space<vmem_shared>>
        tpu.wait_indirect_dma semaphore(%arg12 : memref<!tpu.dma_semaphore, #tpu.memory_space<semaphore_mem>>) src(%dma_wait3A_429 : memref<125x64xbf16, #tpu.memory_space<vmem>>) dst(%dma_wait3A_435 : memref<10000x64xbf16, #tpu.memory_space<vmem_shared>>)
        %add3A_436 = arith.constant 8 : i32
        %add3A_437 = arith.addi %sub3A_221, %add3A_436 : i32
        %lt3A = arith.constant 80 : i32
        %lt3A_438 = arith.cmpi slt, %add3A_437, %lt3A : i32
        %convert_element_type3A_439 = arith.extui %lt3A_438 : i1 to i32
        %cond3A_440 = arith.constant 0 : i32
        %cond3A_441 = arith.cmpi ne, %convert_element_type3A_439, %cond3A_440 : i32
        scf.if %cond3A_441 {
          %add3A_442 = arith.constant 8 : i32
          %add3A_443 = arith.addi %sub3A_221, %add3A_442 : i32
          %dma_start3A_444 = arith.constant 5 : i32
          %dma_start3A_445 = arith.constant 0 : i32
          %dma_start3A_446 = arith.constant 0 : i32
          %dma_start3A_447 = tpu.memref_slice %arg10[%dma_start3A_444, %dma_start3A_445, %dma_start3A_446] : memref<8x125x64xbf16, #tpu.memory_space<vmem>> -> memref<1x125x64xbf16, #tpu.memory_space<vmem>>
          %dma_start3A_448 = tpu.memref_squeeze %dma_start3A_447 : memref<1x125x64xbf16, #tpu.memory_space<vmem>> -> memref<125x64xbf16, #tpu.memory_space<vmem>>
          %dma_start3A_449 = arith.constant 0 : i32
          %dma_start3A_450 = tpu.memref_slice %arg8[%add3A_443, %dma_start3A_449] : memref<80x125xi32, #tpu.memory_space<vmem>> -> memref<1x125xi32, #tpu.memory_space<vmem>>
          %dma_start3A_451 = tpu.memref_squeeze %dma_start3A_450 : memref<1x125xi32, #tpu.memory_space<vmem>> -> memref<125xi32, #tpu.memory_space<vmem>>
          %dma_start3A_452 = arith.constant 0 : i32
          %dma_start3A_453 = arith.constant 0 : i32
          %dma_start3A_454 = tpu.memref_slice %arg2[%dma_start3A_452, %dma_start3A_453] : memref<10000x64xbf16, #tpu.memory_space<hbm>> -> memref<10000x64xbf16, #tpu.memory_space<hbm>>
          tpu.enqueue_indirect_dma source(%dma_start3A_454 : memref<10000x64xbf16, #tpu.memory_space<hbm>>) target(%dma_start3A_448 : memref<125x64xbf16, #tpu.memory_space<vmem>>) offsets(%dma_start3A_451 : memref<125xi32, #tpu.memory_space<vmem>>) semaphore(%arg11 : memref<!tpu.dma_semaphore, #tpu.memory_space<semaphore_mem>>)
        } else {
        }
      } else {
      }
      %mul3A_227 = arith.constant 8 : i32
      %mul3A_228 = arith.muli %scan3A_162, %mul3A_227 : i32
      %add3A_229 = arith.constant 2 : i32
      %add3A_230 = arith.addi %mul3A_228, %add3A_229 : i32
      %dma_wait3A_231 = arith.constant 2 : i32
      %dma_wait3A_232 = arith.constant 0 : i32
      %dma_wait3A_233 = arith.constant 0 : i32
      %dma_wait3A_234 = tpu.memref_slice %arg10[%dma_wait3A_231, %dma_wait3A_232, %dma_wait3A_233] : memref<8x125x64xbf16, #tpu.memory_space<vmem>> -> memref<1x125x64xbf16, #tpu.memory_space<vmem>>
      %dma_wait3A_235 = tpu.memref_squeeze %dma_wait3A_234 : memref<1x125x64xbf16, #tpu.memory_space<vmem>> -> memref<125x64xbf16, #tpu.memory_space<vmem>>
      %dma_wait3A_236 = arith.constant 0 : i32
      %dma_wait3A_237 = tpu.memref_slice %arg8[%add3A_230, %dma_wait3A_236] : memref<80x125xi32, #tpu.memory_space<vmem>> -> memref<1x125xi32, #tpu.memory_space<vmem>>
      %dma_wait3A_238 = tpu.memref_squeeze %dma_wait3A_237 : memref<1x125xi32, #tpu.memory_space<vmem>> -> memref<125xi32, #tpu.memory_space<vmem>>
      %dma_wait3A_239 = arith.constant 0 : i32
      %dma_wait3A_240 = arith.constant 0 : i32
      %dma_wait3A_241 = tpu.memref_slice %arg2[%dma_wait3A_239, %dma_wait3A_240] : memref<10000x64xbf16, #tpu.memory_space<hbm>> -> memref<10000x64xbf16, #tpu.memory_space<hbm>>
      tpu.wait_indirect_dma semaphore(%arg11 : memref<!tpu.dma_semaphore, #tpu.memory_space<semaphore_mem>>) src(%dma_wait3A_241 : memref<10000x64xbf16, #tpu.memory_space<hbm>>) dst(%dma_wait3A_235 : memref<125x64xbf16, #tpu.memory_space<vmem>>)
      %dma_start3A_242 = arith.constant 2 : i32
      %dma_start3A_243 = arith.constant 0 : i32
      %dma_start3A_244 = arith.constant 0 : i32
      %dma_start3A_245 = tpu.memref_slice %arg10[%dma_start3A_242, %dma_start3A_243, %dma_start3A_244] : memref<8x125x64xbf16, #tpu.memory_space<vmem>> -> memref<1x125x64xbf16, #tpu.memory_space<vmem>>
      %dma_start3A_246 = tpu.memref_squeeze %dma_start3A_245 : memref<1x125x64xbf16, #tpu.memory_space<vmem>> -> memref<125x64xbf16, #tpu.memory_space<vmem>>
      %dma_start3A_247 = arith.constant 0 : i32
      %dma_start3A_248 = tpu.memref_slice %arg9[%add3A_230, %dma_start3A_247] : memref<80x125xi32, #tpu.memory_space<vmem>> -> memref<1x125xi32, #tpu.memory_space<vmem>>
      %dma_start3A_249 = tpu.memref_squeeze %dma_start3A_248 : memref<1x125xi32, #tpu.memory_space<vmem>> -> memref<125xi32, #tpu.memory_space<vmem>>
      %dma_start3A_250 = arith.constant 0 : i32
      %dma_start3A_251 = arith.constant 0 : i32
      %dma_start3A_252 = tpu.memref_slice %arg13[%dma_start3A_250, %dma_start3A_251] : memref<10000x64xbf16, #tpu.memory_space<vmem_shared>> -> memref<10000x64xbf16, #tpu.memory_space<vmem_shared>>
      tpu.enqueue_indirect_dma source(%dma_start3A_246 : memref<125x64xbf16, #tpu.memory_space<vmem>>) target(%dma_start3A_252 : memref<10000x64xbf16, #tpu.memory_space<vmem_shared>>) offsets(%dma_start3A_249 : memref<125xi32, #tpu.memory_space<vmem>>) semaphore(%arg12 : memref<!tpu.dma_semaphore, #tpu.memory_space<semaphore_mem>>) {add = true}
      %sub3A_253 = arith.constant 4 : i32
      %sub3A_254 = arith.subi %add3A_230, %sub3A_253 : i32
      %ge3A_255 = arith.constant 0 : i32
      %ge3A_256 = arith.cmpi sge, %sub3A_254, %ge3A_255 : i32
      %convert_element_type3A_257 = arith.extui %ge3A_256 : i1 to i32
      %cond3A_258 = arith.constant 0 : i32
      %cond3A_259 = arith.cmpi ne, %convert_element_type3A_257, %cond3A_258 : i32
      scf.if %cond3A_259 {
        %dma_wait3A_425 = arith.constant 6 : i32
        %dma_wait3A_426 = arith.constant 0 : i32
        %dma_wait3A_427 = arith.constant 0 : i32
        %dma_wait3A_428 = tpu.memref_slice %arg10[%dma_wait3A_425, %dma_wait3A_426, %dma_wait3A_427] : memref<8x125x64xbf16, #tpu.memory_space<vmem>> -> memref<1x125x64xbf16, #tpu.memory_space<vmem>>
        %dma_wait3A_429 = tpu.memref_squeeze %dma_wait3A_428 : memref<1x125x64xbf16, #tpu.memory_space<vmem>> -> memref<125x64xbf16, #tpu.memory_space<vmem>>
        %dma_wait3A_430 = arith.constant 0 : i32
        %dma_wait3A_431 = tpu.memref_slice %arg9[%sub3A_254, %dma_wait3A_430] : memref<80x125xi32, #tpu.memory_space<vmem>> -> memref<1x125xi32, #tpu.memory_space<vmem>>
        %dma_wait3A_432 = tpu.memref_squeeze %dma_wait3A_431 : memref<1x125xi32, #tpu.memory_space<vmem>> -> memref<125xi32, #tpu.memory_space<vmem>>
        %dma_wait3A_433 = arith.constant 0 : i32
        %dma_wait3A_434 = arith.constant 0 : i32
        %dma_wait3A_435 = tpu.memref_slice %arg13[%dma_wait3A_433, %dma_wait3A_434] : memref<10000x64xbf16, #tpu.memory_space<vmem_shared>> -> memref<10000x64xbf16, #tpu.memory_space<vmem_shared>>
        tpu.wait_indirect_dma semaphore(%arg12 : memref<!tpu.dma_semaphore, #tpu.memory_space<semaphore_mem>>) src(%dma_wait3A_429 : memref<125x64xbf16, #tpu.memory_space<vmem>>) dst(%dma_wait3A_435 : memref<10000x64xbf16, #tpu.memory_space<vmem_shared>>)
        %add3A_436 = arith.constant 8 : i32
        %add3A_437 = arith.addi %sub3A_254, %add3A_436 : i32
        %lt3A = arith.constant 80 : i32
        %lt3A_438 = arith.cmpi slt, %add3A_437, %lt3A : i32
        %convert_element_type3A_439 = arith.extui %lt3A_438 : i1 to i32
        %cond3A_440 = arith.constant 0 : i32
        %cond3A_441 = arith.cmpi ne, %convert_element_type3A_439, %cond3A_440 : i32
        scf.if %cond3A_441 {
          %add3A_442 = arith.constant 8 : i32
          %add3A_443 = arith.addi %sub3A_254, %add3A_442 : i32
          %dma_start3A_444 = arith.constant 6 : i32
          %dma_start3A_445 = arith.constant 0 : i32
          %dma_start3A_446 = arith.constant 0 : i32
          %dma_start3A_447 = tpu.memref_slice %arg10[%dma_start3A_444, %dma_start3A_445, %dma_start3A_446] : memref<8x125x64xbf16, #tpu.memory_space<vmem>> -> memref<1x125x64xbf16, #tpu.memory_space<vmem>>
          %dma_start3A_448 = tpu.memref_squeeze %dma_start3A_447 : memref<1x125x64xbf16, #tpu.memory_space<vmem>> -> memref<125x64xbf16, #tpu.memory_space<vmem>>
          %dma_start3A_449 = arith.constant 0 : i32
          %dma_start3A_450 = tpu.memref_slice %arg8[%add3A_443, %dma_start3A_449] : memref<80x125xi32, #tpu.memory_space<vmem>> -> memref<1x125xi32, #tpu.memory_space<vmem>>
          %dma_start3A_451 = tpu.memref_squeeze %dma_start3A_450 : memref<1x125xi32, #tpu.memory_space<vmem>> -> memref<125xi32, #tpu.memory_space<vmem>>
          %dma_start3A_452 = arith.constant 0 : i32
          %dma_start3A_453 = arith.constant 0 : i32
          %dma_start3A_454 = tpu.memref_slice %arg2[%dma_start3A_452, %dma_start3A_453] : memref<10000x64xbf16, #tpu.memory_space<hbm>> -> memref<10000x64xbf16, #tpu.memory_space<hbm>>
          tpu.enqueue_indirect_dma source(%dma_start3A_454 : memref<10000x64xbf16, #tpu.memory_space<hbm>>) target(%dma_start3A_448 : memref<125x64xbf16, #tpu.memory_space<vmem>>) offsets(%dma_start3A_451 : memref<125xi32, #tpu.memory_space<vmem>>) semaphore(%arg11 : memref<!tpu.dma_semaphore, #tpu.memory_space<semaphore_mem>>)
        } else {
        }
      } else {
      }
      %mul3A_260 = arith.constant 8 : i32
      %mul3A_261 = arith.muli %scan3A_162, %mul3A_260 : i32
      %add3A_262 = arith.constant 3 : i32
      %add3A_263 = arith.addi %mul3A_261, %add3A_262 : i32
      %dma_wait3A_264 = arith.constant 3 : i32
      %dma_wait3A_265 = arith.constant 0 : i32
      %dma_wait3A_266 = arith.constant 0 : i32
      %dma_wait3A_267 = tpu.memref_slice %arg10[%dma_wait3A_264, %dma_wait3A_265, %dma_wait3A_266] : memref<8x125x64xbf16, #tpu.memory_space<vmem>> -> memref<1x125x64xbf16, #tpu.memory_space<vmem>>
      %dma_wait3A_268 = tpu.memref_squeeze %dma_wait3A_267 : memref<1x125x64xbf16, #tpu.memory_space<vmem>> -> memref<125x64xbf16, #tpu.memory_space<vmem>>
      %dma_wait3A_269 = arith.constant 0 : i32
      %dma_wait3A_270 = tpu.memref_slice %arg8[%add3A_263, %dma_wait3A_269] : memref<80x125xi32, #tpu.memory_space<vmem>> -> memref<1x125xi32, #tpu.memory_space<vmem>>
      %dma_wait3A_271 = tpu.memref_squeeze %dma_wait3A_270 : memref<1x125xi32, #tpu.memory_space<vmem>> -> memref<125xi32, #tpu.memory_space<vmem>>
      %dma_wait3A_272 = arith.constant 0 : i32
      %dma_wait3A_273 = arith.constant 0 : i32
      %dma_wait3A_274 = tpu.memref_slice %arg2[%dma_wait3A_272, %dma_wait3A_273] : memref<10000x64xbf16, #tpu.memory_space<hbm>> -> memref<10000x64xbf16, #tpu.memory_space<hbm>>
      tpu.wait_indirect_dma semaphore(%arg11 : memref<!tpu.dma_semaphore, #tpu.memory_space<semaphore_mem>>) src(%dma_wait3A_274 : memref<10000x64xbf16, #tpu.memory_space<hbm>>) dst(%dma_wait3A_268 : memref<125x64xbf16, #tpu.memory_space<vmem>>)
      %dma_start3A_275 = arith.constant 3 : i32
      %dma_start3A_276 = arith.constant 0 : i32
      %dma_start3A_277 = arith.constant 0 : i32
      %dma_start3A_278 = tpu.memref_slice %arg10[%dma_start3A_275, %dma_start3A_276, %dma_start3A_277] : memref<8x125x64xbf16, #tpu.memory_space<vmem>> -> memref<1x125x64xbf16, #tpu.memory_space<vmem>>
      %dma_start3A_279 = tpu.memref_squeeze %dma_start3A_278 : memref<1x125x64xbf16, #tpu.memory_space<vmem>> -> memref<125x64xbf16, #tpu.memory_space<vmem>>
      %dma_start3A_280 = arith.constant 0 : i32
      %dma_start3A_281 = tpu.memref_slice %arg9[%add3A_263, %dma_start3A_280] : memref<80x125xi32, #tpu.memory_space<vmem>> -> memref<1x125xi32, #tpu.memory_space<vmem>>
      %dma_start3A_282 = tpu.memref_squeeze %dma_start3A_281 : memref<1x125xi32, #tpu.memory_space<vmem>> -> memref<125xi32, #tpu.memory_space<vmem>>
      %dma_start3A_283 = arith.constant 0 : i32
      %dma_start3A_284 = arith.constant 0 : i32
      %dma_start3A_285 = tpu.memref_slice %arg13[%dma_start3A_283, %dma_start3A_284] : memref<10000x64xbf16, #tpu.memory_space<vmem_shared>> -> memref<10000x64xbf16, #tpu.memory_space<vmem_shared>>
      tpu.enqueue_indirect_dma source(%dma_start3A_279 : memref<125x64xbf16, #tpu.memory_space<vmem>>) target(%dma_start3A_285 : memref<10000x64xbf16, #tpu.memory_space<vmem_shared>>) offsets(%dma_start3A_282 : memref<125xi32, #tpu.memory_space<vmem>>) semaphore(%arg12 : memref<!tpu.dma_semaphore, #tpu.memory_space<semaphore_mem>>) {add = true}
      %sub3A_286 = arith.constant 4 : i32
      %sub3A_287 = arith.subi %add3A_263, %sub3A_286 : i32
      %ge3A_288 = arith.constant 0 : i32
      %ge3A_289 = arith.cmpi sge, %sub3A_287, %ge3A_288 : i32
      %convert_element_type3A_290 = arith.extui %ge3A_289 : i1 to i32
      %cond3A_291 = arith.constant 0 : i32
      %cond3A_292 = arith.cmpi ne, %convert_element_type3A_290, %cond3A_291 : i32
      scf.if %cond3A_292 {
        %dma_wait3A_425 = arith.constant 7 : i32
        %dma_wait3A_426 = arith.constant 0 : i32
        %dma_wait3A_427 = arith.constant 0 : i32
        %dma_wait3A_428 = tpu.memref_slice %arg10[%dma_wait3A_425, %dma_wait3A_426, %dma_wait3A_427] : memref<8x125x64xbf16, #tpu.memory_space<vmem>> -> memref<1x125x64xbf16, #tpu.memory_space<vmem>>
        %dma_wait3A_429 = tpu.memref_squeeze %dma_wait3A_428 : memref<1x125x64xbf16, #tpu.memory_space<vmem>> -> memref<125x64xbf16, #tpu.memory_space<vmem>>
        %dma_wait3A_430 = arith.constant 0 : i32
        %dma_wait3A_431 = tpu.memref_slice %arg9[%sub3A_287, %dma_wait3A_430] : memref<80x125xi32, #tpu.memory_space<vmem>> -> memref<1x125xi32, #tpu.memory_space<vmem>>
        %dma_wait3A_432 = tpu.memref_squeeze %dma_wait3A_431 : memref<1x125xi32, #tpu.memory_space<vmem>> -> memref<125xi32, #tpu.memory_space<vmem>>
        %dma_wait3A_433 = arith.constant 0 : i32
        %dma_wait3A_434 = arith.constant 0 : i32
        %dma_wait3A_435 = tpu.memref_slice %arg13[%dma_wait3A_433, %dma_wait3A_434] : memref<10000x64xbf16, #tpu.memory_space<vmem_shared>> -> memref<10000x64xbf16, #tpu.memory_space<vmem_shared>>
        tpu.wait_indirect_dma semaphore(%arg12 : memref<!tpu.dma_semaphore, #tpu.memory_space<semaphore_mem>>) src(%dma_wait3A_429 : memref<125x64xbf16, #tpu.memory_space<vmem>>) dst(%dma_wait3A_435 : memref<10000x64xbf16, #tpu.memory_space<vmem_shared>>)
        %add3A_436 = arith.constant 8 : i32
        %add3A_437 = arith.addi %sub3A_287, %add3A_436 : i32
        %lt3A = arith.constant 80 : i32
        %lt3A_438 = arith.cmpi slt, %add3A_437, %lt3A : i32
        %convert_element_type3A_439 = arith.extui %lt3A_438 : i1 to i32
        %cond3A_440 = arith.constant 0 : i32
        %cond3A_441 = arith.cmpi ne, %convert_element_type3A_439, %cond3A_440 : i32
        scf.if %cond3A_441 {
          %add3A_442 = arith.constant 8 : i32
          %add3A_443 = arith.addi %sub3A_287, %add3A_442 : i32
          %dma_start3A_444 = arith.constant 7 : i32
          %dma_start3A_445 = arith.constant 0 : i32
          %dma_start3A_446 = arith.constant 0 : i32
          %dma_start3A_447 = tpu.memref_slice %arg10[%dma_start3A_444, %dma_start3A_445, %dma_start3A_446] : memref<8x125x64xbf16, #tpu.memory_space<vmem>> -> memref<1x125x64xbf16, #tpu.memory_space<vmem>>
          %dma_start3A_448 = tpu.memref_squeeze %dma_start3A_447 : memref<1x125x64xbf16, #tpu.memory_space<vmem>> -> memref<125x64xbf16, #tpu.memory_space<vmem>>
          %dma_start3A_449 = arith.constant 0 : i32
          %dma_start3A_450 = tpu.memref_slice %arg8[%add3A_443, %dma_start3A_449] : memref<80x125xi32, #tpu.memory_space<vmem>> -> memref<1x125xi32, #tpu.memory_space<vmem>>
          %dma_start3A_451 = tpu.memref_squeeze %dma_start3A_450 : memref<1x125xi32, #tpu.memory_space<vmem>> -> memref<125xi32, #tpu.memory_space<vmem>>
          %dma_start3A_452 = arith.constant 0 : i32
          %dma_start3A_453 = arith.constant 0 : i32
          %dma_start3A_454 = tpu.memref_slice %arg2[%dma_start3A_452, %dma_start3A_453] : memref<10000x64xbf16, #tpu.memory_space<hbm>> -> memref<10000x64xbf16, #tpu.memory_space<hbm>>
          tpu.enqueue_indirect_dma source(%dma_start3A_454 : memref<10000x64xbf16, #tpu.memory_space<hbm>>) target(%dma_start3A_448 : memref<125x64xbf16, #tpu.memory_space<vmem>>) offsets(%dma_start3A_451 : memref<125xi32, #tpu.memory_space<vmem>>) semaphore(%arg11 : memref<!tpu.dma_semaphore, #tpu.memory_space<semaphore_mem>>)
        } else {
        }
      } else {
      }
      %mul3A_293 = arith.constant 8 : i32
      %mul3A_294 = arith.muli %scan3A_162, %mul3A_293 : i32
      %add3A_295 = arith.constant 4 : i32
      %add3A_296 = arith.addi %mul3A_294, %add3A_295 : i32
      %dma_wait3A_297 = arith.constant 4 : i32
      %dma_wait3A_298 = arith.constant 0 : i32
      %dma_wait3A_299 = arith.constant 0 : i32
      %dma_wait3A_300 = tpu.memref_slice %arg10[%dma_wait3A_297, %dma_wait3A_298, %dma_wait3A_299] : memref<8x125x64xbf16, #tpu.memory_space<vmem>> -> memref<1x125x64xbf16, #tpu.memory_space<vmem>>
      %dma_wait3A_301 = tpu.memref_squeeze %dma_wait3A_300 : memref<1x125x64xbf16, #tpu.memory_space<vmem>> -> memref<125x64xbf16, #tpu.memory_space<vmem>>
      %dma_wait3A_302 = arith.constant 0 : i32
      %dma_wait3A_303 = tpu.memref_slice %arg8[%add3A_296, %dma_wait3A_302] : memref<80x125xi32, #tpu.memory_space<vmem>> -> memref<1x125xi32, #tpu.memory_space<vmem>>
      %dma_wait3A_304 = tpu.memref_squeeze %dma_wait3A_303 : memref<1x125xi32, #tpu.memory_space<vmem>> -> memref<125xi32, #tpu.memory_space<vmem>>
      %dma_wait3A_305 = arith.constant 0 : i32
      %dma_wait3A_306 = arith.constant 0 : i32
      %dma_wait3A_307 = tpu.memref_slice %arg2[%dma_wait3A_305, %dma_wait3A_306] : memref<10000x64xbf16, #tpu.memory_space<hbm>> -> memref<10000x64xbf16, #tpu.memory_space<hbm>>
      tpu.wait_indirect_dma semaphore(%arg11 : memref<!tpu.dma_semaphore, #tpu.memory_space<semaphore_mem>>) src(%dma_wait3A_307 : memref<10000x64xbf16, #tpu.memory_space<hbm>>) dst(%dma_wait3A_301 : memref<125x64xbf16, #tpu.memory_space<vmem>>)
      %dma_start3A_308 = arith.constant 4 : i32
      %dma_start3A_309 = arith.constant 0 : i32
      %dma_start3A_310 = arith.constant 0 : i32
      %dma_start3A_311 = tpu.memref_slice %arg10[%dma_start3A_308, %dma_start3A_309, %dma_start3A_310] : memref<8x125x64xbf16, #tpu.memory_space<vmem>> -> memref<1x125x64xbf16, #tpu.memory_space<vmem>>
      %dma_start3A_312 = tpu.memref_squeeze %dma_start3A_311 : memref<1x125x64xbf16, #tpu.memory_space<vmem>> -> memref<125x64xbf16, #tpu.memory_space<vmem>>
      %dma_start3A_313 = arith.constant 0 : i32
      %dma_start3A_314 = tpu.memref_slice %arg9[%add3A_296, %dma_start3A_313] : memref<80x125xi32, #tpu.memory_space<vmem>> -> memref<1x125xi32, #tpu.memory_space<vmem>>
      %dma_start3A_315 = tpu.memref_squeeze %dma_start3A_314 : memref<1x125xi32, #tpu.memory_space<vmem>> -> memref<125xi32, #tpu.memory_space<vmem>>
      %dma_start3A_316 = arith.constant 0 : i32
      %dma_start3A_317 = arith.constant 0 : i32
      %dma_start3A_318 = tpu.memref_slice %arg13[%dma_start3A_316, %dma_start3A_317] : memref<10000x64xbf16, #tpu.memory_space<vmem_shared>> -> memref<10000x64xbf16, #tpu.memory_space<vmem_shared>>
      tpu.enqueue_indirect_dma source(%dma_start3A_312 : memref<125x64xbf16, #tpu.memory_space<vmem>>) target(%dma_start3A_318 : memref<10000x64xbf16, #tpu.memory_space<vmem_shared>>) offsets(%dma_start3A_315 : memref<125xi32, #tpu.memory_space<vmem>>) semaphore(%arg12 : memref<!tpu.dma_semaphore, #tpu.memory_space<semaphore_mem>>) {add = true}
      %sub3A_319 = arith.constant 4 : i32
      %sub3A_320 = arith.subi %add3A_296, %sub3A_319 : i32
      %ge3A_321 = arith.constant 0 : i32
      %ge3A_322 = arith.cmpi sge, %sub3A_320, %ge3A_321 : i32
      %convert_element_type3A_323 = arith.extui %ge3A_322 : i1 to i32
      %cond3A_324 = arith.constant 0 : i32
      %cond3A_325 = arith.cmpi ne, %convert_element_type3A_323, %cond3A_324 : i32
      scf.if %cond3A_325 {
        %dma_wait3A_425 = arith.constant 0 : i32
        %dma_wait3A_426 = arith.constant 0 : i32
        %dma_wait3A_427 = arith.constant 0 : i32
        %dma_wait3A_428 = tpu.memref_slice %arg10[%dma_wait3A_425, %dma_wait3A_426, %dma_wait3A_427] : memref<8x125x64xbf16, #tpu.memory_space<vmem>> -> memref<1x125x64xbf16, #tpu.memory_space<vmem>>
        %dma_wait3A_429 = tpu.memref_squeeze %dma_wait3A_428 : memref<1x125x64xbf16, #tpu.memory_space<vmem>> -> memref<125x64xbf16, #tpu.memory_space<vmem>>
        %dma_wait3A_430 = arith.constant 0 : i32
        %dma_wait3A_431 = tpu.memref_slice %arg9[%sub3A_320, %dma_wait3A_430] : memref<80x125xi32, #tpu.memory_space<vmem>> -> memref<1x125xi32, #tpu.memory_space<vmem>>
        %dma_wait3A_432 = tpu.memref_squeeze %dma_wait3A_431 : memref<1x125xi32, #tpu.memory_space<vmem>> -> memref<125xi32, #tpu.memory_space<vmem>>
        %dma_wait3A_433 = arith.constant 0 : i32
        %dma_wait3A_434 = arith.constant 0 : i32
        %dma_wait3A_435 = tpu.memref_slice %arg13[%dma_wait3A_433, %dma_wait3A_434] : memref<10000x64xbf16, #tpu.memory_space<vmem_shared>> -> memref<10000x64xbf16, #tpu.memory_space<vmem_shared>>
        tpu.wait_indirect_dma semaphore(%arg12 : memref<!tpu.dma_semaphore, #tpu.memory_space<semaphore_mem>>) src(%dma_wait3A_429 : memref<125x64xbf16, #tpu.memory_space<vmem>>) dst(%dma_wait3A_435 : memref<10000x64xbf16, #tpu.memory_space<vmem_shared>>)
        %add3A_436 = arith.constant 8 : i32
        %add3A_437 = arith.addi %sub3A_320, %add3A_436 : i32
        %lt3A = arith.constant 80 : i32
        %lt3A_438 = arith.cmpi slt, %add3A_437, %lt3A : i32
        %convert_element_type3A_439 = arith.extui %lt3A_438 : i1 to i32
        %cond3A_440 = arith.constant 0 : i32
        %cond3A_441 = arith.cmpi ne, %convert_element_type3A_439, %cond3A_440 : i32
        scf.if %cond3A_441 {
          %add3A_442 = arith.constant 8 : i32
          %add3A_443 = arith.addi %sub3A_320, %add3A_442 : i32
          %dma_start3A_444 = arith.constant 0 : i32
          %dma_start3A_445 = arith.constant 0 : i32
          %dma_start3A_446 = arith.constant 0 : i32
          %dma_start3A_447 = tpu.memref_slice %arg10[%dma_start3A_444, %dma_start3A_445, %dma_start3A_446] : memref<8x125x64xbf16, #tpu.memory_space<vmem>> -> memref<1x125x64xbf16, #tpu.memory_space<vmem>>
          %dma_start3A_448 = tpu.memref_squeeze %dma_start3A_447 : memref<1x125x64xbf16, #tpu.memory_space<vmem>> -> memref<125x64xbf16, #tpu.memory_space<vmem>>
          %dma_start3A_449 = arith.constant 0 : i32
          %dma_start3A_450 = tpu.memref_slice %arg8[%add3A_443, %dma_start3A_449] : memref<80x125xi32, #tpu.memory_space<vmem>> -> memref<1x125xi32, #tpu.memory_space<vmem>>
          %dma_start3A_451 = tpu.memref_squeeze %dma_start3A_450 : memref<1x125xi32, #tpu.memory_space<vmem>> -> memref<125xi32, #tpu.memory_space<vmem>>
          %dma_start3A_452 = arith.constant 0 : i32
          %dma_start3A_453 = arith.constant 0 : i32
          %dma_start3A_454 = tpu.memref_slice %arg2[%dma_start3A_452, %dma_start3A_453] : memref<10000x64xbf16, #tpu.memory_space<hbm>> -> memref<10000x64xbf16, #tpu.memory_space<hbm>>
          tpu.enqueue_indirect_dma source(%dma_start3A_454 : memref<10000x64xbf16, #tpu.memory_space<hbm>>) target(%dma_start3A_448 : memref<125x64xbf16, #tpu.memory_space<vmem>>) offsets(%dma_start3A_451 : memref<125xi32, #tpu.memory_space<vmem>>) semaphore(%arg11 : memref<!tpu.dma_semaphore, #tpu.memory_space<semaphore_mem>>)
        } else {
        }
      } else {
      }
      %mul3A_326 = arith.constant 8 : i32
      %mul3A_327 = arith.muli %scan3A_162, %mul3A_326 : i32
      %add3A_328 = arith.constant 5 : i32
      %add3A_329 = arith.addi %mul3A_327, %add3A_328 : i32
      %dma_wait3A_330 = arith.constant 5 : i32
      %dma_wait3A_331 = arith.constant 0 : i32
      %dma_wait3A_332 = arith.constant 0 : i32
      %dma_wait3A_333 = tpu.memref_slice %arg10[%dma_wait3A_330, %dma_wait3A_331, %dma_wait3A_332] : memref<8x125x64xbf16, #tpu.memory_space<vmem>> -> memref<1x125x64xbf16, #tpu.memory_space<vmem>>
      %dma_wait3A_334 = tpu.memref_squeeze %dma_wait3A_333 : memref<1x125x64xbf16, #tpu.memory_space<vmem>> -> memref<125x64xbf16, #tpu.memory_space<vmem>>
      %dma_wait3A_335 = arith.constant 0 : i32
      %dma_wait3A_336 = tpu.memref_slice %arg8[%add3A_329, %dma_wait3A_335] : memref<80x125xi32, #tpu.memory_space<vmem>> -> memref<1x125xi32, #tpu.memory_space<vmem>>
      %dma_wait3A_337 = tpu.memref_squeeze %dma_wait3A_336 : memref<1x125xi32, #tpu.memory_space<vmem>> -> memref<125xi32, #tpu.memory_space<vmem>>
      %dma_wait3A_338 = arith.constant 0 : i32
      %dma_wait3A_339 = arith.constant 0 : i32
      %dma_wait3A_340 = tpu.memref_slice %arg2[%dma_wait3A_338, %dma_wait3A_339] : memref<10000x64xbf16, #tpu.memory_space<hbm>> -> memref<10000x64xbf16, #tpu.memory_space<hbm>>
      tpu.wait_indirect_dma semaphore(%arg11 : memref<!tpu.dma_semaphore, #tpu.memory_space<semaphore_mem>>) src(%dma_wait3A_340 : memref<10000x64xbf16, #tpu.memory_space<hbm>>) dst(%dma_wait3A_334 : memref<125x64xbf16, #tpu.memory_space<vmem>>)
      %dma_start3A_341 = arith.constant 5 : i32
      %dma_start3A_342 = arith.constant 0 : i32
      %dma_start3A_343 = arith.constant 0 : i32
      %dma_start3A_344 = tpu.memref_slice %arg10[%dma_start3A_341, %dma_start3A_342, %dma_start3A_343] : memref<8x125x64xbf16, #tpu.memory_space<vmem>> -> memref<1x125x64xbf16, #tpu.memory_space<vmem>>
      %dma_start3A_345 = tpu.memref_squeeze %dma_start3A_344 : memref<1x125x64xbf16, #tpu.memory_space<vmem>> -> memref<125x64xbf16, #tpu.memory_space<vmem>>
      %dma_start3A_346 = arith.constant 0 : i32
      %dma_start3A_347 = tpu.memref_slice %arg9[%add3A_329, %dma_start3A_346] : memref<80x125xi32, #tpu.memory_space<vmem>> -> memref<1x125xi32, #tpu.memory_space<vmem>>
      %dma_start3A_348 = tpu.memref_squeeze %dma_start3A_347 : memref<1x125xi32, #tpu.memory_space<vmem>> -> memref<125xi32, #tpu.memory_space<vmem>>
      %dma_start3A_349 = arith.constant 0 : i32
      %dma_start3A_350 = arith.constant 0 : i32
      %dma_start3A_351 = tpu.memref_slice %arg13[%dma_start3A_349, %dma_start3A_350] : memref<10000x64xbf16, #tpu.memory_space<vmem_shared>> -> memref<10000x64xbf16, #tpu.memory_space<vmem_shared>>
      tpu.enqueue_indirect_dma source(%dma_start3A_345 : memref<125x64xbf16, #tpu.memory_space<vmem>>) target(%dma_start3A_351 : memref<10000x64xbf16, #tpu.memory_space<vmem_shared>>) offsets(%dma_start3A_348 : memref<125xi32, #tpu.memory_space<vmem>>) semaphore(%arg12 : memref<!tpu.dma_semaphore, #tpu.memory_space<semaphore_mem>>) {add = true}
      %sub3A_352 = arith.constant 4 : i32
      %sub3A_353 = arith.subi %add3A_329, %sub3A_352 : i32
      %ge3A_354 = arith.constant 0 : i32
      %ge3A_355 = arith.cmpi sge, %sub3A_353, %ge3A_354 : i32
      %convert_element_type3A_356 = arith.extui %ge3A_355 : i1 to i32
      %cond3A_357 = arith.constant 0 : i32
      %cond3A_358 = arith.cmpi ne, %convert_element_type3A_356, %cond3A_357 : i32
      scf.if %cond3A_358 {
        %dma_wait3A_425 = arith.constant 1 : i32
        %dma_wait3A_426 = arith.constant 0 : i32
        %dma_wait3A_427 = arith.constant 0 : i32
        %dma_wait3A_428 = tpu.memref_slice %arg10[%dma_wait3A_425, %dma_wait3A_426, %dma_wait3A_427] : memref<8x125x64xbf16, #tpu.memory_space<vmem>> -> memref<1x125x64xbf16, #tpu.memory_space<vmem>>
        %dma_wait3A_429 = tpu.memref_squeeze %dma_wait3A_428 : memref<1x125x64xbf16, #tpu.memory_space<vmem>> -> memref<125x64xbf16, #tpu.memory_space<vmem>>
        %dma_wait3A_430 = arith.constant 0 : i32
        %dma_wait3A_431 = tpu.memref_slice %arg9[%sub3A_353, %dma_wait3A_430] : memref<80x125xi32, #tpu.memory_space<vmem>> -> memref<1x125xi32, #tpu.memory_space<vmem>>
        %dma_wait3A_432 = tpu.memref_squeeze %dma_wait3A_431 : memref<1x125xi32, #tpu.memory_space<vmem>> -> memref<125xi32, #tpu.memory_space<vmem>>
        %dma_wait3A_433 = arith.constant 0 : i32
        %dma_wait3A_434 = arith.constant 0 : i32
        %dma_wait3A_435 = tpu.memref_slice %arg13[%dma_wait3A_433, %dma_wait3A_434] : memref<10000x64xbf16, #tpu.memory_space<vmem_shared>> -> memref<10000x64xbf16, #tpu.memory_space<vmem_shared>>
        tpu.wait_indirect_dma semaphore(%arg12 : memref<!tpu.dma_semaphore, #tpu.memory_space<semaphore_mem>>) src(%dma_wait3A_429 : memref<125x64xbf16, #tpu.memory_space<vmem>>) dst(%dma_wait3A_435 : memref<10000x64xbf16, #tpu.memory_space<vmem_shared>>)
        %add3A_436 = arith.constant 8 : i32
        %add3A_437 = arith.addi %sub3A_353, %add3A_436 : i32
        %lt3A = arith.constant 80 : i32
        %lt3A_438 = arith.cmpi slt, %add3A_437, %lt3A : i32
        %convert_element_type3A_439 = arith.extui %lt3A_438 : i1 to i32
        %cond3A_440 = arith.constant 0 : i32
        %cond3A_441 = arith.cmpi ne, %convert_element_type3A_439, %cond3A_440 : i32
        scf.if %cond3A_441 {
          %add3A_442 = arith.constant 8 : i32
          %add3A_443 = arith.addi %sub3A_353, %add3A_442 : i32
          %dma_start3A_444 = arith.constant 1 : i32
          %dma_start3A_445 = arith.constant 0 : i32
          %dma_start3A_446 = arith.constant 0 : i32
          %dma_start3A_447 = tpu.memref_slice %arg10[%dma_start3A_444, %dma_start3A_445, %dma_start3A_446] : memref<8x125x64xbf16, #tpu.memory_space<vmem>> -> memref<1x125x64xbf16, #tpu.memory_space<vmem>>
          %dma_start3A_448 = tpu.memref_squeeze %dma_start3A_447 : memref<1x125x64xbf16, #tpu.memory_space<vmem>> -> memref<125x64xbf16, #tpu.memory_space<vmem>>
          %dma_start3A_449 = arith.constant 0 : i32
          %dma_start3A_450 = tpu.memref_slice %arg8[%add3A_443, %dma_start3A_449] : memref<80x125xi32, #tpu.memory_space<vmem>> -> memref<1x125xi32, #tpu.memory_space<vmem>>
          %dma_start3A_451 = tpu.memref_squeeze %dma_start3A_450 : memref<1x125xi32, #tpu.memory_space<vmem>> -> memref<125xi32, #tpu.memory_space<vmem>>
          %dma_start3A_452 = arith.constant 0 : i32
          %dma_start3A_453 = arith.constant 0 : i32
          %dma_start3A_454 = tpu.memref_slice %arg2[%dma_start3A_452, %dma_start3A_453] : memref<10000x64xbf16, #tpu.memory_space<hbm>> -> memref<10000x64xbf16, #tpu.memory_space<hbm>>
          tpu.enqueue_indirect_dma source(%dma_start3A_454 : memref<10000x64xbf16, #tpu.memory_space<hbm>>) target(%dma_start3A_448 : memref<125x64xbf16, #tpu.memory_space<vmem>>) offsets(%dma_start3A_451 : memref<125xi32, #tpu.memory_space<vmem>>) semaphore(%arg11 : memref<!tpu.dma_semaphore, #tpu.memory_space<semaphore_mem>>)
        } else {
        }
      } else {
      }
      %mul3A_359 = arith.constant 8 : i32
      %mul3A_360 = arith.muli %scan3A_162, %mul3A_359 : i32
      %add3A_361 = arith.constant 6 : i32
      %add3A_362 = arith.addi %mul3A_360, %add3A_361 : i32
      %dma_wait3A_363 = arith.constant 6 : i32
      %dma_wait3A_364 = arith.constant 0 : i32
      %dma_wait3A_365 = arith.constant 0 : i32
      %dma_wait3A_366 = tpu.memref_slice %arg10[%dma_wait3A_363, %dma_wait3A_364, %dma_wait3A_365] : memref<8x125x64xbf16, #tpu.memory_space<vmem>> -> memref<1x125x64xbf16, #tpu.memory_space<vmem>>
      %dma_wait3A_367 = tpu.memref_squeeze %dma_wait3A_366 : memref<1x125x64xbf16, #tpu.memory_space<vmem>> -> memref<125x64xbf16, #tpu.memory_space<vmem>>
      %dma_wait3A_368 = arith.constant 0 : i32
      %dma_wait3A_369 = tpu.memref_slice %arg8[%add3A_362, %dma_wait3A_368] : memref<80x125xi32, #tpu.memory_space<vmem>> -> memref<1x125xi32, #tpu.memory_space<vmem>>
      %dma_wait3A_370 = tpu.memref_squeeze %dma_wait3A_369 : memref<1x125xi32, #tpu.memory_space<vmem>> -> memref<125xi32, #tpu.memory_space<vmem>>
      %dma_wait3A_371 = arith.constant 0 : i32
      %dma_wait3A_372 = arith.constant 0 : i32
      %dma_wait3A_373 = tpu.memref_slice %arg2[%dma_wait3A_371, %dma_wait3A_372] : memref<10000x64xbf16, #tpu.memory_space<hbm>> -> memref<10000x64xbf16, #tpu.memory_space<hbm>>
      tpu.wait_indirect_dma semaphore(%arg11 : memref<!tpu.dma_semaphore, #tpu.memory_space<semaphore_mem>>) src(%dma_wait3A_373 : memref<10000x64xbf16, #tpu.memory_space<hbm>>) dst(%dma_wait3A_367 : memref<125x64xbf16, #tpu.memory_space<vmem>>)
      %dma_start3A_374 = arith.constant 6 : i32
      %dma_start3A_375 = arith.constant 0 : i32
      %dma_start3A_376 = arith.constant 0 : i32
      %dma_start3A_377 = tpu.memref_slice %arg10[%dma_start3A_374, %dma_start3A_375, %dma_start3A_376] : memref<8x125x64xbf16, #tpu.memory_space<vmem>> -> memref<1x125x64xbf16, #tpu.memory_space<vmem>>
      %dma_start3A_378 = tpu.memref_squeeze %dma_start3A_377 : memref<1x125x64xbf16, #tpu.memory_space<vmem>> -> memref<125x64xbf16, #tpu.memory_space<vmem>>
      %dma_start3A_379 = arith.constant 0 : i32
      %dma_start3A_380 = tpu.memref_slice %arg9[%add3A_362, %dma_start3A_379] : memref<80x125xi32, #tpu.memory_space<vmem>> -> memref<1x125xi32, #tpu.memory_space<vmem>>
      %dma_start3A_381 = tpu.memref_squeeze %dma_start3A_380 : memref<1x125xi32, #tpu.memory_space<vmem>> -> memref<125xi32, #tpu.memory_space<vmem>>
      %dma_start3A_382 = arith.constant 0 : i32
      %dma_start3A_383 = arith.constant 0 : i32
      %dma_start3A_384 = tpu.memref_slice %arg13[%dma_start3A_382, %dma_start3A_383] : memref<10000x64xbf16, #tpu.memory_space<vmem_shared>> -> memref<10000x64xbf16, #tpu.memory_space<vmem_shared>>
      tpu.enqueue_indirect_dma source(%dma_start3A_378 : memref<125x64xbf16, #tpu.memory_space<vmem>>) target(%dma_start3A_384 : memref<10000x64xbf16, #tpu.memory_space<vmem_shared>>) offsets(%dma_start3A_381 : memref<125xi32, #tpu.memory_space<vmem>>) semaphore(%arg12 : memref<!tpu.dma_semaphore, #tpu.memory_space<semaphore_mem>>) {add = true}
      %sub3A_385 = arith.constant 4 : i32
      %sub3A_386 = arith.subi %add3A_362, %sub3A_385 : i32
      %ge3A_387 = arith.constant 0 : i32
      %ge3A_388 = arith.cmpi sge, %sub3A_386, %ge3A_387 : i32
      %convert_element_type3A_389 = arith.extui %ge3A_388 : i1 to i32
      %cond3A_390 = arith.constant 0 : i32
      %cond3A_391 = arith.cmpi ne, %convert_element_type3A_389, %cond3A_390 : i32
      scf.if %cond3A_391 {
        %dma_wait3A_425 = arith.constant 2 : i32
        %dma_wait3A_426 = arith.constant 0 : i32
        %dma_wait3A_427 = arith.constant 0 : i32
        %dma_wait3A_428 = tpu.memref_slice %arg10[%dma_wait3A_425, %dma_wait3A_426, %dma_wait3A_427] : memref<8x125x64xbf16, #tpu.memory_space<vmem>> -> memref<1x125x64xbf16, #tpu.memory_space<vmem>>
        %dma_wait3A_429 = tpu.memref_squeeze %dma_wait3A_428 : memref<1x125x64xbf16, #tpu.memory_space<vmem>> -> memref<125x64xbf16, #tpu.memory_space<vmem>>
        %dma_wait3A_430 = arith.constant 0 : i32
        %dma_wait3A_431 = tpu.memref_slice %arg9[%sub3A_386, %dma_wait3A_430] : memref<80x125xi32, #tpu.memory_space<vmem>> -> memref<1x125xi32, #tpu.memory_space<vmem>>
        %dma_wait3A_432 = tpu.memref_squeeze %dma_wait3A_431 : memref<1x125xi32, #tpu.memory_space<vmem>> -> memref<125xi32, #tpu.memory_space<vmem>>
        %dma_wait3A_433 = arith.constant 0 : i32
        %dma_wait3A_434 = arith.constant 0 : i32
        %dma_wait3A_435 = tpu.memref_slice %arg13[%dma_wait3A_433, %dma_wait3A_434] : memref<10000x64xbf16, #tpu.memory_space<vmem_shared>> -> memref<10000x64xbf16, #tpu.memory_space<vmem_shared>>
        tpu.wait_indirect_dma semaphore(%arg12 : memref<!tpu.dma_semaphore, #tpu.memory_space<semaphore_mem>>) src(%dma_wait3A_429 : memref<125x64xbf16, #tpu.memory_space<vmem>>) dst(%dma_wait3A_435 : memref<10000x64xbf16, #tpu.memory_space<vmem_shared>>)
        %add3A_436 = arith.constant 8 : i32
        %add3A_437 = arith.addi %sub3A_386, %add3A_436 : i32
        %lt3A = arith.constant 80 : i32
        %lt3A_438 = arith.cmpi slt, %add3A_437, %lt3A : i32
        %convert_element_type3A_439 = arith.extui %lt3A_438 : i1 to i32
        %cond3A_440 = arith.constant 0 : i32
        %cond3A_441 = arith.cmpi ne, %convert_element_type3A_439, %cond3A_440 : i32
        scf.if %cond3A_441 {
          %add3A_442 = arith.constant 8 : i32
          %add3A_443 = arith.addi %sub3A_386, %add3A_442 : i32
          %dma_start3A_444 = arith.constant 2 : i32
          %dma_start3A_445 = arith.constant 0 : i32
          %dma_start3A_446 = arith.constant 0 : i32
          %dma_start3A_447 = tpu.memref_slice %arg10[%dma_start3A_444, %dma_start3A_445, %dma_start3A_446] : memref<8x125x64xbf16, #tpu.memory_space<vmem>> -> memref<1x125x64xbf16, #tpu.memory_space<vmem>>
          %dma_start3A_448 = tpu.memref_squeeze %dma_start3A_447 : memref<1x125x64xbf16, #tpu.memory_space<vmem>> -> memref<125x64xbf16, #tpu.memory_space<vmem>>
          %dma_start3A_449 = arith.constant 0 : i32
          %dma_start3A_450 = tpu.memref_slice %arg8[%add3A_443, %dma_start3A_449] : memref<80x125xi32, #tpu.memory_space<vmem>> -> memref<1x125xi32, #tpu.memory_space<vmem>>
          %dma_start3A_451 = tpu.memref_squeeze %dma_start3A_450 : memref<1x125xi32, #tpu.memory_space<vmem>> -> memref<125xi32, #tpu.memory_space<vmem>>
          %dma_start3A_452 = arith.constant 0 : i32
          %dma_start3A_453 = arith.constant 0 : i32
          %dma_start3A_454 = tpu.memref_slice %arg2[%dma_start3A_452, %dma_start3A_453] : memref<10000x64xbf16, #tpu.memory_space<hbm>> -> memref<10000x64xbf16, #tpu.memory_space<hbm>>
          tpu.enqueue_indirect_dma source(%dma_start3A_454 : memref<10000x64xbf16, #tpu.memory_space<hbm>>) target(%dma_start3A_448 : memref<125x64xbf16, #tpu.memory_space<vmem>>) offsets(%dma_start3A_451 : memref<125xi32, #tpu.memory_space<vmem>>) semaphore(%arg11 : memref<!tpu.dma_semaphore, #tpu.memory_space<semaphore_mem>>)
        } else {
        }
      } else {
      }
      %mul3A_392 = arith.constant 8 : i32
      %mul3A_393 = arith.muli %scan3A_162, %mul3A_392 : i32
      %add3A_394 = arith.constant 7 : i32
      %add3A_395 = arith.addi %mul3A_393, %add3A_394 : i32
      %dma_wait3A_396 = arith.constant 7 : i32
      %dma_wait3A_397 = arith.constant 0 : i32
      %dma_wait3A_398 = arith.constant 0 : i32
      %dma_wait3A_399 = tpu.memref_slice %arg10[%dma_wait3A_396, %dma_wait3A_397, %dma_wait3A_398] : memref<8x125x64xbf16, #tpu.memory_space<vmem>> -> memref<1x125x64xbf16, #tpu.memory_space<vmem>>
      %dma_wait3A_400 = tpu.memref_squeeze %dma_wait3A_399 : memref<1x125x64xbf16, #tpu.memory_space<vmem>> -> memref<125x64xbf16, #tpu.memory_space<vmem>>
      %dma_wait3A_401 = arith.constant 0 : i32
      %dma_wait3A_402 = tpu.memref_slice %arg8[%add3A_395, %dma_wait3A_401] : memref<80x125xi32, #tpu.memory_space<vmem>> -> memref<1x125xi32, #tpu.memory_space<vmem>>
      %dma_wait3A_403 = tpu.memref_squeeze %dma_wait3A_402 : memref<1x125xi32, #tpu.memory_space<vmem>> -> memref<125xi32, #tpu.memory_space<vmem>>
      %dma_wait3A_404 = arith.constant 0 : i32
      %dma_wait3A_405 = arith.constant 0 : i32
      %dma_wait3A_406 = tpu.memref_slice %arg2[%dma_wait3A_404, %dma_wait3A_405] : memref<10000x64xbf16, #tpu.memory_space<hbm>> -> memref<10000x64xbf16, #tpu.memory_space<hbm>>
      tpu.wait_indirect_dma semaphore(%arg11 : memref<!tpu.dma_semaphore, #tpu.memory_space<semaphore_mem>>) src(%dma_wait3A_406 : memref<10000x64xbf16, #tpu.memory_space<hbm>>) dst(%dma_wait3A_400 : memref<125x64xbf16, #tpu.memory_space<vmem>>)
      %dma_start3A_407 = arith.constant 7 : i32
      %dma_start3A_408 = arith.constant 0 : i32
      %dma_start3A_409 = arith.constant 0 : i32
      %dma_start3A_410 = tpu.memref_slice %arg10[%dma_start3A_407, %dma_start3A_408, %dma_start3A_409] : memref<8x125x64xbf16, #tpu.memory_space<vmem>> -> memref<1x125x64xbf16, #tpu.memory_space<vmem>>
      %dma_start3A_411 = tpu.memref_squeeze %dma_start3A_410 : memref<1x125x64xbf16, #tpu.memory_space<vmem>> -> memref<125x64xbf16, #tpu.memory_space<vmem>>
      %dma_start3A_412 = arith.constant 0 : i32
      %dma_start3A_413 = tpu.memref_slice %arg9[%add3A_395, %dma_start3A_412] : memref<80x125xi32, #tpu.memory_space<vmem>> -> memref<1x125xi32, #tpu.memory_space<vmem>>
      %dma_start3A_414 = tpu.memref_squeeze %dma_start3A_413 : memref<1x125xi32, #tpu.memory_space<vmem>> -> memref<125xi32, #tpu.memory_space<vmem>>
      %dma_start3A_415 = arith.constant 0 : i32
      %dma_start3A_416 = arith.constant 0 : i32
      %dma_start3A_417 = tpu.memref_slice %arg13[%dma_start3A_415, %dma_start3A_416] : memref<10000x64xbf16, #tpu.memory_space<vmem_shared>> -> memref<10000x64xbf16, #tpu.memory_space<vmem_shared>>
      tpu.enqueue_indirect_dma source(%dma_start3A_411 : memref<125x64xbf16, #tpu.memory_space<vmem>>) target(%dma_start3A_417 : memref<10000x64xbf16, #tpu.memory_space<vmem_shared>>) offsets(%dma_start3A_414 : memref<125xi32, #tpu.memory_space<vmem>>) semaphore(%arg12 : memref<!tpu.dma_semaphore, #tpu.memory_space<semaphore_mem>>) {add = true}
      %sub3A_418 = arith.constant 4 : i32
      %sub3A_419 = arith.subi %add3A_395, %sub3A_418 : i32
      %ge3A_420 = arith.constant 0 : i32
      %ge3A_421 = arith.cmpi sge, %sub3A_419, %ge3A_420 : i32
      %convert_element_type3A_422 = arith.extui %ge3A_421 : i1 to i32
      %cond3A_423 = arith.constant 0 : i32
      %cond3A_424 = arith.cmpi ne, %convert_element_type3A_422, %cond3A_423 : i32
      scf.if %cond3A_424 {
        %dma_wait3A_425 = arith.constant 3 : i32
        %dma_wait3A_426 = arith.constant 0 : i32
        %dma_wait3A_427 = arith.constant 0 : i32
        %dma_wait3A_428 = tpu.memref_slice %arg10[%dma_wait3A_425, %dma_wait3A_426, %dma_wait3A_427] : memref<8x125x64xbf16, #tpu.memory_space<vmem>> -> memref<1x125x64xbf16, #tpu.memory_space<vmem>>
        %dma_wait3A_429 = tpu.memref_squeeze %dma_wait3A_428 : memref<1x125x64xbf16, #tpu.memory_space<vmem>> -> memref<125x64xbf16, #tpu.memory_space<vmem>>
        %dma_wait3A_430 = arith.constant 0 : i32
        %dma_wait3A_431 = tpu.memref_slice %arg9[%sub3A_419, %dma_wait3A_430] : memref<80x125xi32, #tpu.memory_space<vmem>> -> memref<1x125xi32, #tpu.memory_space<vmem>>
        %dma_wait3A_432 = tpu.memref_squeeze %dma_wait3A_431 : memref<1x125xi32, #tpu.memory_space<vmem>> -> memref<125xi32, #tpu.memory_space<vmem>>
        %dma_wait3A_433 = arith.constant 0 : i32
        %dma_wait3A_434 = arith.constant 0 : i32
        %dma_wait3A_435 = tpu.memref_slice %arg13[%dma_wait3A_433, %dma_wait3A_434] : memref<10000x64xbf16, #tpu.memory_space<vmem_shared>> -> memref<10000x64xbf16, #tpu.memory_space<vmem_shared>>
        tpu.wait_indirect_dma semaphore(%arg12 : memref<!tpu.dma_semaphore, #tpu.memory_space<semaphore_mem>>) src(%dma_wait3A_429 : memref<125x64xbf16, #tpu.memory_space<vmem>>) dst(%dma_wait3A_435 : memref<10000x64xbf16, #tpu.memory_space<vmem_shared>>)
        %add3A_436 = arith.constant 8 : i32
        %add3A_437 = arith.addi %sub3A_419, %add3A_436 : i32
        %lt3A = arith.constant 80 : i32
        %lt3A_438 = arith.cmpi slt, %add3A_437, %lt3A : i32
        %convert_element_type3A_439 = arith.extui %lt3A_438 : i1 to i32
        %cond3A_440 = arith.constant 0 : i32
        %cond3A_441 = arith.cmpi ne, %convert_element_type3A_439, %cond3A_440 : i32
        scf.if %cond3A_441 {
          %add3A_442 = arith.constant 8 : i32
          %add3A_443 = arith.addi %sub3A_419, %add3A_442 : i32
          %dma_start3A_444 = arith.constant 3 : i32
          %dma_start3A_445 = arith.constant 0 : i32
          %dma_start3A_446 = arith.constant 0 : i32
          %dma_start3A_447 = tpu.memref_slice %arg10[%dma_start3A_444, %dma_start3A_445, %dma_start3A_446] : memref<8x125x64xbf16, #tpu.memory_space<vmem>> -> memref<1x125x64xbf16, #tpu.memory_space<vmem>>
          %dma_start3A_448 = tpu.memref_squeeze %dma_start3A_447 : memref<1x125x64xbf16, #tpu.memory_space<vmem>> -> memref<125x64xbf16, #tpu.memory_space<vmem>>
          %dma_start3A_449 = arith.constant 0 : i32
          %dma_start3A_450 = tpu.memref_slice %arg8[%add3A_443, %dma_start3A_449] : memref<80x125xi32, #tpu.memory_space<vmem>> -> memref<1x125xi32, #tpu.memory_space<vmem>>
          %dma_start3A_451 = tpu.memref_squeeze %dma_start3A_450 : memref<1x125xi32, #tpu.memory_space<vmem>> -> memref<125xi32, #tpu.memory_space<vmem>>
          %dma_start3A_452 = arith.constant 0 : i32
          %dma_start3A_453 = arith.constant 0 : i32
          %dma_start3A_454 = tpu.memref_slice %arg2[%dma_start3A_452, %dma_start3A_453] : memref<10000x64xbf16, #tpu.memory_space<hbm>> -> memref<10000x64xbf16, #tpu.memory_space<hbm>>
          tpu.enqueue_indirect_dma source(%dma_start3A_454 : memref<10000x64xbf16, #tpu.memory_space<hbm>>) target(%dma_start3A_448 : memref<125x64xbf16, #tpu.memory_space<vmem>>) offsets(%dma_start3A_451 : memref<125xi32, #tpu.memory_space<vmem>>) semaphore(%arg11 : memref<!tpu.dma_semaphore, #tpu.memory_space<semaphore_mem>>)
        } else {
        }
      } else {
      }
    }
    %scan3A_106 = arith.constant 10 : i32
    %dma_wait3A = arith.constant 4 : i32
    %dma_wait3A_107 = arith.constant 76 : i32
    %dma_wait3A_108 = arith.constant 0 : i32
    %dma_wait3A_109 = arith.constant 0 : i32
    %dma_wait3A_110 = tpu.memref_slice %arg10[%dma_wait3A, %dma_wait3A_108, %dma_wait3A_109] : memref<8x125x64xbf16, #tpu.memory_space<vmem>> -> memref<1x125x64xbf16, #tpu.memory_space<vmem>>
    %dma_wait3A_111 = tpu.memref_squeeze %dma_wait3A_110 : memref<1x125x64xbf16, #tpu.memory_space<vmem>> -> memref<125x64xbf16, #tpu.memory_space<vmem>>
    %dma_wait3A_112 = arith.constant 0 : i32
    %dma_wait3A_113 = tpu.memref_slice %arg9[%dma_wait3A_107, %dma_wait3A_112] : memref<80x125xi32, #tpu.memory_space<vmem>> -> memref<1x125xi32, #tpu.memory_space<vmem>>
    %dma_wait3A_114 = tpu.memref_squeeze %dma_wait3A_113 : memref<1x125xi32, #tpu.memory_space<vmem>> -> memref<125xi32, #tpu.memory_space<vmem>>
    %dma_wait3A_115 = arith.constant 0 : i32
    %dma_wait3A_116 = arith.constant 0 : i32
    %dma_wait3A_117 = tpu.memref_slice %arg13[%dma_wait3A_115, %dma_wait3A_116] : memref<10000x64xbf16, #tpu.memory_space<vmem_shared>> -> memref<10000x64xbf16, #tpu.memory_space<vmem_shared>>
    tpu.wait_indirect_dma semaphore(%arg12 : memref<!tpu.dma_semaphore, #tpu.memory_space<semaphore_mem>>) src(%dma_wait3A_111 : memref<125x64xbf16, #tpu.memory_space<vmem>>) dst(%dma_wait3A_117 : memref<10000x64xbf16, #tpu.memory_space<vmem_shared>>)
    %dma_wait3A_118 = arith.constant 5 : i32
    %dma_wait3A_119 = arith.constant 77 : i32
    %dma_wait3A_120 = arith.constant 0 : i32
    %dma_wait3A_121 = arith.constant 0 : i32
    %dma_wait3A_122 = tpu.memref_slice %arg10[%dma_wait3A_118, %dma_wait3A_120, %dma_wait3A_121] : memref<8x125x64xbf16, #tpu.memory_space<vmem>> -> memref<1x125x64xbf16, #tpu.memory_space<vmem>>
    %dma_wait3A_123 = tpu.memref_squeeze %dma_wait3A_122 : memref<1x125x64xbf16, #tpu.memory_space<vmem>> -> memref<125x64xbf16, #tpu.memory_space<vmem>>
    %dma_wait3A_124 = arith.constant 0 : i32
    %dma_wait3A_125 = tpu.memref_slice %arg9[%dma_wait3A_119, %dma_wait3A_124] : memref<80x125xi32, #tpu.memory_space<vmem>> -> memref<1x125xi32, #tpu.memory_space<vmem>>
    %dma_wait3A_126 = tpu.memref_squeeze %dma_wait3A_125 : memref<1x125xi32, #tpu.memory_space<vmem>> -> memref<125xi32, #tpu.memory_space<vmem>>
    %dma_wait3A_127 = arith.constant 0 : i32
    %dma_wait3A_128 = arith.constant 0 : i32
    %dma_wait3A_129 = tpu.memref_slice %arg13[%dma_wait3A_127, %dma_wait3A_128] : memref<10000x64xbf16, #tpu.memory_space<vmem_shared>> -> memref<10000x64xbf16, #tpu.memory_space<vmem_shared>>
    tpu.wait_indirect_dma semaphore(%arg12 : memref<!tpu.dma_semaphore, #tpu.memory_space<semaphore_mem>>) src(%dma_wait3A_123 : memref<125x64xbf16, #tpu.memory_space<vmem>>) dst(%dma_wait3A_129 : memref<10000x64xbf16, #tpu.memory_space<vmem_shared>>)
    %dma_wait3A_130 = arith.constant 6 : i32
    %dma_wait3A_131 = arith.constant 78 : i32
    %dma_wait3A_132 = arith.constant 0 : i32
    %dma_wait3A_133 = arith.constant 0 : i32
    %dma_wait3A_134 = tpu.memref_slice %arg10[%dma_wait3A_130, %dma_wait3A_132, %dma_wait3A_133] : memref<8x125x64xbf16, #tpu.memory_space<vmem>> -> memref<1x125x64xbf16, #tpu.memory_space<vmem>>
    %dma_wait3A_135 = tpu.memref_squeeze %dma_wait3A_134 : memref<1x125x64xbf16, #tpu.memory_space<vmem>> -> memref<125x64xbf16, #tpu.memory_space<vmem>>
    %dma_wait3A_136 = arith.constant 0 : i32
    %dma_wait3A_137 = tpu.memref_slice %arg9[%dma_wait3A_131, %dma_wait3A_136] : memref<80x125xi32, #tpu.memory_space<vmem>> -> memref<1x125xi32, #tpu.memory_space<vmem>>
    %dma_wait3A_138 = tpu.memref_squeeze %dma_wait3A_137 : memref<1x125xi32, #tpu.memory_space<vmem>> -> memref<125xi32, #tpu.memory_space<vmem>>
    %dma_wait3A_139 = arith.constant 0 : i32
    %dma_wait3A_140 = arith.constant 0 : i32
    %dma_wait3A_141 = tpu.memref_slice %arg13[%dma_wait3A_139, %dma_wait3A_140] : memref<10000x64xbf16, #tpu.memory_space<vmem_shared>> -> memref<10000x64xbf16, #tpu.memory_space<vmem_shared>>
    tpu.wait_indirect_dma semaphore(%arg12 : memref<!tpu.dma_semaphore, #tpu.memory_space<semaphore_mem>>) src(%dma_wait3A_135 : memref<125x64xbf16, #tpu.memory_space<vmem>>) dst(%dma_wait3A_141 : memref<10000x64xbf16, #tpu.memory_space<vmem_shared>>)
    %dma_wait3A_142 = arith.constant 7 : i32
    %dma_wait3A_143 = arith.constant 79 : i32
    %dma_wait3A_144 = arith.constant 0 : i32
    %dma_wait3A_145 = arith.constant 0 : i32
    %dma_wait3A_146 = tpu.memref_slice %arg10[%dma_wait3A_142, %dma_wait3A_144, %dma_wait3A_145] : memref<8x125x64xbf16, #tpu.memory_space<vmem>> -> memref<1x125x64xbf16, #tpu.memory_space<vmem>>
    %dma_wait3A_147 = tpu.memref_squeeze %dma_wait3A_146 : memref<1x125x64xbf16, #tpu.memory_space<vmem>> -> memref<125x64xbf16, #tpu.memory_space<vmem>>
    %dma_wait3A_148 = arith.constant 0 : i32
    %dma_wait3A_149 = tpu.memref_slice %arg9[%dma_wait3A_143, %dma_wait3A_148] : memref<80x125xi32, #tpu.memory_space<vmem>> -> memref<1x125xi32, #tpu.memory_space<vmem>>
    %dma_wait3A_150 = tpu.memref_squeeze %dma_wait3A_149 : memref<1x125xi32, #tpu.memory_space<vmem>> -> memref<125xi32, #tpu.memory_space<vmem>>
    %dma_wait3A_151 = arith.constant 0 : i32
    %dma_wait3A_152 = arith.constant 0 : i32
    %dma_wait3A_153 = tpu.memref_slice %arg13[%dma_wait3A_151, %dma_wait3A_152] : memref<10000x64xbf16, #tpu.memory_space<vmem_shared>> -> memref<10000x64xbf16, #tpu.memory_space<vmem_shared>>
    tpu.wait_indirect_dma semaphore(%arg12 : memref<!tpu.dma_semaphore, #tpu.memory_space<semaphore_mem>>) src(%dma_wait3A_147 : memref<125x64xbf16, #tpu.memory_space<vmem>>) dst(%dma_wait3A_153 : memref<10000x64xbf16, #tpu.memory_space<vmem_shared>>)
    %barrier3A_154 = arith.constant 0 : index
    tpu.barrier barrier_id(%barrier3A_154)
    %eq3A = arith.constant 0 : i32
    %eq3A_155 = arith.cmpi eq, %arg0, %eq3A : i32
    %convert_element_type3A = arith.extui %eq3A_155 : i1 to i32
    %cond3A = arith.constant 0 : i32
    %cond3A_156 = arith.cmpi ne, %convert_element_type3A, %cond3A : i32
    scf.if %cond3A_156 {
      %mul3A_162 = arith.constant 625 : i32
      %mul3A_163 = arith.muli %arg1, %mul3A_162 : i32
      %mul3A_164 = arith.constant 625 : i32
      %mul3A_165 = arith.muli %arg1, %mul3A_164 : i32
      "tpu.region"() ({
        %run_scoped3A = tpu.sem_alloc : memref<!tpu.dma_semaphore, #tpu.memory_space<semaphore_mem>>
        %dma_start3A_166 = arith.constant 0 : i32
        %dma_start3A_167 = tpu.memref_slice %arg6[%mul3A_165, %dma_start3A_166] : memref<10000x64xbf16, #tpu.memory_space<hbm>> -> memref<625x64xbf16, #tpu.memory_space<hbm>>
        %dma_start3A_168 = arith.constant 0 : i32
        %dma_start3A_169 = tpu.memref_slice %arg13[%mul3A_163, %dma_start3A_168] : memref<10000x64xbf16, #tpu.memory_space<vmem_shared>> -> memref<625x64xbf16, #tpu.memory_space<vmem_shared>>
        tpu.enqueue_dma source(%dma_start3A_169 : memref<625x64xbf16, #tpu.memory_space<vmem_shared>>) target(%dma_start3A_167 : memref<625x64xbf16, #tpu.memory_space<hbm>>) target_semaphore(%run_scoped3A : memref<!tpu.dma_semaphore, #tpu.memory_space<semaphore_mem>>)
        %dma_wait3A_170 = arith.constant 0 : i32
        %dma_wait3A_171 = tpu.memref_slice %arg6[%mul3A_165, %dma_wait3A_170] : memref<10000x64xbf16, #tpu.memory_space<hbm>> -> memref<625x64xbf16, #tpu.memory_space<hbm>>
        %dma_wait3A_172 = arith.constant 0 : i32
        %dma_wait3A_173 = tpu.memref_slice %arg13[%mul3A_163, %dma_wait3A_172] : memref<10000x64xbf16, #tpu.memory_space<vmem_shared>> -> memref<625x64xbf16, #tpu.memory_space<vmem_shared>>
        tpu.wait_dma2 semaphore(%run_scoped3A : memref<!tpu.dma_semaphore, #tpu.memory_space<semaphore_mem>>) src(%dma_wait3A_173 : memref<625x64xbf16, #tpu.memory_space<vmem_shared>>) dst(%dma_wait3A_171 : memref<625x64xbf16, #tpu.memory_space<hbm>>)
        tpu.yield
      }) : () -> ()
    } else {
    }
    %eq3A_157 = arith.constant 1 : i32
    %eq3A_158 = arith.cmpi eq, %arg0, %eq3A_157 : i32
    %convert_element_type3A_159 = arith.extui %eq3A_158 : i1 to i32
    %cond3A_160 = arith.constant 0 : i32
    %cond3A_161 = arith.cmpi ne, %convert_element_type3A_159, %cond3A_160 : i32
    scf.if %cond3A_161 {
      %mul3A_162 = arith.constant 625 : i32
      %mul3A_163 = arith.muli %arg1, %mul3A_162 : i32
      %mul3A_164 = arith.constant 625 : i32
      %mul3A_165 = arith.muli %arg1, %mul3A_164 : i32
      "tpu.region"() ({
        %run_scoped3A = tpu.sem_alloc : memref<!tpu.dma_semaphore, #tpu.memory_space<semaphore_mem>>
        %dma_start3A_166 = arith.constant 0 : i32
        %dma_start3A_167 = tpu.memref_slice %arg7[%mul3A_165, %dma_start3A_166] : memref<10000x64xbf16, #tpu.memory_space<hbm>> -> memref<625x64xbf16, #tpu.memory_space<hbm>>
        %dma_start3A_168 = arith.constant 0 : i32
        %dma_start3A_169 = tpu.memref_slice %arg13[%mul3A_163, %dma_start3A_168] : memref<10000x64xbf16, #tpu.memory_space<vmem_shared>> -> memref<625x64xbf16, #tpu.memory_space<vmem_shared>>
        tpu.enqueue_dma source(%dma_start3A_169 : memref<625x64xbf16, #tpu.memory_space<vmem_shared>>) target(%dma_start3A_167 : memref<625x64xbf16, #tpu.memory_space<hbm>>) target_semaphore(%run_scoped3A : memref<!tpu.dma_semaphore, #tpu.memory_space<semaphore_mem>>)
        %dma_wait3A_170 = arith.constant 0 : i32
        %dma_wait3A_171 = tpu.memref_slice %arg7[%mul3A_165, %dma_wait3A_170] : memref<10000x64xbf16, #tpu.memory_space<hbm>> -> memref<625x64xbf16, #tpu.memory_space<hbm>>
        %dma_wait3A_172 = arith.constant 0 : i32
        %dma_wait3A_173 = tpu.memref_slice %arg13[%mul3A_163, %dma_wait3A_172] : memref<10000x64xbf16, #tpu.memory_space<vmem_shared>> -> memref<625x64xbf16, #tpu.memory_space<vmem_shared>>
        tpu.wait_dma2 semaphore(%run_scoped3A : memref<!tpu.dma_semaphore, #tpu.memory_space<semaphore_mem>>) src(%dma_wait3A_173 : memref<625x64xbf16, #tpu.memory_space<vmem_shared>>) dst(%dma_wait3A_171 : memref<625x64xbf16, #tpu.memory_space<hbm>>)
        tpu.yield
      }) : () -> ()
    } else {
    }
    return
  }
}

#map = affine_map<(d0, d1) -> (0, 0)>
module attributes {stable_mosaic.version = 14 : i64} {
  func.func @_prop_body(%arg0: i32, %arg1: i32, %arg2: memref<10000x64xbf16, #tpu.memory_space<hbm>>, %arg3: memref<2560x125xi32, #tpu.memory_space<hbm>>, %arg4: memref<2560x125xi32, #tpu.memory_space<hbm>>, %arg5: memref<10000x64xbf16, #tpu.memory_space<hbm>>, %arg6: memref<10000x64xbf16, #tpu.memory_space<hbm>>, %arg7: memref<10000x64xbf16, #tpu.memory_space<hbm>>, %arg8: memref<80x125xi32, #tpu.memory_space<vmem>>, %arg9: memref<80x125xi32, #tpu.memory_space<vmem>>, %arg10: memref<8x125x64xbf16, #tpu.memory_space<vmem>>, %arg11: memref<!tpu.dma_semaphore, #tpu.memory_space<semaphore_mem>>, %arg12: memref<!tpu.dma_semaphore, #tpu.memory_space<semaphore_mem>>, %arg13: memref<10000x64xbf16, #tpu.memory_space<vmem_shared>>) attributes {dimension_semantics = [#tpu.dimension_semantics<core_parallel>, #tpu.dimension_semantics<subcore_parallel>], iteration_bounds = array<i64: 2, 16>, scalar_prefetch = 0 : i64, scratch_operands = 6 : i64, tpu.core_type = #tpu.core_type<sc_vector_subcore>, window_params = [{transform_indices = #map}, {transform_indices = #map}, {transform_indices = #map}, {transform_indices = #map}, {transform_indices = #map}, {transform_indices = #map}]} {
    %mul3A = arith.constant 16 : i32
    %mul3A_0 = arith.muli %arg0, %mul3A : i32
    %add3A = arith.addi %mul3A_0, %arg1 : i32
    %mul3A_1 = arith.constant 80 : i32
    %mul3A_2 = arith.muli %add3A, %mul3A_1 : i32
    %mul3A_3 = arith.constant 625 : i32
    %mul3A_4 = arith.muli %arg1, %mul3A_3 : i32
    %mul3A_5 = arith.constant 625 : i32
    %mul3A_6 = arith.muli %arg1, %mul3A_5 : i32
    "tpu.region"() ({
      %run_scoped3A = tpu.sem_alloc : memref<!tpu.dma_semaphore, #tpu.memory_space<semaphore_mem>>
      %dma_start3A_162 = arith.constant 0 : i32
      %dma_start3A_163 = tpu.memref_slice %arg13[%mul3A_6, %dma_start3A_162] : memref<10000x64xbf16, #tpu.memory_space<vmem_shared>> -> memref<625x64xbf16, #tpu.memory_space<vmem_shared>>
      %dma_start3A_164 = arith.constant 0 : i32
      %dma_start3A_165 = tpu.memref_slice %arg5[%mul3A_4, %dma_start3A_164] : memref<10000x64xbf16, #tpu.memory_space<hbm>> -> memref<625x64xbf16, #tpu.memory_space<hbm>>
      tpu.enqueue_dma source(%dma_start3A_165 : memref<625x64xbf16, #tpu.memory_space<hbm>>) target(%dma_start3A_163 : memref<625x64xbf16, #tpu.memory_space<vmem_shared>>) target_semaphore(%run_scoped3A : memref<!tpu.dma_semaphore, #tpu.memory_space<semaphore_mem>>)
      %dma_wait3A_166 = arith.constant 0 : i32
      %dma_wait3A_167 = tpu.memref_slice %arg13[%mul3A_6, %dma_wait3A_166] : memref<10000x64xbf16, #tpu.memory_space<vmem_shared>> -> memref<625x64xbf16, #tpu.memory_space<vmem_shared>>
      %dma_wait3A_168 = arith.constant 0 : i32
      %dma_wait3A_169 = tpu.memref_slice %arg5[%mul3A_4, %dma_wait3A_168] : memref<10000x64xbf16, #tpu.memory_space<hbm>> -> memref<625x64xbf16, #tpu.memory_space<hbm>>
      tpu.wait_dma2 semaphore(%run_scoped3A : memref<!tpu.dma_semaphore, #tpu.memory_space<semaphore_mem>>) src(%dma_wait3A_169 : memref<625x64xbf16, #tpu.memory_space<hbm>>) dst(%dma_wait3A_167 : memref<625x64xbf16, #tpu.memory_space<vmem_shared>>)
      tpu.yield
    }) : () -> ()
    "tpu.region"() ({
      %run_scoped3A = tpu.sem_alloc : memref<!tpu.dma_semaphore, #tpu.memory_space<semaphore_mem>>
      %dma_start3A_162 = arith.constant 0 : i32
      %dma_start3A_163 = tpu.memref_slice %arg3[%mul3A_2, %dma_start3A_162] : memref<2560x125xi32, #tpu.memory_space<hbm>> -> memref<80x125xi32, #tpu.memory_space<hbm>>
      %dma_start3A_164 = arith.constant 0 : i32
      %dma_start3A_165 = tpu.memref_slice %arg3[%mul3A_2, %dma_start3A_164] : memref<2560x125xi32, #tpu.memory_space<hbm>> -> memref<80x125xi32, #tpu.memory_space<hbm>>
      tpu.enqueue_dma source(%dma_start3A_165 : memref<80x125xi32, #tpu.memory_space<hbm>>) target(%arg8 : memref<80x125xi32, #tpu.memory_space<vmem>>) target_semaphore(%run_scoped3A : memref<!tpu.dma_semaphore, #tpu.memory_space<semaphore_mem>>)
      %dma_wait3A_166 = arith.constant 0 : i32
      %dma_wait3A_167 = tpu.memref_slice %arg3[%mul3A_2, %dma_wait3A_166] : memref<2560x125xi32, #tpu.memory_space<hbm>> -> memref<80x125xi32, #tpu.memory_space<hbm>>
      %dma_wait3A_168 = arith.constant 0 : i32
      %dma_wait3A_169 = tpu.memref_slice %arg3[%mul3A_2, %dma_wait3A_168] : memref<2560x125xi32, #tpu.memory_space<hbm>> -> memref<80x125xi32, #tpu.memory_space<hbm>>
      tpu.wait_dma2 semaphore(%run_scoped3A : memref<!tpu.dma_semaphore, #tpu.memory_space<semaphore_mem>>) src(%dma_wait3A_169 : memref<80x125xi32, #tpu.memory_space<hbm>>) dst(%arg8 : memref<80x125xi32, #tpu.memory_space<vmem>>)
      tpu.yield
    }) : () -> ()
    "tpu.region"() ({
      %run_scoped3A = tpu.sem_alloc : memref<!tpu.dma_semaphore, #tpu.memory_space<semaphore_mem>>
      %dma_start3A_162 = arith.constant 0 : i32
      %dma_start3A_163 = tpu.memref_slice %arg4[%mul3A_2, %dma_start3A_162] : memref<2560x125xi32, #tpu.memory_space<hbm>> -> memref<80x125xi32, #tpu.memory_space<hbm>>
      %dma_start3A_164 = arith.constant 0 : i32
      %dma_start3A_165 = tpu.memref_slice %arg4[%mul3A_2, %dma_start3A_164] : memref<2560x125xi32, #tpu.memory_space<hbm>> -> memref<80x125xi32, #tpu.memory_space<hbm>>
      tpu.enqueue_dma source(%dma_start3A_165 : memref<80x125xi32, #tpu.memory_space<hbm>>) target(%arg9 : memref<80x125xi32, #tpu.memory_space<vmem>>) target_semaphore(%run_scoped3A : memref<!tpu.dma_semaphore, #tpu.memory_space<semaphore_mem>>)
      %dma_wait3A_166 = arith.constant 0 : i32
      %dma_wait3A_167 = tpu.memref_slice %arg4[%mul3A_2, %dma_wait3A_166] : memref<2560x125xi32, #tpu.memory_space<hbm>> -> memref<80x125xi32, #tpu.memory_space<hbm>>
      %dma_wait3A_168 = arith.constant 0 : i32
      %dma_wait3A_169 = tpu.memref_slice %arg4[%mul3A_2, %dma_wait3A_168] : memref<2560x125xi32, #tpu.memory_space<hbm>> -> memref<80x125xi32, #tpu.memory_space<hbm>>
      tpu.wait_dma2 semaphore(%run_scoped3A : memref<!tpu.dma_semaphore, #tpu.memory_space<semaphore_mem>>) src(%dma_wait3A_169 : memref<80x125xi32, #tpu.memory_space<hbm>>) dst(%arg9 : memref<80x125xi32, #tpu.memory_space<vmem>>)
      tpu.yield
    }) : () -> ()
    %barrier3A = arith.constant 0 : index
    tpu.barrier barrier_id(%barrier3A)
    %dma_start3A = arith.constant 0 : i32
    %dma_start3A_7 = arith.constant 0 : i32
    %dma_start3A_8 = arith.constant 0 : i32
    %dma_start3A_9 = arith.constant 0 : i32
    %dma_start3A_10 = tpu.memref_slice %arg10[%dma_start3A_7, %dma_start3A_8, %dma_start3A_9] : memref<8x125x64xbf16, #tpu.memory_space<vmem>> -> memref<1x125x64xbf16, #tpu.memory_space<vmem>>
    %dma_start3A_11 = tpu.memref_squeeze %dma_start3A_10 : memref<1x125x64xbf16, #tpu.memory_space<vmem>> -> memref<125x64xbf16, #tpu.memory_space<vmem>>
    %dma_start3A_12 = arith.constant 0 : i32
    %dma_start3A_13 = tpu.memref_slice %arg8[%dma_start3A, %dma_start3A_12] : memref<80x125xi32, #tpu.memory_space<vmem>> -> memref<1x125xi32, #tpu.memory_space<vmem>>
    %dma_start3A_14 = tpu.memref_squeeze %dma_start3A_13 : memref<1x125xi32, #tpu.memory_space<vmem>> -> memref<125xi32, #tpu.memory_space<vmem>>
    %dma_start3A_15 = arith.constant 0 : i32
    %dma_start3A_16 = arith.constant 0 : i32
    %dma_start3A_17 = tpu.memref_slice %arg2[%dma_start3A_15, %dma_start3A_16] : memref<10000x64xbf16, #tpu.memory_space<hbm>> -> memref<10000x64xbf16, #tpu.memory_space<hbm>>
    tpu.enqueue_indirect_dma source(%dma_start3A_17 : memref<10000x64xbf16, #tpu.memory_space<hbm>>) target(%dma_start3A_11 : memref<125x64xbf16, #tpu.memory_space<vmem>>) offsets(%dma_start3A_14 : memref<125xi32, #tpu.memory_space<vmem>>) semaphore(%arg11 : memref<!tpu.dma_semaphore, #tpu.memory_space<semaphore_mem>>)
    %dma_start3A_18 = arith.constant 1 : i32
    %dma_start3A_19 = arith.constant 1 : i32
    %dma_start3A_20 = arith.constant 0 : i32
    %dma_start3A_21 = arith.constant 0 : i32
    %dma_start3A_22 = tpu.memref_slice %arg10[%dma_start3A_19, %dma_start3A_20, %dma_start3A_21] : memref<8x125x64xbf16, #tpu.memory_space<vmem>> -> memref<1x125x64xbf16, #tpu.memory_space<vmem>>
    %dma_start3A_23 = tpu.memref_squeeze %dma_start3A_22 : memref<1x125x64xbf16, #tpu.memory_space<vmem>> -> memref<125x64xbf16, #tpu.memory_space<vmem>>
    %dma_start3A_24 = arith.constant 0 : i32
    %dma_start3A_25 = tpu.memref_slice %arg8[%dma_start3A_18, %dma_start3A_24] : memref<80x125xi32, #tpu.memory_space<vmem>> -> memref<1x125xi32, #tpu.memory_space<vmem>>
    %dma_start3A_26 = tpu.memref_squeeze %dma_start3A_25 : memref<1x125xi32, #tpu.memory_space<vmem>> -> memref<125xi32, #tpu.memory_space<vmem>>
    %dma_start3A_27 = arith.constant 0 : i32
    %dma_start3A_28 = arith.constant 0 : i32
    %dma_start3A_29 = tpu.memref_slice %arg2[%dma_start3A_27, %dma_start3A_28] : memref<10000x64xbf16, #tpu.memory_space<hbm>> -> memref<10000x64xbf16, #tpu.memory_space<hbm>>
    tpu.enqueue_indirect_dma source(%dma_start3A_29 : memref<10000x64xbf16, #tpu.memory_space<hbm>>) target(%dma_start3A_23 : memref<125x64xbf16, #tpu.memory_space<vmem>>) offsets(%dma_start3A_26 : memref<125xi32, #tpu.memory_space<vmem>>) semaphore(%arg11 : memref<!tpu.dma_semaphore, #tpu.memory_space<semaphore_mem>>)
    %dma_start3A_30 = arith.constant 2 : i32
    %dma_start3A_31 = arith.constant 2 : i32
    %dma_start3A_32 = arith.constant 0 : i32
    %dma_start3A_33 = arith.constant 0 : i32
    %dma_start3A_34 = tpu.memref_slice %arg10[%dma_start3A_31, %dma_start3A_32, %dma_start3A_33] : memref<8x125x64xbf16, #tpu.memory_space<vmem>> -> memref<1x125x64xbf16, #tpu.memory_space<vmem>>
    %dma_start3A_35 = tpu.memref_squeeze %dma_start3A_34 : memref<1x125x64xbf16, #tpu.memory_space<vmem>> -> memref<125x64xbf16, #tpu.memory_space<vmem>>
    %dma_start3A_36 = arith.constant 0 : i32
    %dma_start3A_37 = tpu.memref_slice %arg8[%dma_start3A_30, %dma_start3A_36] : memref<80x125xi32, #tpu.memory_space<vmem>> -> memref<1x125xi32, #tpu.memory_space<vmem>>
    %dma_start3A_38 = tpu.memref_squeeze %dma_start3A_37 : memref<1x125xi32, #tpu.memory_space<vmem>> -> memref<125xi32, #tpu.memory_space<vmem>>
    %dma_start3A_39 = arith.constant 0 : i32
    %dma_start3A_40 = arith.constant 0 : i32
    %dma_start3A_41 = tpu.memref_slice %arg2[%dma_start3A_39, %dma_start3A_40] : memref<10000x64xbf16, #tpu.memory_space<hbm>> -> memref<10000x64xbf16, #tpu.memory_space<hbm>>
    tpu.enqueue_indirect_dma source(%dma_start3A_41 : memref<10000x64xbf16, #tpu.memory_space<hbm>>) target(%dma_start3A_35 : memref<125x64xbf16, #tpu.memory_space<vmem>>) offsets(%dma_start3A_38 : memref<125xi32, #tpu.memory_space<vmem>>) semaphore(%arg11 : memref<!tpu.dma_semaphore, #tpu.memory_space<semaphore_mem>>)
    %dma_start3A_42 = arith.constant 3 : i32
    %dma_start3A_43 = arith.constant 3 : i32
    %dma_start3A_44 = arith.constant 0 : i32
    %dma_start3A_45 = arith.constant 0 : i32
    %dma_start3A_46 = tpu.memref_slice %arg10[%dma_start3A_43, %dma_start3A_44, %dma_start3A_45] : memref<8x125x64xbf16, #tpu.memory_space<vmem>> -> memref<1x125x64xbf16, #tpu.memory_space<vmem>>
    %dma_start3A_47 = tpu.memref_squeeze %dma_start3A_46 : memref<1x125x64xbf16, #tpu.memory_space<vmem>> -> memref<125x64xbf16, #tpu.memory_space<vmem>>
    %dma_start3A_48 = arith.constant 0 : i32
    %dma_start3A_49 = tpu.memref_slice %arg8[%dma_start3A_42, %dma_start3A_48] : memref<80x125xi32, #tpu.memory_space<vmem>> -> memref<1x125xi32, #tpu.memory_space<vmem>>
    %dma_start3A_50 = tpu.memref_squeeze %dma_start3A_49 : memref<1x125xi32, #tpu.memory_space<vmem>> -> memref<125xi32, #tpu.memory_space<vmem>>
    %dma_start3A_51 = arith.constant 0 : i32
    %dma_start3A_52 = arith.constant 0 : i32
    %dma_start3A_53 = tpu.memref_slice %arg2[%dma_start3A_51, %dma_start3A_52] : memref<10000x64xbf16, #tpu.memory_space<hbm>> -> memref<10000x64xbf16, #tpu.memory_space<hbm>>
    tpu.enqueue_indirect_dma source(%dma_start3A_53 : memref<10000x64xbf16, #tpu.memory_space<hbm>>) target(%dma_start3A_47 : memref<125x64xbf16, #tpu.memory_space<vmem>>) offsets(%dma_start3A_50 : memref<125xi32, #tpu.memory_space<vmem>>) semaphore(%arg11 : memref<!tpu.dma_semaphore, #tpu.memory_space<semaphore_mem>>)
    %dma_start3A_54 = arith.constant 4 : i32
    %dma_start3A_55 = arith.constant 4 : i32
    %dma_start3A_56 = arith.constant 0 : i32
    %dma_start3A_57 = arith.constant 0 : i32
    %dma_start3A_58 = tpu.memref_slice %arg10[%dma_start3A_55, %dma_start3A_56, %dma_start3A_57] : memref<8x125x64xbf16, #tpu.memory_space<vmem>> -> memref<1x125x64xbf16, #tpu.memory_space<vmem>>
    %dma_start3A_59 = tpu.memref_squeeze %dma_start3A_58 : memref<1x125x64xbf16, #tpu.memory_space<vmem>> -> memref<125x64xbf16, #tpu.memory_space<vmem>>
    %dma_start3A_60 = arith.constant 0 : i32
    %dma_start3A_61 = tpu.memref_slice %arg8[%dma_start3A_54, %dma_start3A_60] : memref<80x125xi32, #tpu.memory_space<vmem>> -> memref<1x125xi32, #tpu.memory_space<vmem>>
    %dma_start3A_62 = tpu.memref_squeeze %dma_start3A_61 : memref<1x125xi32, #tpu.memory_space<vmem>> -> memref<125xi32, #tpu.memory_space<vmem>>
    %dma_start3A_63 = arith.constant 0 : i32
    %dma_start3A_64 = arith.constant 0 : i32
    %dma_start3A_65 = tpu.memref_slice %arg2[%dma_start3A_63, %dma_start3A_64] : memref<10000x64xbf16, #tpu.memory_space<hbm>> -> memref<10000x64xbf16, #tpu.memory_space<hbm>>
    tpu.enqueue_indirect_dma source(%dma_start3A_65 : memref<10000x64xbf16, #tpu.memory_space<hbm>>) target(%dma_start3A_59 : memref<125x64xbf16, #tpu.memory_space<vmem>>) offsets(%dma_start3A_62 : memref<125xi32, #tpu.memory_space<vmem>>) semaphore(%arg11 : memref<!tpu.dma_semaphore, #tpu.memory_space<semaphore_mem>>)
    %dma_start3A_66 = arith.constant 5 : i32
    %dma_start3A_67 = arith.constant 5 : i32
    %dma_start3A_68 = arith.constant 0 : i32
    %dma_start3A_69 = arith.constant 0 : i32
    %dma_start3A_70 = tpu.memref_slice %arg10[%dma_start3A_67, %dma_start3A_68, %dma_start3A_69] : memref<8x125x64xbf16, #tpu.memory_space<vmem>> -> memref<1x125x64xbf16, #tpu.memory_space<vmem>>
    %dma_start3A_71 = tpu.memref_squeeze %dma_start3A_70 : memref<1x125x64xbf16, #tpu.memory_space<vmem>> -> memref<125x64xbf16, #tpu.memory_space<vmem>>
    %dma_start3A_72 = arith.constant 0 : i32
    %dma_start3A_73 = tpu.memref_slice %arg8[%dma_start3A_66, %dma_start3A_72] : memref<80x125xi32, #tpu.memory_space<vmem>> -> memref<1x125xi32, #tpu.memory_space<vmem>>
    %dma_start3A_74 = tpu.memref_squeeze %dma_start3A_73 : memref<1x125xi32, #tpu.memory_space<vmem>> -> memref<125xi32, #tpu.memory_space<vmem>>
    %dma_start3A_75 = arith.constant 0 : i32
    %dma_start3A_76 = arith.constant 0 : i32
    %dma_start3A_77 = tpu.memref_slice %arg2[%dma_start3A_75, %dma_start3A_76] : memref<10000x64xbf16, #tpu.memory_space<hbm>> -> memref<10000x64xbf16, #tpu.memory_space<hbm>>
    tpu.enqueue_indirect_dma source(%dma_start3A_77 : memref<10000x64xbf16, #tpu.memory_space<hbm>>) target(%dma_start3A_71 : memref<125x64xbf16, #tpu.memory_space<vmem>>) offsets(%dma_start3A_74 : memref<125xi32, #tpu.memory_space<vmem>>) semaphore(%arg11 : memref<!tpu.dma_semaphore, #tpu.memory_space<semaphore_mem>>)
    %dma_start3A_78 = arith.constant 6 : i32
    %dma_start3A_79 = arith.constant 6 : i32
    %dma_start3A_80 = arith.constant 0 : i32
    %dma_start3A_81 = arith.constant 0 : i32
    %dma_start3A_82 = tpu.memref_slice %arg10[%dma_start3A_79, %dma_start3A_80, %dma_start3A_81] : memref<8x125x64xbf16, #tpu.memory_space<vmem>> -> memref<1x125x64xbf16, #tpu.memory_space<vmem>>
    %dma_start3A_83 = tpu.memref_squeeze %dma_start3A_82 : memref<1x125x64xbf16, #tpu.memory_space<vmem>> -> memref<125x64xbf16, #tpu.memory_space<vmem>>
    %dma_start3A_84 = arith.constant 0 : i32
    %dma_start3A_85 = tpu.memref_slice %arg8[%dma_start3A_78, %dma_start3A_84] : memref<80x125xi32, #tpu.memory_space<vmem>> -> memref<1x125xi32, #tpu.memory_space<vmem>>
    %dma_start3A_86 = tpu.memref_squeeze %dma_start3A_85 : memref<1x125xi32, #tpu.memory_space<vmem>> -> memref<125xi32, #tpu.memory_space<vmem>>
    %dma_start3A_87 = arith.constant 0 : i32
    %dma_start3A_88 = arith.constant 0 : i32
    %dma_start3A_89 = tpu.memref_slice %arg2[%dma_start3A_87, %dma_start3A_88] : memref<10000x64xbf16, #tpu.memory_space<hbm>> -> memref<10000x64xbf16, #tpu.memory_space<hbm>>
    tpu.enqueue_indirect_dma source(%dma_start3A_89 : memref<10000x64xbf16, #tpu.memory_space<hbm>>) target(%dma_start3A_83 : memref<125x64xbf16, #tpu.memory_space<vmem>>) offsets(%dma_start3A_86 : memref<125xi32, #tpu.memory_space<vmem>>) semaphore(%arg11 : memref<!tpu.dma_semaphore, #tpu.memory_space<semaphore_mem>>)
    %dma_start3A_90 = arith.constant 7 : i32
    %dma_start3A_91 = arith.constant 7 : i32
    %dma_start3A_92 = arith.constant 0 : i32
    %dma_start3A_93 = arith.constant 0 : i32
    %dma_start3A_94 = tpu.memref_slice %arg10[%dma_start3A_91, %dma_start3A_92, %dma_start3A_93] : memref<8x125x64xbf16, #tpu.memory_space<vmem>> -> memref<1x125x64xbf16, #tpu.memory_space<vmem>>
    %dma_start3A_95 = tpu.memref_squeeze %dma_start3A_94 : memref<1x125x64xbf16, #tpu.memory_space<vmem>> -> memref<125x64xbf16, #tpu.memory_space<vmem>>
    %dma_start3A_96 = arith.constant 0 : i32
    %dma_start3A_97 = tpu.memref_slice %arg8[%dma_start3A_90, %dma_start3A_96] : memref<80x125xi32, #tpu.memory_space<vmem>> -> memref<1x125xi32, #tpu.memory_space<vmem>>
    %dma_start3A_98 = tpu.memref_squeeze %dma_start3A_97 : memref<1x125xi32, #tpu.memory_space<vmem>> -> memref<125xi32, #tpu.memory_space<vmem>>
    %dma_start3A_99 = arith.constant 0 : i32
    %dma_start3A_100 = arith.constant 0 : i32
    %dma_start3A_101 = tpu.memref_slice %arg2[%dma_start3A_99, %dma_start3A_100] : memref<10000x64xbf16, #tpu.memory_space<hbm>> -> memref<10000x64xbf16, #tpu.memory_space<hbm>>
    tpu.enqueue_indirect_dma source(%dma_start3A_101 : memref<10000x64xbf16, #tpu.memory_space<hbm>>) target(%dma_start3A_95 : memref<125x64xbf16, #tpu.memory_space<vmem>>) offsets(%dma_start3A_98 : memref<125xi32, #tpu.memory_space<vmem>>) semaphore(%arg11 : memref<!tpu.dma_semaphore, #tpu.memory_space<semaphore_mem>>)
    %scan3A = arith.constant 0 : i32
    %scan3A_102 = arith.constant 0 : i32
    %scan3A_103 = arith.constant 10 : i32
    %scan3A_104 = arith.addi %scan3A_102, %scan3A_103 : i32
    %scan3A_105 = arith.constant 1 : i32
    scf.for %scan3A_162 = %scan3A_102 to %scan3A_104 step %scan3A_105  : i32 {
      %mul3A_163 = arith.constant 8 : i32
      %mul3A_164 = arith.muli %scan3A_162, %mul3A_163 : i32
      %add3A_165 = arith.constant 0 : i32
      %add3A_166 = arith.addi %mul3A_164, %add3A_165 : i32
      %dma_wait3A_167 = arith.constant 0 : i32
      %dma_wait3A_168 = arith.constant 0 : i32
      %dma_wait3A_169 = arith.constant 0 : i32
      %dma_wait3A_170 = tpu.memref_slice %arg10[%dma_wait3A_167, %dma_wait3A_168, %dma_wait3A_169] : memref<8x125x64xbf16, #tpu.memory_space<vmem>> -> memref<1x125x64xbf16, #tpu.memory_space<vmem>>
      %dma_wait3A_171 = tpu.memref_squeeze %dma_wait3A_170 : memref<1x125x64xbf16, #tpu.memory_space<vmem>> -> memref<125x64xbf16, #tpu.memory_space<vmem>>
      %dma_wait3A_172 = arith.constant 0 : i32
      %dma_wait3A_173 = tpu.memref_slice %arg8[%add3A_166, %dma_wait3A_172] : memref<80x125xi32, #tpu.memory_space<vmem>> -> memref<1x125xi32, #tpu.memory_space<vmem>>
      %dma_wait3A_174 = tpu.memref_squeeze %dma_wait3A_173 : memref<1x125xi32, #tpu.memory_space<vmem>> -> memref<125xi32, #tpu.memory_space<vmem>>
      %dma_wait3A_175 = arith.constant 0 : i32
      %dma_wait3A_176 = arith.constant 0 : i32
      %dma_wait3A_177 = tpu.memref_slice %arg2[%dma_wait3A_175, %dma_wait3A_176] : memref<10000x64xbf16, #tpu.memory_space<hbm>> -> memref<10000x64xbf16, #tpu.memory_space<hbm>>
      tpu.wait_indirect_dma semaphore(%arg11 : memref<!tpu.dma_semaphore, #tpu.memory_space<semaphore_mem>>) src(%dma_wait3A_177 : memref<10000x64xbf16, #tpu.memory_space<hbm>>) dst(%dma_wait3A_171 : memref<125x64xbf16, #tpu.memory_space<vmem>>)
      %dma_start3A_178 = arith.constant 0 : i32
      %dma_start3A_179 = arith.constant 0 : i32
      %dma_start3A_180 = arith.constant 0 : i32
      %dma_start3A_181 = tpu.memref_slice %arg10[%dma_start3A_178, %dma_start3A_179, %dma_start3A_180] : memref<8x125x64xbf16, #tpu.memory_space<vmem>> -> memref<1x125x64xbf16, #tpu.memory_space<vmem>>
      %dma_start3A_182 = tpu.memref_squeeze %dma_start3A_181 : memref<1x125x64xbf16, #tpu.memory_space<vmem>> -> memref<125x64xbf16, #tpu.memory_space<vmem>>
      %dma_start3A_183 = arith.constant 0 : i32
      %dma_start3A_184 = tpu.memref_slice %arg9[%add3A_166, %dma_start3A_183] : memref<80x125xi32, #tpu.memory_space<vmem>> -> memref<1x125xi32, #tpu.memory_space<vmem>>
      %dma_start3A_185 = tpu.memref_squeeze %dma_start3A_184 : memref<1x125xi32, #tpu.memory_space<vmem>> -> memref<125xi32, #tpu.memory_space<vmem>>
      %dma_start3A_186 = arith.constant 0 : i32
      %dma_start3A_187 = arith.constant 0 : i32
      %dma_start3A_188 = tpu.memref_slice %arg13[%dma_start3A_186, %dma_start3A_187] : memref<10000x64xbf16, #tpu.memory_space<vmem_shared>> -> memref<10000x64xbf16, #tpu.memory_space<vmem_shared>>
      tpu.enqueue_indirect_dma source(%dma_start3A_182 : memref<125x64xbf16, #tpu.memory_space<vmem>>) target(%dma_start3A_188 : memref<10000x64xbf16, #tpu.memory_space<vmem_shared>>) offsets(%dma_start3A_185 : memref<125xi32, #tpu.memory_space<vmem>>) semaphore(%arg12 : memref<!tpu.dma_semaphore, #tpu.memory_space<semaphore_mem>>) {add = true}
      %sub3A = arith.constant 4 : i32
      %sub3A_189 = arith.subi %add3A_166, %sub3A : i32
      %ge3A = arith.constant 0 : i32
      %ge3A_190 = arith.cmpi sge, %sub3A_189, %ge3A : i32
      %convert_element_type3A_191 = arith.extui %ge3A_190 : i1 to i32
      %cond3A_192 = arith.constant 0 : i32
      %cond3A_193 = arith.cmpi ne, %convert_element_type3A_191, %cond3A_192 : i32
      scf.if %cond3A_193 {
        %dma_wait3A_425 = arith.constant 4 : i32
        %dma_wait3A_426 = arith.constant 0 : i32
        %dma_wait3A_427 = arith.constant 0 : i32
        %dma_wait3A_428 = tpu.memref_slice %arg10[%dma_wait3A_425, %dma_wait3A_426, %dma_wait3A_427] : memref<8x125x64xbf16, #tpu.memory_space<vmem>> -> memref<1x125x64xbf16, #tpu.memory_space<vmem>>
        %dma_wait3A_429 = tpu.memref_squeeze %dma_wait3A_428 : memref<1x125x64xbf16, #tpu.memory_space<vmem>> -> memref<125x64xbf16, #tpu.memory_space<vmem>>
        %dma_wait3A_430 = arith.constant 0 : i32
        %dma_wait3A_431 = tpu.memref_slice %arg9[%sub3A_189, %dma_wait3A_430] : memref<80x125xi32, #tpu.memory_space<vmem>> -> memref<1x125xi32, #tpu.memory_space<vmem>>
        %dma_wait3A_432 = tpu.memref_squeeze %dma_wait3A_431 : memref<1x125xi32, #tpu.memory_space<vmem>> -> memref<125xi32, #tpu.memory_space<vmem>>
        %dma_wait3A_433 = arith.constant 0 : i32
        %dma_wait3A_434 = arith.constant 0 : i32
        %dma_wait3A_435 = tpu.memref_slice %arg13[%dma_wait3A_433, %dma_wait3A_434] : memref<10000x64xbf16, #tpu.memory_space<vmem_shared>> -> memref<10000x64xbf16, #tpu.memory_space<vmem_shared>>
        tpu.wait_indirect_dma semaphore(%arg12 : memref<!tpu.dma_semaphore, #tpu.memory_space<semaphore_mem>>) src(%dma_wait3A_429 : memref<125x64xbf16, #tpu.memory_space<vmem>>) dst(%dma_wait3A_435 : memref<10000x64xbf16, #tpu.memory_space<vmem_shared>>)
        %add3A_436 = arith.constant 8 : i32
        %add3A_437 = arith.addi %sub3A_189, %add3A_436 : i32
        %lt3A = arith.constant 80 : i32
        %lt3A_438 = arith.cmpi slt, %add3A_437, %lt3A : i32
        %convert_element_type3A_439 = arith.extui %lt3A_438 : i1 to i32
        %cond3A_440 = arith.constant 0 : i32
        %cond3A_441 = arith.cmpi ne, %convert_element_type3A_439, %cond3A_440 : i32
        scf.if %cond3A_441 {
          %add3A_442 = arith.constant 8 : i32
          %add3A_443 = arith.addi %sub3A_189, %add3A_442 : i32
          %dma_start3A_444 = arith.constant 4 : i32
          %dma_start3A_445 = arith.constant 0 : i32
          %dma_start3A_446 = arith.constant 0 : i32
          %dma_start3A_447 = tpu.memref_slice %arg10[%dma_start3A_444, %dma_start3A_445, %dma_start3A_446] : memref<8x125x64xbf16, #tpu.memory_space<vmem>> -> memref<1x125x64xbf16, #tpu.memory_space<vmem>>
          %dma_start3A_448 = tpu.memref_squeeze %dma_start3A_447 : memref<1x125x64xbf16, #tpu.memory_space<vmem>> -> memref<125x64xbf16, #tpu.memory_space<vmem>>
          %dma_start3A_449 = arith.constant 0 : i32
          %dma_start3A_450 = tpu.memref_slice %arg8[%add3A_443, %dma_start3A_449] : memref<80x125xi32, #tpu.memory_space<vmem>> -> memref<1x125xi32, #tpu.memory_space<vmem>>
          %dma_start3A_451 = tpu.memref_squeeze %dma_start3A_450 : memref<1x125xi32, #tpu.memory_space<vmem>> -> memref<125xi32, #tpu.memory_space<vmem>>
          %dma_start3A_452 = arith.constant 0 : i32
          %dma_start3A_453 = arith.constant 0 : i32
          %dma_start3A_454 = tpu.memref_slice %arg2[%dma_start3A_452, %dma_start3A_453] : memref<10000x64xbf16, #tpu.memory_space<hbm>> -> memref<10000x64xbf16, #tpu.memory_space<hbm>>
          tpu.enqueue_indirect_dma source(%dma_start3A_454 : memref<10000x64xbf16, #tpu.memory_space<hbm>>) target(%dma_start3A_448 : memref<125x64xbf16, #tpu.memory_space<vmem>>) offsets(%dma_start3A_451 : memref<125xi32, #tpu.memory_space<vmem>>) semaphore(%arg11 : memref<!tpu.dma_semaphore, #tpu.memory_space<semaphore_mem>>)
        } else {
        }
      } else {
      }
      %mul3A_194 = arith.constant 8 : i32
      %mul3A_195 = arith.muli %scan3A_162, %mul3A_194 : i32
      %add3A_196 = arith.constant 1 : i32
      %add3A_197 = arith.addi %mul3A_195, %add3A_196 : i32
      %dma_wait3A_198 = arith.constant 1 : i32
      %dma_wait3A_199 = arith.constant 0 : i32
      %dma_wait3A_200 = arith.constant 0 : i32
      %dma_wait3A_201 = tpu.memref_slice %arg10[%dma_wait3A_198, %dma_wait3A_199, %dma_wait3A_200] : memref<8x125x64xbf16, #tpu.memory_space<vmem>> -> memref<1x125x64xbf16, #tpu.memory_space<vmem>>
      %dma_wait3A_202 = tpu.memref_squeeze %dma_wait3A_201 : memref<1x125x64xbf16, #tpu.memory_space<vmem>> -> memref<125x64xbf16, #tpu.memory_space<vmem>>
      %dma_wait3A_203 = arith.constant 0 : i32
      %dma_wait3A_204 = tpu.memref_slice %arg8[%add3A_197, %dma_wait3A_203] : memref<80x125xi32, #tpu.memory_space<vmem>> -> memref<1x125xi32, #tpu.memory_space<vmem>>
      %dma_wait3A_205 = tpu.memref_squeeze %dma_wait3A_204 : memref<1x125xi32, #tpu.memory_space<vmem>> -> memref<125xi32, #tpu.memory_space<vmem>>
      %dma_wait3A_206 = arith.constant 0 : i32
      %dma_wait3A_207 = arith.constant 0 : i32
      %dma_wait3A_208 = tpu.memref_slice %arg2[%dma_wait3A_206, %dma_wait3A_207] : memref<10000x64xbf16, #tpu.memory_space<hbm>> -> memref<10000x64xbf16, #tpu.memory_space<hbm>>
      tpu.wait_indirect_dma semaphore(%arg11 : memref<!tpu.dma_semaphore, #tpu.memory_space<semaphore_mem>>) src(%dma_wait3A_208 : memref<10000x64xbf16, #tpu.memory_space<hbm>>) dst(%dma_wait3A_202 : memref<125x64xbf16, #tpu.memory_space<vmem>>)
      %dma_start3A_209 = arith.constant 1 : i32
      %dma_start3A_210 = arith.constant 0 : i32
      %dma_start3A_211 = arith.constant 0 : i32
      %dma_start3A_212 = tpu.memref_slice %arg10[%dma_start3A_209, %dma_start3A_210, %dma_start3A_211] : memref<8x125x64xbf16, #tpu.memory_space<vmem>> -> memref<1x125x64xbf16, #tpu.memory_space<vmem>>
      %dma_start3A_213 = tpu.memref_squeeze %dma_start3A_212 : memref<1x125x64xbf16, #tpu.memory_space<vmem>> -> memref<125x64xbf16, #tpu.memory_space<vmem>>
      %dma_start3A_214 = arith.constant 0 : i32
      %dma_start3A_215 = tpu.memref_slice %arg9[%add3A_197, %dma_start3A_214] : memref<80x125xi32, #tpu.memory_space<vmem>> -> memref<1x125xi32, #tpu.memory_space<vmem>>
      %dma_start3A_216 = tpu.memref_squeeze %dma_start3A_215 : memref<1x125xi32, #tpu.memory_space<vmem>> -> memref<125xi32, #tpu.memory_space<vmem>>
      %dma_start3A_217 = arith.constant 0 : i32
      %dma_start3A_218 = arith.constant 0 : i32
      %dma_start3A_219 = tpu.memref_slice %arg13[%dma_start3A_217, %dma_start3A_218] : memref<10000x64xbf16, #tpu.memory_space<vmem_shared>> -> memref<10000x64xbf16, #tpu.memory_space<vmem_shared>>
      tpu.enqueue_indirect_dma source(%dma_start3A_213 : memref<125x64xbf16, #tpu.memory_space<vmem>>) target(%dma_start3A_219 : memref<10000x64xbf16, #tpu.memory_space<vmem_shared>>) offsets(%dma_start3A_216 : memref<125xi32, #tpu.memory_space<vmem>>) semaphore(%arg12 : memref<!tpu.dma_semaphore, #tpu.memory_space<semaphore_mem>>) {add = true}
      %sub3A_220 = arith.constant 4 : i32
      %sub3A_221 = arith.subi %add3A_197, %sub3A_220 : i32
      %ge3A_222 = arith.constant 0 : i32
      %ge3A_223 = arith.cmpi sge, %sub3A_221, %ge3A_222 : i32
      %convert_element_type3A_224 = arith.extui %ge3A_223 : i1 to i32
      %cond3A_225 = arith.constant 0 : i32
      %cond3A_226 = arith.cmpi ne, %convert_element_type3A_224, %cond3A_225 : i32
      scf.if %cond3A_226 {
        %dma_wait3A_425 = arith.constant 5 : i32
        %dma_wait3A_426 = arith.constant 0 : i32
        %dma_wait3A_427 = arith.constant 0 : i32
        %dma_wait3A_428 = tpu.memref_slice %arg10[%dma_wait3A_425, %dma_wait3A_426, %dma_wait3A_427] : memref<8x125x64xbf16, #tpu.memory_space<vmem>> -> memref<1x125x64xbf16, #tpu.memory_space<vmem>>
        %dma_wait3A_429 = tpu.memref_squeeze %dma_wait3A_428 : memref<1x125x64xbf16, #tpu.memory_space<vmem>> -> memref<125x64xbf16, #tpu.memory_space<vmem>>
        %dma_wait3A_430 = arith.constant 0 : i32
        %dma_wait3A_431 = tpu.memref_slice %arg9[%sub3A_221, %dma_wait3A_430] : memref<80x125xi32, #tpu.memory_space<vmem>> -> memref<1x125xi32, #tpu.memory_space<vmem>>
        %dma_wait3A_432 = tpu.memref_squeeze %dma_wait3A_431 : memref<1x125xi32, #tpu.memory_space<vmem>> -> memref<125xi32, #tpu.memory_space<vmem>>
        %dma_wait3A_433 = arith.constant 0 : i32
        %dma_wait3A_434 = arith.constant 0 : i32
        %dma_wait3A_435 = tpu.memref_slice %arg13[%dma_wait3A_433, %dma_wait3A_434] : memref<10000x64xbf16, #tpu.memory_space<vmem_shared>> -> memref<10000x64xbf16, #tpu.memory_space<vmem_shared>>
        tpu.wait_indirect_dma semaphore(%arg12 : memref<!tpu.dma_semaphore, #tpu.memory_space<semaphore_mem>>) src(%dma_wait3A_429 : memref<125x64xbf16, #tpu.memory_space<vmem>>) dst(%dma_wait3A_435 : memref<10000x64xbf16, #tpu.memory_space<vmem_shared>>)
        %add3A_436 = arith.constant 8 : i32
        %add3A_437 = arith.addi %sub3A_221, %add3A_436 : i32
        %lt3A = arith.constant 80 : i32
        %lt3A_438 = arith.cmpi slt, %add3A_437, %lt3A : i32
        %convert_element_type3A_439 = arith.extui %lt3A_438 : i1 to i32
        %cond3A_440 = arith.constant 0 : i32
        %cond3A_441 = arith.cmpi ne, %convert_element_type3A_439, %cond3A_440 : i32
        scf.if %cond3A_441 {
          %add3A_442 = arith.constant 8 : i32
          %add3A_443 = arith.addi %sub3A_221, %add3A_442 : i32
          %dma_start3A_444 = arith.constant 5 : i32
          %dma_start3A_445 = arith.constant 0 : i32
          %dma_start3A_446 = arith.constant 0 : i32
          %dma_start3A_447 = tpu.memref_slice %arg10[%dma_start3A_444, %dma_start3A_445, %dma_start3A_446] : memref<8x125x64xbf16, #tpu.memory_space<vmem>> -> memref<1x125x64xbf16, #tpu.memory_space<vmem>>
          %dma_start3A_448 = tpu.memref_squeeze %dma_start3A_447 : memref<1x125x64xbf16, #tpu.memory_space<vmem>> -> memref<125x64xbf16, #tpu.memory_space<vmem>>
          %dma_start3A_449 = arith.constant 0 : i32
          %dma_start3A_450 = tpu.memref_slice %arg8[%add3A_443, %dma_start3A_449] : memref<80x125xi32, #tpu.memory_space<vmem>> -> memref<1x125xi32, #tpu.memory_space<vmem>>
          %dma_start3A_451 = tpu.memref_squeeze %dma_start3A_450 : memref<1x125xi32, #tpu.memory_space<vmem>> -> memref<125xi32, #tpu.memory_space<vmem>>
          %dma_start3A_452 = arith.constant 0 : i32
          %dma_start3A_453 = arith.constant 0 : i32
          %dma_start3A_454 = tpu.memref_slice %arg2[%dma_start3A_452, %dma_start3A_453] : memref<10000x64xbf16, #tpu.memory_space<hbm>> -> memref<10000x64xbf16, #tpu.memory_space<hbm>>
          tpu.enqueue_indirect_dma source(%dma_start3A_454 : memref<10000x64xbf16, #tpu.memory_space<hbm>>) target(%dma_start3A_448 : memref<125x64xbf16, #tpu.memory_space<vmem>>) offsets(%dma_start3A_451 : memref<125xi32, #tpu.memory_space<vmem>>) semaphore(%arg11 : memref<!tpu.dma_semaphore, #tpu.memory_space<semaphore_mem>>)
        } else {
        }
      } else {
      }
      %mul3A_227 = arith.constant 8 : i32
      %mul3A_228 = arith.muli %scan3A_162, %mul3A_227 : i32
      %add3A_229 = arith.constant 2 : i32
      %add3A_230 = arith.addi %mul3A_228, %add3A_229 : i32
      %dma_wait3A_231 = arith.constant 2 : i32
      %dma_wait3A_232 = arith.constant 0 : i32
      %dma_wait3A_233 = arith.constant 0 : i32
      %dma_wait3A_234 = tpu.memref_slice %arg10[%dma_wait3A_231, %dma_wait3A_232, %dma_wait3A_233] : memref<8x125x64xbf16, #tpu.memory_space<vmem>> -> memref<1x125x64xbf16, #tpu.memory_space<vmem>>
      %dma_wait3A_235 = tpu.memref_squeeze %dma_wait3A_234 : memref<1x125x64xbf16, #tpu.memory_space<vmem>> -> memref<125x64xbf16, #tpu.memory_space<vmem>>
      %dma_wait3A_236 = arith.constant 0 : i32
      %dma_wait3A_237 = tpu.memref_slice %arg8[%add3A_230, %dma_wait3A_236] : memref<80x125xi32, #tpu.memory_space<vmem>> -> memref<1x125xi32, #tpu.memory_space<vmem>>
      %dma_wait3A_238 = tpu.memref_squeeze %dma_wait3A_237 : memref<1x125xi32, #tpu.memory_space<vmem>> -> memref<125xi32, #tpu.memory_space<vmem>>
      %dma_wait3A_239 = arith.constant 0 : i32
      %dma_wait3A_240 = arith.constant 0 : i32
      %dma_wait3A_241 = tpu.memref_slice %arg2[%dma_wait3A_239, %dma_wait3A_240] : memref<10000x64xbf16, #tpu.memory_space<hbm>> -> memref<10000x64xbf16, #tpu.memory_space<hbm>>
      tpu.wait_indirect_dma semaphore(%arg11 : memref<!tpu.dma_semaphore, #tpu.memory_space<semaphore_mem>>) src(%dma_wait3A_241 : memref<10000x64xbf16, #tpu.memory_space<hbm>>) dst(%dma_wait3A_235 : memref<125x64xbf16, #tpu.memory_space<vmem>>)
      %dma_start3A_242 = arith.constant 2 : i32
      %dma_start3A_243 = arith.constant 0 : i32
      %dma_start3A_244 = arith.constant 0 : i32
      %dma_start3A_245 = tpu.memref_slice %arg10[%dma_start3A_242, %dma_start3A_243, %dma_start3A_244] : memref<8x125x64xbf16, #tpu.memory_space<vmem>> -> memref<1x125x64xbf16, #tpu.memory_space<vmem>>
      %dma_start3A_246 = tpu.memref_squeeze %dma_start3A_245 : memref<1x125x64xbf16, #tpu.memory_space<vmem>> -> memref<125x64xbf16, #tpu.memory_space<vmem>>
      %dma_start3A_247 = arith.constant 0 : i32
      %dma_start3A_248 = tpu.memref_slice %arg9[%add3A_230, %dma_start3A_247] : memref<80x125xi32, #tpu.memory_space<vmem>> -> memref<1x125xi32, #tpu.memory_space<vmem>>
      %dma_start3A_249 = tpu.memref_squeeze %dma_start3A_248 : memref<1x125xi32, #tpu.memory_space<vmem>> -> memref<125xi32, #tpu.memory_space<vmem>>
      %dma_start3A_250 = arith.constant 0 : i32
      %dma_start3A_251 = arith.constant 0 : i32
      %dma_start3A_252 = tpu.memref_slice %arg13[%dma_start3A_250, %dma_start3A_251] : memref<10000x64xbf16, #tpu.memory_space<vmem_shared>> -> memref<10000x64xbf16, #tpu.memory_space<vmem_shared>>
      tpu.enqueue_indirect_dma source(%dma_start3A_246 : memref<125x64xbf16, #tpu.memory_space<vmem>>) target(%dma_start3A_252 : memref<10000x64xbf16, #tpu.memory_space<vmem_shared>>) offsets(%dma_start3A_249 : memref<125xi32, #tpu.memory_space<vmem>>) semaphore(%arg12 : memref<!tpu.dma_semaphore, #tpu.memory_space<semaphore_mem>>) {add = true}
      %sub3A_253 = arith.constant 4 : i32
      %sub3A_254 = arith.subi %add3A_230, %sub3A_253 : i32
      %ge3A_255 = arith.constant 0 : i32
      %ge3A_256 = arith.cmpi sge, %sub3A_254, %ge3A_255 : i32
      %convert_element_type3A_257 = arith.extui %ge3A_256 : i1 to i32
      %cond3A_258 = arith.constant 0 : i32
      %cond3A_259 = arith.cmpi ne, %convert_element_type3A_257, %cond3A_258 : i32
      scf.if %cond3A_259 {
        %dma_wait3A_425 = arith.constant 6 : i32
        %dma_wait3A_426 = arith.constant 0 : i32
        %dma_wait3A_427 = arith.constant 0 : i32
        %dma_wait3A_428 = tpu.memref_slice %arg10[%dma_wait3A_425, %dma_wait3A_426, %dma_wait3A_427] : memref<8x125x64xbf16, #tpu.memory_space<vmem>> -> memref<1x125x64xbf16, #tpu.memory_space<vmem>>
        %dma_wait3A_429 = tpu.memref_squeeze %dma_wait3A_428 : memref<1x125x64xbf16, #tpu.memory_space<vmem>> -> memref<125x64xbf16, #tpu.memory_space<vmem>>
        %dma_wait3A_430 = arith.constant 0 : i32
        %dma_wait3A_431 = tpu.memref_slice %arg9[%sub3A_254, %dma_wait3A_430] : memref<80x125xi32, #tpu.memory_space<vmem>> -> memref<1x125xi32, #tpu.memory_space<vmem>>
        %dma_wait3A_432 = tpu.memref_squeeze %dma_wait3A_431 : memref<1x125xi32, #tpu.memory_space<vmem>> -> memref<125xi32, #tpu.memory_space<vmem>>
        %dma_wait3A_433 = arith.constant 0 : i32
        %dma_wait3A_434 = arith.constant 0 : i32
        %dma_wait3A_435 = tpu.memref_slice %arg13[%dma_wait3A_433, %dma_wait3A_434] : memref<10000x64xbf16, #tpu.memory_space<vmem_shared>> -> memref<10000x64xbf16, #tpu.memory_space<vmem_shared>>
        tpu.wait_indirect_dma semaphore(%arg12 : memref<!tpu.dma_semaphore, #tpu.memory_space<semaphore_mem>>) src(%dma_wait3A_429 : memref<125x64xbf16, #tpu.memory_space<vmem>>) dst(%dma_wait3A_435 : memref<10000x64xbf16, #tpu.memory_space<vmem_shared>>)
        %add3A_436 = arith.constant 8 : i32
        %add3A_437 = arith.addi %sub3A_254, %add3A_436 : i32
        %lt3A = arith.constant 80 : i32
        %lt3A_438 = arith.cmpi slt, %add3A_437, %lt3A : i32
        %convert_element_type3A_439 = arith.extui %lt3A_438 : i1 to i32
        %cond3A_440 = arith.constant 0 : i32
        %cond3A_441 = arith.cmpi ne, %convert_element_type3A_439, %cond3A_440 : i32
        scf.if %cond3A_441 {
          %add3A_442 = arith.constant 8 : i32
          %add3A_443 = arith.addi %sub3A_254, %add3A_442 : i32
          %dma_start3A_444 = arith.constant 6 : i32
          %dma_start3A_445 = arith.constant 0 : i32
          %dma_start3A_446 = arith.constant 0 : i32
          %dma_start3A_447 = tpu.memref_slice %arg10[%dma_start3A_444, %dma_start3A_445, %dma_start3A_446] : memref<8x125x64xbf16, #tpu.memory_space<vmem>> -> memref<1x125x64xbf16, #tpu.memory_space<vmem>>
          %dma_start3A_448 = tpu.memref_squeeze %dma_start3A_447 : memref<1x125x64xbf16, #tpu.memory_space<vmem>> -> memref<125x64xbf16, #tpu.memory_space<vmem>>
          %dma_start3A_449 = arith.constant 0 : i32
          %dma_start3A_450 = tpu.memref_slice %arg8[%add3A_443, %dma_start3A_449] : memref<80x125xi32, #tpu.memory_space<vmem>> -> memref<1x125xi32, #tpu.memory_space<vmem>>
          %dma_start3A_451 = tpu.memref_squeeze %dma_start3A_450 : memref<1x125xi32, #tpu.memory_space<vmem>> -> memref<125xi32, #tpu.memory_space<vmem>>
          %dma_start3A_452 = arith.constant 0 : i32
          %dma_start3A_453 = arith.constant 0 : i32
          %dma_start3A_454 = tpu.memref_slice %arg2[%dma_start3A_452, %dma_start3A_453] : memref<10000x64xbf16, #tpu.memory_space<hbm>> -> memref<10000x64xbf16, #tpu.memory_space<hbm>>
          tpu.enqueue_indirect_dma source(%dma_start3A_454 : memref<10000x64xbf16, #tpu.memory_space<hbm>>) target(%dma_start3A_448 : memref<125x64xbf16, #tpu.memory_space<vmem>>) offsets(%dma_start3A_451 : memref<125xi32, #tpu.memory_space<vmem>>) semaphore(%arg11 : memref<!tpu.dma_semaphore, #tpu.memory_space<semaphore_mem>>)
        } else {
        }
      } else {
      }
      %mul3A_260 = arith.constant 8 : i32
      %mul3A_261 = arith.muli %scan3A_162, %mul3A_260 : i32
      %add3A_262 = arith.constant 3 : i32
      %add3A_263 = arith.addi %mul3A_261, %add3A_262 : i32
      %dma_wait3A_264 = arith.constant 3 : i32
      %dma_wait3A_265 = arith.constant 0 : i32
      %dma_wait3A_266 = arith.constant 0 : i32
      %dma_wait3A_267 = tpu.memref_slice %arg10[%dma_wait3A_264, %dma_wait3A_265, %dma_wait3A_266] : memref<8x125x64xbf16, #tpu.memory_space<vmem>> -> memref<1x125x64xbf16, #tpu.memory_space<vmem>>
      %dma_wait3A_268 = tpu.memref_squeeze %dma_wait3A_267 : memref<1x125x64xbf16, #tpu.memory_space<vmem>> -> memref<125x64xbf16, #tpu.memory_space<vmem>>
      %dma_wait3A_269 = arith.constant 0 : i32
      %dma_wait3A_270 = tpu.memref_slice %arg8[%add3A_263, %dma_wait3A_269] : memref<80x125xi32, #tpu.memory_space<vmem>> -> memref<1x125xi32, #tpu.memory_space<vmem>>
      %dma_wait3A_271 = tpu.memref_squeeze %dma_wait3A_270 : memref<1x125xi32, #tpu.memory_space<vmem>> -> memref<125xi32, #tpu.memory_space<vmem>>
      %dma_wait3A_272 = arith.constant 0 : i32
      %dma_wait3A_273 = arith.constant 0 : i32
      %dma_wait3A_274 = tpu.memref_slice %arg2[%dma_wait3A_272, %dma_wait3A_273] : memref<10000x64xbf16, #tpu.memory_space<hbm>> -> memref<10000x64xbf16, #tpu.memory_space<hbm>>
      tpu.wait_indirect_dma semaphore(%arg11 : memref<!tpu.dma_semaphore, #tpu.memory_space<semaphore_mem>>) src(%dma_wait3A_274 : memref<10000x64xbf16, #tpu.memory_space<hbm>>) dst(%dma_wait3A_268 : memref<125x64xbf16, #tpu.memory_space<vmem>>)
      %dma_start3A_275 = arith.constant 3 : i32
      %dma_start3A_276 = arith.constant 0 : i32
      %dma_start3A_277 = arith.constant 0 : i32
      %dma_start3A_278 = tpu.memref_slice %arg10[%dma_start3A_275, %dma_start3A_276, %dma_start3A_277] : memref<8x125x64xbf16, #tpu.memory_space<vmem>> -> memref<1x125x64xbf16, #tpu.memory_space<vmem>>
      %dma_start3A_279 = tpu.memref_squeeze %dma_start3A_278 : memref<1x125x64xbf16, #tpu.memory_space<vmem>> -> memref<125x64xbf16, #tpu.memory_space<vmem>>
      %dma_start3A_280 = arith.constant 0 : i32
      %dma_start3A_281 = tpu.memref_slice %arg9[%add3A_263, %dma_start3A_280] : memref<80x125xi32, #tpu.memory_space<vmem>> -> memref<1x125xi32, #tpu.memory_space<vmem>>
      %dma_start3A_282 = tpu.memref_squeeze %dma_start3A_281 : memref<1x125xi32, #tpu.memory_space<vmem>> -> memref<125xi32, #tpu.memory_space<vmem>>
      %dma_start3A_283 = arith.constant 0 : i32
      %dma_start3A_284 = arith.constant 0 : i32
      %dma_start3A_285 = tpu.memref_slice %arg13[%dma_start3A_283, %dma_start3A_284] : memref<10000x64xbf16, #tpu.memory_space<vmem_shared>> -> memref<10000x64xbf16, #tpu.memory_space<vmem_shared>>
      tpu.enqueue_indirect_dma source(%dma_start3A_279 : memref<125x64xbf16, #tpu.memory_space<vmem>>) target(%dma_start3A_285 : memref<10000x64xbf16, #tpu.memory_space<vmem_shared>>) offsets(%dma_start3A_282 : memref<125xi32, #tpu.memory_space<vmem>>) semaphore(%arg12 : memref<!tpu.dma_semaphore, #tpu.memory_space<semaphore_mem>>) {add = true}
      %sub3A_286 = arith.constant 4 : i32
      %sub3A_287 = arith.subi %add3A_263, %sub3A_286 : i32
      %ge3A_288 = arith.constant 0 : i32
      %ge3A_289 = arith.cmpi sge, %sub3A_287, %ge3A_288 : i32
      %convert_element_type3A_290 = arith.extui %ge3A_289 : i1 to i32
      %cond3A_291 = arith.constant 0 : i32
      %cond3A_292 = arith.cmpi ne, %convert_element_type3A_290, %cond3A_291 : i32
      scf.if %cond3A_292 {
        %dma_wait3A_425 = arith.constant 7 : i32
        %dma_wait3A_426 = arith.constant 0 : i32
        %dma_wait3A_427 = arith.constant 0 : i32
        %dma_wait3A_428 = tpu.memref_slice %arg10[%dma_wait3A_425, %dma_wait3A_426, %dma_wait3A_427] : memref<8x125x64xbf16, #tpu.memory_space<vmem>> -> memref<1x125x64xbf16, #tpu.memory_space<vmem>>
        %dma_wait3A_429 = tpu.memref_squeeze %dma_wait3A_428 : memref<1x125x64xbf16, #tpu.memory_space<vmem>> -> memref<125x64xbf16, #tpu.memory_space<vmem>>
        %dma_wait3A_430 = arith.constant 0 : i32
        %dma_wait3A_431 = tpu.memref_slice %arg9[%sub3A_287, %dma_wait3A_430] : memref<80x125xi32, #tpu.memory_space<vmem>> -> memref<1x125xi32, #tpu.memory_space<vmem>>
        %dma_wait3A_432 = tpu.memref_squeeze %dma_wait3A_431 : memref<1x125xi32, #tpu.memory_space<vmem>> -> memref<125xi32, #tpu.memory_space<vmem>>
        %dma_wait3A_433 = arith.constant 0 : i32
        %dma_wait3A_434 = arith.constant 0 : i32
        %dma_wait3A_435 = tpu.memref_slice %arg13[%dma_wait3A_433, %dma_wait3A_434] : memref<10000x64xbf16, #tpu.memory_space<vmem_shared>> -> memref<10000x64xbf16, #tpu.memory_space<vmem_shared>>
        tpu.wait_indirect_dma semaphore(%arg12 : memref<!tpu.dma_semaphore, #tpu.memory_space<semaphore_mem>>) src(%dma_wait3A_429 : memref<125x64xbf16, #tpu.memory_space<vmem>>) dst(%dma_wait3A_435 : memref<10000x64xbf16, #tpu.memory_space<vmem_shared>>)
        %add3A_436 = arith.constant 8 : i32
        %add3A_437 = arith.addi %sub3A_287, %add3A_436 : i32
        %lt3A = arith.constant 80 : i32
        %lt3A_438 = arith.cmpi slt, %add3A_437, %lt3A : i32
        %convert_element_type3A_439 = arith.extui %lt3A_438 : i1 to i32
        %cond3A_440 = arith.constant 0 : i32
        %cond3A_441 = arith.cmpi ne, %convert_element_type3A_439, %cond3A_440 : i32
        scf.if %cond3A_441 {
          %add3A_442 = arith.constant 8 : i32
          %add3A_443 = arith.addi %sub3A_287, %add3A_442 : i32
          %dma_start3A_444 = arith.constant 7 : i32
          %dma_start3A_445 = arith.constant 0 : i32
          %dma_start3A_446 = arith.constant 0 : i32
          %dma_start3A_447 = tpu.memref_slice %arg10[%dma_start3A_444, %dma_start3A_445, %dma_start3A_446] : memref<8x125x64xbf16, #tpu.memory_space<vmem>> -> memref<1x125x64xbf16, #tpu.memory_space<vmem>>
          %dma_start3A_448 = tpu.memref_squeeze %dma_start3A_447 : memref<1x125x64xbf16, #tpu.memory_space<vmem>> -> memref<125x64xbf16, #tpu.memory_space<vmem>>
          %dma_start3A_449 = arith.constant 0 : i32
          %dma_start3A_450 = tpu.memref_slice %arg8[%add3A_443, %dma_start3A_449] : memref<80x125xi32, #tpu.memory_space<vmem>> -> memref<1x125xi32, #tpu.memory_space<vmem>>
          %dma_start3A_451 = tpu.memref_squeeze %dma_start3A_450 : memref<1x125xi32, #tpu.memory_space<vmem>> -> memref<125xi32, #tpu.memory_space<vmem>>
          %dma_start3A_452 = arith.constant 0 : i32
          %dma_start3A_453 = arith.constant 0 : i32
          %dma_start3A_454 = tpu.memref_slice %arg2[%dma_start3A_452, %dma_start3A_453] : memref<10000x64xbf16, #tpu.memory_space<hbm>> -> memref<10000x64xbf16, #tpu.memory_space<hbm>>
          tpu.enqueue_indirect_dma source(%dma_start3A_454 : memref<10000x64xbf16, #tpu.memory_space<hbm>>) target(%dma_start3A_448 : memref<125x64xbf16, #tpu.memory_space<vmem>>) offsets(%dma_start3A_451 : memref<125xi32, #tpu.memory_space<vmem>>) semaphore(%arg11 : memref<!tpu.dma_semaphore, #tpu.memory_space<semaphore_mem>>)
        } else {
        }
      } else {
      }
      %mul3A_293 = arith.constant 8 : i32
      %mul3A_294 = arith.muli %scan3A_162, %mul3A_293 : i32
      %add3A_295 = arith.constant 4 : i32
      %add3A_296 = arith.addi %mul3A_294, %add3A_295 : i32
      %dma_wait3A_297 = arith.constant 4 : i32
      %dma_wait3A_298 = arith.constant 0 : i32
      %dma_wait3A_299 = arith.constant 0 : i32
      %dma_wait3A_300 = tpu.memref_slice %arg10[%dma_wait3A_297, %dma_wait3A_298, %dma_wait3A_299] : memref<8x125x64xbf16, #tpu.memory_space<vmem>> -> memref<1x125x64xbf16, #tpu.memory_space<vmem>>
      %dma_wait3A_301 = tpu.memref_squeeze %dma_wait3A_300 : memref<1x125x64xbf16, #tpu.memory_space<vmem>> -> memref<125x64xbf16, #tpu.memory_space<vmem>>
      %dma_wait3A_302 = arith.constant 0 : i32
      %dma_wait3A_303 = tpu.memref_slice %arg8[%add3A_296, %dma_wait3A_302] : memref<80x125xi32, #tpu.memory_space<vmem>> -> memref<1x125xi32, #tpu.memory_space<vmem>>
      %dma_wait3A_304 = tpu.memref_squeeze %dma_wait3A_303 : memref<1x125xi32, #tpu.memory_space<vmem>> -> memref<125xi32, #tpu.memory_space<vmem>>
      %dma_wait3A_305 = arith.constant 0 : i32
      %dma_wait3A_306 = arith.constant 0 : i32
      %dma_wait3A_307 = tpu.memref_slice %arg2[%dma_wait3A_305, %dma_wait3A_306] : memref<10000x64xbf16, #tpu.memory_space<hbm>> -> memref<10000x64xbf16, #tpu.memory_space<hbm>>
      tpu.wait_indirect_dma semaphore(%arg11 : memref<!tpu.dma_semaphore, #tpu.memory_space<semaphore_mem>>) src(%dma_wait3A_307 : memref<10000x64xbf16, #tpu.memory_space<hbm>>) dst(%dma_wait3A_301 : memref<125x64xbf16, #tpu.memory_space<vmem>>)
      %dma_start3A_308 = arith.constant 4 : i32
      %dma_start3A_309 = arith.constant 0 : i32
      %dma_start3A_310 = arith.constant 0 : i32
      %dma_start3A_311 = tpu.memref_slice %arg10[%dma_start3A_308, %dma_start3A_309, %dma_start3A_310] : memref<8x125x64xbf16, #tpu.memory_space<vmem>> -> memref<1x125x64xbf16, #tpu.memory_space<vmem>>
      %dma_start3A_312 = tpu.memref_squeeze %dma_start3A_311 : memref<1x125x64xbf16, #tpu.memory_space<vmem>> -> memref<125x64xbf16, #tpu.memory_space<vmem>>
      %dma_start3A_313 = arith.constant 0 : i32
      %dma_start3A_314 = tpu.memref_slice %arg9[%add3A_296, %dma_start3A_313] : memref<80x125xi32, #tpu.memory_space<vmem>> -> memref<1x125xi32, #tpu.memory_space<vmem>>
      %dma_start3A_315 = tpu.memref_squeeze %dma_start3A_314 : memref<1x125xi32, #tpu.memory_space<vmem>> -> memref<125xi32, #tpu.memory_space<vmem>>
      %dma_start3A_316 = arith.constant 0 : i32
      %dma_start3A_317 = arith.constant 0 : i32
      %dma_start3A_318 = tpu.memref_slice %arg13[%dma_start3A_316, %dma_start3A_317] : memref<10000x64xbf16, #tpu.memory_space<vmem_shared>> -> memref<10000x64xbf16, #tpu.memory_space<vmem_shared>>
      tpu.enqueue_indirect_dma source(%dma_start3A_312 : memref<125x64xbf16, #tpu.memory_space<vmem>>) target(%dma_start3A_318 : memref<10000x64xbf16, #tpu.memory_space<vmem_shared>>) offsets(%dma_start3A_315 : memref<125xi32, #tpu.memory_space<vmem>>) semaphore(%arg12 : memref<!tpu.dma_semaphore, #tpu.memory_space<semaphore_mem>>) {add = true}
      %sub3A_319 = arith.constant 4 : i32
      %sub3A_320 = arith.subi %add3A_296, %sub3A_319 : i32
      %ge3A_321 = arith.constant 0 : i32
      %ge3A_322 = arith.cmpi sge, %sub3A_320, %ge3A_321 : i32
      %convert_element_type3A_323 = arith.extui %ge3A_322 : i1 to i32
      %cond3A_324 = arith.constant 0 : i32
      %cond3A_325 = arith.cmpi ne, %convert_element_type3A_323, %cond3A_324 : i32
      scf.if %cond3A_325 {
        %dma_wait3A_425 = arith.constant 0 : i32
        %dma_wait3A_426 = arith.constant 0 : i32
        %dma_wait3A_427 = arith.constant 0 : i32
        %dma_wait3A_428 = tpu.memref_slice %arg10[%dma_wait3A_425, %dma_wait3A_426, %dma_wait3A_427] : memref<8x125x64xbf16, #tpu.memory_space<vmem>> -> memref<1x125x64xbf16, #tpu.memory_space<vmem>>
        %dma_wait3A_429 = tpu.memref_squeeze %dma_wait3A_428 : memref<1x125x64xbf16, #tpu.memory_space<vmem>> -> memref<125x64xbf16, #tpu.memory_space<vmem>>
        %dma_wait3A_430 = arith.constant 0 : i32
        %dma_wait3A_431 = tpu.memref_slice %arg9[%sub3A_320, %dma_wait3A_430] : memref<80x125xi32, #tpu.memory_space<vmem>> -> memref<1x125xi32, #tpu.memory_space<vmem>>
        %dma_wait3A_432 = tpu.memref_squeeze %dma_wait3A_431 : memref<1x125xi32, #tpu.memory_space<vmem>> -> memref<125xi32, #tpu.memory_space<vmem>>
        %dma_wait3A_433 = arith.constant 0 : i32
        %dma_wait3A_434 = arith.constant 0 : i32
        %dma_wait3A_435 = tpu.memref_slice %arg13[%dma_wait3A_433, %dma_wait3A_434] : memref<10000x64xbf16, #tpu.memory_space<vmem_shared>> -> memref<10000x64xbf16, #tpu.memory_space<vmem_shared>>
        tpu.wait_indirect_dma semaphore(%arg12 : memref<!tpu.dma_semaphore, #tpu.memory_space<semaphore_mem>>) src(%dma_wait3A_429 : memref<125x64xbf16, #tpu.memory_space<vmem>>) dst(%dma_wait3A_435 : memref<10000x64xbf16, #tpu.memory_space<vmem_shared>>)
        %add3A_436 = arith.constant 8 : i32
        %add3A_437 = arith.addi %sub3A_320, %add3A_436 : i32
        %lt3A = arith.constant 80 : i32
        %lt3A_438 = arith.cmpi slt, %add3A_437, %lt3A : i32
        %convert_element_type3A_439 = arith.extui %lt3A_438 : i1 to i32
        %cond3A_440 = arith.constant 0 : i32
        %cond3A_441 = arith.cmpi ne, %convert_element_type3A_439, %cond3A_440 : i32
        scf.if %cond3A_441 {
          %add3A_442 = arith.constant 8 : i32
          %add3A_443 = arith.addi %sub3A_320, %add3A_442 : i32
          %dma_start3A_444 = arith.constant 0 : i32
          %dma_start3A_445 = arith.constant 0 : i32
          %dma_start3A_446 = arith.constant 0 : i32
          %dma_start3A_447 = tpu.memref_slice %arg10[%dma_start3A_444, %dma_start3A_445, %dma_start3A_446] : memref<8x125x64xbf16, #tpu.memory_space<vmem>> -> memref<1x125x64xbf16, #tpu.memory_space<vmem>>
          %dma_start3A_448 = tpu.memref_squeeze %dma_start3A_447 : memref<1x125x64xbf16, #tpu.memory_space<vmem>> -> memref<125x64xbf16, #tpu.memory_space<vmem>>
          %dma_start3A_449 = arith.constant 0 : i32
          %dma_start3A_450 = tpu.memref_slice %arg8[%add3A_443, %dma_start3A_449] : memref<80x125xi32, #tpu.memory_space<vmem>> -> memref<1x125xi32, #tpu.memory_space<vmem>>
          %dma_start3A_451 = tpu.memref_squeeze %dma_start3A_450 : memref<1x125xi32, #tpu.memory_space<vmem>> -> memref<125xi32, #tpu.memory_space<vmem>>
          %dma_start3A_452 = arith.constant 0 : i32
          %dma_start3A_453 = arith.constant 0 : i32
          %dma_start3A_454 = tpu.memref_slice %arg2[%dma_start3A_452, %dma_start3A_453] : memref<10000x64xbf16, #tpu.memory_space<hbm>> -> memref<10000x64xbf16, #tpu.memory_space<hbm>>
          tpu.enqueue_indirect_dma source(%dma_start3A_454 : memref<10000x64xbf16, #tpu.memory_space<hbm>>) target(%dma_start3A_448 : memref<125x64xbf16, #tpu.memory_space<vmem>>) offsets(%dma_start3A_451 : memref<125xi32, #tpu.memory_space<vmem>>) semaphore(%arg11 : memref<!tpu.dma_semaphore, #tpu.memory_space<semaphore_mem>>)
        } else {
        }
      } else {
      }
      %mul3A_326 = arith.constant 8 : i32
      %mul3A_327 = arith.muli %scan3A_162, %mul3A_326 : i32
      %add3A_328 = arith.constant 5 : i32
      %add3A_329 = arith.addi %mul3A_327, %add3A_328 : i32
      %dma_wait3A_330 = arith.constant 5 : i32
      %dma_wait3A_331 = arith.constant 0 : i32
      %dma_wait3A_332 = arith.constant 0 : i32
      %dma_wait3A_333 = tpu.memref_slice %arg10[%dma_wait3A_330, %dma_wait3A_331, %dma_wait3A_332] : memref<8x125x64xbf16, #tpu.memory_space<vmem>> -> memref<1x125x64xbf16, #tpu.memory_space<vmem>>
      %dma_wait3A_334 = tpu.memref_squeeze %dma_wait3A_333 : memref<1x125x64xbf16, #tpu.memory_space<vmem>> -> memref<125x64xbf16, #tpu.memory_space<vmem>>
      %dma_wait3A_335 = arith.constant 0 : i32
      %dma_wait3A_336 = tpu.memref_slice %arg8[%add3A_329, %dma_wait3A_335] : memref<80x125xi32, #tpu.memory_space<vmem>> -> memref<1x125xi32, #tpu.memory_space<vmem>>
      %dma_wait3A_337 = tpu.memref_squeeze %dma_wait3A_336 : memref<1x125xi32, #tpu.memory_space<vmem>> -> memref<125xi32, #tpu.memory_space<vmem>>
      %dma_wait3A_338 = arith.constant 0 : i32
      %dma_wait3A_339 = arith.constant 0 : i32
      %dma_wait3A_340 = tpu.memref_slice %arg2[%dma_wait3A_338, %dma_wait3A_339] : memref<10000x64xbf16, #tpu.memory_space<hbm>> -> memref<10000x64xbf16, #tpu.memory_space<hbm>>
      tpu.wait_indirect_dma semaphore(%arg11 : memref<!tpu.dma_semaphore, #tpu.memory_space<semaphore_mem>>) src(%dma_wait3A_340 : memref<10000x64xbf16, #tpu.memory_space<hbm>>) dst(%dma_wait3A_334 : memref<125x64xbf16, #tpu.memory_space<vmem>>)
      %dma_start3A_341 = arith.constant 5 : i32
      %dma_start3A_342 = arith.constant 0 : i32
      %dma_start3A_343 = arith.constant 0 : i32
      %dma_start3A_344 = tpu.memref_slice %arg10[%dma_start3A_341, %dma_start3A_342, %dma_start3A_343] : memref<8x125x64xbf16, #tpu.memory_space<vmem>> -> memref<1x125x64xbf16, #tpu.memory_space<vmem>>
      %dma_start3A_345 = tpu.memref_squeeze %dma_start3A_344 : memref<1x125x64xbf16, #tpu.memory_space<vmem>> -> memref<125x64xbf16, #tpu.memory_space<vmem>>
      %dma_start3A_346 = arith.constant 0 : i32
      %dma_start3A_347 = tpu.memref_slice %arg9[%add3A_329, %dma_start3A_346] : memref<80x125xi32, #tpu.memory_space<vmem>> -> memref<1x125xi32, #tpu.memory_space<vmem>>
      %dma_start3A_348 = tpu.memref_squeeze %dma_start3A_347 : memref<1x125xi32, #tpu.memory_space<vmem>> -> memref<125xi32, #tpu.memory_space<vmem>>
      %dma_start3A_349 = arith.constant 0 : i32
      %dma_start3A_350 = arith.constant 0 : i32
      %dma_start3A_351 = tpu.memref_slice %arg13[%dma_start3A_349, %dma_start3A_350] : memref<10000x64xbf16, #tpu.memory_space<vmem_shared>> -> memref<10000x64xbf16, #tpu.memory_space<vmem_shared>>
      tpu.enqueue_indirect_dma source(%dma_start3A_345 : memref<125x64xbf16, #tpu.memory_space<vmem>>) target(%dma_start3A_351 : memref<10000x64xbf16, #tpu.memory_space<vmem_shared>>) offsets(%dma_start3A_348 : memref<125xi32, #tpu.memory_space<vmem>>) semaphore(%arg12 : memref<!tpu.dma_semaphore, #tpu.memory_space<semaphore_mem>>) {add = true}
      %sub3A_352 = arith.constant 4 : i32
      %sub3A_353 = arith.subi %add3A_329, %sub3A_352 : i32
      %ge3A_354 = arith.constant 0 : i32
      %ge3A_355 = arith.cmpi sge, %sub3A_353, %ge3A_354 : i32
      %convert_element_type3A_356 = arith.extui %ge3A_355 : i1 to i32
      %cond3A_357 = arith.constant 0 : i32
      %cond3A_358 = arith.cmpi ne, %convert_element_type3A_356, %cond3A_357 : i32
      scf.if %cond3A_358 {
        %dma_wait3A_425 = arith.constant 1 : i32
        %dma_wait3A_426 = arith.constant 0 : i32
        %dma_wait3A_427 = arith.constant 0 : i32
        %dma_wait3A_428 = tpu.memref_slice %arg10[%dma_wait3A_425, %dma_wait3A_426, %dma_wait3A_427] : memref<8x125x64xbf16, #tpu.memory_space<vmem>> -> memref<1x125x64xbf16, #tpu.memory_space<vmem>>
        %dma_wait3A_429 = tpu.memref_squeeze %dma_wait3A_428 : memref<1x125x64xbf16, #tpu.memory_space<vmem>> -> memref<125x64xbf16, #tpu.memory_space<vmem>>
        %dma_wait3A_430 = arith.constant 0 : i32
        %dma_wait3A_431 = tpu.memref_slice %arg9[%sub3A_353, %dma_wait3A_430] : memref<80x125xi32, #tpu.memory_space<vmem>> -> memref<1x125xi32, #tpu.memory_space<vmem>>
        %dma_wait3A_432 = tpu.memref_squeeze %dma_wait3A_431 : memref<1x125xi32, #tpu.memory_space<vmem>> -> memref<125xi32, #tpu.memory_space<vmem>>
        %dma_wait3A_433 = arith.constant 0 : i32
        %dma_wait3A_434 = arith.constant 0 : i32
        %dma_wait3A_435 = tpu.memref_slice %arg13[%dma_wait3A_433, %dma_wait3A_434] : memref<10000x64xbf16, #tpu.memory_space<vmem_shared>> -> memref<10000x64xbf16, #tpu.memory_space<vmem_shared>>
        tpu.wait_indirect_dma semaphore(%arg12 : memref<!tpu.dma_semaphore, #tpu.memory_space<semaphore_mem>>) src(%dma_wait3A_429 : memref<125x64xbf16, #tpu.memory_space<vmem>>) dst(%dma_wait3A_435 : memref<10000x64xbf16, #tpu.memory_space<vmem_shared>>)
        %add3A_436 = arith.constant 8 : i32
        %add3A_437 = arith.addi %sub3A_353, %add3A_436 : i32
        %lt3A = arith.constant 80 : i32
        %lt3A_438 = arith.cmpi slt, %add3A_437, %lt3A : i32
        %convert_element_type3A_439 = arith.extui %lt3A_438 : i1 to i32
        %cond3A_440 = arith.constant 0 : i32
        %cond3A_441 = arith.cmpi ne, %convert_element_type3A_439, %cond3A_440 : i32
        scf.if %cond3A_441 {
          %add3A_442 = arith.constant 8 : i32
          %add3A_443 = arith.addi %sub3A_353, %add3A_442 : i32
          %dma_start3A_444 = arith.constant 1 : i32
          %dma_start3A_445 = arith.constant 0 : i32
          %dma_start3A_446 = arith.constant 0 : i32
          %dma_start3A_447 = tpu.memref_slice %arg10[%dma_start3A_444, %dma_start3A_445, %dma_start3A_446] : memref<8x125x64xbf16, #tpu.memory_space<vmem>> -> memref<1x125x64xbf16, #tpu.memory_space<vmem>>
          %dma_start3A_448 = tpu.memref_squeeze %dma_start3A_447 : memref<1x125x64xbf16, #tpu.memory_space<vmem>> -> memref<125x64xbf16, #tpu.memory_space<vmem>>
          %dma_start3A_449 = arith.constant 0 : i32
          %dma_start3A_450 = tpu.memref_slice %arg8[%add3A_443, %dma_start3A_449] : memref<80x125xi32, #tpu.memory_space<vmem>> -> memref<1x125xi32, #tpu.memory_space<vmem>>
          %dma_start3A_451 = tpu.memref_squeeze %dma_start3A_450 : memref<1x125xi32, #tpu.memory_space<vmem>> -> memref<125xi32, #tpu.memory_space<vmem>>
          %dma_start3A_452 = arith.constant 0 : i32
          %dma_start3A_453 = arith.constant 0 : i32
          %dma_start3A_454 = tpu.memref_slice %arg2[%dma_start3A_452, %dma_start3A_453] : memref<10000x64xbf16, #tpu.memory_space<hbm>> -> memref<10000x64xbf16, #tpu.memory_space<hbm>>
          tpu.enqueue_indirect_dma source(%dma_start3A_454 : memref<10000x64xbf16, #tpu.memory_space<hbm>>) target(%dma_start3A_448 : memref<125x64xbf16, #tpu.memory_space<vmem>>) offsets(%dma_start3A_451 : memref<125xi32, #tpu.memory_space<vmem>>) semaphore(%arg11 : memref<!tpu.dma_semaphore, #tpu.memory_space<semaphore_mem>>)
        } else {
        }
      } else {
      }
      %mul3A_359 = arith.constant 8 : i32
      %mul3A_360 = arith.muli %scan3A_162, %mul3A_359 : i32
      %add3A_361 = arith.constant 6 : i32
      %add3A_362 = arith.addi %mul3A_360, %add3A_361 : i32
      %dma_wait3A_363 = arith.constant 6 : i32
      %dma_wait3A_364 = arith.constant 0 : i32
      %dma_wait3A_365 = arith.constant 0 : i32
      %dma_wait3A_366 = tpu.memref_slice %arg10[%dma_wait3A_363, %dma_wait3A_364, %dma_wait3A_365] : memref<8x125x64xbf16, #tpu.memory_space<vmem>> -> memref<1x125x64xbf16, #tpu.memory_space<vmem>>
      %dma_wait3A_367 = tpu.memref_squeeze %dma_wait3A_366 : memref<1x125x64xbf16, #tpu.memory_space<vmem>> -> memref<125x64xbf16, #tpu.memory_space<vmem>>
      %dma_wait3A_368 = arith.constant 0 : i32
      %dma_wait3A_369 = tpu.memref_slice %arg8[%add3A_362, %dma_wait3A_368] : memref<80x125xi32, #tpu.memory_space<vmem>> -> memref<1x125xi32, #tpu.memory_space<vmem>>
      %dma_wait3A_370 = tpu.memref_squeeze %dma_wait3A_369 : memref<1x125xi32, #tpu.memory_space<vmem>> -> memref<125xi32, #tpu.memory_space<vmem>>
      %dma_wait3A_371 = arith.constant 0 : i32
      %dma_wait3A_372 = arith.constant 0 : i32
      %dma_wait3A_373 = tpu.memref_slice %arg2[%dma_wait3A_371, %dma_wait3A_372] : memref<10000x64xbf16, #tpu.memory_space<hbm>> -> memref<10000x64xbf16, #tpu.memory_space<hbm>>
      tpu.wait_indirect_dma semaphore(%arg11 : memref<!tpu.dma_semaphore, #tpu.memory_space<semaphore_mem>>) src(%dma_wait3A_373 : memref<10000x64xbf16, #tpu.memory_space<hbm>>) dst(%dma_wait3A_367 : memref<125x64xbf16, #tpu.memory_space<vmem>>)
      %dma_start3A_374 = arith.constant 6 : i32
      %dma_start3A_375 = arith.constant 0 : i32
      %dma_start3A_376 = arith.constant 0 : i32
      %dma_start3A_377 = tpu.memref_slice %arg10[%dma_start3A_374, %dma_start3A_375, %dma_start3A_376] : memref<8x125x64xbf16, #tpu.memory_space<vmem>> -> memref<1x125x64xbf16, #tpu.memory_space<vmem>>
      %dma_start3A_378 = tpu.memref_squeeze %dma_start3A_377 : memref<1x125x64xbf16, #tpu.memory_space<vmem>> -> memref<125x64xbf16, #tpu.memory_space<vmem>>
      %dma_start3A_379 = arith.constant 0 : i32
      %dma_start3A_380 = tpu.memref_slice %arg9[%add3A_362, %dma_start3A_379] : memref<80x125xi32, #tpu.memory_space<vmem>> -> memref<1x125xi32, #tpu.memory_space<vmem>>
      %dma_start3A_381 = tpu.memref_squeeze %dma_start3A_380 : memref<1x125xi32, #tpu.memory_space<vmem>> -> memref<125xi32, #tpu.memory_space<vmem>>
      %dma_start3A_382 = arith.constant 0 : i32
      %dma_start3A_383 = arith.constant 0 : i32
      %dma_start3A_384 = tpu.memref_slice %arg13[%dma_start3A_382, %dma_start3A_383] : memref<10000x64xbf16, #tpu.memory_space<vmem_shared>> -> memref<10000x64xbf16, #tpu.memory_space<vmem_shared>>
      tpu.enqueue_indirect_dma source(%dma_start3A_378 : memref<125x64xbf16, #tpu.memory_space<vmem>>) target(%dma_start3A_384 : memref<10000x64xbf16, #tpu.memory_space<vmem_shared>>) offsets(%dma_start3A_381 : memref<125xi32, #tpu.memory_space<vmem>>) semaphore(%arg12 : memref<!tpu.dma_semaphore, #tpu.memory_space<semaphore_mem>>) {add = true}
      %sub3A_385 = arith.constant 4 : i32
      %sub3A_386 = arith.subi %add3A_362, %sub3A_385 : i32
      %ge3A_387 = arith.constant 0 : i32
      %ge3A_388 = arith.cmpi sge, %sub3A_386, %ge3A_387 : i32
      %convert_element_type3A_389 = arith.extui %ge3A_388 : i1 to i32
      %cond3A_390 = arith.constant 0 : i32
      %cond3A_391 = arith.cmpi ne, %convert_element_type3A_389, %cond3A_390 : i32
      scf.if %cond3A_391 {
        %dma_wait3A_425 = arith.constant 2 : i32
        %dma_wait3A_426 = arith.constant 0 : i32
        %dma_wait3A_427 = arith.constant 0 : i32
        %dma_wait3A_428 = tpu.memref_slice %arg10[%dma_wait3A_425, %dma_wait3A_426, %dma_wait3A_427] : memref<8x125x64xbf16, #tpu.memory_space<vmem>> -> memref<1x125x64xbf16, #tpu.memory_space<vmem>>
        %dma_wait3A_429 = tpu.memref_squeeze %dma_wait3A_428 : memref<1x125x64xbf16, #tpu.memory_space<vmem>> -> memref<125x64xbf16, #tpu.memory_space<vmem>>
        %dma_wait3A_430 = arith.constant 0 : i32
        %dma_wait3A_431 = tpu.memref_slice %arg9[%sub3A_386, %dma_wait3A_430] : memref<80x125xi32, #tpu.memory_space<vmem>> -> memref<1x125xi32, #tpu.memory_space<vmem>>
        %dma_wait3A_432 = tpu.memref_squeeze %dma_wait3A_431 : memref<1x125xi32, #tpu.memory_space<vmem>> -> memref<125xi32, #tpu.memory_space<vmem>>
        %dma_wait3A_433 = arith.constant 0 : i32
        %dma_wait3A_434 = arith.constant 0 : i32
        %dma_wait3A_435 = tpu.memref_slice %arg13[%dma_wait3A_433, %dma_wait3A_434] : memref<10000x64xbf16, #tpu.memory_space<vmem_shared>> -> memref<10000x64xbf16, #tpu.memory_space<vmem_shared>>
        tpu.wait_indirect_dma semaphore(%arg12 : memref<!tpu.dma_semaphore, #tpu.memory_space<semaphore_mem>>) src(%dma_wait3A_429 : memref<125x64xbf16, #tpu.memory_space<vmem>>) dst(%dma_wait3A_435 : memref<10000x64xbf16, #tpu.memory_space<vmem_shared>>)
        %add3A_436 = arith.constant 8 : i32
        %add3A_437 = arith.addi %sub3A_386, %add3A_436 : i32
        %lt3A = arith.constant 80 : i32
        %lt3A_438 = arith.cmpi slt, %add3A_437, %lt3A : i32
        %convert_element_type3A_439 = arith.extui %lt3A_438 : i1 to i32
        %cond3A_440 = arith.constant 0 : i32
        %cond3A_441 = arith.cmpi ne, %convert_element_type3A_439, %cond3A_440 : i32
        scf.if %cond3A_441 {
          %add3A_442 = arith.constant 8 : i32
          %add3A_443 = arith.addi %sub3A_386, %add3A_442 : i32
          %dma_start3A_444 = arith.constant 2 : i32
          %dma_start3A_445 = arith.constant 0 : i32
          %dma_start3A_446 = arith.constant 0 : i32
          %dma_start3A_447 = tpu.memref_slice %arg10[%dma_start3A_444, %dma_start3A_445, %dma_start3A_446] : memref<8x125x64xbf16, #tpu.memory_space<vmem>> -> memref<1x125x64xbf16, #tpu.memory_space<vmem>>
          %dma_start3A_448 = tpu.memref_squeeze %dma_start3A_447 : memref<1x125x64xbf16, #tpu.memory_space<vmem>> -> memref<125x64xbf16, #tpu.memory_space<vmem>>
          %dma_start3A_449 = arith.constant 0 : i32
          %dma_start3A_450 = tpu.memref_slice %arg8[%add3A_443, %dma_start3A_449] : memref<80x125xi32, #tpu.memory_space<vmem>> -> memref<1x125xi32, #tpu.memory_space<vmem>>
          %dma_start3A_451 = tpu.memref_squeeze %dma_start3A_450 : memref<1x125xi32, #tpu.memory_space<vmem>> -> memref<125xi32, #tpu.memory_space<vmem>>
          %dma_start3A_452 = arith.constant 0 : i32
          %dma_start3A_453 = arith.constant 0 : i32
          %dma_start3A_454 = tpu.memref_slice %arg2[%dma_start3A_452, %dma_start3A_453] : memref<10000x64xbf16, #tpu.memory_space<hbm>> -> memref<10000x64xbf16, #tpu.memory_space<hbm>>
          tpu.enqueue_indirect_dma source(%dma_start3A_454 : memref<10000x64xbf16, #tpu.memory_space<hbm>>) target(%dma_start3A_448 : memref<125x64xbf16, #tpu.memory_space<vmem>>) offsets(%dma_start3A_451 : memref<125xi32, #tpu.memory_space<vmem>>) semaphore(%arg11 : memref<!tpu.dma_semaphore, #tpu.memory_space<semaphore_mem>>)
        } else {
        }
      } else {
      }
      %mul3A_392 = arith.constant 8 : i32
      %mul3A_393 = arith.muli %scan3A_162, %mul3A_392 : i32
      %add3A_394 = arith.constant 7 : i32
      %add3A_395 = arith.addi %mul3A_393, %add3A_394 : i32
      %dma_wait3A_396 = arith.constant 7 : i32
      %dma_wait3A_397 = arith.constant 0 : i32
      %dma_wait3A_398 = arith.constant 0 : i32
      %dma_wait3A_399 = tpu.memref_slice %arg10[%dma_wait3A_396, %dma_wait3A_397, %dma_wait3A_398] : memref<8x125x64xbf16, #tpu.memory_space<vmem>> -> memref<1x125x64xbf16, #tpu.memory_space<vmem>>
      %dma_wait3A_400 = tpu.memref_squeeze %dma_wait3A_399 : memref<1x125x64xbf16, #tpu.memory_space<vmem>> -> memref<125x64xbf16, #tpu.memory_space<vmem>>
      %dma_wait3A_401 = arith.constant 0 : i32
      %dma_wait3A_402 = tpu.memref_slice %arg8[%add3A_395, %dma_wait3A_401] : memref<80x125xi32, #tpu.memory_space<vmem>> -> memref<1x125xi32, #tpu.memory_space<vmem>>
      %dma_wait3A_403 = tpu.memref_squeeze %dma_wait3A_402 : memref<1x125xi32, #tpu.memory_space<vmem>> -> memref<125xi32, #tpu.memory_space<vmem>>
      %dma_wait3A_404 = arith.constant 0 : i32
      %dma_wait3A_405 = arith.constant 0 : i32
      %dma_wait3A_406 = tpu.memref_slice %arg2[%dma_wait3A_404, %dma_wait3A_405] : memref<10000x64xbf16, #tpu.memory_space<hbm>> -> memref<10000x64xbf16, #tpu.memory_space<hbm>>
      tpu.wait_indirect_dma semaphore(%arg11 : memref<!tpu.dma_semaphore, #tpu.memory_space<semaphore_mem>>) src(%dma_wait3A_406 : memref<10000x64xbf16, #tpu.memory_space<hbm>>) dst(%dma_wait3A_400 : memref<125x64xbf16, #tpu.memory_space<vmem>>)
      %dma_start3A_407 = arith.constant 7 : i32
      %dma_start3A_408 = arith.constant 0 : i32
      %dma_start3A_409 = arith.constant 0 : i32
      %dma_start3A_410 = tpu.memref_slice %arg10[%dma_start3A_407, %dma_start3A_408, %dma_start3A_409] : memref<8x125x64xbf16, #tpu.memory_space<vmem>> -> memref<1x125x64xbf16, #tpu.memory_space<vmem>>
      %dma_start3A_411 = tpu.memref_squeeze %dma_start3A_410 : memref<1x125x64xbf16, #tpu.memory_space<vmem>> -> memref<125x64xbf16, #tpu.memory_space<vmem>>
      %dma_start3A_412 = arith.constant 0 : i32
      %dma_start3A_413 = tpu.memref_slice %arg9[%add3A_395, %dma_start3A_412] : memref<80x125xi32, #tpu.memory_space<vmem>> -> memref<1x125xi32, #tpu.memory_space<vmem>>
      %dma_start3A_414 = tpu.memref_squeeze %dma_start3A_413 : memref<1x125xi32, #tpu.memory_space<vmem>> -> memref<125xi32, #tpu.memory_space<vmem>>
      %dma_start3A_415 = arith.constant 0 : i32
      %dma_start3A_416 = arith.constant 0 : i32
      %dma_start3A_417 = tpu.memref_slice %arg13[%dma_start3A_415, %dma_start3A_416] : memref<10000x64xbf16, #tpu.memory_space<vmem_shared>> -> memref<10000x64xbf16, #tpu.memory_space<vmem_shared>>
      tpu.enqueue_indirect_dma source(%dma_start3A_411 : memref<125x64xbf16, #tpu.memory_space<vmem>>) target(%dma_start3A_417 : memref<10000x64xbf16, #tpu.memory_space<vmem_shared>>) offsets(%dma_start3A_414 : memref<125xi32, #tpu.memory_space<vmem>>) semaphore(%arg12 : memref<!tpu.dma_semaphore, #tpu.memory_space<semaphore_mem>>) {add = true}
      %sub3A_418 = arith.constant 4 : i32
      %sub3A_419 = arith.subi %add3A_395, %sub3A_418 : i32
      %ge3A_420 = arith.constant 0 : i32
      %ge3A_421 = arith.cmpi sge, %sub3A_419, %ge3A_420 : i32
      %convert_element_type3A_422 = arith.extui %ge3A_421 : i1 to i32
      %cond3A_423 = arith.constant 0 : i32
      %cond3A_424 = arith.cmpi ne, %convert_element_type3A_422, %cond3A_423 : i32
      scf.if %cond3A_424 {
        %dma_wait3A_425 = arith.constant 3 : i32
        %dma_wait3A_426 = arith.constant 0 : i32
        %dma_wait3A_427 = arith.constant 0 : i32
        %dma_wait3A_428 = tpu.memref_slice %arg10[%dma_wait3A_425, %dma_wait3A_426, %dma_wait3A_427] : memref<8x125x64xbf16, #tpu.memory_space<vmem>> -> memref<1x125x64xbf16, #tpu.memory_space<vmem>>
        %dma_wait3A_429 = tpu.memref_squeeze %dma_wait3A_428 : memref<1x125x64xbf16, #tpu.memory_space<vmem>> -> memref<125x64xbf16, #tpu.memory_space<vmem>>
        %dma_wait3A_430 = arith.constant 0 : i32
        %dma_wait3A_431 = tpu.memref_slice %arg9[%sub3A_419, %dma_wait3A_430] : memref<80x125xi32, #tpu.memory_space<vmem>> -> memref<1x125xi32, #tpu.memory_space<vmem>>
        %dma_wait3A_432 = tpu.memref_squeeze %dma_wait3A_431 : memref<1x125xi32, #tpu.memory_space<vmem>> -> memref<125xi32, #tpu.memory_space<vmem>>
        %dma_wait3A_433 = arith.constant 0 : i32
        %dma_wait3A_434 = arith.constant 0 : i32
        %dma_wait3A_435 = tpu.memref_slice %arg13[%dma_wait3A_433, %dma_wait3A_434] : memref<10000x64xbf16, #tpu.memory_space<vmem_shared>> -> memref<10000x64xbf16, #tpu.memory_space<vmem_shared>>
        tpu.wait_indirect_dma semaphore(%arg12 : memref<!tpu.dma_semaphore, #tpu.memory_space<semaphore_mem>>) src(%dma_wait3A_429 : memref<125x64xbf16, #tpu.memory_space<vmem>>) dst(%dma_wait3A_435 : memref<10000x64xbf16, #tpu.memory_space<vmem_shared>>)
        %add3A_436 = arith.constant 8 : i32
        %add3A_437 = arith.addi %sub3A_419, %add3A_436 : i32
        %lt3A = arith.constant 80 : i32
        %lt3A_438 = arith.cmpi slt, %add3A_437, %lt3A : i32
        %convert_element_type3A_439 = arith.extui %lt3A_438 : i1 to i32
        %cond3A_440 = arith.constant 0 : i32
        %cond3A_441 = arith.cmpi ne, %convert_element_type3A_439, %cond3A_440 : i32
        scf.if %cond3A_441 {
          %add3A_442 = arith.constant 8 : i32
          %add3A_443 = arith.addi %sub3A_419, %add3A_442 : i32
          %dma_start3A_444 = arith.constant 3 : i32
          %dma_start3A_445 = arith.constant 0 : i32
          %dma_start3A_446 = arith.constant 0 : i32
          %dma_start3A_447 = tpu.memref_slice %arg10[%dma_start3A_444, %dma_start3A_445, %dma_start3A_446] : memref<8x125x64xbf16, #tpu.memory_space<vmem>> -> memref<1x125x64xbf16, #tpu.memory_space<vmem>>
          %dma_start3A_448 = tpu.memref_squeeze %dma_start3A_447 : memref<1x125x64xbf16, #tpu.memory_space<vmem>> -> memref<125x64xbf16, #tpu.memory_space<vmem>>
          %dma_start3A_449 = arith.constant 0 : i32
          %dma_start3A_450 = tpu.memref_slice %arg8[%add3A_443, %dma_start3A_449] : memref<80x125xi32, #tpu.memory_space<vmem>> -> memref<1x125xi32, #tpu.memory_space<vmem>>
          %dma_start3A_451 = tpu.memref_squeeze %dma_start3A_450 : memref<1x125xi32, #tpu.memory_space<vmem>> -> memref<125xi32, #tpu.memory_space<vmem>>
          %dma_start3A_452 = arith.constant 0 : i32
          %dma_start3A_453 = arith.constant 0 : i32
          %dma_start3A_454 = tpu.memref_slice %arg2[%dma_start3A_452, %dma_start3A_453] : memref<10000x64xbf16, #tpu.memory_space<hbm>> -> memref<10000x64xbf16, #tpu.memory_space<hbm>>
          tpu.enqueue_indirect_dma source(%dma_start3A_454 : memref<10000x64xbf16, #tpu.memory_space<hbm>>) target(%dma_start3A_448 : memref<125x64xbf16, #tpu.memory_space<vmem>>) offsets(%dma_start3A_451 : memref<125xi32, #tpu.memory_space<vmem>>) semaphore(%arg11 : memref<!tpu.dma_semaphore, #tpu.memory_space<semaphore_mem>>)
        } else {
        }
      } else {
      }
    }
    %scan3A_106 = arith.constant 10 : i32
    %dma_wait3A = arith.constant 4 : i32
    %dma_wait3A_107 = arith.constant 76 : i32
    %dma_wait3A_108 = arith.constant 0 : i32
    %dma_wait3A_109 = arith.constant 0 : i32
    %dma_wait3A_110 = tpu.memref_slice %arg10[%dma_wait3A, %dma_wait3A_108, %dma_wait3A_109] : memref<8x125x64xbf16, #tpu.memory_space<vmem>> -> memref<1x125x64xbf16, #tpu.memory_space<vmem>>
    %dma_wait3A_111 = tpu.memref_squeeze %dma_wait3A_110 : memref<1x125x64xbf16, #tpu.memory_space<vmem>> -> memref<125x64xbf16, #tpu.memory_space<vmem>>
    %dma_wait3A_112 = arith.constant 0 : i32
    %dma_wait3A_113 = tpu.memref_slice %arg9[%dma_wait3A_107, %dma_wait3A_112] : memref<80x125xi32, #tpu.memory_space<vmem>> -> memref<1x125xi32, #tpu.memory_space<vmem>>
    %dma_wait3A_114 = tpu.memref_squeeze %dma_wait3A_113 : memref<1x125xi32, #tpu.memory_space<vmem>> -> memref<125xi32, #tpu.memory_space<vmem>>
    %dma_wait3A_115 = arith.constant 0 : i32
    %dma_wait3A_116 = arith.constant 0 : i32
    %dma_wait3A_117 = tpu.memref_slice %arg13[%dma_wait3A_115, %dma_wait3A_116] : memref<10000x64xbf16, #tpu.memory_space<vmem_shared>> -> memref<10000x64xbf16, #tpu.memory_space<vmem_shared>>
    tpu.wait_indirect_dma semaphore(%arg12 : memref<!tpu.dma_semaphore, #tpu.memory_space<semaphore_mem>>) src(%dma_wait3A_111 : memref<125x64xbf16, #tpu.memory_space<vmem>>) dst(%dma_wait3A_117 : memref<10000x64xbf16, #tpu.memory_space<vmem_shared>>)
    %dma_wait3A_118 = arith.constant 5 : i32
    %dma_wait3A_119 = arith.constant 77 : i32
    %dma_wait3A_120 = arith.constant 0 : i32
    %dma_wait3A_121 = arith.constant 0 : i32
    %dma_wait3A_122 = tpu.memref_slice %arg10[%dma_wait3A_118, %dma_wait3A_120, %dma_wait3A_121] : memref<8x125x64xbf16, #tpu.memory_space<vmem>> -> memref<1x125x64xbf16, #tpu.memory_space<vmem>>
    %dma_wait3A_123 = tpu.memref_squeeze %dma_wait3A_122 : memref<1x125x64xbf16, #tpu.memory_space<vmem>> -> memref<125x64xbf16, #tpu.memory_space<vmem>>
    %dma_wait3A_124 = arith.constant 0 : i32
    %dma_wait3A_125 = tpu.memref_slice %arg9[%dma_wait3A_119, %dma_wait3A_124] : memref<80x125xi32, #tpu.memory_space<vmem>> -> memref<1x125xi32, #tpu.memory_space<vmem>>
    %dma_wait3A_126 = tpu.memref_squeeze %dma_wait3A_125 : memref<1x125xi32, #tpu.memory_space<vmem>> -> memref<125xi32, #tpu.memory_space<vmem>>
    %dma_wait3A_127 = arith.constant 0 : i32
    %dma_wait3A_128 = arith.constant 0 : i32
    %dma_wait3A_129 = tpu.memref_slice %arg13[%dma_wait3A_127, %dma_wait3A_128] : memref<10000x64xbf16, #tpu.memory_space<vmem_shared>> -> memref<10000x64xbf16, #tpu.memory_space<vmem_shared>>
    tpu.wait_indirect_dma semaphore(%arg12 : memref<!tpu.dma_semaphore, #tpu.memory_space<semaphore_mem>>) src(%dma_wait3A_123 : memref<125x64xbf16, #tpu.memory_space<vmem>>) dst(%dma_wait3A_129 : memref<10000x64xbf16, #tpu.memory_space<vmem_shared>>)
    %dma_wait3A_130 = arith.constant 6 : i32
    %dma_wait3A_131 = arith.constant 78 : i32
    %dma_wait3A_132 = arith.constant 0 : i32
    %dma_wait3A_133 = arith.constant 0 : i32
    %dma_wait3A_134 = tpu.memref_slice %arg10[%dma_wait3A_130, %dma_wait3A_132, %dma_wait3A_133] : memref<8x125x64xbf16, #tpu.memory_space<vmem>> -> memref<1x125x64xbf16, #tpu.memory_space<vmem>>
    %dma_wait3A_135 = tpu.memref_squeeze %dma_wait3A_134 : memref<1x125x64xbf16, #tpu.memory_space<vmem>> -> memref<125x64xbf16, #tpu.memory_space<vmem>>
    %dma_wait3A_136 = arith.constant 0 : i32
    %dma_wait3A_137 = tpu.memref_slice %arg9[%dma_wait3A_131, %dma_wait3A_136] : memref<80x125xi32, #tpu.memory_space<vmem>> -> memref<1x125xi32, #tpu.memory_space<vmem>>
    %dma_wait3A_138 = tpu.memref_squeeze %dma_wait3A_137 : memref<1x125xi32, #tpu.memory_space<vmem>> -> memref<125xi32, #tpu.memory_space<vmem>>
    %dma_wait3A_139 = arith.constant 0 : i32
    %dma_wait3A_140 = arith.constant 0 : i32
    %dma_wait3A_141 = tpu.memref_slice %arg13[%dma_wait3A_139, %dma_wait3A_140] : memref<10000x64xbf16, #tpu.memory_space<vmem_shared>> -> memref<10000x64xbf16, #tpu.memory_space<vmem_shared>>
    tpu.wait_indirect_dma semaphore(%arg12 : memref<!tpu.dma_semaphore, #tpu.memory_space<semaphore_mem>>) src(%dma_wait3A_135 : memref<125x64xbf16, #tpu.memory_space<vmem>>) dst(%dma_wait3A_141 : memref<10000x64xbf16, #tpu.memory_space<vmem_shared>>)
    %dma_wait3A_142 = arith.constant 7 : i32
    %dma_wait3A_143 = arith.constant 79 : i32
    %dma_wait3A_144 = arith.constant 0 : i32
    %dma_wait3A_145 = arith.constant 0 : i32
    %dma_wait3A_146 = tpu.memref_slice %arg10[%dma_wait3A_142, %dma_wait3A_144, %dma_wait3A_145] : memref<8x125x64xbf16, #tpu.memory_space<vmem>> -> memref<1x125x64xbf16, #tpu.memory_space<vmem>>
    %dma_wait3A_147 = tpu.memref_squeeze %dma_wait3A_146 : memref<1x125x64xbf16, #tpu.memory_space<vmem>> -> memref<125x64xbf16, #tpu.memory_space<vmem>>
    %dma_wait3A_148 = arith.constant 0 : i32
    %dma_wait3A_149 = tpu.memref_slice %arg9[%dma_wait3A_143, %dma_wait3A_148] : memref<80x125xi32, #tpu.memory_space<vmem>> -> memref<1x125xi32, #tpu.memory_space<vmem>>
    %dma_wait3A_150 = tpu.memref_squeeze %dma_wait3A_149 : memref<1x125xi32, #tpu.memory_space<vmem>> -> memref<125xi32, #tpu.memory_space<vmem>>
    %dma_wait3A_151 = arith.constant 0 : i32
    %dma_wait3A_152 = arith.constant 0 : i32
    %dma_wait3A_153 = tpu.memref_slice %arg13[%dma_wait3A_151, %dma_wait3A_152] : memref<10000x64xbf16, #tpu.memory_space<vmem_shared>> -> memref<10000x64xbf16, #tpu.memory_space<vmem_shared>>
    tpu.wait_indirect_dma semaphore(%arg12 : memref<!tpu.dma_semaphore, #tpu.memory_space<semaphore_mem>>) src(%dma_wait3A_147 : memref<125x64xbf16, #tpu.memory_space<vmem>>) dst(%dma_wait3A_153 : memref<10000x64xbf16, #tpu.memory_space<vmem_shared>>)
    %barrier3A_154 = arith.constant 0 : index
    tpu.barrier barrier_id(%barrier3A_154)
    %eq3A = arith.constant 0 : i32
    %eq3A_155 = arith.cmpi eq, %arg0, %eq3A : i32
    %convert_element_type3A = arith.extui %eq3A_155 : i1 to i32
    %cond3A = arith.constant 0 : i32
    %cond3A_156 = arith.cmpi ne, %convert_element_type3A, %cond3A : i32
    scf.if %cond3A_156 {
      %mul3A_162 = arith.constant 625 : i32
      %mul3A_163 = arith.muli %arg1, %mul3A_162 : i32
      %mul3A_164 = arith.constant 625 : i32
      %mul3A_165 = arith.muli %arg1, %mul3A_164 : i32
      "tpu.region"() ({
        %run_scoped3A = tpu.sem_alloc : memref<!tpu.dma_semaphore, #tpu.memory_space<semaphore_mem>>
        %dma_start3A_166 = arith.constant 0 : i32
        %dma_start3A_167 = tpu.memref_slice %arg6[%mul3A_165, %dma_start3A_166] : memref<10000x64xbf16, #tpu.memory_space<hbm>> -> memref<625x64xbf16, #tpu.memory_space<hbm>>
        %dma_start3A_168 = arith.constant 0 : i32
        %dma_start3A_169 = tpu.memref_slice %arg13[%mul3A_163, %dma_start3A_168] : memref<10000x64xbf16, #tpu.memory_space<vmem_shared>> -> memref<625x64xbf16, #tpu.memory_space<vmem_shared>>
        tpu.enqueue_dma source(%dma_start3A_169 : memref<625x64xbf16, #tpu.memory_space<vmem_shared>>) target(%dma_start3A_167 : memref<625x64xbf16, #tpu.memory_space<hbm>>) target_semaphore(%run_scoped3A : memref<!tpu.dma_semaphore, #tpu.memory_space<semaphore_mem>>)
        %dma_wait3A_170 = arith.constant 0 : i32
        %dma_wait3A_171 = tpu.memref_slice %arg6[%mul3A_165, %dma_wait3A_170] : memref<10000x64xbf16, #tpu.memory_space<hbm>> -> memref<625x64xbf16, #tpu.memory_space<hbm>>
        %dma_wait3A_172 = arith.constant 0 : i32
        %dma_wait3A_173 = tpu.memref_slice %arg13[%mul3A_163, %dma_wait3A_172] : memref<10000x64xbf16, #tpu.memory_space<vmem_shared>> -> memref<625x64xbf16, #tpu.memory_space<vmem_shared>>
        tpu.wait_dma2 semaphore(%run_scoped3A : memref<!tpu.dma_semaphore, #tpu.memory_space<semaphore_mem>>) src(%dma_wait3A_173 : memref<625x64xbf16, #tpu.memory_space<vmem_shared>>) dst(%dma_wait3A_171 : memref<625x64xbf16, #tpu.memory_space<hbm>>)
        tpu.yield
      }) : () -> ()
    } else {
    }
    %eq3A_157 = arith.constant 1 : i32
    %eq3A_158 = arith.cmpi eq, %arg0, %eq3A_157 : i32
    %convert_element_type3A_159 = arith.extui %eq3A_158 : i1 to i32
    %cond3A_160 = arith.constant 0 : i32
    %cond3A_161 = arith.cmpi ne, %convert_element_type3A_159, %cond3A_160 : i32
    scf.if %cond3A_161 {
      %mul3A_162 = arith.constant 625 : i32
      %mul3A_163 = arith.muli %arg1, %mul3A_162 : i32
      %mul3A_164 = arith.constant 625 : i32
      %mul3A_165 = arith.muli %arg1, %mul3A_164 : i32
      "tpu.region"() ({
        %run_scoped3A = tpu.sem_alloc : memref<!tpu.dma_semaphore, #tpu.memory_space<semaphore_mem>>
        %dma_start3A_166 = arith.constant 0 : i32
        %dma_start3A_167 = tpu.memref_slice %arg7[%mul3A_165, %dma_start3A_166] : memref<10000x64xbf16, #tpu.memory_space<hbm>> -> memref<625x64xbf16, #tpu.memory_space<hbm>>
        %dma_start3A_168 = arith.constant 0 : i32
        %dma_start3A_169 = tpu.memref_slice %arg13[%mul3A_163, %dma_start3A_168] : memref<10000x64xbf16, #tpu.memory_space<vmem_shared>> -> memref<625x64xbf16, #tpu.memory_space<vmem_shared>>
        tpu.enqueue_dma source(%dma_start3A_169 : memref<625x64xbf16, #tpu.memory_space<vmem_shared>>) target(%dma_start3A_167 : memref<625x64xbf16, #tpu.memory_space<hbm>>) target_semaphore(%run_scoped3A : memref<!tpu.dma_semaphore, #tpu.memory_space<semaphore_mem>>)
        %dma_wait3A_170 = arith.constant 0 : i32
        %dma_wait3A_171 = tpu.memref_slice %arg7[%mul3A_165, %dma_wait3A_170] : memref<10000x64xbf16, #tpu.memory_space<hbm>> -> memref<625x64xbf16, #tpu.memory_space<hbm>>
        %dma_wait3A_172 = arith.constant 0 : i32
        %dma_wait3A_173 = tpu.memref_slice %arg13[%mul3A_163, %dma_wait3A_172] : memref<10000x64xbf16, #tpu.memory_space<vmem_shared>> -> memref<625x64xbf16, #tpu.memory_space<vmem_shared>>
        tpu.wait_dma2 semaphore(%run_scoped3A : memref<!tpu.dma_semaphore, #tpu.memory_space<semaphore_mem>>) src(%dma_wait3A_173 : memref<625x64xbf16, #tpu.memory_space<vmem_shared>>) dst(%dma_wait3A_171 : memref<625x64xbf16, #tpu.memory_space<hbm>>)
        tpu.yield
      }) : () -> ()
    } else {
    }
    return
  }
}

#map = affine_map<(d0, d1) -> (0, 0)>
module attributes {stable_mosaic.version = 14 : i64} {
  func.func @_prop_body(%arg0: i32, %arg1: i32, %arg2: memref<10000x64xbf16, #tpu.memory_space<hbm>>, %arg3: memref<2560x125xi32, #tpu.memory_space<hbm>>, %arg4: memref<2560x125xi32, #tpu.memory_space<hbm>>, %arg5: memref<10000x64xbf16, #tpu.memory_space<hbm>>, %arg6: memref<10000x64xbf16, #tpu.memory_space<hbm>>, %arg7: memref<10000x64xbf16, #tpu.memory_space<hbm>>, %arg8: memref<80x125xi32, #tpu.memory_space<vmem>>, %arg9: memref<80x125xi32, #tpu.memory_space<vmem>>, %arg10: memref<8x125x64xbf16, #tpu.memory_space<vmem>>, %arg11: memref<!tpu.dma_semaphore, #tpu.memory_space<semaphore_mem>>, %arg12: memref<!tpu.dma_semaphore, #tpu.memory_space<semaphore_mem>>, %arg13: memref<10000x64xbf16, #tpu.memory_space<vmem_shared>>) attributes {dimension_semantics = [#tpu.dimension_semantics<core_parallel>, #tpu.dimension_semantics<subcore_parallel>], iteration_bounds = array<i64: 2, 16>, scalar_prefetch = 0 : i64, scratch_operands = 6 : i64, tpu.core_type = #tpu.core_type<sc_vector_subcore>, window_params = [{transform_indices = #map}, {transform_indices = #map}, {transform_indices = #map}, {transform_indices = #map}, {transform_indices = #map}, {transform_indices = #map}]} {
    %mul3A = arith.constant 16 : i32
    %mul3A_0 = arith.muli %arg0, %mul3A : i32
    %add3A = arith.addi %mul3A_0, %arg1 : i32
    %mul3A_1 = arith.constant 80 : i32
    %mul3A_2 = arith.muli %add3A, %mul3A_1 : i32
    %mul3A_3 = arith.constant 625 : i32
    %mul3A_4 = arith.muli %arg1, %mul3A_3 : i32
    %mul3A_5 = arith.constant 625 : i32
    %mul3A_6 = arith.muli %arg1, %mul3A_5 : i32
    "tpu.region"() ({
      %run_scoped3A = tpu.sem_alloc : memref<!tpu.dma_semaphore, #tpu.memory_space<semaphore_mem>>
      %dma_start3A_162 = arith.constant 0 : i32
      %dma_start3A_163 = tpu.memref_slice %arg13[%mul3A_6, %dma_start3A_162] : memref<10000x64xbf16, #tpu.memory_space<vmem_shared>> -> memref<625x64xbf16, #tpu.memory_space<vmem_shared>>
      %dma_start3A_164 = arith.constant 0 : i32
      %dma_start3A_165 = tpu.memref_slice %arg5[%mul3A_4, %dma_start3A_164] : memref<10000x64xbf16, #tpu.memory_space<hbm>> -> memref<625x64xbf16, #tpu.memory_space<hbm>>
      tpu.enqueue_dma source(%dma_start3A_165 : memref<625x64xbf16, #tpu.memory_space<hbm>>) target(%dma_start3A_163 : memref<625x64xbf16, #tpu.memory_space<vmem_shared>>) target_semaphore(%run_scoped3A : memref<!tpu.dma_semaphore, #tpu.memory_space<semaphore_mem>>)
      %dma_wait3A_166 = arith.constant 0 : i32
      %dma_wait3A_167 = tpu.memref_slice %arg13[%mul3A_6, %dma_wait3A_166] : memref<10000x64xbf16, #tpu.memory_space<vmem_shared>> -> memref<625x64xbf16, #tpu.memory_space<vmem_shared>>
      %dma_wait3A_168 = arith.constant 0 : i32
      %dma_wait3A_169 = tpu.memref_slice %arg5[%mul3A_4, %dma_wait3A_168] : memref<10000x64xbf16, #tpu.memory_space<hbm>> -> memref<625x64xbf16, #tpu.memory_space<hbm>>
      tpu.wait_dma2 semaphore(%run_scoped3A : memref<!tpu.dma_semaphore, #tpu.memory_space<semaphore_mem>>) src(%dma_wait3A_169 : memref<625x64xbf16, #tpu.memory_space<hbm>>) dst(%dma_wait3A_167 : memref<625x64xbf16, #tpu.memory_space<vmem_shared>>)
      tpu.yield
    }) : () -> ()
    "tpu.region"() ({
      %run_scoped3A = tpu.sem_alloc : memref<!tpu.dma_semaphore, #tpu.memory_space<semaphore_mem>>
      %dma_start3A_162 = arith.constant 0 : i32
      %dma_start3A_163 = tpu.memref_slice %arg3[%mul3A_2, %dma_start3A_162] : memref<2560x125xi32, #tpu.memory_space<hbm>> -> memref<80x125xi32, #tpu.memory_space<hbm>>
      %dma_start3A_164 = arith.constant 0 : i32
      %dma_start3A_165 = tpu.memref_slice %arg3[%mul3A_2, %dma_start3A_164] : memref<2560x125xi32, #tpu.memory_space<hbm>> -> memref<80x125xi32, #tpu.memory_space<hbm>>
      tpu.enqueue_dma source(%dma_start3A_165 : memref<80x125xi32, #tpu.memory_space<hbm>>) target(%arg8 : memref<80x125xi32, #tpu.memory_space<vmem>>) target_semaphore(%run_scoped3A : memref<!tpu.dma_semaphore, #tpu.memory_space<semaphore_mem>>)
      %dma_wait3A_166 = arith.constant 0 : i32
      %dma_wait3A_167 = tpu.memref_slice %arg3[%mul3A_2, %dma_wait3A_166] : memref<2560x125xi32, #tpu.memory_space<hbm>> -> memref<80x125xi32, #tpu.memory_space<hbm>>
      %dma_wait3A_168 = arith.constant 0 : i32
      %dma_wait3A_169 = tpu.memref_slice %arg3[%mul3A_2, %dma_wait3A_168] : memref<2560x125xi32, #tpu.memory_space<hbm>> -> memref<80x125xi32, #tpu.memory_space<hbm>>
      tpu.wait_dma2 semaphore(%run_scoped3A : memref<!tpu.dma_semaphore, #tpu.memory_space<semaphore_mem>>) src(%dma_wait3A_169 : memref<80x125xi32, #tpu.memory_space<hbm>>) dst(%arg8 : memref<80x125xi32, #tpu.memory_space<vmem>>)
      tpu.yield
    }) : () -> ()
    "tpu.region"() ({
      %run_scoped3A = tpu.sem_alloc : memref<!tpu.dma_semaphore, #tpu.memory_space<semaphore_mem>>
      %dma_start3A_162 = arith.constant 0 : i32
      %dma_start3A_163 = tpu.memref_slice %arg4[%mul3A_2, %dma_start3A_162] : memref<2560x125xi32, #tpu.memory_space<hbm>> -> memref<80x125xi32, #tpu.memory_space<hbm>>
      %dma_start3A_164 = arith.constant 0 : i32
      %dma_start3A_165 = tpu.memref_slice %arg4[%mul3A_2, %dma_start3A_164] : memref<2560x125xi32, #tpu.memory_space<hbm>> -> memref<80x125xi32, #tpu.memory_space<hbm>>
      tpu.enqueue_dma source(%dma_start3A_165 : memref<80x125xi32, #tpu.memory_space<hbm>>) target(%arg9 : memref<80x125xi32, #tpu.memory_space<vmem>>) target_semaphore(%run_scoped3A : memref<!tpu.dma_semaphore, #tpu.memory_space<semaphore_mem>>)
      %dma_wait3A_166 = arith.constant 0 : i32
      %dma_wait3A_167 = tpu.memref_slice %arg4[%mul3A_2, %dma_wait3A_166] : memref<2560x125xi32, #tpu.memory_space<hbm>> -> memref<80x125xi32, #tpu.memory_space<hbm>>
      %dma_wait3A_168 = arith.constant 0 : i32
      %dma_wait3A_169 = tpu.memref_slice %arg4[%mul3A_2, %dma_wait3A_168] : memref<2560x125xi32, #tpu.memory_space<hbm>> -> memref<80x125xi32, #tpu.memory_space<hbm>>
      tpu.wait_dma2 semaphore(%run_scoped3A : memref<!tpu.dma_semaphore, #tpu.memory_space<semaphore_mem>>) src(%dma_wait3A_169 : memref<80x125xi32, #tpu.memory_space<hbm>>) dst(%arg9 : memref<80x125xi32, #tpu.memory_space<vmem>>)
      tpu.yield
    }) : () -> ()
    %barrier3A = arith.constant 0 : index
    tpu.barrier barrier_id(%barrier3A)
    %dma_start3A = arith.constant 0 : i32
    %dma_start3A_7 = arith.constant 0 : i32
    %dma_start3A_8 = arith.constant 0 : i32
    %dma_start3A_9 = arith.constant 0 : i32
    %dma_start3A_10 = tpu.memref_slice %arg10[%dma_start3A_7, %dma_start3A_8, %dma_start3A_9] : memref<8x125x64xbf16, #tpu.memory_space<vmem>> -> memref<1x125x64xbf16, #tpu.memory_space<vmem>>
    %dma_start3A_11 = tpu.memref_squeeze %dma_start3A_10 : memref<1x125x64xbf16, #tpu.memory_space<vmem>> -> memref<125x64xbf16, #tpu.memory_space<vmem>>
    %dma_start3A_12 = arith.constant 0 : i32
    %dma_start3A_13 = tpu.memref_slice %arg8[%dma_start3A, %dma_start3A_12] : memref<80x125xi32, #tpu.memory_space<vmem>> -> memref<1x125xi32, #tpu.memory_space<vmem>>
    %dma_start3A_14 = tpu.memref_squeeze %dma_start3A_13 : memref<1x125xi32, #tpu.memory_space<vmem>> -> memref<125xi32, #tpu.memory_space<vmem>>
    %dma_start3A_15 = arith.constant 0 : i32
    %dma_start3A_16 = arith.constant 0 : i32
    %dma_start3A_17 = tpu.memref_slice %arg2[%dma_start3A_15, %dma_start3A_16] : memref<10000x64xbf16, #tpu.memory_space<hbm>> -> memref<10000x64xbf16, #tpu.memory_space<hbm>>
    tpu.enqueue_indirect_dma source(%dma_start3A_17 : memref<10000x64xbf16, #tpu.memory_space<hbm>>) target(%dma_start3A_11 : memref<125x64xbf16, #tpu.memory_space<vmem>>) offsets(%dma_start3A_14 : memref<125xi32, #tpu.memory_space<vmem>>) semaphore(%arg11 : memref<!tpu.dma_semaphore, #tpu.memory_space<semaphore_mem>>)
    %dma_start3A_18 = arith.constant 1 : i32
    %dma_start3A_19 = arith.constant 1 : i32
    %dma_start3A_20 = arith.constant 0 : i32
    %dma_start3A_21 = arith.constant 0 : i32
    %dma_start3A_22 = tpu.memref_slice %arg10[%dma_start3A_19, %dma_start3A_20, %dma_start3A_21] : memref<8x125x64xbf16, #tpu.memory_space<vmem>> -> memref<1x125x64xbf16, #tpu.memory_space<vmem>>
    %dma_start3A_23 = tpu.memref_squeeze %dma_start3A_22 : memref<1x125x64xbf16, #tpu.memory_space<vmem>> -> memref<125x64xbf16, #tpu.memory_space<vmem>>
    %dma_start3A_24 = arith.constant 0 : i32
    %dma_start3A_25 = tpu.memref_slice %arg8[%dma_start3A_18, %dma_start3A_24] : memref<80x125xi32, #tpu.memory_space<vmem>> -> memref<1x125xi32, #tpu.memory_space<vmem>>
    %dma_start3A_26 = tpu.memref_squeeze %dma_start3A_25 : memref<1x125xi32, #tpu.memory_space<vmem>> -> memref<125xi32, #tpu.memory_space<vmem>>
    %dma_start3A_27 = arith.constant 0 : i32
    %dma_start3A_28 = arith.constant 0 : i32
    %dma_start3A_29 = tpu.memref_slice %arg2[%dma_start3A_27, %dma_start3A_28] : memref<10000x64xbf16, #tpu.memory_space<hbm>> -> memref<10000x64xbf16, #tpu.memory_space<hbm>>
    tpu.enqueue_indirect_dma source(%dma_start3A_29 : memref<10000x64xbf16, #tpu.memory_space<hbm>>) target(%dma_start3A_23 : memref<125x64xbf16, #tpu.memory_space<vmem>>) offsets(%dma_start3A_26 : memref<125xi32, #tpu.memory_space<vmem>>) semaphore(%arg11 : memref<!tpu.dma_semaphore, #tpu.memory_space<semaphore_mem>>)
    %dma_start3A_30 = arith.constant 2 : i32
    %dma_start3A_31 = arith.constant 2 : i32
    %dma_start3A_32 = arith.constant 0 : i32
    %dma_start3A_33 = arith.constant 0 : i32
    %dma_start3A_34 = tpu.memref_slice %arg10[%dma_start3A_31, %dma_start3A_32, %dma_start3A_33] : memref<8x125x64xbf16, #tpu.memory_space<vmem>> -> memref<1x125x64xbf16, #tpu.memory_space<vmem>>
    %dma_start3A_35 = tpu.memref_squeeze %dma_start3A_34 : memref<1x125x64xbf16, #tpu.memory_space<vmem>> -> memref<125x64xbf16, #tpu.memory_space<vmem>>
    %dma_start3A_36 = arith.constant 0 : i32
    %dma_start3A_37 = tpu.memref_slice %arg8[%dma_start3A_30, %dma_start3A_36] : memref<80x125xi32, #tpu.memory_space<vmem>> -> memref<1x125xi32, #tpu.memory_space<vmem>>
    %dma_start3A_38 = tpu.memref_squeeze %dma_start3A_37 : memref<1x125xi32, #tpu.memory_space<vmem>> -> memref<125xi32, #tpu.memory_space<vmem>>
    %dma_start3A_39 = arith.constant 0 : i32
    %dma_start3A_40 = arith.constant 0 : i32
    %dma_start3A_41 = tpu.memref_slice %arg2[%dma_start3A_39, %dma_start3A_40] : memref<10000x64xbf16, #tpu.memory_space<hbm>> -> memref<10000x64xbf16, #tpu.memory_space<hbm>>
    tpu.enqueue_indirect_dma source(%dma_start3A_41 : memref<10000x64xbf16, #tpu.memory_space<hbm>>) target(%dma_start3A_35 : memref<125x64xbf16, #tpu.memory_space<vmem>>) offsets(%dma_start3A_38 : memref<125xi32, #tpu.memory_space<vmem>>) semaphore(%arg11 : memref<!tpu.dma_semaphore, #tpu.memory_space<semaphore_mem>>)
    %dma_start3A_42 = arith.constant 3 : i32
    %dma_start3A_43 = arith.constant 3 : i32
    %dma_start3A_44 = arith.constant 0 : i32
    %dma_start3A_45 = arith.constant 0 : i32
    %dma_start3A_46 = tpu.memref_slice %arg10[%dma_start3A_43, %dma_start3A_44, %dma_start3A_45] : memref<8x125x64xbf16, #tpu.memory_space<vmem>> -> memref<1x125x64xbf16, #tpu.memory_space<vmem>>
    %dma_start3A_47 = tpu.memref_squeeze %dma_start3A_46 : memref<1x125x64xbf16, #tpu.memory_space<vmem>> -> memref<125x64xbf16, #tpu.memory_space<vmem>>
    %dma_start3A_48 = arith.constant 0 : i32
    %dma_start3A_49 = tpu.memref_slice %arg8[%dma_start3A_42, %dma_start3A_48] : memref<80x125xi32, #tpu.memory_space<vmem>> -> memref<1x125xi32, #tpu.memory_space<vmem>>
    %dma_start3A_50 = tpu.memref_squeeze %dma_start3A_49 : memref<1x125xi32, #tpu.memory_space<vmem>> -> memref<125xi32, #tpu.memory_space<vmem>>
    %dma_start3A_51 = arith.constant 0 : i32
    %dma_start3A_52 = arith.constant 0 : i32
    %dma_start3A_53 = tpu.memref_slice %arg2[%dma_start3A_51, %dma_start3A_52] : memref<10000x64xbf16, #tpu.memory_space<hbm>> -> memref<10000x64xbf16, #tpu.memory_space<hbm>>
    tpu.enqueue_indirect_dma source(%dma_start3A_53 : memref<10000x64xbf16, #tpu.memory_space<hbm>>) target(%dma_start3A_47 : memref<125x64xbf16, #tpu.memory_space<vmem>>) offsets(%dma_start3A_50 : memref<125xi32, #tpu.memory_space<vmem>>) semaphore(%arg11 : memref<!tpu.dma_semaphore, #tpu.memory_space<semaphore_mem>>)
    %dma_start3A_54 = arith.constant 4 : i32
    %dma_start3A_55 = arith.constant 4 : i32
    %dma_start3A_56 = arith.constant 0 : i32
    %dma_start3A_57 = arith.constant 0 : i32
    %dma_start3A_58 = tpu.memref_slice %arg10[%dma_start3A_55, %dma_start3A_56, %dma_start3A_57] : memref<8x125x64xbf16, #tpu.memory_space<vmem>> -> memref<1x125x64xbf16, #tpu.memory_space<vmem>>
    %dma_start3A_59 = tpu.memref_squeeze %dma_start3A_58 : memref<1x125x64xbf16, #tpu.memory_space<vmem>> -> memref<125x64xbf16, #tpu.memory_space<vmem>>
    %dma_start3A_60 = arith.constant 0 : i32
    %dma_start3A_61 = tpu.memref_slice %arg8[%dma_start3A_54, %dma_start3A_60] : memref<80x125xi32, #tpu.memory_space<vmem>> -> memref<1x125xi32, #tpu.memory_space<vmem>>
    %dma_start3A_62 = tpu.memref_squeeze %dma_start3A_61 : memref<1x125xi32, #tpu.memory_space<vmem>> -> memref<125xi32, #tpu.memory_space<vmem>>
    %dma_start3A_63 = arith.constant 0 : i32
    %dma_start3A_64 = arith.constant 0 : i32
    %dma_start3A_65 = tpu.memref_slice %arg2[%dma_start3A_63, %dma_start3A_64] : memref<10000x64xbf16, #tpu.memory_space<hbm>> -> memref<10000x64xbf16, #tpu.memory_space<hbm>>
    tpu.enqueue_indirect_dma source(%dma_start3A_65 : memref<10000x64xbf16, #tpu.memory_space<hbm>>) target(%dma_start3A_59 : memref<125x64xbf16, #tpu.memory_space<vmem>>) offsets(%dma_start3A_62 : memref<125xi32, #tpu.memory_space<vmem>>) semaphore(%arg11 : memref<!tpu.dma_semaphore, #tpu.memory_space<semaphore_mem>>)
    %dma_start3A_66 = arith.constant 5 : i32
    %dma_start3A_67 = arith.constant 5 : i32
    %dma_start3A_68 = arith.constant 0 : i32
    %dma_start3A_69 = arith.constant 0 : i32
    %dma_start3A_70 = tpu.memref_slice %arg10[%dma_start3A_67, %dma_start3A_68, %dma_start3A_69] : memref<8x125x64xbf16, #tpu.memory_space<vmem>> -> memref<1x125x64xbf16, #tpu.memory_space<vmem>>
    %dma_start3A_71 = tpu.memref_squeeze %dma_start3A_70 : memref<1x125x64xbf16, #tpu.memory_space<vmem>> -> memref<125x64xbf16, #tpu.memory_space<vmem>>
    %dma_start3A_72 = arith.constant 0 : i32
    %dma_start3A_73 = tpu.memref_slice %arg8[%dma_start3A_66, %dma_start3A_72] : memref<80x125xi32, #tpu.memory_space<vmem>> -> memref<1x125xi32, #tpu.memory_space<vmem>>
    %dma_start3A_74 = tpu.memref_squeeze %dma_start3A_73 : memref<1x125xi32, #tpu.memory_space<vmem>> -> memref<125xi32, #tpu.memory_space<vmem>>
    %dma_start3A_75 = arith.constant 0 : i32
    %dma_start3A_76 = arith.constant 0 : i32
    %dma_start3A_77 = tpu.memref_slice %arg2[%dma_start3A_75, %dma_start3A_76] : memref<10000x64xbf16, #tpu.memory_space<hbm>> -> memref<10000x64xbf16, #tpu.memory_space<hbm>>
    tpu.enqueue_indirect_dma source(%dma_start3A_77 : memref<10000x64xbf16, #tpu.memory_space<hbm>>) target(%dma_start3A_71 : memref<125x64xbf16, #tpu.memory_space<vmem>>) offsets(%dma_start3A_74 : memref<125xi32, #tpu.memory_space<vmem>>) semaphore(%arg11 : memref<!tpu.dma_semaphore, #tpu.memory_space<semaphore_mem>>)
    %dma_start3A_78 = arith.constant 6 : i32
    %dma_start3A_79 = arith.constant 6 : i32
    %dma_start3A_80 = arith.constant 0 : i32
    %dma_start3A_81 = arith.constant 0 : i32
    %dma_start3A_82 = tpu.memref_slice %arg10[%dma_start3A_79, %dma_start3A_80, %dma_start3A_81] : memref<8x125x64xbf16, #tpu.memory_space<vmem>> -> memref<1x125x64xbf16, #tpu.memory_space<vmem>>
    %dma_start3A_83 = tpu.memref_squeeze %dma_start3A_82 : memref<1x125x64xbf16, #tpu.memory_space<vmem>> -> memref<125x64xbf16, #tpu.memory_space<vmem>>
    %dma_start3A_84 = arith.constant 0 : i32
    %dma_start3A_85 = tpu.memref_slice %arg8[%dma_start3A_78, %dma_start3A_84] : memref<80x125xi32, #tpu.memory_space<vmem>> -> memref<1x125xi32, #tpu.memory_space<vmem>>
    %dma_start3A_86 = tpu.memref_squeeze %dma_start3A_85 : memref<1x125xi32, #tpu.memory_space<vmem>> -> memref<125xi32, #tpu.memory_space<vmem>>
    %dma_start3A_87 = arith.constant 0 : i32
    %dma_start3A_88 = arith.constant 0 : i32
    %dma_start3A_89 = tpu.memref_slice %arg2[%dma_start3A_87, %dma_start3A_88] : memref<10000x64xbf16, #tpu.memory_space<hbm>> -> memref<10000x64xbf16, #tpu.memory_space<hbm>>
    tpu.enqueue_indirect_dma source(%dma_start3A_89 : memref<10000x64xbf16, #tpu.memory_space<hbm>>) target(%dma_start3A_83 : memref<125x64xbf16, #tpu.memory_space<vmem>>) offsets(%dma_start3A_86 : memref<125xi32, #tpu.memory_space<vmem>>) semaphore(%arg11 : memref<!tpu.dma_semaphore, #tpu.memory_space<semaphore_mem>>)
    %dma_start3A_90 = arith.constant 7 : i32
    %dma_start3A_91 = arith.constant 7 : i32
    %dma_start3A_92 = arith.constant 0 : i32
    %dma_start3A_93 = arith.constant 0 : i32
    %dma_start3A_94 = tpu.memref_slice %arg10[%dma_start3A_91, %dma_start3A_92, %dma_start3A_93] : memref<8x125x64xbf16, #tpu.memory_space<vmem>> -> memref<1x125x64xbf16, #tpu.memory_space<vmem>>
    %dma_start3A_95 = tpu.memref_squeeze %dma_start3A_94 : memref<1x125x64xbf16, #tpu.memory_space<vmem>> -> memref<125x64xbf16, #tpu.memory_space<vmem>>
    %dma_start3A_96 = arith.constant 0 : i32
    %dma_start3A_97 = tpu.memref_slice %arg8[%dma_start3A_90, %dma_start3A_96] : memref<80x125xi32, #tpu.memory_space<vmem>> -> memref<1x125xi32, #tpu.memory_space<vmem>>
    %dma_start3A_98 = tpu.memref_squeeze %dma_start3A_97 : memref<1x125xi32, #tpu.memory_space<vmem>> -> memref<125xi32, #tpu.memory_space<vmem>>
    %dma_start3A_99 = arith.constant 0 : i32
    %dma_start3A_100 = arith.constant 0 : i32
    %dma_start3A_101 = tpu.memref_slice %arg2[%dma_start3A_99, %dma_start3A_100] : memref<10000x64xbf16, #tpu.memory_space<hbm>> -> memref<10000x64xbf16, #tpu.memory_space<hbm>>
    tpu.enqueue_indirect_dma source(%dma_start3A_101 : memref<10000x64xbf16, #tpu.memory_space<hbm>>) target(%dma_start3A_95 : memref<125x64xbf16, #tpu.memory_space<vmem>>) offsets(%dma_start3A_98 : memref<125xi32, #tpu.memory_space<vmem>>) semaphore(%arg11 : memref<!tpu.dma_semaphore, #tpu.memory_space<semaphore_mem>>)
    %scan3A = arith.constant 0 : i32
    %scan3A_102 = arith.constant 0 : i32
    %scan3A_103 = arith.constant 10 : i32
    %scan3A_104 = arith.addi %scan3A_102, %scan3A_103 : i32
    %scan3A_105 = arith.constant 1 : i32
    scf.for %scan3A_162 = %scan3A_102 to %scan3A_104 step %scan3A_105  : i32 {
      %mul3A_163 = arith.constant 8 : i32
      %mul3A_164 = arith.muli %scan3A_162, %mul3A_163 : i32
      %add3A_165 = arith.constant 0 : i32
      %add3A_166 = arith.addi %mul3A_164, %add3A_165 : i32
      %dma_wait3A_167 = arith.constant 0 : i32
      %dma_wait3A_168 = arith.constant 0 : i32
      %dma_wait3A_169 = arith.constant 0 : i32
      %dma_wait3A_170 = tpu.memref_slice %arg10[%dma_wait3A_167, %dma_wait3A_168, %dma_wait3A_169] : memref<8x125x64xbf16, #tpu.memory_space<vmem>> -> memref<1x125x64xbf16, #tpu.memory_space<vmem>>
      %dma_wait3A_171 = tpu.memref_squeeze %dma_wait3A_170 : memref<1x125x64xbf16, #tpu.memory_space<vmem>> -> memref<125x64xbf16, #tpu.memory_space<vmem>>
      %dma_wait3A_172 = arith.constant 0 : i32
      %dma_wait3A_173 = tpu.memref_slice %arg8[%add3A_166, %dma_wait3A_172] : memref<80x125xi32, #tpu.memory_space<vmem>> -> memref<1x125xi32, #tpu.memory_space<vmem>>
      %dma_wait3A_174 = tpu.memref_squeeze %dma_wait3A_173 : memref<1x125xi32, #tpu.memory_space<vmem>> -> memref<125xi32, #tpu.memory_space<vmem>>
      %dma_wait3A_175 = arith.constant 0 : i32
      %dma_wait3A_176 = arith.constant 0 : i32
      %dma_wait3A_177 = tpu.memref_slice %arg2[%dma_wait3A_175, %dma_wait3A_176] : memref<10000x64xbf16, #tpu.memory_space<hbm>> -> memref<10000x64xbf16, #tpu.memory_space<hbm>>
      tpu.wait_indirect_dma semaphore(%arg11 : memref<!tpu.dma_semaphore, #tpu.memory_space<semaphore_mem>>) src(%dma_wait3A_177 : memref<10000x64xbf16, #tpu.memory_space<hbm>>) dst(%dma_wait3A_171 : memref<125x64xbf16, #tpu.memory_space<vmem>>)
      %dma_start3A_178 = arith.constant 0 : i32
      %dma_start3A_179 = arith.constant 0 : i32
      %dma_start3A_180 = arith.constant 0 : i32
      %dma_start3A_181 = tpu.memref_slice %arg10[%dma_start3A_178, %dma_start3A_179, %dma_start3A_180] : memref<8x125x64xbf16, #tpu.memory_space<vmem>> -> memref<1x125x64xbf16, #tpu.memory_space<vmem>>
      %dma_start3A_182 = tpu.memref_squeeze %dma_start3A_181 : memref<1x125x64xbf16, #tpu.memory_space<vmem>> -> memref<125x64xbf16, #tpu.memory_space<vmem>>
      %dma_start3A_183 = arith.constant 0 : i32
      %dma_start3A_184 = tpu.memref_slice %arg9[%add3A_166, %dma_start3A_183] : memref<80x125xi32, #tpu.memory_space<vmem>> -> memref<1x125xi32, #tpu.memory_space<vmem>>
      %dma_start3A_185 = tpu.memref_squeeze %dma_start3A_184 : memref<1x125xi32, #tpu.memory_space<vmem>> -> memref<125xi32, #tpu.memory_space<vmem>>
      %dma_start3A_186 = arith.constant 0 : i32
      %dma_start3A_187 = arith.constant 0 : i32
      %dma_start3A_188 = tpu.memref_slice %arg13[%dma_start3A_186, %dma_start3A_187] : memref<10000x64xbf16, #tpu.memory_space<vmem_shared>> -> memref<10000x64xbf16, #tpu.memory_space<vmem_shared>>
      tpu.enqueue_indirect_dma source(%dma_start3A_182 : memref<125x64xbf16, #tpu.memory_space<vmem>>) target(%dma_start3A_188 : memref<10000x64xbf16, #tpu.memory_space<vmem_shared>>) offsets(%dma_start3A_185 : memref<125xi32, #tpu.memory_space<vmem>>) semaphore(%arg12 : memref<!tpu.dma_semaphore, #tpu.memory_space<semaphore_mem>>) {add = true}
      %sub3A = arith.constant 4 : i32
      %sub3A_189 = arith.subi %add3A_166, %sub3A : i32
      %ge3A = arith.constant 0 : i32
      %ge3A_190 = arith.cmpi sge, %sub3A_189, %ge3A : i32
      %convert_element_type3A_191 = arith.extui %ge3A_190 : i1 to i32
      %cond3A_192 = arith.constant 0 : i32
      %cond3A_193 = arith.cmpi ne, %convert_element_type3A_191, %cond3A_192 : i32
      scf.if %cond3A_193 {
        %dma_wait3A_425 = arith.constant 4 : i32
        %dma_wait3A_426 = arith.constant 0 : i32
        %dma_wait3A_427 = arith.constant 0 : i32
        %dma_wait3A_428 = tpu.memref_slice %arg10[%dma_wait3A_425, %dma_wait3A_426, %dma_wait3A_427] : memref<8x125x64xbf16, #tpu.memory_space<vmem>> -> memref<1x125x64xbf16, #tpu.memory_space<vmem>>
        %dma_wait3A_429 = tpu.memref_squeeze %dma_wait3A_428 : memref<1x125x64xbf16, #tpu.memory_space<vmem>> -> memref<125x64xbf16, #tpu.memory_space<vmem>>
        %dma_wait3A_430 = arith.constant 0 : i32
        %dma_wait3A_431 = tpu.memref_slice %arg9[%sub3A_189, %dma_wait3A_430] : memref<80x125xi32, #tpu.memory_space<vmem>> -> memref<1x125xi32, #tpu.memory_space<vmem>>
        %dma_wait3A_432 = tpu.memref_squeeze %dma_wait3A_431 : memref<1x125xi32, #tpu.memory_space<vmem>> -> memref<125xi32, #tpu.memory_space<vmem>>
        %dma_wait3A_433 = arith.constant 0 : i32
        %dma_wait3A_434 = arith.constant 0 : i32
        %dma_wait3A_435 = tpu.memref_slice %arg13[%dma_wait3A_433, %dma_wait3A_434] : memref<10000x64xbf16, #tpu.memory_space<vmem_shared>> -> memref<10000x64xbf16, #tpu.memory_space<vmem_shared>>
        tpu.wait_indirect_dma semaphore(%arg12 : memref<!tpu.dma_semaphore, #tpu.memory_space<semaphore_mem>>) src(%dma_wait3A_429 : memref<125x64xbf16, #tpu.memory_space<vmem>>) dst(%dma_wait3A_435 : memref<10000x64xbf16, #tpu.memory_space<vmem_shared>>)
        %add3A_436 = arith.constant 8 : i32
        %add3A_437 = arith.addi %sub3A_189, %add3A_436 : i32
        %lt3A = arith.constant 80 : i32
        %lt3A_438 = arith.cmpi slt, %add3A_437, %lt3A : i32
        %convert_element_type3A_439 = arith.extui %lt3A_438 : i1 to i32
        %cond3A_440 = arith.constant 0 : i32
        %cond3A_441 = arith.cmpi ne, %convert_element_type3A_439, %cond3A_440 : i32
        scf.if %cond3A_441 {
          %add3A_442 = arith.constant 8 : i32
          %add3A_443 = arith.addi %sub3A_189, %add3A_442 : i32
          %dma_start3A_444 = arith.constant 4 : i32
          %dma_start3A_445 = arith.constant 0 : i32
          %dma_start3A_446 = arith.constant 0 : i32
          %dma_start3A_447 = tpu.memref_slice %arg10[%dma_start3A_444, %dma_start3A_445, %dma_start3A_446] : memref<8x125x64xbf16, #tpu.memory_space<vmem>> -> memref<1x125x64xbf16, #tpu.memory_space<vmem>>
          %dma_start3A_448 = tpu.memref_squeeze %dma_start3A_447 : memref<1x125x64xbf16, #tpu.memory_space<vmem>> -> memref<125x64xbf16, #tpu.memory_space<vmem>>
          %dma_start3A_449 = arith.constant 0 : i32
          %dma_start3A_450 = tpu.memref_slice %arg8[%add3A_443, %dma_start3A_449] : memref<80x125xi32, #tpu.memory_space<vmem>> -> memref<1x125xi32, #tpu.memory_space<vmem>>
          %dma_start3A_451 = tpu.memref_squeeze %dma_start3A_450 : memref<1x125xi32, #tpu.memory_space<vmem>> -> memref<125xi32, #tpu.memory_space<vmem>>
          %dma_start3A_452 = arith.constant 0 : i32
          %dma_start3A_453 = arith.constant 0 : i32
          %dma_start3A_454 = tpu.memref_slice %arg2[%dma_start3A_452, %dma_start3A_453] : memref<10000x64xbf16, #tpu.memory_space<hbm>> -> memref<10000x64xbf16, #tpu.memory_space<hbm>>
          tpu.enqueue_indirect_dma source(%dma_start3A_454 : memref<10000x64xbf16, #tpu.memory_space<hbm>>) target(%dma_start3A_448 : memref<125x64xbf16, #tpu.memory_space<vmem>>) offsets(%dma_start3A_451 : memref<125xi32, #tpu.memory_space<vmem>>) semaphore(%arg11 : memref<!tpu.dma_semaphore, #tpu.memory_space<semaphore_mem>>)
        } else {
        }
      } else {
      }
      %mul3A_194 = arith.constant 8 : i32
      %mul3A_195 = arith.muli %scan3A_162, %mul3A_194 : i32
      %add3A_196 = arith.constant 1 : i32
      %add3A_197 = arith.addi %mul3A_195, %add3A_196 : i32
      %dma_wait3A_198 = arith.constant 1 : i32
      %dma_wait3A_199 = arith.constant 0 : i32
      %dma_wait3A_200 = arith.constant 0 : i32
      %dma_wait3A_201 = tpu.memref_slice %arg10[%dma_wait3A_198, %dma_wait3A_199, %dma_wait3A_200] : memref<8x125x64xbf16, #tpu.memory_space<vmem>> -> memref<1x125x64xbf16, #tpu.memory_space<vmem>>
      %dma_wait3A_202 = tpu.memref_squeeze %dma_wait3A_201 : memref<1x125x64xbf16, #tpu.memory_space<vmem>> -> memref<125x64xbf16, #tpu.memory_space<vmem>>
      %dma_wait3A_203 = arith.constant 0 : i32
      %dma_wait3A_204 = tpu.memref_slice %arg8[%add3A_197, %dma_wait3A_203] : memref<80x125xi32, #tpu.memory_space<vmem>> -> memref<1x125xi32, #tpu.memory_space<vmem>>
      %dma_wait3A_205 = tpu.memref_squeeze %dma_wait3A_204 : memref<1x125xi32, #tpu.memory_space<vmem>> -> memref<125xi32, #tpu.memory_space<vmem>>
      %dma_wait3A_206 = arith.constant 0 : i32
      %dma_wait3A_207 = arith.constant 0 : i32
      %dma_wait3A_208 = tpu.memref_slice %arg2[%dma_wait3A_206, %dma_wait3A_207] : memref<10000x64xbf16, #tpu.memory_space<hbm>> -> memref<10000x64xbf16, #tpu.memory_space<hbm>>
      tpu.wait_indirect_dma semaphore(%arg11 : memref<!tpu.dma_semaphore, #tpu.memory_space<semaphore_mem>>) src(%dma_wait3A_208 : memref<10000x64xbf16, #tpu.memory_space<hbm>>) dst(%dma_wait3A_202 : memref<125x64xbf16, #tpu.memory_space<vmem>>)
      %dma_start3A_209 = arith.constant 1 : i32
      %dma_start3A_210 = arith.constant 0 : i32
      %dma_start3A_211 = arith.constant 0 : i32
      %dma_start3A_212 = tpu.memref_slice %arg10[%dma_start3A_209, %dma_start3A_210, %dma_start3A_211] : memref<8x125x64xbf16, #tpu.memory_space<vmem>> -> memref<1x125x64xbf16, #tpu.memory_space<vmem>>
      %dma_start3A_213 = tpu.memref_squeeze %dma_start3A_212 : memref<1x125x64xbf16, #tpu.memory_space<vmem>> -> memref<125x64xbf16, #tpu.memory_space<vmem>>
      %dma_start3A_214 = arith.constant 0 : i32
      %dma_start3A_215 = tpu.memref_slice %arg9[%add3A_197, %dma_start3A_214] : memref<80x125xi32, #tpu.memory_space<vmem>> -> memref<1x125xi32, #tpu.memory_space<vmem>>
      %dma_start3A_216 = tpu.memref_squeeze %dma_start3A_215 : memref<1x125xi32, #tpu.memory_space<vmem>> -> memref<125xi32, #tpu.memory_space<vmem>>
      %dma_start3A_217 = arith.constant 0 : i32
      %dma_start3A_218 = arith.constant 0 : i32
      %dma_start3A_219 = tpu.memref_slice %arg13[%dma_start3A_217, %dma_start3A_218] : memref<10000x64xbf16, #tpu.memory_space<vmem_shared>> -> memref<10000x64xbf16, #tpu.memory_space<vmem_shared>>
      tpu.enqueue_indirect_dma source(%dma_start3A_213 : memref<125x64xbf16, #tpu.memory_space<vmem>>) target(%dma_start3A_219 : memref<10000x64xbf16, #tpu.memory_space<vmem_shared>>) offsets(%dma_start3A_216 : memref<125xi32, #tpu.memory_space<vmem>>) semaphore(%arg12 : memref<!tpu.dma_semaphore, #tpu.memory_space<semaphore_mem>>) {add = true}
      %sub3A_220 = arith.constant 4 : i32
      %sub3A_221 = arith.subi %add3A_197, %sub3A_220 : i32
      %ge3A_222 = arith.constant 0 : i32
      %ge3A_223 = arith.cmpi sge, %sub3A_221, %ge3A_222 : i32
      %convert_element_type3A_224 = arith.extui %ge3A_223 : i1 to i32
      %cond3A_225 = arith.constant 0 : i32
      %cond3A_226 = arith.cmpi ne, %convert_element_type3A_224, %cond3A_225 : i32
      scf.if %cond3A_226 {
        %dma_wait3A_425 = arith.constant 5 : i32
        %dma_wait3A_426 = arith.constant 0 : i32
        %dma_wait3A_427 = arith.constant 0 : i32
        %dma_wait3A_428 = tpu.memref_slice %arg10[%dma_wait3A_425, %dma_wait3A_426, %dma_wait3A_427] : memref<8x125x64xbf16, #tpu.memory_space<vmem>> -> memref<1x125x64xbf16, #tpu.memory_space<vmem>>
        %dma_wait3A_429 = tpu.memref_squeeze %dma_wait3A_428 : memref<1x125x64xbf16, #tpu.memory_space<vmem>> -> memref<125x64xbf16, #tpu.memory_space<vmem>>
        %dma_wait3A_430 = arith.constant 0 : i32
        %dma_wait3A_431 = tpu.memref_slice %arg9[%sub3A_221, %dma_wait3A_430] : memref<80x125xi32, #tpu.memory_space<vmem>> -> memref<1x125xi32, #tpu.memory_space<vmem>>
        %dma_wait3A_432 = tpu.memref_squeeze %dma_wait3A_431 : memref<1x125xi32, #tpu.memory_space<vmem>> -> memref<125xi32, #tpu.memory_space<vmem>>
        %dma_wait3A_433 = arith.constant 0 : i32
        %dma_wait3A_434 = arith.constant 0 : i32
        %dma_wait3A_435 = tpu.memref_slice %arg13[%dma_wait3A_433, %dma_wait3A_434] : memref<10000x64xbf16, #tpu.memory_space<vmem_shared>> -> memref<10000x64xbf16, #tpu.memory_space<vmem_shared>>
        tpu.wait_indirect_dma semaphore(%arg12 : memref<!tpu.dma_semaphore, #tpu.memory_space<semaphore_mem>>) src(%dma_wait3A_429 : memref<125x64xbf16, #tpu.memory_space<vmem>>) dst(%dma_wait3A_435 : memref<10000x64xbf16, #tpu.memory_space<vmem_shared>>)
        %add3A_436 = arith.constant 8 : i32
        %add3A_437 = arith.addi %sub3A_221, %add3A_436 : i32
        %lt3A = arith.constant 80 : i32
        %lt3A_438 = arith.cmpi slt, %add3A_437, %lt3A : i32
        %convert_element_type3A_439 = arith.extui %lt3A_438 : i1 to i32
        %cond3A_440 = arith.constant 0 : i32
        %cond3A_441 = arith.cmpi ne, %convert_element_type3A_439, %cond3A_440 : i32
        scf.if %cond3A_441 {
          %add3A_442 = arith.constant 8 : i32
          %add3A_443 = arith.addi %sub3A_221, %add3A_442 : i32
          %dma_start3A_444 = arith.constant 5 : i32
          %dma_start3A_445 = arith.constant 0 : i32
          %dma_start3A_446 = arith.constant 0 : i32
          %dma_start3A_447 = tpu.memref_slice %arg10[%dma_start3A_444, %dma_start3A_445, %dma_start3A_446] : memref<8x125x64xbf16, #tpu.memory_space<vmem>> -> memref<1x125x64xbf16, #tpu.memory_space<vmem>>
          %dma_start3A_448 = tpu.memref_squeeze %dma_start3A_447 : memref<1x125x64xbf16, #tpu.memory_space<vmem>> -> memref<125x64xbf16, #tpu.memory_space<vmem>>
          %dma_start3A_449 = arith.constant 0 : i32
          %dma_start3A_450 = tpu.memref_slice %arg8[%add3A_443, %dma_start3A_449] : memref<80x125xi32, #tpu.memory_space<vmem>> -> memref<1x125xi32, #tpu.memory_space<vmem>>
          %dma_start3A_451 = tpu.memref_squeeze %dma_start3A_450 : memref<1x125xi32, #tpu.memory_space<vmem>> -> memref<125xi32, #tpu.memory_space<vmem>>
          %dma_start3A_452 = arith.constant 0 : i32
          %dma_start3A_453 = arith.constant 0 : i32
          %dma_start3A_454 = tpu.memref_slice %arg2[%dma_start3A_452, %dma_start3A_453] : memref<10000x64xbf16, #tpu.memory_space<hbm>> -> memref<10000x64xbf16, #tpu.memory_space<hbm>>
          tpu.enqueue_indirect_dma source(%dma_start3A_454 : memref<10000x64xbf16, #tpu.memory_space<hbm>>) target(%dma_start3A_448 : memref<125x64xbf16, #tpu.memory_space<vmem>>) offsets(%dma_start3A_451 : memref<125xi32, #tpu.memory_space<vmem>>) semaphore(%arg11 : memref<!tpu.dma_semaphore, #tpu.memory_space<semaphore_mem>>)
        } else {
        }
      } else {
      }
      %mul3A_227 = arith.constant 8 : i32
      %mul3A_228 = arith.muli %scan3A_162, %mul3A_227 : i32
      %add3A_229 = arith.constant 2 : i32
      %add3A_230 = arith.addi %mul3A_228, %add3A_229 : i32
      %dma_wait3A_231 = arith.constant 2 : i32
      %dma_wait3A_232 = arith.constant 0 : i32
      %dma_wait3A_233 = arith.constant 0 : i32
      %dma_wait3A_234 = tpu.memref_slice %arg10[%dma_wait3A_231, %dma_wait3A_232, %dma_wait3A_233] : memref<8x125x64xbf16, #tpu.memory_space<vmem>> -> memref<1x125x64xbf16, #tpu.memory_space<vmem>>
      %dma_wait3A_235 = tpu.memref_squeeze %dma_wait3A_234 : memref<1x125x64xbf16, #tpu.memory_space<vmem>> -> memref<125x64xbf16, #tpu.memory_space<vmem>>
      %dma_wait3A_236 = arith.constant 0 : i32
      %dma_wait3A_237 = tpu.memref_slice %arg8[%add3A_230, %dma_wait3A_236] : memref<80x125xi32, #tpu.memory_space<vmem>> -> memref<1x125xi32, #tpu.memory_space<vmem>>
      %dma_wait3A_238 = tpu.memref_squeeze %dma_wait3A_237 : memref<1x125xi32, #tpu.memory_space<vmem>> -> memref<125xi32, #tpu.memory_space<vmem>>
      %dma_wait3A_239 = arith.constant 0 : i32
      %dma_wait3A_240 = arith.constant 0 : i32
      %dma_wait3A_241 = tpu.memref_slice %arg2[%dma_wait3A_239, %dma_wait3A_240] : memref<10000x64xbf16, #tpu.memory_space<hbm>> -> memref<10000x64xbf16, #tpu.memory_space<hbm>>
      tpu.wait_indirect_dma semaphore(%arg11 : memref<!tpu.dma_semaphore, #tpu.memory_space<semaphore_mem>>) src(%dma_wait3A_241 : memref<10000x64xbf16, #tpu.memory_space<hbm>>) dst(%dma_wait3A_235 : memref<125x64xbf16, #tpu.memory_space<vmem>>)
      %dma_start3A_242 = arith.constant 2 : i32
      %dma_start3A_243 = arith.constant 0 : i32
      %dma_start3A_244 = arith.constant 0 : i32
      %dma_start3A_245 = tpu.memref_slice %arg10[%dma_start3A_242, %dma_start3A_243, %dma_start3A_244] : memref<8x125x64xbf16, #tpu.memory_space<vmem>> -> memref<1x125x64xbf16, #tpu.memory_space<vmem>>
      %dma_start3A_246 = tpu.memref_squeeze %dma_start3A_245 : memref<1x125x64xbf16, #tpu.memory_space<vmem>> -> memref<125x64xbf16, #tpu.memory_space<vmem>>
      %dma_start3A_247 = arith.constant 0 : i32
      %dma_start3A_248 = tpu.memref_slice %arg9[%add3A_230, %dma_start3A_247] : memref<80x125xi32, #tpu.memory_space<vmem>> -> memref<1x125xi32, #tpu.memory_space<vmem>>
      %dma_start3A_249 = tpu.memref_squeeze %dma_start3A_248 : memref<1x125xi32, #tpu.memory_space<vmem>> -> memref<125xi32, #tpu.memory_space<vmem>>
      %dma_start3A_250 = arith.constant 0 : i32
      %dma_start3A_251 = arith.constant 0 : i32
      %dma_start3A_252 = tpu.memref_slice %arg13[%dma_start3A_250, %dma_start3A_251] : memref<10000x64xbf16, #tpu.memory_space<vmem_shared>> -> memref<10000x64xbf16, #tpu.memory_space<vmem_shared>>
      tpu.enqueue_indirect_dma source(%dma_start3A_246 : memref<125x64xbf16, #tpu.memory_space<vmem>>) target(%dma_start3A_252 : memref<10000x64xbf16, #tpu.memory_space<vmem_shared>>) offsets(%dma_start3A_249 : memref<125xi32, #tpu.memory_space<vmem>>) semaphore(%arg12 : memref<!tpu.dma_semaphore, #tpu.memory_space<semaphore_mem>>) {add = true}
      %sub3A_253 = arith.constant 4 : i32
      %sub3A_254 = arith.subi %add3A_230, %sub3A_253 : i32
      %ge3A_255 = arith.constant 0 : i32
      %ge3A_256 = arith.cmpi sge, %sub3A_254, %ge3A_255 : i32
      %convert_element_type3A_257 = arith.extui %ge3A_256 : i1 to i32
      %cond3A_258 = arith.constant 0 : i32
      %cond3A_259 = arith.cmpi ne, %convert_element_type3A_257, %cond3A_258 : i32
      scf.if %cond3A_259 {
        %dma_wait3A_425 = arith.constant 6 : i32
        %dma_wait3A_426 = arith.constant 0 : i32
        %dma_wait3A_427 = arith.constant 0 : i32
        %dma_wait3A_428 = tpu.memref_slice %arg10[%dma_wait3A_425, %dma_wait3A_426, %dma_wait3A_427] : memref<8x125x64xbf16, #tpu.memory_space<vmem>> -> memref<1x125x64xbf16, #tpu.memory_space<vmem>>
        %dma_wait3A_429 = tpu.memref_squeeze %dma_wait3A_428 : memref<1x125x64xbf16, #tpu.memory_space<vmem>> -> memref<125x64xbf16, #tpu.memory_space<vmem>>
        %dma_wait3A_430 = arith.constant 0 : i32
        %dma_wait3A_431 = tpu.memref_slice %arg9[%sub3A_254, %dma_wait3A_430] : memref<80x125xi32, #tpu.memory_space<vmem>> -> memref<1x125xi32, #tpu.memory_space<vmem>>
        %dma_wait3A_432 = tpu.memref_squeeze %dma_wait3A_431 : memref<1x125xi32, #tpu.memory_space<vmem>> -> memref<125xi32, #tpu.memory_space<vmem>>
        %dma_wait3A_433 = arith.constant 0 : i32
        %dma_wait3A_434 = arith.constant 0 : i32
        %dma_wait3A_435 = tpu.memref_slice %arg13[%dma_wait3A_433, %dma_wait3A_434] : memref<10000x64xbf16, #tpu.memory_space<vmem_shared>> -> memref<10000x64xbf16, #tpu.memory_space<vmem_shared>>
        tpu.wait_indirect_dma semaphore(%arg12 : memref<!tpu.dma_semaphore, #tpu.memory_space<semaphore_mem>>) src(%dma_wait3A_429 : memref<125x64xbf16, #tpu.memory_space<vmem>>) dst(%dma_wait3A_435 : memref<10000x64xbf16, #tpu.memory_space<vmem_shared>>)
        %add3A_436 = arith.constant 8 : i32
        %add3A_437 = arith.addi %sub3A_254, %add3A_436 : i32
        %lt3A = arith.constant 80 : i32
        %lt3A_438 = arith.cmpi slt, %add3A_437, %lt3A : i32
        %convert_element_type3A_439 = arith.extui %lt3A_438 : i1 to i32
        %cond3A_440 = arith.constant 0 : i32
        %cond3A_441 = arith.cmpi ne, %convert_element_type3A_439, %cond3A_440 : i32
        scf.if %cond3A_441 {
          %add3A_442 = arith.constant 8 : i32
          %add3A_443 = arith.addi %sub3A_254, %add3A_442 : i32
          %dma_start3A_444 = arith.constant 6 : i32
          %dma_start3A_445 = arith.constant 0 : i32
          %dma_start3A_446 = arith.constant 0 : i32
          %dma_start3A_447 = tpu.memref_slice %arg10[%dma_start3A_444, %dma_start3A_445, %dma_start3A_446] : memref<8x125x64xbf16, #tpu.memory_space<vmem>> -> memref<1x125x64xbf16, #tpu.memory_space<vmem>>
          %dma_start3A_448 = tpu.memref_squeeze %dma_start3A_447 : memref<1x125x64xbf16, #tpu.memory_space<vmem>> -> memref<125x64xbf16, #tpu.memory_space<vmem>>
          %dma_start3A_449 = arith.constant 0 : i32
          %dma_start3A_450 = tpu.memref_slice %arg8[%add3A_443, %dma_start3A_449] : memref<80x125xi32, #tpu.memory_space<vmem>> -> memref<1x125xi32, #tpu.memory_space<vmem>>
          %dma_start3A_451 = tpu.memref_squeeze %dma_start3A_450 : memref<1x125xi32, #tpu.memory_space<vmem>> -> memref<125xi32, #tpu.memory_space<vmem>>
          %dma_start3A_452 = arith.constant 0 : i32
          %dma_start3A_453 = arith.constant 0 : i32
          %dma_start3A_454 = tpu.memref_slice %arg2[%dma_start3A_452, %dma_start3A_453] : memref<10000x64xbf16, #tpu.memory_space<hbm>> -> memref<10000x64xbf16, #tpu.memory_space<hbm>>
          tpu.enqueue_indirect_dma source(%dma_start3A_454 : memref<10000x64xbf16, #tpu.memory_space<hbm>>) target(%dma_start3A_448 : memref<125x64xbf16, #tpu.memory_space<vmem>>) offsets(%dma_start3A_451 : memref<125xi32, #tpu.memory_space<vmem>>) semaphore(%arg11 : memref<!tpu.dma_semaphore, #tpu.memory_space<semaphore_mem>>)
        } else {
        }
      } else {
      }
      %mul3A_260 = arith.constant 8 : i32
      %mul3A_261 = arith.muli %scan3A_162, %mul3A_260 : i32
      %add3A_262 = arith.constant 3 : i32
      %add3A_263 = arith.addi %mul3A_261, %add3A_262 : i32
      %dma_wait3A_264 = arith.constant 3 : i32
      %dma_wait3A_265 = arith.constant 0 : i32
      %dma_wait3A_266 = arith.constant 0 : i32
      %dma_wait3A_267 = tpu.memref_slice %arg10[%dma_wait3A_264, %dma_wait3A_265, %dma_wait3A_266] : memref<8x125x64xbf16, #tpu.memory_space<vmem>> -> memref<1x125x64xbf16, #tpu.memory_space<vmem>>
      %dma_wait3A_268 = tpu.memref_squeeze %dma_wait3A_267 : memref<1x125x64xbf16, #tpu.memory_space<vmem>> -> memref<125x64xbf16, #tpu.memory_space<vmem>>
      %dma_wait3A_269 = arith.constant 0 : i32
      %dma_wait3A_270 = tpu.memref_slice %arg8[%add3A_263, %dma_wait3A_269] : memref<80x125xi32, #tpu.memory_space<vmem>> -> memref<1x125xi32, #tpu.memory_space<vmem>>
      %dma_wait3A_271 = tpu.memref_squeeze %dma_wait3A_270 : memref<1x125xi32, #tpu.memory_space<vmem>> -> memref<125xi32, #tpu.memory_space<vmem>>
      %dma_wait3A_272 = arith.constant 0 : i32
      %dma_wait3A_273 = arith.constant 0 : i32
      %dma_wait3A_274 = tpu.memref_slice %arg2[%dma_wait3A_272, %dma_wait3A_273] : memref<10000x64xbf16, #tpu.memory_space<hbm>> -> memref<10000x64xbf16, #tpu.memory_space<hbm>>
      tpu.wait_indirect_dma semaphore(%arg11 : memref<!tpu.dma_semaphore, #tpu.memory_space<semaphore_mem>>) src(%dma_wait3A_274 : memref<10000x64xbf16, #tpu.memory_space<hbm>>) dst(%dma_wait3A_268 : memref<125x64xbf16, #tpu.memory_space<vmem>>)
      %dma_start3A_275 = arith.constant 3 : i32
      %dma_start3A_276 = arith.constant 0 : i32
      %dma_start3A_277 = arith.constant 0 : i32
      %dma_start3A_278 = tpu.memref_slice %arg10[%dma_start3A_275, %dma_start3A_276, %dma_start3A_277] : memref<8x125x64xbf16, #tpu.memory_space<vmem>> -> memref<1x125x64xbf16, #tpu.memory_space<vmem>>
      %dma_start3A_279 = tpu.memref_squeeze %dma_start3A_278 : memref<1x125x64xbf16, #tpu.memory_space<vmem>> -> memref<125x64xbf16, #tpu.memory_space<vmem>>
      %dma_start3A_280 = arith.constant 0 : i32
      %dma_start3A_281 = tpu.memref_slice %arg9[%add3A_263, %dma_start3A_280] : memref<80x125xi32, #tpu.memory_space<vmem>> -> memref<1x125xi32, #tpu.memory_space<vmem>>
      %dma_start3A_282 = tpu.memref_squeeze %dma_start3A_281 : memref<1x125xi32, #tpu.memory_space<vmem>> -> memref<125xi32, #tpu.memory_space<vmem>>
      %dma_start3A_283 = arith.constant 0 : i32
      %dma_start3A_284 = arith.constant 0 : i32
      %dma_start3A_285 = tpu.memref_slice %arg13[%dma_start3A_283, %dma_start3A_284] : memref<10000x64xbf16, #tpu.memory_space<vmem_shared>> -> memref<10000x64xbf16, #tpu.memory_space<vmem_shared>>
      tpu.enqueue_indirect_dma source(%dma_start3A_279 : memref<125x64xbf16, #tpu.memory_space<vmem>>) target(%dma_start3A_285 : memref<10000x64xbf16, #tpu.memory_space<vmem_shared>>) offsets(%dma_start3A_282 : memref<125xi32, #tpu.memory_space<vmem>>) semaphore(%arg12 : memref<!tpu.dma_semaphore, #tpu.memory_space<semaphore_mem>>) {add = true}
      %sub3A_286 = arith.constant 4 : i32
      %sub3A_287 = arith.subi %add3A_263, %sub3A_286 : i32
      %ge3A_288 = arith.constant 0 : i32
      %ge3A_289 = arith.cmpi sge, %sub3A_287, %ge3A_288 : i32
      %convert_element_type3A_290 = arith.extui %ge3A_289 : i1 to i32
      %cond3A_291 = arith.constant 0 : i32
      %cond3A_292 = arith.cmpi ne, %convert_element_type3A_290, %cond3A_291 : i32
      scf.if %cond3A_292 {
        %dma_wait3A_425 = arith.constant 7 : i32
        %dma_wait3A_426 = arith.constant 0 : i32
        %dma_wait3A_427 = arith.constant 0 : i32
        %dma_wait3A_428 = tpu.memref_slice %arg10[%dma_wait3A_425, %dma_wait3A_426, %dma_wait3A_427] : memref<8x125x64xbf16, #tpu.memory_space<vmem>> -> memref<1x125x64xbf16, #tpu.memory_space<vmem>>
        %dma_wait3A_429 = tpu.memref_squeeze %dma_wait3A_428 : memref<1x125x64xbf16, #tpu.memory_space<vmem>> -> memref<125x64xbf16, #tpu.memory_space<vmem>>
        %dma_wait3A_430 = arith.constant 0 : i32
        %dma_wait3A_431 = tpu.memref_slice %arg9[%sub3A_287, %dma_wait3A_430] : memref<80x125xi32, #tpu.memory_space<vmem>> -> memref<1x125xi32, #tpu.memory_space<vmem>>
        %dma_wait3A_432 = tpu.memref_squeeze %dma_wait3A_431 : memref<1x125xi32, #tpu.memory_space<vmem>> -> memref<125xi32, #tpu.memory_space<vmem>>
        %dma_wait3A_433 = arith.constant 0 : i32
        %dma_wait3A_434 = arith.constant 0 : i32
        %dma_wait3A_435 = tpu.memref_slice %arg13[%dma_wait3A_433, %dma_wait3A_434] : memref<10000x64xbf16, #tpu.memory_space<vmem_shared>> -> memref<10000x64xbf16, #tpu.memory_space<vmem_shared>>
        tpu.wait_indirect_dma semaphore(%arg12 : memref<!tpu.dma_semaphore, #tpu.memory_space<semaphore_mem>>) src(%dma_wait3A_429 : memref<125x64xbf16, #tpu.memory_space<vmem>>) dst(%dma_wait3A_435 : memref<10000x64xbf16, #tpu.memory_space<vmem_shared>>)
        %add3A_436 = arith.constant 8 : i32
        %add3A_437 = arith.addi %sub3A_287, %add3A_436 : i32
        %lt3A = arith.constant 80 : i32
        %lt3A_438 = arith.cmpi slt, %add3A_437, %lt3A : i32
        %convert_element_type3A_439 = arith.extui %lt3A_438 : i1 to i32
        %cond3A_440 = arith.constant 0 : i32
        %cond3A_441 = arith.cmpi ne, %convert_element_type3A_439, %cond3A_440 : i32
        scf.if %cond3A_441 {
          %add3A_442 = arith.constant 8 : i32
          %add3A_443 = arith.addi %sub3A_287, %add3A_442 : i32
          %dma_start3A_444 = arith.constant 7 : i32
          %dma_start3A_445 = arith.constant 0 : i32
          %dma_start3A_446 = arith.constant 0 : i32
          %dma_start3A_447 = tpu.memref_slice %arg10[%dma_start3A_444, %dma_start3A_445, %dma_start3A_446] : memref<8x125x64xbf16, #tpu.memory_space<vmem>> -> memref<1x125x64xbf16, #tpu.memory_space<vmem>>
          %dma_start3A_448 = tpu.memref_squeeze %dma_start3A_447 : memref<1x125x64xbf16, #tpu.memory_space<vmem>> -> memref<125x64xbf16, #tpu.memory_space<vmem>>
          %dma_start3A_449 = arith.constant 0 : i32
          %dma_start3A_450 = tpu.memref_slice %arg8[%add3A_443, %dma_start3A_449] : memref<80x125xi32, #tpu.memory_space<vmem>> -> memref<1x125xi32, #tpu.memory_space<vmem>>
          %dma_start3A_451 = tpu.memref_squeeze %dma_start3A_450 : memref<1x125xi32, #tpu.memory_space<vmem>> -> memref<125xi32, #tpu.memory_space<vmem>>
          %dma_start3A_452 = arith.constant 0 : i32
          %dma_start3A_453 = arith.constant 0 : i32
          %dma_start3A_454 = tpu.memref_slice %arg2[%dma_start3A_452, %dma_start3A_453] : memref<10000x64xbf16, #tpu.memory_space<hbm>> -> memref<10000x64xbf16, #tpu.memory_space<hbm>>
          tpu.enqueue_indirect_dma source(%dma_start3A_454 : memref<10000x64xbf16, #tpu.memory_space<hbm>>) target(%dma_start3A_448 : memref<125x64xbf16, #tpu.memory_space<vmem>>) offsets(%dma_start3A_451 : memref<125xi32, #tpu.memory_space<vmem>>) semaphore(%arg11 : memref<!tpu.dma_semaphore, #tpu.memory_space<semaphore_mem>>)
        } else {
        }
      } else {
      }
      %mul3A_293 = arith.constant 8 : i32
      %mul3A_294 = arith.muli %scan3A_162, %mul3A_293 : i32
      %add3A_295 = arith.constant 4 : i32
      %add3A_296 = arith.addi %mul3A_294, %add3A_295 : i32
      %dma_wait3A_297 = arith.constant 4 : i32
      %dma_wait3A_298 = arith.constant 0 : i32
      %dma_wait3A_299 = arith.constant 0 : i32
      %dma_wait3A_300 = tpu.memref_slice %arg10[%dma_wait3A_297, %dma_wait3A_298, %dma_wait3A_299] : memref<8x125x64xbf16, #tpu.memory_space<vmem>> -> memref<1x125x64xbf16, #tpu.memory_space<vmem>>
      %dma_wait3A_301 = tpu.memref_squeeze %dma_wait3A_300 : memref<1x125x64xbf16, #tpu.memory_space<vmem>> -> memref<125x64xbf16, #tpu.memory_space<vmem>>
      %dma_wait3A_302 = arith.constant 0 : i32
      %dma_wait3A_303 = tpu.memref_slice %arg8[%add3A_296, %dma_wait3A_302] : memref<80x125xi32, #tpu.memory_space<vmem>> -> memref<1x125xi32, #tpu.memory_space<vmem>>
      %dma_wait3A_304 = tpu.memref_squeeze %dma_wait3A_303 : memref<1x125xi32, #tpu.memory_space<vmem>> -> memref<125xi32, #tpu.memory_space<vmem>>
      %dma_wait3A_305 = arith.constant 0 : i32
      %dma_wait3A_306 = arith.constant 0 : i32
      %dma_wait3A_307 = tpu.memref_slice %arg2[%dma_wait3A_305, %dma_wait3A_306] : memref<10000x64xbf16, #tpu.memory_space<hbm>> -> memref<10000x64xbf16, #tpu.memory_space<hbm>>
      tpu.wait_indirect_dma semaphore(%arg11 : memref<!tpu.dma_semaphore, #tpu.memory_space<semaphore_mem>>) src(%dma_wait3A_307 : memref<10000x64xbf16, #tpu.memory_space<hbm>>) dst(%dma_wait3A_301 : memref<125x64xbf16, #tpu.memory_space<vmem>>)
      %dma_start3A_308 = arith.constant 4 : i32
      %dma_start3A_309 = arith.constant 0 : i32
      %dma_start3A_310 = arith.constant 0 : i32
      %dma_start3A_311 = tpu.memref_slice %arg10[%dma_start3A_308, %dma_start3A_309, %dma_start3A_310] : memref<8x125x64xbf16, #tpu.memory_space<vmem>> -> memref<1x125x64xbf16, #tpu.memory_space<vmem>>
      %dma_start3A_312 = tpu.memref_squeeze %dma_start3A_311 : memref<1x125x64xbf16, #tpu.memory_space<vmem>> -> memref<125x64xbf16, #tpu.memory_space<vmem>>
      %dma_start3A_313 = arith.constant 0 : i32
      %dma_start3A_314 = tpu.memref_slice %arg9[%add3A_296, %dma_start3A_313] : memref<80x125xi32, #tpu.memory_space<vmem>> -> memref<1x125xi32, #tpu.memory_space<vmem>>
      %dma_start3A_315 = tpu.memref_squeeze %dma_start3A_314 : memref<1x125xi32, #tpu.memory_space<vmem>> -> memref<125xi32, #tpu.memory_space<vmem>>
      %dma_start3A_316 = arith.constant 0 : i32
      %dma_start3A_317 = arith.constant 0 : i32
      %dma_start3A_318 = tpu.memref_slice %arg13[%dma_start3A_316, %dma_start3A_317] : memref<10000x64xbf16, #tpu.memory_space<vmem_shared>> -> memref<10000x64xbf16, #tpu.memory_space<vmem_shared>>
      tpu.enqueue_indirect_dma source(%dma_start3A_312 : memref<125x64xbf16, #tpu.memory_space<vmem>>) target(%dma_start3A_318 : memref<10000x64xbf16, #tpu.memory_space<vmem_shared>>) offsets(%dma_start3A_315 : memref<125xi32, #tpu.memory_space<vmem>>) semaphore(%arg12 : memref<!tpu.dma_semaphore, #tpu.memory_space<semaphore_mem>>) {add = true}
      %sub3A_319 = arith.constant 4 : i32
      %sub3A_320 = arith.subi %add3A_296, %sub3A_319 : i32
      %ge3A_321 = arith.constant 0 : i32
      %ge3A_322 = arith.cmpi sge, %sub3A_320, %ge3A_321 : i32
      %convert_element_type3A_323 = arith.extui %ge3A_322 : i1 to i32
      %cond3A_324 = arith.constant 0 : i32
      %cond3A_325 = arith.cmpi ne, %convert_element_type3A_323, %cond3A_324 : i32
      scf.if %cond3A_325 {
        %dma_wait3A_425 = arith.constant 0 : i32
        %dma_wait3A_426 = arith.constant 0 : i32
        %dma_wait3A_427 = arith.constant 0 : i32
        %dma_wait3A_428 = tpu.memref_slice %arg10[%dma_wait3A_425, %dma_wait3A_426, %dma_wait3A_427] : memref<8x125x64xbf16, #tpu.memory_space<vmem>> -> memref<1x125x64xbf16, #tpu.memory_space<vmem>>
        %dma_wait3A_429 = tpu.memref_squeeze %dma_wait3A_428 : memref<1x125x64xbf16, #tpu.memory_space<vmem>> -> memref<125x64xbf16, #tpu.memory_space<vmem>>
        %dma_wait3A_430 = arith.constant 0 : i32
        %dma_wait3A_431 = tpu.memref_slice %arg9[%sub3A_320, %dma_wait3A_430] : memref<80x125xi32, #tpu.memory_space<vmem>> -> memref<1x125xi32, #tpu.memory_space<vmem>>
        %dma_wait3A_432 = tpu.memref_squeeze %dma_wait3A_431 : memref<1x125xi32, #tpu.memory_space<vmem>> -> memref<125xi32, #tpu.memory_space<vmem>>
        %dma_wait3A_433 = arith.constant 0 : i32
        %dma_wait3A_434 = arith.constant 0 : i32
        %dma_wait3A_435 = tpu.memref_slice %arg13[%dma_wait3A_433, %dma_wait3A_434] : memref<10000x64xbf16, #tpu.memory_space<vmem_shared>> -> memref<10000x64xbf16, #tpu.memory_space<vmem_shared>>
        tpu.wait_indirect_dma semaphore(%arg12 : memref<!tpu.dma_semaphore, #tpu.memory_space<semaphore_mem>>) src(%dma_wait3A_429 : memref<125x64xbf16, #tpu.memory_space<vmem>>) dst(%dma_wait3A_435 : memref<10000x64xbf16, #tpu.memory_space<vmem_shared>>)
        %add3A_436 = arith.constant 8 : i32
        %add3A_437 = arith.addi %sub3A_320, %add3A_436 : i32
        %lt3A = arith.constant 80 : i32
        %lt3A_438 = arith.cmpi slt, %add3A_437, %lt3A : i32
        %convert_element_type3A_439 = arith.extui %lt3A_438 : i1 to i32
        %cond3A_440 = arith.constant 0 : i32
        %cond3A_441 = arith.cmpi ne, %convert_element_type3A_439, %cond3A_440 : i32
        scf.if %cond3A_441 {
          %add3A_442 = arith.constant 8 : i32
          %add3A_443 = arith.addi %sub3A_320, %add3A_442 : i32
          %dma_start3A_444 = arith.constant 0 : i32
          %dma_start3A_445 = arith.constant 0 : i32
          %dma_start3A_446 = arith.constant 0 : i32
          %dma_start3A_447 = tpu.memref_slice %arg10[%dma_start3A_444, %dma_start3A_445, %dma_start3A_446] : memref<8x125x64xbf16, #tpu.memory_space<vmem>> -> memref<1x125x64xbf16, #tpu.memory_space<vmem>>
          %dma_start3A_448 = tpu.memref_squeeze %dma_start3A_447 : memref<1x125x64xbf16, #tpu.memory_space<vmem>> -> memref<125x64xbf16, #tpu.memory_space<vmem>>
          %dma_start3A_449 = arith.constant 0 : i32
          %dma_start3A_450 = tpu.memref_slice %arg8[%add3A_443, %dma_start3A_449] : memref<80x125xi32, #tpu.memory_space<vmem>> -> memref<1x125xi32, #tpu.memory_space<vmem>>
          %dma_start3A_451 = tpu.memref_squeeze %dma_start3A_450 : memref<1x125xi32, #tpu.memory_space<vmem>> -> memref<125xi32, #tpu.memory_space<vmem>>
          %dma_start3A_452 = arith.constant 0 : i32
          %dma_start3A_453 = arith.constant 0 : i32
          %dma_start3A_454 = tpu.memref_slice %arg2[%dma_start3A_452, %dma_start3A_453] : memref<10000x64xbf16, #tpu.memory_space<hbm>> -> memref<10000x64xbf16, #tpu.memory_space<hbm>>
          tpu.enqueue_indirect_dma source(%dma_start3A_454 : memref<10000x64xbf16, #tpu.memory_space<hbm>>) target(%dma_start3A_448 : memref<125x64xbf16, #tpu.memory_space<vmem>>) offsets(%dma_start3A_451 : memref<125xi32, #tpu.memory_space<vmem>>) semaphore(%arg11 : memref<!tpu.dma_semaphore, #tpu.memory_space<semaphore_mem>>)
        } else {
        }
      } else {
      }
      %mul3A_326 = arith.constant 8 : i32
      %mul3A_327 = arith.muli %scan3A_162, %mul3A_326 : i32
      %add3A_328 = arith.constant 5 : i32
      %add3A_329 = arith.addi %mul3A_327, %add3A_328 : i32
      %dma_wait3A_330 = arith.constant 5 : i32
      %dma_wait3A_331 = arith.constant 0 : i32
      %dma_wait3A_332 = arith.constant 0 : i32
      %dma_wait3A_333 = tpu.memref_slice %arg10[%dma_wait3A_330, %dma_wait3A_331, %dma_wait3A_332] : memref<8x125x64xbf16, #tpu.memory_space<vmem>> -> memref<1x125x64xbf16, #tpu.memory_space<vmem>>
      %dma_wait3A_334 = tpu.memref_squeeze %dma_wait3A_333 : memref<1x125x64xbf16, #tpu.memory_space<vmem>> -> memref<125x64xbf16, #tpu.memory_space<vmem>>
      %dma_wait3A_335 = arith.constant 0 : i32
      %dma_wait3A_336 = tpu.memref_slice %arg8[%add3A_329, %dma_wait3A_335] : memref<80x125xi32, #tpu.memory_space<vmem>> -> memref<1x125xi32, #tpu.memory_space<vmem>>
      %dma_wait3A_337 = tpu.memref_squeeze %dma_wait3A_336 : memref<1x125xi32, #tpu.memory_space<vmem>> -> memref<125xi32, #tpu.memory_space<vmem>>
      %dma_wait3A_338 = arith.constant 0 : i32
      %dma_wait3A_339 = arith.constant 0 : i32
      %dma_wait3A_340 = tpu.memref_slice %arg2[%dma_wait3A_338, %dma_wait3A_339] : memref<10000x64xbf16, #tpu.memory_space<hbm>> -> memref<10000x64xbf16, #tpu.memory_space<hbm>>
      tpu.wait_indirect_dma semaphore(%arg11 : memref<!tpu.dma_semaphore, #tpu.memory_space<semaphore_mem>>) src(%dma_wait3A_340 : memref<10000x64xbf16, #tpu.memory_space<hbm>>) dst(%dma_wait3A_334 : memref<125x64xbf16, #tpu.memory_space<vmem>>)
      %dma_start3A_341 = arith.constant 5 : i32
      %dma_start3A_342 = arith.constant 0 : i32
      %dma_start3A_343 = arith.constant 0 : i32
      %dma_start3A_344 = tpu.memref_slice %arg10[%dma_start3A_341, %dma_start3A_342, %dma_start3A_343] : memref<8x125x64xbf16, #tpu.memory_space<vmem>> -> memref<1x125x64xbf16, #tpu.memory_space<vmem>>
      %dma_start3A_345 = tpu.memref_squeeze %dma_start3A_344 : memref<1x125x64xbf16, #tpu.memory_space<vmem>> -> memref<125x64xbf16, #tpu.memory_space<vmem>>
      %dma_start3A_346 = arith.constant 0 : i32
      %dma_start3A_347 = tpu.memref_slice %arg9[%add3A_329, %dma_start3A_346] : memref<80x125xi32, #tpu.memory_space<vmem>> -> memref<1x125xi32, #tpu.memory_space<vmem>>
      %dma_start3A_348 = tpu.memref_squeeze %dma_start3A_347 : memref<1x125xi32, #tpu.memory_space<vmem>> -> memref<125xi32, #tpu.memory_space<vmem>>
      %dma_start3A_349 = arith.constant 0 : i32
      %dma_start3A_350 = arith.constant 0 : i32
      %dma_start3A_351 = tpu.memref_slice %arg13[%dma_start3A_349, %dma_start3A_350] : memref<10000x64xbf16, #tpu.memory_space<vmem_shared>> -> memref<10000x64xbf16, #tpu.memory_space<vmem_shared>>
      tpu.enqueue_indirect_dma source(%dma_start3A_345 : memref<125x64xbf16, #tpu.memory_space<vmem>>) target(%dma_start3A_351 : memref<10000x64xbf16, #tpu.memory_space<vmem_shared>>) offsets(%dma_start3A_348 : memref<125xi32, #tpu.memory_space<vmem>>) semaphore(%arg12 : memref<!tpu.dma_semaphore, #tpu.memory_space<semaphore_mem>>) {add = true}
      %sub3A_352 = arith.constant 4 : i32
      %sub3A_353 = arith.subi %add3A_329, %sub3A_352 : i32
      %ge3A_354 = arith.constant 0 : i32
      %ge3A_355 = arith.cmpi sge, %sub3A_353, %ge3A_354 : i32
      %convert_element_type3A_356 = arith.extui %ge3A_355 : i1 to i32
      %cond3A_357 = arith.constant 0 : i32
      %cond3A_358 = arith.cmpi ne, %convert_element_type3A_356, %cond3A_357 : i32
      scf.if %cond3A_358 {
        %dma_wait3A_425 = arith.constant 1 : i32
        %dma_wait3A_426 = arith.constant 0 : i32
        %dma_wait3A_427 = arith.constant 0 : i32
        %dma_wait3A_428 = tpu.memref_slice %arg10[%dma_wait3A_425, %dma_wait3A_426, %dma_wait3A_427] : memref<8x125x64xbf16, #tpu.memory_space<vmem>> -> memref<1x125x64xbf16, #tpu.memory_space<vmem>>
        %dma_wait3A_429 = tpu.memref_squeeze %dma_wait3A_428 : memref<1x125x64xbf16, #tpu.memory_space<vmem>> -> memref<125x64xbf16, #tpu.memory_space<vmem>>
        %dma_wait3A_430 = arith.constant 0 : i32
        %dma_wait3A_431 = tpu.memref_slice %arg9[%sub3A_353, %dma_wait3A_430] : memref<80x125xi32, #tpu.memory_space<vmem>> -> memref<1x125xi32, #tpu.memory_space<vmem>>
        %dma_wait3A_432 = tpu.memref_squeeze %dma_wait3A_431 : memref<1x125xi32, #tpu.memory_space<vmem>> -> memref<125xi32, #tpu.memory_space<vmem>>
        %dma_wait3A_433 = arith.constant 0 : i32
        %dma_wait3A_434 = arith.constant 0 : i32
        %dma_wait3A_435 = tpu.memref_slice %arg13[%dma_wait3A_433, %dma_wait3A_434] : memref<10000x64xbf16, #tpu.memory_space<vmem_shared>> -> memref<10000x64xbf16, #tpu.memory_space<vmem_shared>>
        tpu.wait_indirect_dma semaphore(%arg12 : memref<!tpu.dma_semaphore, #tpu.memory_space<semaphore_mem>>) src(%dma_wait3A_429 : memref<125x64xbf16, #tpu.memory_space<vmem>>) dst(%dma_wait3A_435 : memref<10000x64xbf16, #tpu.memory_space<vmem_shared>>)
        %add3A_436 = arith.constant 8 : i32
        %add3A_437 = arith.addi %sub3A_353, %add3A_436 : i32
        %lt3A = arith.constant 80 : i32
        %lt3A_438 = arith.cmpi slt, %add3A_437, %lt3A : i32
        %convert_element_type3A_439 = arith.extui %lt3A_438 : i1 to i32
        %cond3A_440 = arith.constant 0 : i32
        %cond3A_441 = arith.cmpi ne, %convert_element_type3A_439, %cond3A_440 : i32
        scf.if %cond3A_441 {
          %add3A_442 = arith.constant 8 : i32
          %add3A_443 = arith.addi %sub3A_353, %add3A_442 : i32
          %dma_start3A_444 = arith.constant 1 : i32
          %dma_start3A_445 = arith.constant 0 : i32
          %dma_start3A_446 = arith.constant 0 : i32
          %dma_start3A_447 = tpu.memref_slice %arg10[%dma_start3A_444, %dma_start3A_445, %dma_start3A_446] : memref<8x125x64xbf16, #tpu.memory_space<vmem>> -> memref<1x125x64xbf16, #tpu.memory_space<vmem>>
          %dma_start3A_448 = tpu.memref_squeeze %dma_start3A_447 : memref<1x125x64xbf16, #tpu.memory_space<vmem>> -> memref<125x64xbf16, #tpu.memory_space<vmem>>
          %dma_start3A_449 = arith.constant 0 : i32
          %dma_start3A_450 = tpu.memref_slice %arg8[%add3A_443, %dma_start3A_449] : memref<80x125xi32, #tpu.memory_space<vmem>> -> memref<1x125xi32, #tpu.memory_space<vmem>>
          %dma_start3A_451 = tpu.memref_squeeze %dma_start3A_450 : memref<1x125xi32, #tpu.memory_space<vmem>> -> memref<125xi32, #tpu.memory_space<vmem>>
          %dma_start3A_452 = arith.constant 0 : i32
          %dma_start3A_453 = arith.constant 0 : i32
          %dma_start3A_454 = tpu.memref_slice %arg2[%dma_start3A_452, %dma_start3A_453] : memref<10000x64xbf16, #tpu.memory_space<hbm>> -> memref<10000x64xbf16, #tpu.memory_space<hbm>>
          tpu.enqueue_indirect_dma source(%dma_start3A_454 : memref<10000x64xbf16, #tpu.memory_space<hbm>>) target(%dma_start3A_448 : memref<125x64xbf16, #tpu.memory_space<vmem>>) offsets(%dma_start3A_451 : memref<125xi32, #tpu.memory_space<vmem>>) semaphore(%arg11 : memref<!tpu.dma_semaphore, #tpu.memory_space<semaphore_mem>>)
        } else {
        }
      } else {
      }
      %mul3A_359 = arith.constant 8 : i32
      %mul3A_360 = arith.muli %scan3A_162, %mul3A_359 : i32
      %add3A_361 = arith.constant 6 : i32
      %add3A_362 = arith.addi %mul3A_360, %add3A_361 : i32
      %dma_wait3A_363 = arith.constant 6 : i32
      %dma_wait3A_364 = arith.constant 0 : i32
      %dma_wait3A_365 = arith.constant 0 : i32
      %dma_wait3A_366 = tpu.memref_slice %arg10[%dma_wait3A_363, %dma_wait3A_364, %dma_wait3A_365] : memref<8x125x64xbf16, #tpu.memory_space<vmem>> -> memref<1x125x64xbf16, #tpu.memory_space<vmem>>
      %dma_wait3A_367 = tpu.memref_squeeze %dma_wait3A_366 : memref<1x125x64xbf16, #tpu.memory_space<vmem>> -> memref<125x64xbf16, #tpu.memory_space<vmem>>
      %dma_wait3A_368 = arith.constant 0 : i32
      %dma_wait3A_369 = tpu.memref_slice %arg8[%add3A_362, %dma_wait3A_368] : memref<80x125xi32, #tpu.memory_space<vmem>> -> memref<1x125xi32, #tpu.memory_space<vmem>>
      %dma_wait3A_370 = tpu.memref_squeeze %dma_wait3A_369 : memref<1x125xi32, #tpu.memory_space<vmem>> -> memref<125xi32, #tpu.memory_space<vmem>>
      %dma_wait3A_371 = arith.constant 0 : i32
      %dma_wait3A_372 = arith.constant 0 : i32
      %dma_wait3A_373 = tpu.memref_slice %arg2[%dma_wait3A_371, %dma_wait3A_372] : memref<10000x64xbf16, #tpu.memory_space<hbm>> -> memref<10000x64xbf16, #tpu.memory_space<hbm>>
      tpu.wait_indirect_dma semaphore(%arg11 : memref<!tpu.dma_semaphore, #tpu.memory_space<semaphore_mem>>) src(%dma_wait3A_373 : memref<10000x64xbf16, #tpu.memory_space<hbm>>) dst(%dma_wait3A_367 : memref<125x64xbf16, #tpu.memory_space<vmem>>)
      %dma_start3A_374 = arith.constant 6 : i32
      %dma_start3A_375 = arith.constant 0 : i32
      %dma_start3A_376 = arith.constant 0 : i32
      %dma_start3A_377 = tpu.memref_slice %arg10[%dma_start3A_374, %dma_start3A_375, %dma_start3A_376] : memref<8x125x64xbf16, #tpu.memory_space<vmem>> -> memref<1x125x64xbf16, #tpu.memory_space<vmem>>
      %dma_start3A_378 = tpu.memref_squeeze %dma_start3A_377 : memref<1x125x64xbf16, #tpu.memory_space<vmem>> -> memref<125x64xbf16, #tpu.memory_space<vmem>>
      %dma_start3A_379 = arith.constant 0 : i32
      %dma_start3A_380 = tpu.memref_slice %arg9[%add3A_362, %dma_start3A_379] : memref<80x125xi32, #tpu.memory_space<vmem>> -> memref<1x125xi32, #tpu.memory_space<vmem>>
      %dma_start3A_381 = tpu.memref_squeeze %dma_start3A_380 : memref<1x125xi32, #tpu.memory_space<vmem>> -> memref<125xi32, #tpu.memory_space<vmem>>
      %dma_start3A_382 = arith.constant 0 : i32
      %dma_start3A_383 = arith.constant 0 : i32
      %dma_start3A_384 = tpu.memref_slice %arg13[%dma_start3A_382, %dma_start3A_383] : memref<10000x64xbf16, #tpu.memory_space<vmem_shared>> -> memref<10000x64xbf16, #tpu.memory_space<vmem_shared>>
      tpu.enqueue_indirect_dma source(%dma_start3A_378 : memref<125x64xbf16, #tpu.memory_space<vmem>>) target(%dma_start3A_384 : memref<10000x64xbf16, #tpu.memory_space<vmem_shared>>) offsets(%dma_start3A_381 : memref<125xi32, #tpu.memory_space<vmem>>) semaphore(%arg12 : memref<!tpu.dma_semaphore, #tpu.memory_space<semaphore_mem>>) {add = true}
      %sub3A_385 = arith.constant 4 : i32
      %sub3A_386 = arith.subi %add3A_362, %sub3A_385 : i32
      %ge3A_387 = arith.constant 0 : i32
      %ge3A_388 = arith.cmpi sge, %sub3A_386, %ge3A_387 : i32
      %convert_element_type3A_389 = arith.extui %ge3A_388 : i1 to i32
      %cond3A_390 = arith.constant 0 : i32
      %cond3A_391 = arith.cmpi ne, %convert_element_type3A_389, %cond3A_390 : i32
      scf.if %cond3A_391 {
        %dma_wait3A_425 = arith.constant 2 : i32
        %dma_wait3A_426 = arith.constant 0 : i32
        %dma_wait3A_427 = arith.constant 0 : i32
        %dma_wait3A_428 = tpu.memref_slice %arg10[%dma_wait3A_425, %dma_wait3A_426, %dma_wait3A_427] : memref<8x125x64xbf16, #tpu.memory_space<vmem>> -> memref<1x125x64xbf16, #tpu.memory_space<vmem>>
        %dma_wait3A_429 = tpu.memref_squeeze %dma_wait3A_428 : memref<1x125x64xbf16, #tpu.memory_space<vmem>> -> memref<125x64xbf16, #tpu.memory_space<vmem>>
        %dma_wait3A_430 = arith.constant 0 : i32
        %dma_wait3A_431 = tpu.memref_slice %arg9[%sub3A_386, %dma_wait3A_430] : memref<80x125xi32, #tpu.memory_space<vmem>> -> memref<1x125xi32, #tpu.memory_space<vmem>>
        %dma_wait3A_432 = tpu.memref_squeeze %dma_wait3A_431 : memref<1x125xi32, #tpu.memory_space<vmem>> -> memref<125xi32, #tpu.memory_space<vmem>>
        %dma_wait3A_433 = arith.constant 0 : i32
        %dma_wait3A_434 = arith.constant 0 : i32
        %dma_wait3A_435 = tpu.memref_slice %arg13[%dma_wait3A_433, %dma_wait3A_434] : memref<10000x64xbf16, #tpu.memory_space<vmem_shared>> -> memref<10000x64xbf16, #tpu.memory_space<vmem_shared>>
        tpu.wait_indirect_dma semaphore(%arg12 : memref<!tpu.dma_semaphore, #tpu.memory_space<semaphore_mem>>) src(%dma_wait3A_429 : memref<125x64xbf16, #tpu.memory_space<vmem>>) dst(%dma_wait3A_435 : memref<10000x64xbf16, #tpu.memory_space<vmem_shared>>)
        %add3A_436 = arith.constant 8 : i32
        %add3A_437 = arith.addi %sub3A_386, %add3A_436 : i32
        %lt3A = arith.constant 80 : i32
        %lt3A_438 = arith.cmpi slt, %add3A_437, %lt3A : i32
        %convert_element_type3A_439 = arith.extui %lt3A_438 : i1 to i32
        %cond3A_440 = arith.constant 0 : i32
        %cond3A_441 = arith.cmpi ne, %convert_element_type3A_439, %cond3A_440 : i32
        scf.if %cond3A_441 {
          %add3A_442 = arith.constant 8 : i32
          %add3A_443 = arith.addi %sub3A_386, %add3A_442 : i32
          %dma_start3A_444 = arith.constant 2 : i32
          %dma_start3A_445 = arith.constant 0 : i32
          %dma_start3A_446 = arith.constant 0 : i32
          %dma_start3A_447 = tpu.memref_slice %arg10[%dma_start3A_444, %dma_start3A_445, %dma_start3A_446] : memref<8x125x64xbf16, #tpu.memory_space<vmem>> -> memref<1x125x64xbf16, #tpu.memory_space<vmem>>
          %dma_start3A_448 = tpu.memref_squeeze %dma_start3A_447 : memref<1x125x64xbf16, #tpu.memory_space<vmem>> -> memref<125x64xbf16, #tpu.memory_space<vmem>>
          %dma_start3A_449 = arith.constant 0 : i32
          %dma_start3A_450 = tpu.memref_slice %arg8[%add3A_443, %dma_start3A_449] : memref<80x125xi32, #tpu.memory_space<vmem>> -> memref<1x125xi32, #tpu.memory_space<vmem>>
          %dma_start3A_451 = tpu.memref_squeeze %dma_start3A_450 : memref<1x125xi32, #tpu.memory_space<vmem>> -> memref<125xi32, #tpu.memory_space<vmem>>
          %dma_start3A_452 = arith.constant 0 : i32
          %dma_start3A_453 = arith.constant 0 : i32
          %dma_start3A_454 = tpu.memref_slice %arg2[%dma_start3A_452, %dma_start3A_453] : memref<10000x64xbf16, #tpu.memory_space<hbm>> -> memref<10000x64xbf16, #tpu.memory_space<hbm>>
          tpu.enqueue_indirect_dma source(%dma_start3A_454 : memref<10000x64xbf16, #tpu.memory_space<hbm>>) target(%dma_start3A_448 : memref<125x64xbf16, #tpu.memory_space<vmem>>) offsets(%dma_start3A_451 : memref<125xi32, #tpu.memory_space<vmem>>) semaphore(%arg11 : memref<!tpu.dma_semaphore, #tpu.memory_space<semaphore_mem>>)
        } else {
        }
      } else {
      }
      %mul3A_392 = arith.constant 8 : i32
      %mul3A_393 = arith.muli %scan3A_162, %mul3A_392 : i32
      %add3A_394 = arith.constant 7 : i32
      %add3A_395 = arith.addi %mul3A_393, %add3A_394 : i32
      %dma_wait3A_396 = arith.constant 7 : i32
      %dma_wait3A_397 = arith.constant 0 : i32
      %dma_wait3A_398 = arith.constant 0 : i32
      %dma_wait3A_399 = tpu.memref_slice %arg10[%dma_wait3A_396, %dma_wait3A_397, %dma_wait3A_398] : memref<8x125x64xbf16, #tpu.memory_space<vmem>> -> memref<1x125x64xbf16, #tpu.memory_space<vmem>>
      %dma_wait3A_400 = tpu.memref_squeeze %dma_wait3A_399 : memref<1x125x64xbf16, #tpu.memory_space<vmem>> -> memref<125x64xbf16, #tpu.memory_space<vmem>>
      %dma_wait3A_401 = arith.constant 0 : i32
      %dma_wait3A_402 = tpu.memref_slice %arg8[%add3A_395, %dma_wait3A_401] : memref<80x125xi32, #tpu.memory_space<vmem>> -> memref<1x125xi32, #tpu.memory_space<vmem>>
      %dma_wait3A_403 = tpu.memref_squeeze %dma_wait3A_402 : memref<1x125xi32, #tpu.memory_space<vmem>> -> memref<125xi32, #tpu.memory_space<vmem>>
      %dma_wait3A_404 = arith.constant 0 : i32
      %dma_wait3A_405 = arith.constant 0 : i32
      %dma_wait3A_406 = tpu.memref_slice %arg2[%dma_wait3A_404, %dma_wait3A_405] : memref<10000x64xbf16, #tpu.memory_space<hbm>> -> memref<10000x64xbf16, #tpu.memory_space<hbm>>
      tpu.wait_indirect_dma semaphore(%arg11 : memref<!tpu.dma_semaphore, #tpu.memory_space<semaphore_mem>>) src(%dma_wait3A_406 : memref<10000x64xbf16, #tpu.memory_space<hbm>>) dst(%dma_wait3A_400 : memref<125x64xbf16, #tpu.memory_space<vmem>>)
      %dma_start3A_407 = arith.constant 7 : i32
      %dma_start3A_408 = arith.constant 0 : i32
      %dma_start3A_409 = arith.constant 0 : i32
      %dma_start3A_410 = tpu.memref_slice %arg10[%dma_start3A_407, %dma_start3A_408, %dma_start3A_409] : memref<8x125x64xbf16, #tpu.memory_space<vmem>> -> memref<1x125x64xbf16, #tpu.memory_space<vmem>>
      %dma_start3A_411 = tpu.memref_squeeze %dma_start3A_410 : memref<1x125x64xbf16, #tpu.memory_space<vmem>> -> memref<125x64xbf16, #tpu.memory_space<vmem>>
      %dma_start3A_412 = arith.constant 0 : i32
      %dma_start3A_413 = tpu.memref_slice %arg9[%add3A_395, %dma_start3A_412] : memref<80x125xi32, #tpu.memory_space<vmem>> -> memref<1x125xi32, #tpu.memory_space<vmem>>
      %dma_start3A_414 = tpu.memref_squeeze %dma_start3A_413 : memref<1x125xi32, #tpu.memory_space<vmem>> -> memref<125xi32, #tpu.memory_space<vmem>>
      %dma_start3A_415 = arith.constant 0 : i32
      %dma_start3A_416 = arith.constant 0 : i32
      %dma_start3A_417 = tpu.memref_slice %arg13[%dma_start3A_415, %dma_start3A_416] : memref<10000x64xbf16, #tpu.memory_space<vmem_shared>> -> memref<10000x64xbf16, #tpu.memory_space<vmem_shared>>
      tpu.enqueue_indirect_dma source(%dma_start3A_411 : memref<125x64xbf16, #tpu.memory_space<vmem>>) target(%dma_start3A_417 : memref<10000x64xbf16, #tpu.memory_space<vmem_shared>>) offsets(%dma_start3A_414 : memref<125xi32, #tpu.memory_space<vmem>>) semaphore(%arg12 : memref<!tpu.dma_semaphore, #tpu.memory_space<semaphore_mem>>) {add = true}
      %sub3A_418 = arith.constant 4 : i32
      %sub3A_419 = arith.subi %add3A_395, %sub3A_418 : i32
      %ge3A_420 = arith.constant 0 : i32
      %ge3A_421 = arith.cmpi sge, %sub3A_419, %ge3A_420 : i32
      %convert_element_type3A_422 = arith.extui %ge3A_421 : i1 to i32
      %cond3A_423 = arith.constant 0 : i32
      %cond3A_424 = arith.cmpi ne, %convert_element_type3A_422, %cond3A_423 : i32
      scf.if %cond3A_424 {
        %dma_wait3A_425 = arith.constant 3 : i32
        %dma_wait3A_426 = arith.constant 0 : i32
        %dma_wait3A_427 = arith.constant 0 : i32
        %dma_wait3A_428 = tpu.memref_slice %arg10[%dma_wait3A_425, %dma_wait3A_426, %dma_wait3A_427] : memref<8x125x64xbf16, #tpu.memory_space<vmem>> -> memref<1x125x64xbf16, #tpu.memory_space<vmem>>
        %dma_wait3A_429 = tpu.memref_squeeze %dma_wait3A_428 : memref<1x125x64xbf16, #tpu.memory_space<vmem>> -> memref<125x64xbf16, #tpu.memory_space<vmem>>
        %dma_wait3A_430 = arith.constant 0 : i32
        %dma_wait3A_431 = tpu.memref_slice %arg9[%sub3A_419, %dma_wait3A_430] : memref<80x125xi32, #tpu.memory_space<vmem>> -> memref<1x125xi32, #tpu.memory_space<vmem>>
        %dma_wait3A_432 = tpu.memref_squeeze %dma_wait3A_431 : memref<1x125xi32, #tpu.memory_space<vmem>> -> memref<125xi32, #tpu.memory_space<vmem>>
        %dma_wait3A_433 = arith.constant 0 : i32
        %dma_wait3A_434 = arith.constant 0 : i32
        %dma_wait3A_435 = tpu.memref_slice %arg13[%dma_wait3A_433, %dma_wait3A_434] : memref<10000x64xbf16, #tpu.memory_space<vmem_shared>> -> memref<10000x64xbf16, #tpu.memory_space<vmem_shared>>
        tpu.wait_indirect_dma semaphore(%arg12 : memref<!tpu.dma_semaphore, #tpu.memory_space<semaphore_mem>>) src(%dma_wait3A_429 : memref<125x64xbf16, #tpu.memory_space<vmem>>) dst(%dma_wait3A_435 : memref<10000x64xbf16, #tpu.memory_space<vmem_shared>>)
        %add3A_436 = arith.constant 8 : i32
        %add3A_437 = arith.addi %sub3A_419, %add3A_436 : i32
        %lt3A = arith.constant 80 : i32
        %lt3A_438 = arith.cmpi slt, %add3A_437, %lt3A : i32
        %convert_element_type3A_439 = arith.extui %lt3A_438 : i1 to i32
        %cond3A_440 = arith.constant 0 : i32
        %cond3A_441 = arith.cmpi ne, %convert_element_type3A_439, %cond3A_440 : i32
        scf.if %cond3A_441 {
          %add3A_442 = arith.constant 8 : i32
          %add3A_443 = arith.addi %sub3A_419, %add3A_442 : i32
          %dma_start3A_444 = arith.constant 3 : i32
          %dma_start3A_445 = arith.constant 0 : i32
          %dma_start3A_446 = arith.constant 0 : i32
          %dma_start3A_447 = tpu.memref_slice %arg10[%dma_start3A_444, %dma_start3A_445, %dma_start3A_446] : memref<8x125x64xbf16, #tpu.memory_space<vmem>> -> memref<1x125x64xbf16, #tpu.memory_space<vmem>>
          %dma_start3A_448 = tpu.memref_squeeze %dma_start3A_447 : memref<1x125x64xbf16, #tpu.memory_space<vmem>> -> memref<125x64xbf16, #tpu.memory_space<vmem>>
          %dma_start3A_449 = arith.constant 0 : i32
          %dma_start3A_450 = tpu.memref_slice %arg8[%add3A_443, %dma_start3A_449] : memref<80x125xi32, #tpu.memory_space<vmem>> -> memref<1x125xi32, #tpu.memory_space<vmem>>
          %dma_start3A_451 = tpu.memref_squeeze %dma_start3A_450 : memref<1x125xi32, #tpu.memory_space<vmem>> -> memref<125xi32, #tpu.memory_space<vmem>>
          %dma_start3A_452 = arith.constant 0 : i32
          %dma_start3A_453 = arith.constant 0 : i32
          %dma_start3A_454 = tpu.memref_slice %arg2[%dma_start3A_452, %dma_start3A_453] : memref<10000x64xbf16, #tpu.memory_space<hbm>> -> memref<10000x64xbf16, #tpu.memory_space<hbm>>
          tpu.enqueue_indirect_dma source(%dma_start3A_454 : memref<10000x64xbf16, #tpu.memory_space<hbm>>) target(%dma_start3A_448 : memref<125x64xbf16, #tpu.memory_space<vmem>>) offsets(%dma_start3A_451 : memref<125xi32, #tpu.memory_space<vmem>>) semaphore(%arg11 : memref<!tpu.dma_semaphore, #tpu.memory_space<semaphore_mem>>)
        } else {
        }
      } else {
      }
    }
    %scan3A_106 = arith.constant 10 : i32
    %dma_wait3A = arith.constant 4 : i32
    %dma_wait3A_107 = arith.constant 76 : i32
    %dma_wait3A_108 = arith.constant 0 : i32
    %dma_wait3A_109 = arith.constant 0 : i32
    %dma_wait3A_110 = tpu.memref_slice %arg10[%dma_wait3A, %dma_wait3A_108, %dma_wait3A_109] : memref<8x125x64xbf16, #tpu.memory_space<vmem>> -> memref<1x125x64xbf16, #tpu.memory_space<vmem>>
    %dma_wait3A_111 = tpu.memref_squeeze %dma_wait3A_110 : memref<1x125x64xbf16, #tpu.memory_space<vmem>> -> memref<125x64xbf16, #tpu.memory_space<vmem>>
    %dma_wait3A_112 = arith.constant 0 : i32
    %dma_wait3A_113 = tpu.memref_slice %arg9[%dma_wait3A_107, %dma_wait3A_112] : memref<80x125xi32, #tpu.memory_space<vmem>> -> memref<1x125xi32, #tpu.memory_space<vmem>>
    %dma_wait3A_114 = tpu.memref_squeeze %dma_wait3A_113 : memref<1x125xi32, #tpu.memory_space<vmem>> -> memref<125xi32, #tpu.memory_space<vmem>>
    %dma_wait3A_115 = arith.constant 0 : i32
    %dma_wait3A_116 = arith.constant 0 : i32
    %dma_wait3A_117 = tpu.memref_slice %arg13[%dma_wait3A_115, %dma_wait3A_116] : memref<10000x64xbf16, #tpu.memory_space<vmem_shared>> -> memref<10000x64xbf16, #tpu.memory_space<vmem_shared>>
    tpu.wait_indirect_dma semaphore(%arg12 : memref<!tpu.dma_semaphore, #tpu.memory_space<semaphore_mem>>) src(%dma_wait3A_111 : memref<125x64xbf16, #tpu.memory_space<vmem>>) dst(%dma_wait3A_117 : memref<10000x64xbf16, #tpu.memory_space<vmem_shared>>)
    %dma_wait3A_118 = arith.constant 5 : i32
    %dma_wait3A_119 = arith.constant 77 : i32
    %dma_wait3A_120 = arith.constant 0 : i32
    %dma_wait3A_121 = arith.constant 0 : i32
    %dma_wait3A_122 = tpu.memref_slice %arg10[%dma_wait3A_118, %dma_wait3A_120, %dma_wait3A_121] : memref<8x125x64xbf16, #tpu.memory_space<vmem>> -> memref<1x125x64xbf16, #tpu.memory_space<vmem>>
    %dma_wait3A_123 = tpu.memref_squeeze %dma_wait3A_122 : memref<1x125x64xbf16, #tpu.memory_space<vmem>> -> memref<125x64xbf16, #tpu.memory_space<vmem>>
    %dma_wait3A_124 = arith.constant 0 : i32
    %dma_wait3A_125 = tpu.memref_slice %arg9[%dma_wait3A_119, %dma_wait3A_124] : memref<80x125xi32, #tpu.memory_space<vmem>> -> memref<1x125xi32, #tpu.memory_space<vmem>>
    %dma_wait3A_126 = tpu.memref_squeeze %dma_wait3A_125 : memref<1x125xi32, #tpu.memory_space<vmem>> -> memref<125xi32, #tpu.memory_space<vmem>>
    %dma_wait3A_127 = arith.constant 0 : i32
    %dma_wait3A_128 = arith.constant 0 : i32
    %dma_wait3A_129 = tpu.memref_slice %arg13[%dma_wait3A_127, %dma_wait3A_128] : memref<10000x64xbf16, #tpu.memory_space<vmem_shared>> -> memref<10000x64xbf16, #tpu.memory_space<vmem_shared>>
    tpu.wait_indirect_dma semaphore(%arg12 : memref<!tpu.dma_semaphore, #tpu.memory_space<semaphore_mem>>) src(%dma_wait3A_123 : memref<125x64xbf16, #tpu.memory_space<vmem>>) dst(%dma_wait3A_129 : memref<10000x64xbf16, #tpu.memory_space<vmem_shared>>)
    %dma_wait3A_130 = arith.constant 6 : i32
    %dma_wait3A_131 = arith.constant 78 : i32
    %dma_wait3A_132 = arith.constant 0 : i32
    %dma_wait3A_133 = arith.constant 0 : i32
    %dma_wait3A_134 = tpu.memref_slice %arg10[%dma_wait3A_130, %dma_wait3A_132, %dma_wait3A_133] : memref<8x125x64xbf16, #tpu.memory_space<vmem>> -> memref<1x125x64xbf16, #tpu.memory_space<vmem>>
    %dma_wait3A_135 = tpu.memref_squeeze %dma_wait3A_134 : memref<1x125x64xbf16, #tpu.memory_space<vmem>> -> memref<125x64xbf16, #tpu.memory_space<vmem>>
    %dma_wait3A_136 = arith.constant 0 : i32
    %dma_wait3A_137 = tpu.memref_slice %arg9[%dma_wait3A_131, %dma_wait3A_136] : memref<80x125xi32, #tpu.memory_space<vmem>> -> memref<1x125xi32, #tpu.memory_space<vmem>>
    %dma_wait3A_138 = tpu.memref_squeeze %dma_wait3A_137 : memref<1x125xi32, #tpu.memory_space<vmem>> -> memref<125xi32, #tpu.memory_space<vmem>>
    %dma_wait3A_139 = arith.constant 0 : i32
    %dma_wait3A_140 = arith.constant 0 : i32
    %dma_wait3A_141 = tpu.memref_slice %arg13[%dma_wait3A_139, %dma_wait3A_140] : memref<10000x64xbf16, #tpu.memory_space<vmem_shared>> -> memref<10000x64xbf16, #tpu.memory_space<vmem_shared>>
    tpu.wait_indirect_dma semaphore(%arg12 : memref<!tpu.dma_semaphore, #tpu.memory_space<semaphore_mem>>) src(%dma_wait3A_135 : memref<125x64xbf16, #tpu.memory_space<vmem>>) dst(%dma_wait3A_141 : memref<10000x64xbf16, #tpu.memory_space<vmem_shared>>)
    %dma_wait3A_142 = arith.constant 7 : i32
    %dma_wait3A_143 = arith.constant 79 : i32
    %dma_wait3A_144 = arith.constant 0 : i32
    %dma_wait3A_145 = arith.constant 0 : i32
    %dma_wait3A_146 = tpu.memref_slice %arg10[%dma_wait3A_142, %dma_wait3A_144, %dma_wait3A_145] : memref<8x125x64xbf16, #tpu.memory_space<vmem>> -> memref<1x125x64xbf16, #tpu.memory_space<vmem>>
    %dma_wait3A_147 = tpu.memref_squeeze %dma_wait3A_146 : memref<1x125x64xbf16, #tpu.memory_space<vmem>> -> memref<125x64xbf16, #tpu.memory_space<vmem>>
    %dma_wait3A_148 = arith.constant 0 : i32
    %dma_wait3A_149 = tpu.memref_slice %arg9[%dma_wait3A_143, %dma_wait3A_148] : memref<80x125xi32, #tpu.memory_space<vmem>> -> memref<1x125xi32, #tpu.memory_space<vmem>>
    %dma_wait3A_150 = tpu.memref_squeeze %dma_wait3A_149 : memref<1x125xi32, #tpu.memory_space<vmem>> -> memref<125xi32, #tpu.memory_space<vmem>>
    %dma_wait3A_151 = arith.constant 0 : i32
    %dma_wait3A_152 = arith.constant 0 : i32
    %dma_wait3A_153 = tpu.memref_slice %arg13[%dma_wait3A_151, %dma_wait3A_152] : memref<10000x64xbf16, #tpu.memory_space<vmem_shared>> -> memref<10000x64xbf16, #tpu.memory_space<vmem_shared>>
    tpu.wait_indirect_dma semaphore(%arg12 : memref<!tpu.dma_semaphore, #tpu.memory_space<semaphore_mem>>) src(%dma_wait3A_147 : memref<125x64xbf16, #tpu.memory_space<vmem>>) dst(%dma_wait3A_153 : memref<10000x64xbf16, #tpu.memory_space<vmem_shared>>)
    %barrier3A_154 = arith.constant 0 : index
    tpu.barrier barrier_id(%barrier3A_154)
    %eq3A = arith.constant 0 : i32
    %eq3A_155 = arith.cmpi eq, %arg0, %eq3A : i32
    %convert_element_type3A = arith.extui %eq3A_155 : i1 to i32
    %cond3A = arith.constant 0 : i32
    %cond3A_156 = arith.cmpi ne, %convert_element_type3A, %cond3A : i32
    scf.if %cond3A_156 {
      %mul3A_162 = arith.constant 625 : i32
      %mul3A_163 = arith.muli %arg1, %mul3A_162 : i32
      %mul3A_164 = arith.constant 625 : i32
      %mul3A_165 = arith.muli %arg1, %mul3A_164 : i32
      "tpu.region"() ({
        %run_scoped3A = tpu.sem_alloc : memref<!tpu.dma_semaphore, #tpu.memory_space<semaphore_mem>>
        %dma_start3A_166 = arith.constant 0 : i32
        %dma_start3A_167 = tpu.memref_slice %arg6[%mul3A_165, %dma_start3A_166] : memref<10000x64xbf16, #tpu.memory_space<hbm>> -> memref<625x64xbf16, #tpu.memory_space<hbm>>
        %dma_start3A_168 = arith.constant 0 : i32
        %dma_start3A_169 = tpu.memref_slice %arg13[%mul3A_163, %dma_start3A_168] : memref<10000x64xbf16, #tpu.memory_space<vmem_shared>> -> memref<625x64xbf16, #tpu.memory_space<vmem_shared>>
        tpu.enqueue_dma source(%dma_start3A_169 : memref<625x64xbf16, #tpu.memory_space<vmem_shared>>) target(%dma_start3A_167 : memref<625x64xbf16, #tpu.memory_space<hbm>>) target_semaphore(%run_scoped3A : memref<!tpu.dma_semaphore, #tpu.memory_space<semaphore_mem>>)
        %dma_wait3A_170 = arith.constant 0 : i32
        %dma_wait3A_171 = tpu.memref_slice %arg6[%mul3A_165, %dma_wait3A_170] : memref<10000x64xbf16, #tpu.memory_space<hbm>> -> memref<625x64xbf16, #tpu.memory_space<hbm>>
        %dma_wait3A_172 = arith.constant 0 : i32
        %dma_wait3A_173 = tpu.memref_slice %arg13[%mul3A_163, %dma_wait3A_172] : memref<10000x64xbf16, #tpu.memory_space<vmem_shared>> -> memref<625x64xbf16, #tpu.memory_space<vmem_shared>>
        tpu.wait_dma2 semaphore(%run_scoped3A : memref<!tpu.dma_semaphore, #tpu.memory_space<semaphore_mem>>) src(%dma_wait3A_173 : memref<625x64xbf16, #tpu.memory_space<vmem_shared>>) dst(%dma_wait3A_171 : memref<625x64xbf16, #tpu.memory_space<hbm>>)
        tpu.yield
      }) : () -> ()
    } else {
    }
    %eq3A_157 = arith.constant 1 : i32
    %eq3A_158 = arith.cmpi eq, %arg0, %eq3A_157 : i32
    %convert_element_type3A_159 = arith.extui %eq3A_158 : i1 to i32
    %cond3A_160 = arith.constant 0 : i32
    %cond3A_161 = arith.cmpi ne, %convert_element_type3A_159, %cond3A_160 : i32
    scf.if %cond3A_161 {
      %mul3A_162 = arith.constant 625 : i32
      %mul3A_163 = arith.muli %arg1, %mul3A_162 : i32
      %mul3A_164 = arith.constant 625 : i32
      %mul3A_165 = arith.muli %arg1, %mul3A_164 : i32
      "tpu.region"() ({
        %run_scoped3A = tpu.sem_alloc : memref<!tpu.dma_semaphore, #tpu.memory_space<semaphore_mem>>
        %dma_start3A_166 = arith.constant 0 : i32
        %dma_start3A_167 = tpu.memref_slice %arg7[%mul3A_165, %dma_start3A_166] : memref<10000x64xbf16, #tpu.memory_space<hbm>> -> memref<625x64xbf16, #tpu.memory_space<hbm>>
        %dma_start3A_168 = arith.constant 0 : i32
        %dma_start3A_169 = tpu.memref_slice %arg13[%mul3A_163, %dma_start3A_168] : memref<10000x64xbf16, #tpu.memory_space<vmem_shared>> -> memref<625x64xbf16, #tpu.memory_space<vmem_shared>>
        tpu.enqueue_dma source(%dma_start3A_169 : memref<625x64xbf16, #tpu.memory_space<vmem_shared>>) target(%dma_start3A_167 : memref<625x64xbf16, #tpu.memory_space<hbm>>) target_semaphore(%run_scoped3A : memref<!tpu.dma_semaphore, #tpu.memory_space<semaphore_mem>>)
        %dma_wait3A_170 = arith.constant 0 : i32
        %dma_wait3A_171 = tpu.memref_slice %arg7[%mul3A_165, %dma_wait3A_170] : memref<10000x64xbf16, #tpu.memory_space<hbm>> -> memref<625x64xbf16, #tpu.memory_space<hbm>>
        %dma_wait3A_172 = arith.constant 0 : i32
        %dma_wait3A_173 = tpu.memref_slice %arg13[%mul3A_163, %dma_wait3A_172] : memref<10000x64xbf16, #tpu.memory_space<vmem_shared>> -> memref<625x64xbf16, #tpu.memory_space<vmem_shared>>
        tpu.wait_dma2 semaphore(%run_scoped3A : memref<!tpu.dma_semaphore, #tpu.memory_space<semaphore_mem>>) src(%dma_wait3A_173 : memref<625x64xbf16, #tpu.memory_space<vmem_shared>>) dst(%dma_wait3A_171 : memref<625x64xbf16, #tpu.memory_space<hbm>>)
        tpu.yield
      }) : () -> ()
    } else {
    }
    return
  }
}

module attributes {stable_mosaic.version = 14 : i64} {
  func.func @_s0a_body(%arg0: i32, %arg1: memref<2000x128xf32, #tpu.memory_space<vmem>>, %arg2: memref<128x64xf32, #tpu.memory_space<vmem>>, %arg3: memref<2000x64xf32, #tpu.memory_space<vmem>>) attributes {dimension_semantics = [#tpu.dimension_semantics<arbitrary>], iteration_bounds = array<i64: 5>, scalar_prefetch = 0 : i64, scratch_operands = 0 : i64, tpu.core_type = #tpu.core_type<tc>, window_params = [{transform_indices = @transform_0, window_bounds = array<i64: 2000, 128>}, {pipeline_mode = #tpu.pipeline_mode<synchronous>, transform_indices = @transform_1, window_bounds = array<i64: 128, 64>}, {transform_indices = @transform_2, window_bounds = array<i64: 2000, 64>}]} {
    %get3A = arith.constant 0 : index
    %get3A_0 = arith.constant 0 : index
    %get3A_1 = vector.load %arg1[%get3A, %get3A_0] : memref<2000x128xf32, #tpu.memory_space<vmem>>, vector<2000x128xf32>
    %get3A_2 = arith.constant 0 : index
    %get3A_3 = arith.constant 0 : index
    %get3A_4 = vector.load %arg2[%get3A_2, %get3A_3] : memref<128x64xf32, #tpu.memory_space<vmem>>, vector<128x64xf32>
    %dot_general3A = arith.constant dense<0.000000e+00> : vector<2000x64xf32>
    %dot_general3A_5 = tpu.matmul %get3A_1, %get3A_4, %dot_general3A {dimension_numbers = #tpu.dot_dimension_numbers<[1], [0], [0], [1], [0, 0, 1, 1], [], []>, transpose_lhs_hint = false} : vector<2000x128xf32>, vector<128x64xf32>, vector<2000x64xf32> -> vector<2000x64xf32>
    %swap3A = arith.constant 0 : index
    %swap3A_6 = arith.constant 0 : index
    %swap3A_7 = vector.load %arg3[%swap3A, %swap3A_6] : memref<2000x64xf32, #tpu.memory_space<vmem>>, vector<2000x64xf32>
    tpu.vector_store %arg3[%swap3A, %swap3A_6], %dot_general3A_5 {strides = array<i32>} : memref<2000x64xf32, #tpu.memory_space<vmem>>, vector<2000x64xf32>,
    return
  }
  func.func @transform_0(%arg0: i32) -> (i32, i32) {
    %c0_i32 = arith.constant 0 : i32
    %c0_i32_0 = arith.constant 0 : i32
    return %arg0, %c0_i32 : i32, i32
  }
  func.func @transform_1(%arg0: i32) -> (i32, i32) {
    %c0_i32 = arith.constant 0 : i32
    %c0_i32_0 = arith.constant 0 : i32
    %c0_i32_1 = arith.constant 0 : i32
    return %c0_i32, %c0_i32_0 : i32, i32
  }
  func.func @transform_2(%arg0: i32) -> (i32, i32) {
    %c0_i32 = arith.constant 0 : i32
    %c0_i32_0 = arith.constant 0 : i32
    return %arg0, %c0_i32 : i32, i32
  }
}

module attributes {stable_mosaic.version = 14 : i64} {
  func.func @_s0b_body(%arg0: i32, %arg1: memref<2000x64xf32, #tpu.memory_space<vmem>>, %arg2: memref<2000x1xf32, #tpu.memory_space<vmem>>, %arg3: memref<2000x1xf32, #tpu.memory_space<vmem>>, %arg4: memref<2000x64xbf16, #tpu.memory_space<vmem>>, %arg5: memref<2000x1xf32, #tpu.memory_space<vmem>>, %arg6: memref<2000x1xf32, #tpu.memory_space<vmem>>) attributes {dimension_semantics = [#tpu.dimension_semantics<arbitrary>], iteration_bounds = array<i64: 5>, scalar_prefetch = 0 : i64, scratch_operands = 0 : i64, tpu.core_type = #tpu.core_type<tc>, window_params = [{transform_indices = @transform_0, window_bounds = array<i64: 2000, 64>}, {transform_indices = @transform_1, window_bounds = array<i64: 2000, 1>}, {transform_indices = @transform_2, window_bounds = array<i64: 2000, 1>}, {transform_indices = @transform_3, window_bounds = array<i64: 2000, 64>}, {transform_indices = @transform_4, window_bounds = array<i64: 2000, 1>}, {transform_indices = @transform_5, window_bounds = array<i64: 2000, 1>}]} {
    %get3A = arith.constant 0 : index
    %get3A_0 = arith.constant 0 : index
    %get3A_1 = vector.load %arg2[%get3A, %get3A_0] : memref<2000x1xf32, #tpu.memory_space<vmem>>, vector<2000x1xf32>
    %max3A = arith.constant 1.000000e+00 : f32
    %max3A_2 = vector.broadcast %max3A : f32 to vector<2000x1xf32>
    %max3A_3 = arith.maximumf %get3A_1, %max3A_2 : vector<2000x1xf32>
    %rsqrt3A = math.rsqrt %max3A_3 : vector<2000x1xf32>
    %get3A_4 = arith.constant 0 : index
    %get3A_5 = arith.constant 0 : index
    %get3A_6 = vector.load %arg3[%get3A_4, %get3A_5] : memref<2000x1xf32, #tpu.memory_space<vmem>>, vector<2000x1xf32>
    %max3A_7 = arith.constant 1.000000e+00 : f32
    %max3A_8 = vector.broadcast %max3A_7 : f32 to vector<2000x1xf32>
    %max3A_9 = arith.maximumf %get3A_6, %max3A_8 : vector<2000x1xf32>
    %rsqrt3A_10 = math.rsqrt %max3A_9 : vector<2000x1xf32>
    %get3A_11 = arith.constant 0 : index
    %get3A_12 = arith.constant 0 : index
    %get3A_13 = vector.load %arg1[%get3A_11, %get3A_12] : memref<2000x64xf32, #tpu.memory_space<vmem>>, vector<2000x64xf32>
    %mul3A = vector.broadcast %rsqrt3A : vector<2000x1xf32> to vector<2000x64xf32>
    %mul3A_14 = arith.mulf %get3A_13, %mul3A : vector<2000x64xf32>
    %convert_element_type3A = arith.truncf %mul3A_14 : vector<2000x64xf32> to vector<2000x64xbf16>
    %swap3A = arith.constant 0 : index
    %swap3A_15 = arith.constant 0 : index
    %swap3A_16 = vector.load %arg4[%swap3A, %swap3A_15] : memref<2000x64xbf16, #tpu.memory_space<vmem>>, vector<2000x64xbf16>
    tpu.vector_store %arg4[%swap3A, %swap3A_15], %convert_element_type3A {strides = array<i32>} : memref<2000x64xbf16, #tpu.memory_space<vmem>>, vector<2000x64xbf16>,
    %swap3A_17 = arith.constant 0 : index
    %swap3A_18 = arith.constant 0 : index
    %swap3A_19 = vector.load %arg5[%swap3A_17, %swap3A_18] : memref<2000x1xf32, #tpu.memory_space<vmem>>, vector<2000x1xf32>
    tpu.vector_store %arg5[%swap3A_17, %swap3A_18], %rsqrt3A {strides = array<i32>} : memref<2000x1xf32, #tpu.memory_space<vmem>>, vector<2000x1xf32>,
    %swap3A_20 = arith.constant 0 : index
    %swap3A_21 = arith.constant 0 : index
    %swap3A_22 = vector.load %arg6[%swap3A_20, %swap3A_21] : memref<2000x1xf32, #tpu.memory_space<vmem>>, vector<2000x1xf32>
    tpu.vector_store %arg6[%swap3A_20, %swap3A_21], %rsqrt3A_10 {strides = array<i32>} : memref<2000x1xf32, #tpu.memory_space<vmem>>, vector<2000x1xf32>,
    return
  }
  func.func @transform_0(%arg0: i32) -> (i32, i32) {
    %c0_i32 = arith.constant 0 : i32
    %c0_i32_0 = arith.constant 0 : i32
    return %arg0, %c0_i32 : i32, i32
  }
  func.func @transform_1(%arg0: i32) -> (i32, i32) {
    %c0_i32 = arith.constant 0 : i32
    %c0_i32_0 = arith.constant 0 : i32
    return %arg0, %c0_i32 : i32, i32
  }
  func.func @transform_2(%arg0: i32) -> (i32, i32) {
    %c0_i32 = arith.constant 0 : i32
    %c0_i32_0 = arith.constant 0 : i32
    return %arg0, %c0_i32 : i32, i32
  }
  func.func @transform_3(%arg0: i32) -> (i32, i32) {
    %c0_i32 = arith.constant 0 : i32
    %c0_i32_0 = arith.constant 0 : i32
    return %arg0, %c0_i32 : i32, i32
  }
  func.func @transform_4(%arg0: i32) -> (i32, i32) {
    %c0_i32 = arith.constant 0 : i32
    %c0_i32_0 = arith.constant 0 : i32
    return %arg0, %c0_i32 : i32, i32
  }
  func.func @transform_5(%arg0: i32) -> (i32, i32) {
    %c0_i32 = arith.constant 0 : i32
    %c0_i32_0 = arith.constant 0 : i32
    return %arg0, %c0_i32 : i32, i32
  }
}

module attributes {stable_mosaic.version = 14 : i64} {
  func.func @_mid_body(%arg0: i32, %arg1: memref<2000x64xbf16, #tpu.memory_space<vmem>>, %arg2: memref<2000x64xbf16, #tpu.memory_space<vmem>>, %arg3: memref<2000x1xf32, #tpu.memory_space<vmem>>, %arg4: memref<2000x1xf32, #tpu.memory_space<vmem>>, %arg5: memref<1x64xf32, #tpu.memory_space<vmem>>, %arg6: memref<64x64xf32, #tpu.memory_space<vmem>>, %arg7: memref<2000x64xbf16, #tpu.memory_space<vmem>>) attributes {dimension_semantics = [#tpu.dimension_semantics<arbitrary>], iteration_bounds = array<i64: 5>, scalar_prefetch = 0 : i64, scratch_operands = 0 : i64, tpu.core_type = #tpu.core_type<tc>, window_params = [{transform_indices = @transform_0, window_bounds = array<i64: 2000, 64>}, {transform_indices = @transform_1, window_bounds = array<i64: 2000, 64>}, {transform_indices = @transform_2, window_bounds = array<i64: 2000, 1>}, {transform_indices = @transform_3, window_bounds = array<i64: 2000, 1>}, {pipeline_mode = #tpu.pipeline_mode<synchronous>, transform_indices = @transform_4, window_bounds = array<i64: 1, 64>}, {pipeline_mode = #tpu.pipeline_mode<synchronous>, transform_indices = @transform_5, window_bounds = array<i64: 64, 64>}, {transform_indices = @transform_6, window_bounds = array<i64: 2000, 64>}]} {
    %get3A = arith.constant 0 : index
    %get3A_0 = arith.constant 0 : index
    %get3A_1 = vector.load %arg1[%get3A, %get3A_0] : memref<2000x64xbf16, #tpu.memory_space<vmem>>, vector<2000x64xbf16>
    %convert_element_type3A = arith.extf %get3A_1 : vector<2000x64xbf16> to vector<2000x64xf32>
    %get3A_2 = arith.constant 0 : index
    %get3A_3 = arith.constant 0 : index
    %get3A_4 = vector.load %arg2[%get3A_2, %get3A_3] : memref<2000x64xbf16, #tpu.memory_space<vmem>>, vector<2000x64xbf16>
    %convert_element_type3A_5 = arith.extf %get3A_4 : vector<2000x64xbf16> to vector<2000x64xf32>
    %add3A = arith.addf %convert_element_type3A, %convert_element_type3A_5 : vector<2000x64xf32>
    %get3A_6 = arith.constant 0 : index
    %get3A_7 = arith.constant 0 : index
    %get3A_8 = vector.load %arg3[%get3A_6, %get3A_7] : memref<2000x1xf32, #tpu.memory_space<vmem>>, vector<2000x1xf32>
    %mul3A = vector.broadcast %get3A_8 : vector<2000x1xf32> to vector<2000x64xf32>
    %mul3A_9 = arith.mulf %add3A, %mul3A : vector<2000x64xf32>
    %get3A_10 = arith.constant 0 : index
    %get3A_11 = arith.constant 0 : index
    %get3A_12 = vector.load %arg5[%get3A_10, %get3A_11] : memref<1x64xf32, #tpu.memory_space<vmem>>, vector<1x64xf32>
    %add3A_13 = vector.broadcast %get3A_12 : vector<1x64xf32> to vector<2000x64xf32>
    %add3A_14 = arith.addf %mul3A_9, %add3A_13 : vector<2000x64xf32>
    %max3A = arith.constant 0.000000e+00 : f32
    %max3A_15 = vector.broadcast %max3A : f32 to vector<2000x64xf32>
    %max3A_16 = arith.maximumf %add3A_14, %max3A_15 : vector<2000x64xf32>
    %get3A_17 = arith.constant 0 : index
    %get3A_18 = arith.constant 0 : index
    %get3A_19 = vector.load %arg6[%get3A_17, %get3A_18] : memref<64x64xf32, #tpu.memory_space<vmem>>, vector<64x64xf32>
    %dot_general3A = arith.constant dense<0.000000e+00> : vector<2000x64xf32>
    %dot_general3A_20 = tpu.matmul %max3A_16, %get3A_19, %dot_general3A {dimension_numbers = #tpu.dot_dimension_numbers<[1], [0], [0], [1], [0, 0, 1, 1], [], []>, transpose_lhs_hint = false} : vector<2000x64xf32>, vector<64x64xf32>, vector<2000x64xf32> -> vector<2000x64xf32>
    %get3A_21 = arith.constant 0 : index
    %get3A_22 = arith.constant 0 : index
    %get3A_23 = vector.load %arg4[%get3A_21, %get3A_22] : memref<2000x1xf32, #tpu.memory_space<vmem>>, vector<2000x1xf32>
    %mul3A_24 = vector.broadcast %get3A_23 : vector<2000x1xf32> to vector<2000x64xf32>
    %mul3A_25 = arith.mulf %dot_general3A_20, %mul3A_24 : vector<2000x64xf32>
    %convert_element_type3A_26 = arith.truncf %mul3A_25 : vector<2000x64xf32> to vector<2000x64xbf16>
    %swap3A = arith.constant 0 : index
    %swap3A_27 = arith.constant 0 : index
    %swap3A_28 = vector.load %arg7[%swap3A, %swap3A_27] : memref<2000x64xbf16, #tpu.memory_space<vmem>>, vector<2000x64xbf16>
    tpu.vector_store %arg7[%swap3A, %swap3A_27], %convert_element_type3A_26 {strides = array<i32>} : memref<2000x64xbf16, #tpu.memory_space<vmem>>, vector<2000x64xbf16>,
    return
  }
  func.func @transform_0(%arg0: i32) -> (i32, i32) {
    %c0_i32 = arith.constant 0 : i32
    %c0_i32_0 = arith.constant 0 : i32
    return %arg0, %c0_i32 : i32, i32
  }
  func.func @transform_1(%arg0: i32) -> (i32, i32) {
    %c0_i32 = arith.constant 0 : i32
    %c0_i32_0 = arith.constant 0 : i32
    return %arg0, %c0_i32 : i32, i32
  }
  func.func @transform_2(%arg0: i32) -> (i32, i32) {
    %c0_i32 = arith.constant 0 : i32
    %c0_i32_0 = arith.constant 0 : i32
    return %arg0, %c0_i32 : i32, i32
  }
  func.func @transform_3(%arg0: i32) -> (i32, i32) {
    %c0_i32 = arith.constant 0 : i32
    %c0_i32_0 = arith.constant 0 : i32
    return %arg0, %c0_i32 : i32, i32
  }
  func.func @transform_4(%arg0: i32) -> (i32, i32) {
    %c0_i32 = arith.constant 0 : i32
    %c0_i32_0 = arith.constant 0 : i32
    %c0_i32_1 = arith.constant 0 : i32
    return %c0_i32, %c0_i32_0 : i32, i32
  }
  func.func @transform_5(%arg0: i32) -> (i32, i32) {
    %c0_i32 = arith.constant 0 : i32
    %c0_i32_0 = arith.constant 0 : i32
    %c0_i32_1 = arith.constant 0 : i32
    return %c0_i32, %c0_i32_0 : i32, i32
  }
  func.func @transform_6(%arg0: i32) -> (i32, i32) {
    %c0_i32 = arith.constant 0 : i32
    %c0_i32_0 = arith.constant 0 : i32
    return %arg0, %c0_i32 : i32, i32
  }
}

module attributes {stable_mosaic.version = 14 : i64} {
  func.func @_fin_body(%arg0: i32, %arg1: memref<2000x64xbf16, #tpu.memory_space<vmem>>, %arg2: memref<2000x64xbf16, #tpu.memory_space<vmem>>, %arg3: memref<2000x1xf32, #tpu.memory_space<vmem>>, %arg4: memref<1x64xf32, #tpu.memory_space<vmem>>, %arg5: memref<64x16xf32, #tpu.memory_space<vmem>>, %arg6: memref<1x16xf32, #tpu.memory_space<vmem>>, %arg7: memref<2000x16xf32, #tpu.memory_space<vmem>>) attributes {dimension_semantics = [#tpu.dimension_semantics<arbitrary>], iteration_bounds = array<i64: 5>, scalar_prefetch = 0 : i64, scratch_operands = 0 : i64, tpu.core_type = #tpu.core_type<tc>, window_params = [{transform_indices = @transform_0, window_bounds = array<i64: 2000, 64>}, {transform_indices = @transform_1, window_bounds = array<i64: 2000, 64>}, {transform_indices = @transform_2, window_bounds = array<i64: 2000, 1>}, {pipeline_mode = #tpu.pipeline_mode<synchronous>, transform_indices = @transform_3, window_bounds = array<i64: 1, 64>}, {pipeline_mode = #tpu.pipeline_mode<synchronous>, transform_indices = @transform_4, window_bounds = array<i64: 64, 16>}, {pipeline_mode = #tpu.pipeline_mode<synchronous>, transform_indices = @transform_5, window_bounds = array<i64: 1, 16>}, {transform_indices = @transform_6, window_bounds = array<i64: 2000, 16>}]} {
    %get3A = arith.constant 0 : index
    %get3A_0 = arith.constant 0 : index
    %get3A_1 = vector.load %arg1[%get3A, %get3A_0] : memref<2000x64xbf16, #tpu.memory_space<vmem>>, vector<2000x64xbf16>
    %convert_element_type3A = arith.extf %get3A_1 : vector<2000x64xbf16> to vector<2000x64xf32>
    %get3A_2 = arith.constant 0 : index
    %get3A_3 = arith.constant 0 : index
    %get3A_4 = vector.load %arg2[%get3A_2, %get3A_3] : memref<2000x64xbf16, #tpu.memory_space<vmem>>, vector<2000x64xbf16>
    %convert_element_type3A_5 = arith.extf %get3A_4 : vector<2000x64xbf16> to vector<2000x64xf32>
    %add3A = arith.addf %convert_element_type3A, %convert_element_type3A_5 : vector<2000x64xf32>
    %get3A_6 = arith.constant 0 : index
    %get3A_7 = arith.constant 0 : index
    %get3A_8 = vector.load %arg3[%get3A_6, %get3A_7] : memref<2000x1xf32, #tpu.memory_space<vmem>>, vector<2000x1xf32>
    %mul3A = vector.broadcast %get3A_8 : vector<2000x1xf32> to vector<2000x64xf32>
    %mul3A_9 = arith.mulf %add3A, %mul3A : vector<2000x64xf32>
    %get3A_10 = arith.constant 0 : index
    %get3A_11 = arith.constant 0 : index
    %get3A_12 = vector.load %arg4[%get3A_10, %get3A_11] : memref<1x64xf32, #tpu.memory_space<vmem>>, vector<1x64xf32>
    %add3A_13 = vector.broadcast %get3A_12 : vector<1x64xf32> to vector<2000x64xf32>
    %add3A_14 = arith.addf %mul3A_9, %add3A_13 : vector<2000x64xf32>
    %max3A = arith.constant 0.000000e+00 : f32
    %max3A_15 = vector.broadcast %max3A : f32 to vector<2000x64xf32>
    %max3A_16 = arith.maximumf %add3A_14, %max3A_15 : vector<2000x64xf32>
    %get3A_17 = arith.constant 0 : index
    %get3A_18 = arith.constant 0 : index
    %get3A_19 = vector.load %arg5[%get3A_17, %get3A_18] : memref<64x16xf32, #tpu.memory_space<vmem>>, vector<64x16xf32>
    %dot_general3A = arith.constant dense<0.000000e+00> : vector<2000x16xf32>
    %dot_general3A_20 = tpu.matmul %max3A_16, %get3A_19, %dot_general3A {dimension_numbers = #tpu.dot_dimension_numbers<[1], [0], [0], [1], [0, 0, 1, 1], [], []>, transpose_lhs_hint = false} : vector<2000x64xf32>, vector<64x16xf32>, vector<2000x16xf32> -> vector<2000x16xf32>
    %get3A_21 = arith.constant 0 : index
    %get3A_22 = arith.constant 0 : index
    %get3A_23 = vector.load %arg6[%get3A_21, %get3A_22] : memref<1x16xf32, #tpu.memory_space<vmem>>, vector<1x16xf32>
    %add3A_24 = vector.broadcast %get3A_23 : vector<1x16xf32> to vector<2000x16xf32>
    %add3A_25 = arith.addf %dot_general3A_20, %add3A_24 : vector<2000x16xf32>
    %swap3A = arith.constant 0 : index
    %swap3A_26 = arith.constant 0 : index
    %swap3A_27 = vector.load %arg7[%swap3A, %swap3A_26] : memref<2000x16xf32, #tpu.memory_space<vmem>>, vector<2000x16xf32>
    tpu.vector_store %arg7[%swap3A, %swap3A_26], %add3A_25 {strides = array<i32>} : memref<2000x16xf32, #tpu.memory_space<vmem>>, vector<2000x16xf32>,
    return
  }
  func.func @transform_0(%arg0: i32) -> (i32, i32) {
    %c0_i32 = arith.constant 0 : i32
    %c0_i32_0 = arith.constant 0 : i32
    return %arg0, %c0_i32 : i32, i32
  }
  func.func @transform_1(%arg0: i32) -> (i32, i32) {
    %c0_i32 = arith.constant 0 : i32
    %c0_i32_0 = arith.constant 0 : i32
    return %arg0, %c0_i32 : i32, i32
  }
  func.func @transform_2(%arg0: i32) -> (i32, i32) {
    %c0_i32 = arith.constant 0 : i32
    %c0_i32_0 = arith.constant 0 : i32
    return %arg0, %c0_i32 : i32, i32
  }
  func.func @transform_3(%arg0: i32) -> (i32, i32) {
    %c0_i32 = arith.constant 0 : i32
    %c0_i32_0 = arith.constant 0 : i32
    %c0_i32_1 = arith.constant 0 : i32
    return %c0_i32, %c0_i32_0 : i32, i32
  }
  func.func @transform_4(%arg0: i32) -> (i32, i32) {
    %c0_i32 = arith.constant 0 : i32
    %c0_i32_0 = arith.constant 0 : i32
    %c0_i32_1 = arith.constant 0 : i32
    return %c0_i32, %c0_i32_0 : i32, i32
  }
  func.func @transform_5(%arg0: i32) -> (i32, i32) {
    %c0_i32 = arith.constant 0 : i32
    %c0_i32_0 = arith.constant 0 : i32
    %c0_i32_1 = arith.constant 0 : i32
    return %c0_i32, %c0_i32_0 : i32, i32
  }
  func.func @transform_6(%arg0: i32) -> (i32, i32) {
    %c0_i32 = arith.constant 0 : i32
    %c0_i32_0 = arith.constant 0 : i32
    return %arg0, %c0_i32 : i32, i32
  }
}

</mosaic_0001>

<sc_bundles>
// kernel: kernel.11.cloned.1.call-start
scs
__scs_entry_jumppad:
0x0: {  	(pc) =	sbr.rel $0x88, $3  }
0x1: {  	(tag) =	ssettag $0x0;
	lr =	simm.s32 $0x1  }
0x2: {  	[smem:$0x3F97] =	sst lr;
	_ =	strace $0xD0000000  }
0x3: {  	_ = 	snop  }
0x4: {  	_ = 	snop  }
0x5: {  	_ = 	snop  }
0x6: {  	_ = 	snop  }
0x7: {  	_ = 	snop  }
__scs_overlays_trampoline_lowered:
0x8: {  	[smem:$0x3FA6] =	sst s0  }
0x9: {  	[smem:$0x3FA7] =	sst s1  }
0xa: {  	[smem:$0x3FA8] =	sst s2  }
0xb: {  	[smem:$0x3FA9] =	sst s3  }
0xc: {  	[smem:$0x3FAA] =	sst s4  }
0xd: {  	[smem:$0x3FAB] =	sst s5  }
0xe: {  	[smem:$0x3FAC] =	sst s6  }
0xf: {  	[smem:$0x3FAD] =	sst s7  }
0x10: {  	[smem:$0x3FAE] =	sst s8  }
0x11: {  	[smem:$0x3FAF] =	sst s9;
	s0 =	simm.s32 @!p0 $0x0  }
0x12: {  	s1 =	sld [smem:$0x3F95];
	s0 =	simm.s32 @p0 $0x1  }
0x13: {  	[smem:$0x3FB0] =	sst s0;
	s0 =	simm.s32 @!p1 $0x0  }
0x14: {  	s2 =	sld [smem:$0x3F94];
	s0 =	simm.s32 @p1 $0x1  }
0x15: {  	[smem:$0x3FB1] =	sst s0;
	s0 =	simm.s32 @!p2 $0x0  }
0x16: {  	s3 =	sld [smem:$0x3FDB];
	s0 =	simm.s32 @p2 $0x1  }
0x17: {  	s4 =	simm.s32 $0x1BF5;
	[smem:$0x3FB3] =	sst s0  }
0x18: {  	s0 =	sld [smem:$0x3F96];
	_ =	swait.ge [sflag:s4], $0x0  }
0x19: {  	s7 =	sld [smem:$0x3F97]  }
0x1a: {  	s8 =	sadd.s32 $0xFFFFE003, lr  }
0x1b: {  	s9 =	sadd.s32 $0xFFFFFEF7, lr;
	s5 =	simm.s32 $0xFFFFFFFF;
	p2 =	slt.u32 s8, $0xFFFFF086  }
0x1c: {  	p1 =	slt.u32 s9, $0xF7A;
	s5 =	simm.s32 @!p2 $0x0  }
0x1d: {  	s5 =	simm.s32 @p1 $0x1;
	p0 =	seq.s32 s7, s2  }
0x1e: {  	s7 =	smul.u32 @!p0 $0xF7A, s2;
	p2 =	seq.s32 @!p0 s5, $0x0  }
0x1f: {  	s9 =	smul.u32 $0xF7A, s1;
	s8 =	simm.s32 @!p0 $0x1BF5;
	p2 =	por !p2, p0  }
0x20: {  	[sflag:s8] =	ssyncset.s32 @!p0 $0xFFFFF086;
	s6 =	sadd.s32 @!p0 s3, s7;
	s7 =	simm.s32 @!p0 $0x108  }
0x21: {  	s3 =	sadd.s32 s3, s9;
	s6 =	sadd.s32 @!p0 $0x88, s6;
	s7 =	simm.s32 @p2 $0x1082  }
0x22: {  	[simem:s7], [sflag:s8] =	dma.local @!p0 [hbm:s6], $0xF7A  }
0x23: {  	s9 =	sor.u32 $0xD0000000, s2;
	s6 =	simm.s32 $0x108;
	_ =	swait.ge @!p0 [sflag:s8], $0x0  }
0x24: {  	s3 =	sadd.s32 $0x88, s3;
	s6 =	simm.s32 @!p1 $0x1082;
	[sflag:s4] =	ssyncset.s32 $0xFFFFF086  }
0x25: {  	[simem:s6], [sflag:s4] =	dma.local [hbm:s3], $0xF7A  }
0x26: {  	[smem:$0x3F97] =	sst s1;
	(tag) =	ssettag s2;
	_ =	strace s9  }
0x27: {  	s1 =	sld [smem:$0x3FA7]  }
0x28: {  	s2 =	sld [smem:$0x3FA8]  }
0x29: {  	s4 =	sld [smem:$0x3FAA]  }
0x2a: {  	p0 =	seq.s32 s5, $0x0;
	s5 =	sld [smem:$0x3FAB]  }
0x2b: {  	s6 =	sld [smem:$0x3FAC]  }
0x2c: {  	s7 =	sld [smem:$0x3FAD]  }
0x2d: {  	s3 =	simm.s32 $0x108;
	s8 =	sld [smem:$0x3FAE]  }
0x2e: {  	s3 =	simm.s32 @!p0 $0x1082;
	s9 =	sld [smem:$0x3FAF]  }
0x2f: {  	lr =	sadd.s32 s0, s3;
	s0 =	sld [smem:$0x3FA6]  }
0x30: {  	s3 =	sld [smem:$0x3FA9]  }
0x31: {  	[smem:$0x3FB2] =	sst s10  }
0x32: {  	s10 =	sld [smem:$0x3FB0];
	_ =	sdelay $0x3  }
0x33: {  	p0 =	seq.s32 s10, $0x1;
	s10 =	sld [smem:$0x3FB2];
	_ =	sdelay $0x3  }
0x34: {  	[smem:$0x3FB2] =	sst s10  }
0x35: {  	s10 =	sld [smem:$0x3FB1];
	_ =	sdelay $0x3  }
0x36: {  	p1 =	seq.s32 s10, $0x1;
	s10 =	sld [smem:$0x3FB2];
	_ =	sdelay $0x3  }
0x37: {  	[smem:$0x3FB2] =	sst s10  }
0x38: {  	s10 =	sld [smem:$0x3FB3]  }
0x39: {  	_ = 	snop;
	(pc) =	sbr.ind lr, $3  }
0x3a: {  	_ = 	snop  }
0x3b: {  	_ = 	snop  }
0x3c: {  	p2 =	seq.s32 s10, $0x1;
	s10 =	sld [smem:$0x3FB2]  }
0x3d: {  	_ =	shalt  }
0x3e: {  	_ =	shalt  }
0x3f: {  	_ =	shalt  }
0x40: {  	_ =	shalt  }
0x41: {  	_ =	shalt  }
0x42: {  	_ =	shalt  }
0x43: {  	_ =	shalt  }
0x44: {  	_ =	shalt  }
0x45: {  	_ =	shalt  }
0x46: {  	_ =	shalt  }
0x47: {  	_ =	shalt  }
0x48: {  	_ =	shalt  }
0x49: {  	_ =	shalt  }
0x4a: {  	_ =	shalt  }
0x4b: {  	_ =	shalt  }
0x4c: {  	_ =	shalt  }
0x4d: {  	_ =	shalt  }
0x4e: {  	_ =	shalt  }
0x4f: {  	_ =	shalt  }
0x50: {  	_ =	shalt  }
0x51: {  	_ =	shalt  }
0x52: {  	_ =	shalt  }
0x53: {  	_ =	shalt  }
0x54: {  	_ =	shalt  }
0x55: {  	_ =	shalt  }
0x56: {  	_ =	shalt  }
0x57: {  	_ =	shalt  }
0x58: {  	_ =	shalt  }
0x59: {  	_ =	shalt  }
0x5a: {  	_ =	shalt  }
0x5b: {  	_ =	shalt  }
0x5c: {  	_ =	shalt  }
0x5d: {  	_ =	shalt  }
0x5e: {  	_ =	shalt  }
0x5f: {  	_ =	shalt  }
0x60: {  	_ =	shalt  }
0x61: {  	_ =	shalt  }
0x62: {  	_ =	shalt  }
0x63: {  	_ =	shalt  }
0x64: {  	_ =	shalt  }
0x65: {  	_ =	shalt  }
0x66: {  	_ =	shalt  }
0x67: {  	_ =	shalt  }
0x68: {  	_ =	shalt  }
0x69: {  	_ =	shalt  }
0x6a: {  	_ =	shalt  }
0x6b: {  	_ =	shalt  }
0x6c: {  	_ =	shalt  }
0x6d: {  	_ =	shalt  }
0x6e: {  	_ =	shalt  }
0x6f: {  	_ =	shalt  }
0x70: {  	_ =	shalt  }
0x71: {  	_ =	shalt  }
0x72: {  	_ =	shalt  }
0x73: {  	_ =	shalt  }
0x74: {  	_ =	shalt  }
0x75: {  	_ =	shalt  }
0x76: {  	_ =	shalt  }
0x77: {  	_ =	shalt  }
0x78: {  	_ =	shalt  }
0x79: {  	_ =	shalt  }
0x7a: {  	_ =	shalt  }
0x7b: {  	_ =	shalt  }
0x7c: {  	_ =	shalt  }
0x7d: {  	_ =	shalt  }
0x7e: {  	_ =	shalt  }
0x7f: {  	_ =	shalt  }
0x80: {  	_ =	shalt  }
0x81: {  	_ =	shalt  }
0x82: {  	_ =	shalt  }
0x83: {  	_ =	shalt  }
0x84: {  	_ =	shalt  }
0x85: {  	_ =	shalt  }
0x86: {  	_ =	shalt  }
0x87: {  	_ =	shalt  }
.Lfunc_end0:
.L_simem_size_0:
called_computation_lowered:
.L_overlay_start_0:
0x88: {  	s2 =	sld [smem:$0x3FD9]  }
0x89: {  	s3 =	sld [smem:$0x3FFE];
	_ =	sdelay $0x1  }
0x8a: {  	s1 =	srdreg.scid  }
0x8b: {  	s0 =	sand.u32 $0x1, s1  }
0x8c: {  	s17 =	sshll.u32 s0, $0xA;
	s2 =	sadd.s32 s3, s2  }
0x8d: {  	s2 =	sadd.s32 s2, s17  }
0x8e: {  	[smem:$0x3FBE] =	sst s2  }
0x8f: {  	_ = 	snop  }
0x90: {  	s2 =	sld [smem:$0x3FD0];
	(tm) =	ssettm $0x1  }
0x91: {  	s18 =	sld [smem:$0x3FFB];
	_ =	sdelay $0x3  }
0x92: {  	_ =	strace s18  }
0x93: {  	s3 =	sld [smem:$0x3FFC];
	_ =	sdelay $0x3  }
0x94: {  	_ =	strace s3  }
0x95: {  	s3 =	sld [smem:$0x3FFD];
	_ =	sdelay $0x3  }
0x96: {  	_ =	strace s3  }
0x97: {  	_ =	strace $0x8FFFFFFF  }
0x98: {  	s19 =	sld [smem:$0x3FDB];
	_ =	sdelay $0x1  }
0x99: {  	s4 =	simm.s32 $_scs_section_size  }
0x9a: {  	s5 =	simm.s32 $_size__tile_overlayer_lowered;
	s6 =	simm.s32 $_tile_overlayer_lowered  }
0x9b: {  	s22 =	simm.s32 $0x1BFF;
	s21 =	sshll.u32 s6, $0x1;
	s3 =	sadd.s32 s4, s19  }
0x9c: {  	s7 =	simm.s32 $0x0;
	s20 =	sshll.u32 s5, $0x1;
	s5 =	sadd.s32 s21, s3  }
0x9d: {  	[timem:s7], [sflag:s22] =	dma.local [hbm:s5], s20  }
0x9e: {  	_ =	swait.ge [sflag:s22], s20  }
0x9f: {  	s4 =	ssub.s32 $0x0, s20;
	[sflag:s22] =	ssyncset.done $0x0  }
0xa0: {  	[sflag:s22] =	ssyncadd.s32 s4;
	_ =	sdelay $0x1  }
0xa1: {  	s23 =	simm.s32 $0x1B8B  }
0xa2: {  	_ =	swait.ge [sflag:s23], $0x1  }
0xa3: {  	[sflag:s23] =	ssyncset.done $0x0  }
0xa4: {  	s25 =	simm.s32 $0x1B8E;
	s24 =	sld [smem:$0x3FFE];
	[sflag:s23] =	ssyncadd.s32 $0xFFFFFFFF  }
0xa5: {  	s26 =	simm.s32 $execute0_lowered;
	[smem:$0x3FD2] =	sst s25  }
0xa6: {  	s5 =	sshll.u32 s26, $0x1;
	_ =	strace $0x80000046;
	[dreg:$0x1] =	wrdreg $0xFFFFFFFF  }
0xa7: {  	s28 =	simm.s32 $_size_execute0_lowered;
	s3 =	sadd.s32 s3, s5;
	[dreg:$0x0] =	wrdreg $0x0  }
0xa8: {  	s5 =	sshll.u32 s28, $0x1;
	[dreg:$0x2] =	wrdreg s3  }
0xa9: {  	[dreg:$0x3] =	wrdreg s5  }
0xaa: {  	[dreg:$0x4] =	wrdreg $0xC0  }
0xab: {  	_ =	task [dreg:s7], $0x5FFFF  }
0xac: {  	[dreg:$0x1] =	wrdreg $0xFFFFFFFF  }
0xad: {  	[dreg:$0x0] =	wrdreg $0x60  }
0xae: {  	[dreg:$0x2] =	wrdreg s24  }
0xaf: {  	[dreg:$0x3] =	wrdreg s2  }
0xb0: {  	[dreg:$0x4] =	wrdreg $0x50800  }
0xb1: {  	[dreg:$0x5] =	wrdreg $0x9  }
0xb2: {  	_ =	task.clear_ibuf [dreg:s7], $0x6FFFF;
	_ =	strace $0x90000046  }
0xb3: {  	s29 =	simm.s32 $0x9;
	_ =	strace $0x80000048  }
0xb4: {  	_ =	swait.ge [sflag:s29], $0x1  }
0xb5: {  	[sflag:s29] =	ssyncadd.s32 $0xFFFFFFFF  }
0xb6: {  	_ =	strace $0x90000048  }
0xb7: {  	_ =	sfence  }
0xb8: {  	s30 =	sld [smem:$0x0];
	_ =	sdelay $0x2  }
0xb9: {  	s31 =	sshll.u32 s1, $0xD;
	s1 =	sshrl.u32 s1, $0x2  }
0xba: {  	s3 =	sand.u32 $0x4000, s31;
	s1 =	sadd.s32 s1, s30  }
0xbb: {  	s0 =	sor.u32 s3, s0;
	s1 =	sshll.u32 s1, $0x11  }
0xbc: {  	s0 =	sor.u32 s1, s0  }
0xbd: {  	s0 =	sadd.s32 $0x8F2B, s0  }
0xbe: {  	[sflag:s0] =	ssyncadd.remote.s32 $0x1  }
0xbf: {  	_ =	sfence.sel $0xFFFF  }
0xc0: {  	[dreg:$0x0] =	wrdreg $0xFFFFFFFF;
	(pc) =	sbr.abs _section_cstart, $3  }
0xc1: {  	[dreg:$0x1] =	wrdreg $0xFFFFFFFF  }
0xc2: {  	_ =	task.clear_ibuf [dreg:s7], $0x2FFFF;
	_ =	strace $0x9FFFFFFF  }
0xc3: {  	(tm) =	ssettm $0x7FFFFFFF  }
tec
execute0_lowered:
.L_overlay_start_1:
0x0: {  	(tag) =	ssettag $0x1  }
0x1: {  	s5 =	rddreg [dreg:$0x0]  }
0x2: {  	s1 =	rddreg [dreg:$0x1]  }
0x3: {  	s2 =	rddreg [dreg:$0x2]  }
0x4: {  	s0 =	rddreg [dreg:$0x3];
	s3 =	simm.s32 $0x0;
	s13 =	stileid.u32  }
0x5: {  	s4 =	srdreg.scid;
	s12 =	simm.s32 $0x1;
	[smem:$0x7FF] =	sst s3  }
0x6: {  	s6 =	smul.u32 $0xA00, s13;
	s10 =	sand.u32 $0x1, s4;
	s4 =	sadd.s32 $0x17E00, s5  }
0x7: {  	p0 =	seq.s32 s13, $0x0;
	_ =	strace $0x80000047;
	s7 =	ssub.s32 $0x2, s10  }
0x8: {  	p1 =	seq.s32 s10, $0x1;
	s11 =	sor.u32 s10, s13;
	p3 =	sne.s32 s10, $0x0  }
0x9: {  	s10 =	simm.s32 $0x7D;
	s8 =	sadd.s32 s6, s5;
	s31 =	sshrl.u32 s7, $0x1  }
0xa: {  	s5 =	sadd.s32 $0x18400, s5;
	p2 =	por !p0, !p1;
	p0 =	sne.s32 s13, $0x0  }
0xb: {  	p4 =	sne.s32 s11, $0x0;
	s11 =	simm.s32 $0x5000;
	s9 =	ssub.s32 s7, s31  }
0xc: {  	s6 =	sadd.s32 $0x3E00, s8;
	s7 =	sadd.s32 $0xDE00, s8;
	p2 =	por !p2, !p2  }
0xd: {  	s13 =	sshll.u32 @!p4 s13, $0x6;
	s14 =	sshrl.u32 @!p4 s2, $0x3;
	s8 =	smax.u32 s9, $0x1  }
0xe: {  	v0 =	vimm.f32 $1.000000000e+00;
	s9 =	sshrl.u32 @!p0 s2, $0x3;
	s13 =	sor.u32 @!p4 $0x1C02, s13;
	s15 =	sshrl.u32 @p2 s2, $0x3  }
.LBB2_1:
0xf: {  	s16 =	simm.s32 @!p0 $0x1C02  }
0x10: {  	[spmem:s9], [sflag:s16] =	dma.local @!p0 [hbm:s1], $0x4F0  }
0x11: {  	s16 =	simm.s32 @!p0 $0x2  }
0x12: {  	_ =	swait.ge @!p0 [sflag:s16], $0x4F0  }
0x13: {  	[sflag:s16] =	ssyncset.done @!p0 $0x0  }
0x14: {  	[sflag:s16] =	ssyncadd.s32 @!p0 $0xFFFFFB10;
	s16 =	simm.s32 @!p3 $0x0  }
0x15: {  	[tilespmem:s16], [sflag:$0x2] =	stream.linear.gather @!p3 [hbm4b:s6+s16], $0x5000, $0x38;
	[tilespmem:$0x52F8] =	vst v63  }
0x16: {  	s16 =	simm.s32 @!p3 $0x2  }
0x17: {  	_ =	swait.ge @!p3 [sflag:s16], $0x5000  }
0x18: {  	[sflag:s16] =	ssyncset.done @!p3 $0x0  }
0x19: {  	[sflag:s16] =	ssyncadd.s32 @!p3 $0xFFFFB000;
	s16 =	simm.s32 @p1 $0x0  }
0x1a: {  	[tilespmem:s16], [sflag:$0x2] =	stream.linear.gather @p1 [hbm4b:s7+s16], $0x5000, $0x38;
	[tilespmem:$0x52F8] =	vst v63  }
0x1b: {  	s16 =	simm.s32 @p1 $0x2  }
0x1c: {  	_ =	swait.ge @p1 [sflag:s16], $0x5000  }
0x1d: {  	[sflag:s16] =	ssyncset.done @p1 $0x0  }
0x1e: {  	[sflag:s16] =	ssyncadd.s32 @p1 $0xFFFFB000  }
0x1f: {  	[tilespmem:$0x5000] =	vst v0  }
0x20: {  	[tilespmem:$0x5010] =	vst v0  }
0x21: {  	[tilespmem:$0x5020] =	vst v0  }
0x22: {  	[tilespmem:$0x5030] =	vst v0  }
0x23: {  	[tilespmem:$0x5040] =	vst v0  }
0x24: {  	[tilespmem:$0x5050] =	vst v0  }
0x25: {  	[tilespmem:$0x5060] =	vst v0  }
0x26: {  	[tilespmem:$0x506D] =	vst v0  }
0x27: {  	s23 =	simm.s32 $0x0;
	[bflag:$0x0] =	sbarrier.arrive $0xFFFF  }
0x28: {  	[spmem:s2] =	stream.indirect.scatter.add.f32 [tilespmem:s11], [sflag:$0x1], $0x1, s23, s10, $0xb8;
	[tilespmem:$0x52F8] =	vst v63  }
0x29: {  	s24 =	simm.s32 $0x80  }
0x2a: {  	[spmem:s2] =	stream.indirect.scatter.add.f32 [tilespmem:s11], [sflag:$0x1], $0x1, s24, s10, $0xb8;
	[tilespmem:$0x52F8] =	vst v63  }
0x2b: {  	s25 =	simm.s32 $0x100  }
0x2c: {  	[spmem:s2] =	stream.indirect.scatter.add.f32 [tilespmem:s11], [sflag:$0x1], $0x1, s25, s10, $0xb8;
	[tilespmem:$0x52F8] =	vst v63  }
0x2d: {  	s26 =	simm.s32 $0x180  }
0x2e: {  	[spmem:s2] =	stream.indirect.scatter.add.f32 [tilespmem:s11], [sflag:$0x1], $0x1, s26, s10, $0xb8;
	[tilespmem:$0x52F8] =	vst v63  }
0x2f: {  	s28 =	simm.s32 $0x200  }
0x30: {  	[spmem:s2] =	stream.indirect.scatter.add.f32 [tilespmem:s11], [sflag:$0x1], $0x1, s28, s10, $0xb8;
	[tilespmem:$0x52F8] =	vst v63  }
0x31: {  	s29 =	simm.s32 $0x280  }
0x32: {  	[spmem:s2] =	stream.indirect.scatter.add.f32 [tilespmem:s11], [sflag:$0x1], $0x1, s29, s10, $0xb8;
	[tilespmem:$0x52F8] =	vst v63  }
0x33: {  	s30 =	simm.s32 $0x300  }
0x34: {  	[spmem:s2] =	stream.indirect.scatter.add.f32 [tilespmem:s11], [sflag:$0x1], $0x1, s30, s10, $0xb8;
	[tilespmem:$0x52F8] =	vst v63  }
0x35: {  	s31 =	simm.s32 $0x380  }
0x36: {  	[spmem:s2] =	stream.indirect.scatter.add.f32 [tilespmem:s11], [sflag:$0x1], $0x1, s31, s10, $0xb8;
	[tilespmem:$0x52F8] =	vst v63  }
0x37: {  	_ =	swait.ge [sflag:s12], $0x7D  }
0x38: {  	[sflag:s12] =	ssyncset.done $0x0  }
0x39: {  	[sflag:s12] =	ssyncadd.s32 $0xFFFFFF83  }
0x3a: {  	_ =	swait.ge [sflag:s12], $0x7D  }
0x3b: {  	[sflag:s12] =	ssyncset.done $0x0  }
0x3c: {  	[sflag:s12] =	ssyncadd.s32 $0xFFFFFF83  }
0x3d: {  	_ =	swait.ge [sflag:s12], $0x7D  }
0x3e: {  	[sflag:s12] =	ssyncset.done $0x0  }
0x3f: {  	[sflag:s12] =	ssyncadd.s32 $0xFFFFFF83  }
0x40: {  	_ =	swait.ge [sflag:s12], $0x7D  }
0x41: {  	[sflag:s12] =	ssyncset.done $0x0  }
0x42: {  	[sflag:s12] =	ssyncadd.s32 $0xFFFFFF83  }
0x43: {  	_ =	swait.ge [sflag:s12], $0x7D  }
0x44: {  	[sflag:s12] =	ssyncset.done $0x0  }
0x45: {  	[sflag:s12] =	ssyncadd.s32 $0xFFFFFF83  }
0x46: {  	_ =	swait.ge [sflag:s12], $0x7D  }
0x47: {  	[sflag:s12] =	ssyncset.done $0x0  }
0x48: {  	[sflag:s12] =	ssyncadd.s32 $0xFFFFFF83  }
0x49: {  	_ =	swait.ge [sflag:s12], $0x7D  }
0x4a: {  	[sflag:s12] =	ssyncset.done $0x0  }
0x4b: {  	[sflag:s12] =	ssyncadd.s32 $0xFFFFFF83  }
0x4c: {  	_ =	swait.ge [sflag:s12], $0x7D  }
0x4d: {  	s18 =	simm.s32 $0x2000;
	s16 =	simm.s32 $0x1000;
	[sflag:s12] =	ssyncset.done $0x0  }
.LBB2_2:
0x4e: {  	s19 =	sshra.s32 s16, $0x2  }
0x4f: {  	[sflag:s12] =	ssyncadd.s32 $0xFFFFFF83;
	s16 =	smov.u32 s18;
	s17 =	sadd.s32 $0x1000, s18  }
0x50: {  	[spmem:s2] =	stream.indirect.scatter.add.f32 [tilespmem:s11], [sflag:$0x1], $0x1, s19, s10, $0xb8;
	[tilespmem:$0x52F8] =	vst v63  }
0x51: {  	p5 =	sne.s32 s18, $0x13000;
	s18 =	sadd.s32 $0x80, s19  }
0x52: {  	[spmem:s2] =	stream.indirect.scatter.add.f32 [tilespmem:s11], [sflag:$0x1], $0x1, s18, s10, $0xb8;
	[tilespmem:$0x52F8] =	vst v63  }
0x53: {  	s18 =	sadd.s32 $0x100, s19  }
0x54: {  	[spmem:s2] =	stream.indirect.scatter.add.f32 [tilespmem:s11], [sflag:$0x1], $0x1, s18, s10, $0xb8;
	[tilespmem:$0x52F8] =	vst v63  }
0x55: {  	s18 =	sadd.s32 $0x180, s19  }
0x56: {  	[spmem:s2] =	stream.indirect.scatter.add.f32 [tilespmem:s11], [sflag:$0x1], $0x1, s18, s10, $0xb8;
	[tilespmem:$0x52F8] =	vst v63  }
0x57: {  	s18 =	sadd.s32 $0x200, s19  }
0x58: {  	[spmem:s2] =	stream.indirect.scatter.add.f32 [tilespmem:s11], [sflag:$0x1], $0x1, s18, s10, $0xb8;
	[tilespmem:$0x52F8] =	vst v63  }
0x59: {  	s18 =	sadd.s32 $0x280, s19  }
0x5a: {  	[spmem:s2] =	stream.indirect.scatter.add.f32 [tilespmem:s11], [sflag:$0x1], $0x1, s18, s10, $0xb8;
	[tilespmem:$0x52F8] =	vst v63  }
0x5b: {  	s18 =	sadd.s32 $0x300, s19  }
0x5c: {  	[spmem:s2] =	stream.indirect.scatter.add.f32 [tilespmem:s11], [sflag:$0x1], $0x1, s18, s10, $0xb8;
	[tilespmem:$0x52F8] =	vst v63  }
0x5d: {  	s18 =	sadd.s32 $0x380, s19  }
0x5e: {  	[spmem:s2] =	stream.indirect.scatter.add.f32 [tilespmem:s11], [sflag:$0x1], $0x1, s18, s10, $0xb8;
	[tilespmem:$0x52F8] =	vst v63  }
0x5f: {  	_ =	swait.ge [sflag:s12], $0x7D  }
0x60: {  	[sflag:s12] =	ssyncset.done $0x0  }
0x61: {  	[sflag:s12] =	ssyncadd.s32 $0xFFFFFF83  }
0x62: {  	_ =	swait.ge [sflag:s12], $0x7D  }
0x63: {  	[sflag:s12] =	ssyncset.done $0x0  }
0x64: {  	[sflag:s12] =	ssyncadd.s32 $0xFFFFFF83  }
0x65: {  	_ =	swait.ge [sflag:s12], $0x7D  }
0x66: {  	[sflag:s12] =	ssyncset.done $0x0  }
0x67: {  	[sflag:s12] =	ssyncadd.s32 $0xFFFFFF83  }
0x68: {  	_ =	swait.ge [sflag:s12], $0x7D  }
0x69: {  	[sflag:s12] =	ssyncset.done $0x0  }
0x6a: {  	[sflag:s12] =	ssyncadd.s32 $0xFFFFFF83  }
0x6b: {  	_ =	swait.ge [sflag:s12], $0x7D  }
0x6c: {  	[sflag:s12] =	ssyncset.done $0x0  }
0x6d: {  	[sflag:s12] =	ssyncadd.s32 $0xFFFFFF83  }
0x6e: {  	_ =	swait.ge [sflag:s12], $0x7D  }
0x6f: {  	[sflag:s12] =	ssyncset.done $0x0  }
0x70: {  	[sflag:s12] =	ssyncadd.s32 $0xFFFFFF83  }
.Ltmp0:
0x71: {  	_ =	swait.ge [sflag:s12], $0x7D;
	(pc) =	sbr.rel @p5 .LBB2_2-.Ltmp0, $4  }
0x72: {  	[sflag:s12] =	ssyncset.done $0x0  }
0x73: {  	[sflag:s12] =	ssyncadd.s32 $0xFFFFFF83  }
0x74: {  	_ =	swait.ge [sflag:s12], $0x7D  }
0x75: {  	s18 =	smov.u32 s17;
	[sflag:s12] =	ssyncset.done $0x0  }
0x76: {  	s16 =	sshra.s32 s16, $0x2;
	[sflag:s12] =	ssyncadd.s32 $0xFFFFFF83  }
0x77: {  	[spmem:s2] =	stream.indirect.scatter.add.f32 [tilespmem:s11], [sflag:$0x1], $0x1, s16, s10, $0xb8;
	[tilespmem:$0x52F8] =	vst v63  }
0x78: {  	s17 =	sadd.s32 $0x80, s16  }
0x79: {  	[spmem:s2] =	stream.indirect.scatter.add.f32 [tilespmem:s11], [sflag:$0x1], $0x1, s17, s10, $0xb8;
	[tilespmem:$0x52F8] =	vst v63  }
0x7a: {  	s26 =	sadd.s32 $0x100, s16  }
0x7b: {  	[spmem:s2] =	stream.indirect.scatter.add.f32 [tilespmem:s11], [sflag:$0x1], $0x1, s26, s10, $0xb8;
	[tilespmem:$0x52F8] =	vst v63  }
0x7c: {  	s28 =	sadd.s32 $0x180, s16  }
0x7d: {  	[spmem:s2] =	stream.indirect.scatter.add.f32 [tilespmem:s11], [sflag:$0x1], $0x1, s28, s10, $0xb8;
	[tilespmem:$0x52F8] =	vst v63  }
0x7e: {  	s29 =	sadd.s32 $0x200, s16  }
0x7f: {  	[spmem:s2] =	stream.indirect.scatter.add.f32 [tilespmem:s11], [sflag:$0x1], $0x1, s29, s10, $0xb8;
	[tilespmem:$0x52F8] =	vst v63  }
0x80: {  	s30 =	sadd.s32 $0x280, s16  }
0x81: {  	[spmem:s2] =	stream.indirect.scatter.add.f32 [tilespmem:s11], [sflag:$0x1], $0x1, s30, s10, $0xb8;
	[tilespmem:$0x52F8] =	vst v63  }
0x82: {  	s31 =	sadd.s32 $0x300, s16  }
0x83: {  	[spmem:s2] =	stream.indirect.scatter.add.f32 [tilespmem:s11], [sflag:$0x1], $0x1, s31, s10, $0xb8;
	[tilespmem:$0x52F8] =	vst v63  }
0x84: {  	s16 =	sadd.s32 $0x380, s16  }
0x85: {  	[spmem:s2] =	stream.indirect.scatter.add.f32 [tilespmem:s11], [sflag:$0x1], $0x1, s16, s10, $0xb8;
	[tilespmem:$0x52F8] =	vst v63  }
0x86: {  	_ =	swait.ge [sflag:s12], $0x7D  }
0x87: {  	[sflag:s12] =	ssyncset.done $0x0  }
0x88: {  	[sflag:s12] =	ssyncadd.s32 $0xFFFFFF83  }
0x89: {  	_ =	swait.ge [sflag:s12], $0x7D  }
0x8a: {  	[sflag:s12] =	ssyncset.done $0x0  }
0x8b: {  	[sflag:s12] =	ssyncadd.s32 $0xFFFFFF83  }
0x8c: {  	_ =	swait.ge [sflag:s12], $0x7D  }
0x8d: {  	[sflag:s12] =	ssyncset.done $0x0  }
0x8e: {  	[sflag:s12] =	ssyncadd.s32 $0xFFFFFF83  }
0x8f: {  	_ =	swait.ge [sflag:s12], $0x7D  }
0x90: {  	[sflag:s12] =	ssyncset.done $0x0  }
0x91: {  	[sflag:s12] =	ssyncadd.s32 $0xFFFFFF83  }
0x92: {  	_ =	swait.ge [sflag:s12], $0x7D  }
0x93: {  	[sflag:s12] =	ssyncset.done $0x0  }
0x94: {  	[sflag:s12] =	ssyncadd.s32 $0xFFFFFF83  }
0x95: {  	_ =	swait.ge [sflag:s12], $0x7D  }
0x96: {  	[sflag:s12] =	ssyncset.done $0x0  }
0x97: {  	[sflag:s12] =	ssyncadd.s32 $0xFFFFFF83  }
0x98: {  	_ =	swait.ge [sflag:s12], $0x7D  }
0x99: {  	[sflag:s12] =	ssyncset.done $0x0  }
0x9a: {  	[sflag:s12] =	ssyncadd.s32 $0xFFFFFF83  }
0x9b: {  	_ =	swait.ge [sflag:s12], $0x7D  }
0x9c: {  	[sflag:s12] =	ssyncset.done $0x0  }
0x9d: {  	[sflag:s12] =	ssyncadd.s32 $0xFFFFFF83  }
0x9e: {  	s16 =	simm.s32 @!p4 $0x2;
	[bflag:$0x0] =	sbarrier.arrive $0xFFFF  }
0x9f: {  	[hbm:s4], [sflag:s13] =	dma.local @!p4 [spmem:s14], $0x4F0  }
0xa0: {  	_ =	swait.ge @!p4 [sflag:s16], $0x4F0  }
0xa1: {  	s3 =	sadd.s32 $0x1, s3;
	[sflag:s16] =	ssyncset.done @!p4 $0x0  }
0xa2: {  	p5 =	sne.s32 s3, s8;
	[sflag:s16] =	ssyncadd.s32 @!p4 $0xFFFFFB10;
	s16 =	simm.s32 @p2 $0x1C02  }
0xa3: {  	[hbm:s5], [sflag:s16] =	dma.local @p2 [spmem:s15], $0x4F0  }
.Ltmp1:
0xa4: {  	_ = 	snop;
	(pc) =	sbr.rel @p5 .LBB2_1-.Ltmp1, $4  }
0xa5: {  	s16 =	simm.s32 @p2 $0x2  }
0xa6: {  	_ =	swait.ge @p2 [sflag:s16], $0x4F0  }
0xa7: {  	[sflag:s16] =	ssyncset.done @p2 $0x0  }
0xa8: {  	[sflag:s16] =	ssyncadd.s32 @p2 $0xFFFFFB10  }
0xa9: {  	_ =	sfence.sel $0x180000  }
0xaa: {  	[bflag:$0x0] =	sbarrier.arrive $0xFFFF  }
0xab: {  	_ =	strace $0x90000047  }
0xac: {  	s0 =	sadd.s32 @!p0 $0x100000, s0;
	[bflag:$0x2] =	sbarrier.arrive $0xFFFF  }
0xad: {  	[sflag:s0] =	ssyncadd.tile.s32 @!p0 $0x1;
	_ =	shalt  }
.Lfunc_end2:
_tile_overlayer_lowered:
.L_overlay_start_2:
0xae: {  	(tag) =	ssettag $0x2  }
0xaf: {  	s0 =	rddreg [dreg:$0x0];
	s2 =	stileid.u32  }
0xb0: {  	s1 =	rddreg [dreg:$0x1];
	p0 =	sne.s32 s2, $0x0  }
0xb1: {  	s3 =	rddreg [dreg:$0x2];
	[bflag:$0x3] =	sbarrier.arrive $0xFFFF;
	s2 =	simm.s32 @!p0 $0x1C02  }
0xb2: {  	[timem:s3], [sflag:s2] =	dma.local @!p0 [hbm:s0], s1  }
0xb3: {  	s0 =	simm.s32 @!p0 $0x2  }
0xb4: {  	_ =	swait.ge @!p0 [sflag:s0], s1  }
0xb5: {  	s1 =	ssub.s32 @!p0 $0x0, s1;
	[sflag:s0] =	ssyncset.done @!p0 $0x0  }
0xb6: {  	[sflag:s0] =	ssyncadd.s32 @!p0 s1  }
0xb7: {  	[bflag:$0x3] =	sbarrier.arrive $0xFFFF  }
0xb8: {  	_ =	shalt  }

// kernel: kernel.14.cloned.1.call-start
scs
__scs_entry_jumppad:
0x0: {  	(pc) =	sbr.rel $0x88, $3  }
0x1: {  	(tag) =	ssettag $0x0;
	lr =	simm.s32 $0x1  }
0x2: {  	[smem:$0x3F97] =	sst lr;
	_ =	strace $0xD0000000  }
0x3: {  	_ = 	snop  }
0x4: {  	_ = 	snop  }
0x5: {  	_ = 	snop  }
0x6: {  	_ = 	snop  }
0x7: {  	_ = 	snop  }
__scs_overlays_trampoline_lowered:
0x8: {  	[smem:$0x3FA6] =	sst s0  }
0x9: {  	[smem:$0x3FA7] =	sst s1  }
0xa: {  	[smem:$0x3FA8] =	sst s2  }
0xb: {  	[smem:$0x3FA9] =	sst s3  }
0xc: {  	[smem:$0x3FAA] =	sst s4  }
0xd: {  	[smem:$0x3FAB] =	sst s5  }
0xe: {  	[smem:$0x3FAC] =	sst s6  }
0xf: {  	[smem:$0x3FAD] =	sst s7  }
0x10: {  	[smem:$0x3FAE] =	sst s8  }
0x11: {  	[smem:$0x3FAF] =	sst s9;
	s0 =	simm.s32 @!p0 $0x0  }
0x12: {  	s1 =	sld [smem:$0x3F95];
	s0 =	simm.s32 @p0 $0x1  }
0x13: {  	[smem:$0x3FB0] =	sst s0;
	s0 =	simm.s32 @!p1 $0x0  }
0x14: {  	s2 =	sld [smem:$0x3F94];
	s0 =	simm.s32 @p1 $0x1  }
0x15: {  	[smem:$0x3FB1] =	sst s0;
	s0 =	simm.s32 @!p2 $0x0  }
0x16: {  	s3 =	sld [smem:$0x3FDB];
	s0 =	simm.s32 @p2 $0x1  }
0x17: {  	s4 =	simm.s32 $0x1BF5;
	[smem:$0x3FB3] =	sst s0  }
0x18: {  	s0 =	sld [smem:$0x3F96];
	_ =	swait.ge [sflag:s4], $0x0  }
0x19: {  	s7 =	sld [smem:$0x3F97]  }
0x1a: {  	s8 =	sadd.s32 $0xFFFFE003, lr  }
0x1b: {  	s9 =	sadd.s32 $0xFFFFFEF7, lr;
	s5 =	simm.s32 $0xFFFFFFFF;
	p2 =	slt.u32 s8, $0xFFFFF086  }
0x1c: {  	p1 =	slt.u32 s9, $0xF7A;
	s5 =	simm.s32 @!p2 $0x0  }
0x1d: {  	s5 =	simm.s32 @p1 $0x1;
	p0 =	seq.s32 s7, s2  }
0x1e: {  	s7 =	smul.u32 @!p0 $0xF7A, s2;
	p2 =	seq.s32 @!p0 s5, $0x0  }
0x1f: {  	s9 =	smul.u32 $0xF7A, s1;
	s8 =	simm.s32 @!p0 $0x1BF5;
	p2 =	por !p2, p0  }
0x20: {  	[sflag:s8] =	ssyncset.s32 @!p0 $0xFFFFF086;
	s6 =	sadd.s32 @!p0 s3, s7;
	s7 =	simm.s32 @!p0 $0x108  }
0x21: {  	s3 =	sadd.s32 s3, s9;
	s6 =	sadd.s32 @!p0 $0x88, s6;
	s7 =	simm.s32 @p2 $0x1082  }
0x22: {  	[simem:s7], [sflag:s8] =	dma.local @!p0 [hbm:s6], $0xF7A  }
0x23: {  	s9 =	sor.u32 $0xD0000000, s2;
	s6 =	simm.s32 $0x108;
	_ =	swait.ge @!p0 [sflag:s8], $0x0  }
0x24: {  	s3 =	sadd.s32 $0x88, s3;
	s6 =	simm.s32 @!p1 $0x1082;
	[sflag:s4] =	ssyncset.s32 $0xFFFFF086  }
0x25: {  	[simem:s6], [sflag:s4] =	dma.local [hbm:s3], $0xF7A  }
0x26: {  	[smem:$0x3F97] =	sst s1;
	(tag) =	ssettag s2;
	_ =	strace s9  }
0x27: {  	s1 =	sld [smem:$0x3FA7]  }
0x28: {  	s2 =	sld [smem:$0x3FA8]  }
0x29: {  	s4 =	sld [smem:$0x3FAA]  }
0x2a: {  	p0 =	seq.s32 s5, $0x0;
	s5 =	sld [smem:$0x3FAB]  }
0x2b: {  	s6 =	sld [smem:$0x3FAC]  }
0x2c: {  	s7 =	sld [smem:$0x3FAD]  }
0x2d: {  	s3 =	simm.s32 $0x108;
	s8 =	sld [smem:$0x3FAE]  }
0x2e: {  	s3 =	simm.s32 @!p0 $0x1082;
	s9 =	sld [smem:$0x3FAF]  }
0x2f: {  	lr =	sadd.s32 s0, s3;
	s0 =	sld [smem:$0x3FA6]  }
0x30: {  	s3 =	sld [smem:$0x3FA9]  }
0x31: {  	[smem:$0x3FB2] =	sst s10  }
0x32: {  	s10 =	sld [smem:$0x3FB0];
	_ =	sdelay $0x3  }
0x33: {  	p0 =	seq.s32 s10, $0x1;
	s10 =	sld [smem:$0x3FB2];
	_ =	sdelay $0x3  }
0x34: {  	[smem:$0x3FB2] =	sst s10  }
0x35: {  	s10 =	sld [smem:$0x3FB1];
	_ =	sdelay $0x3  }
0x36: {  	p1 =	seq.s32 s10, $0x1;
	s10 =	sld [smem:$0x3FB2];
	_ =	sdelay $0x3  }
0x37: {  	[smem:$0x3FB2] =	sst s10  }
0x38: {  	s10 =	sld [smem:$0x3FB3]  }
0x39: {  	_ = 	snop;
	(pc) =	sbr.ind lr, $3  }
0x3a: {  	_ = 	snop  }
0x3b: {  	_ = 	snop  }
0x3c: {  	p2 =	seq.s32 s10, $0x1;
	s10 =	sld [smem:$0x3FB2]  }
0x3d: {  	_ =	shalt  }
0x3e: {  	_ =	shalt  }
0x3f: {  	_ =	shalt  }
0x40: {  	_ =	shalt  }
0x41: {  	_ =	shalt  }
0x42: {  	_ =	shalt  }
0x43: {  	_ =	shalt  }
0x44: {  	_ =	shalt  }
0x45: {  	_ =	shalt  }
0x46: {  	_ =	shalt  }
0x47: {  	_ =	shalt  }
0x48: {  	_ =	shalt  }
0x49: {  	_ =	shalt  }
0x4a: {  	_ =	shalt  }
0x4b: {  	_ =	shalt  }
0x4c: {  	_ =	shalt  }
0x4d: {  	_ =	shalt  }
0x4e: {  	_ =	shalt  }
0x4f: {  	_ =	shalt  }
0x50: {  	_ =	shalt  }
0x51: {  	_ =	shalt  }
0x52: {  	_ =	shalt  }
0x53: {  	_ =	shalt  }
0x54: {  	_ =	shalt  }
0x55: {  	_ =	shalt  }
0x56: {  	_ =	shalt  }
0x57: {  	_ =	shalt  }
0x58: {  	_ =	shalt  }
0x59: {  	_ =	shalt  }
0x5a: {  	_ =	shalt  }
0x5b: {  	_ =	shalt  }
0x5c: {  	_ =	shalt  }
0x5d: {  	_ =	shalt  }
0x5e: {  	_ =	shalt  }
0x5f: {  	_ =	shalt  }
0x60: {  	_ =	shalt  }
0x61: {  	_ =	shalt  }
0x62: {  	_ =	shalt  }
0x63: {  	_ =	shalt  }
0x64: {  	_ =	shalt  }
0x65: {  	_ =	shalt  }
0x66: {  	_ =	shalt  }
0x67: {  	_ =	shalt  }
0x68: {  	_ =	shalt  }
0x69: {  	_ =	shalt  }
0x6a: {  	_ =	shalt  }
0x6b: {  	_ =	shalt  }
0x6c: {  	_ =	shalt  }
0x6d: {  	_ =	shalt  }
0x6e: {  	_ =	shalt  }
0x6f: {  	_ =	shalt  }
0x70: {  	_ =	shalt  }
0x71: {  	_ =	shalt  }
0x72: {  	_ =	shalt  }
0x73: {  	_ =	shalt  }
0x74: {  	_ =	shalt  }
0x75: {  	_ =	shalt  }
0x76: {  	_ =	shalt  }
0x77: {  	_ =	shalt  }
0x78: {  	_ =	shalt  }
0x79: {  	_ =	shalt  }
0x7a: {  	_ =	shalt  }
0x7b: {  	_ =	shalt  }
0x7c: {  	_ =	shalt  }
0x7d: {  	_ =	shalt  }
0x7e: {  	_ =	shalt  }
0x7f: {  	_ =	shalt  }
0x80: {  	_ =	shalt  }
0x81: {  	_ =	shalt  }
0x82: {  	_ =	shalt  }
0x83: {  	_ =	shalt  }
0x84: {  	_ =	shalt  }
0x85: {  	_ =	shalt  }
0x86: {  	_ =	shalt  }
0x87: {  	_ =	shalt  }
.Lfunc_end0:
.L_simem_size_0:
called_computation.1_lowered:
.L_overlay_start_0:
0x88: {  	s2 =	sld [smem:$0x3FD9]  }
0x89: {  	s3 =	sld [smem:$0x3FFE];
	_ =	sdelay $0x1  }
0x8a: {  	s1 =	srdreg.scid  }
0x8b: {  	s0 =	sand.u32 $0x1, s1  }
0x8c: {  	s16 =	sshll.u32 s0, $0xA;
	s2 =	sadd.s32 s3, s2  }
0x8d: {  	s2 =	sadd.s32 s2, s16  }
0x8e: {  	[smem:$0x3FBE] =	sst s2  }
0x8f: {  	_ = 	snop  }
0x90: {  	(tm) =	ssettm $0x1  }
0x91: {  	s17 =	sld [smem:$0x3FFB];
	_ =	sdelay $0x3  }
0x92: {  	_ =	strace s17  }
0x93: {  	s2 =	sld [smem:$0x3FFC];
	_ =	sdelay $0x3  }
0x94: {  	_ =	strace s2  }
0x95: {  	s2 =	sld [smem:$0x3FFD];
	_ =	sdelay $0x3  }
0x96: {  	_ =	strace s2  }
0x97: {  	_ =	strace $0x8FFFFFFF  }
0x98: {  	s18 =	sld [smem:$0x3FDB];
	_ =	sdelay $0x1  }
0x99: {  	s19 =	simm.s32 $_scs_section_size  }
0x9a: {  	s4 =	simm.s32 $_size__tile_overlayer_lowered;
	s5 =	simm.s32 $_tile_overlayer_lowered  }
0x9b: {  	s22 =	simm.s32 $0x1BFF;
	s21 =	sshll.u32 s5, $0x1;
	s2 =	sadd.s32 s19, s18  }
0x9c: {  	s6 =	simm.s32 $0x0;
	s20 =	sshll.u32 s4, $0x1;
	s4 =	sadd.s32 s21, s2  }
0x9d: {  	[timem:s6], [sflag:s22] =	dma.local [hbm:s4], s20  }
0x9e: {  	_ =	swait.ge [sflag:s22], s20  }
0x9f: {  	s3 =	ssub.s32 $0x0, s20;
	[sflag:s22] =	ssyncset.done $0x0  }
0xa0: {  	[sflag:s22] =	ssyncadd.s32 s3;
	_ =	sdelay $0x1  }
0xa1: {  	s23 =	simm.s32 $0x1B8B  }
0xa2: {  	_ =	swait.ge [sflag:s23], $0x1  }
0xa3: {  	[sflag:s23] =	ssyncset.done $0x0  }
0xa4: {  	s25 =	simm.s32 $0x1B8E;
	s24 =	sld [smem:$0x3FFE];
	[sflag:s23] =	ssyncadd.s32 $0xFFFFFFFF  }
0xa5: {  	s26 =	simm.s32 $execute0_lowered;
	[smem:$0x3FD2] =	sst s25  }
0xa6: {  	s4 =	sshll.u32 s26, $0x1;
	_ =	strace $0x80000049;
	[dreg:$0x1] =	wrdreg $0xFFFFFFFF  }
0xa7: {  	s28 =	simm.s32 $_size_execute0_lowered;
	s2 =	sadd.s32 s2, s4;
	[dreg:$0x0] =	wrdreg $0x0  }
0xa8: {  	s4 =	sshll.u32 s28, $0x1;
	[dreg:$0x2] =	wrdreg s2  }
0xa9: {  	[dreg:$0x3] =	wrdreg s4  }
0xaa: {  	[dreg:$0x4] =	wrdreg $0xC0  }
0xab: {  	_ =	task [dreg:s6], $0x5FFFF  }
0xac: {  	[dreg:$0x1] =	wrdreg $0xFFFFFFFF  }
0xad: {  	[dreg:$0x0] =	wrdreg $0x60  }
0xae: {  	[dreg:$0x2] =	wrdreg s24  }
0xaf: {  	[dreg:$0x3] =	wrdreg $0xCD000  }
0xb0: {  	[dreg:$0x4] =	wrdreg $0x9  }
0xb1: {  	_ =	task.clear_ibuf [dreg:s6], $0x5FFFF;
	_ =	strace $0x90000049  }
0xb2: {  	s29 =	simm.s32 $0x9;
	_ =	strace $0x8000004B  }
0xb3: {  	_ =	swait.ge [sflag:s29], $0x1  }
0xb4: {  	[sflag:s29] =	ssyncadd.s32 $0xFFFFFFFF  }
0xb5: {  	_ =	strace $0x9000004B  }
0xb6: {  	_ =	sfence  }
0xb7: {  	s30 =	sld [smem:$0x0];
	_ =	sdelay $0x2  }
0xb8: {  	s31 =	sshll.u32 s1, $0xD;
	s1 =	sshrl.u32 s1, $0x2  }
0xb9: {  	s3 =	sand.u32 $0x4000, s31;
	s1 =	sadd.s32 s1, s30  }
0xba: {  	s0 =	sor.u32 s3, s0;
	s1 =	sshll.u32 s1, $0x11  }
0xbb: {  	s0 =	sor.u32 s1, s0  }
0xbc: {  	s0 =	sadd.s32 $0x8F2B, s0  }
0xbd: {  	[sflag:s0] =	ssyncadd.remote.s32 $0x1  }
0xbe: {  	_ =	sfence.sel $0xFFFF  }
0xbf: {  	[dreg:$0x0] =	wrdreg $0xFFFFFFFF;
	(pc) =	sbr.abs _section_cstart, $3  }
0xc0: {  	[dreg:$0x1] =	wrdreg $0xFFFFFFFF  }
0xc1: {  	_ =	task.clear_ibuf [dreg:s6], $0x2FFFF;
	_ =	strace $0x9FFFFFFF  }
0xc2: {  	(tm) =	ssettm $0x7FFFFFFF  }
0xc3: {  	_ =	shalt  }
tec
execute0_lowered:
.L_overlay_start_1:
0x0: {  	(tag) =	ssettag $0x1  }
0x1: {  	s0 =	srdreg.scid  }
0x2: {  	s1 =	rddreg [dreg:$0x0];
	s10 =	stileid.u32  }
0x3: {  	s2 =	rddreg [dreg:$0x1];
	s12 =	simm.s32 $0x3;
	s14 =	simm.s32 $0x7D  }
0x4: {  	s15 =	simm.s32 $0x5000;
	s19 =	simm.s32 $0x6F40;
	s21 =	simm.s32 $0x7EE0  }
0x5: {  	s23 =	simm.s32 $0x8E80;
	s28 =	simm.s32 $0xADC0;
	s30 =	simm.s32 $0xBD60  }
0x6: {  	s31 =	simm.s32 $0x1;
	s0 =	sand.u32 $0x1, s0;
	s6 =	smul.u32 $0x9C40, s10  }
0x7: {  	s29 =	sshll.u32 s10, $0x6;
	s3 =	sshll.u32 s0, $0x4;
	s7 =	ssub.s32 $0x2, s0  }
0x8: {  	p0 =	seq.s32 s0, $0x1;
	s0 =	simm.s32 $0xDC00;
	s4 =	sor.u32 s10, s3  }
0x9: {  	s3 =	simm.s32 $0x0;
	s24 =	sshrl.u32 s6, $0x4;
	s9 =	sshrl.u32 s7, $0x1  }
0xa: {  	s25 =	sshrl.u32 s6, $0x1;
	s6 =	sor.u32 $0x1C03, s29;
	s0 =	simm.s32 @!p0 $0x36800  }
0xb: {  	s5 =	smul.u32 $0x500, s4;
	[smem:$0x7FF] =	sst s3;
	s4 =	sadd.s32 $0x3E00, s1  }
.Ltmp0:
0xc: {  	s9 =	ssub.s32 s7, s9;
	s11 =	sadd.s32 s25, s2;
	(pc) =	sbr.rel .LBB2_1-.Ltmp0, $4  }
0xd: {  	_ =	strace $0x8000004A;
	s8 =	sadd.s32 s5, s1;
	s1 =	sadd.s32 s24, s1  }
0xe: {  	s9 =	smax.u32 s9, $0x1;
	s11 =	sshrl.u32 s11, $0x3;
	s26 =	sadd.s32 $0x2CA00, s1  }
0xf: {  	s7 =	sadd.s32 $0x22A00, s8;
	s8 =	sadd.s32 $0x18A00, s8;
	s10 =	sadd.s32 s0, s1  }
0x10: {  	s1 =	simm.s32 $0x2;
	s0 =	simm.s32 $0x0;
	[dreg:$0x3] =	wrdreg s26  }
.LBB2_4:
0x11: {  	_ =	swait.ge [sflag:s31], $0xFA0  }
0x12: {  	[sflag:s31] =	ssyncset.done $0x0  }
0x13: {  	[sflag:s31] =	ssyncadd.s32 $0xFFFFF060  }
0x14: {  	[spmem:s2] =	stream.indirect.scatter.add.bf16 [tilespmem:s30], [sflag:$0x2], $0x20, s17, s14, $0xb8;
	[tilespmem:$0x11B20] =	vst v63  }
0x15: {  	_ =	swait.ge [sflag:s1], $0xFA0  }
0x16: {  	[sflag:s1] =	ssyncset.done $0x0  }
0x17: {  	[sflag:s1] =	ssyncadd.s32 $0xFFFFF060  }
0x18: {  	_ =	swait.ge [sflag:s1], $0xFA0  }
0x19: {  	[sflag:s1] =	ssyncset.done $0x0  }
0x1a: {  	[sflag:s1] =	ssyncadd.s32 $0xFFFFF060  }
0x1b: {  	_ =	swait.ge [sflag:s1], $0xFA0  }
0x1c: {  	[sflag:s1] =	ssyncset.done $0x0  }
0x1d: {  	[sflag:s1] =	ssyncadd.s32 $0xFFFFF060  }
0x1e: {  	_ =	swait.ge [sflag:s1], $0xFA0  }
0x1f: {  	[sflag:s1] =	ssyncset.done $0x0  }
0x20: {  	[sflag:s1] =	ssyncadd.s32 $0xFFFFF060  }
0x21: {  	_ =	swait.ge [sflag:s1], $0xFA0  }
0x22: {  	s0 =	sadd.s32 $0x1, s0;
	[sflag:s1] =	ssyncset.done $0x0  }
0x23: {  	p0 =	sne.s32 s0, s9;
	[sflag:s1] =	ssyncadd.s32 $0xFFFFF060  }
.Ltmp1:
0x24: {  	[bflag:$0x0] =	sbarrier.arrive $0xFFFF;
	(pc) =	sbr.rel @!p0 .LBB2_5-.Ltmp1, $4  }
0x25: {  	[hbm:s10], [sflag:s6] =	dma.local [spmem:s11], $0x9C4  }
0x26: {  	_ =	swait.ge [sflag:s12], $0x9C4  }
0x27: {  	[sflag:s12] =	ssyncset.done $0x0  }
0x28: {  	[sflag:s12] =	ssyncadd.s32 $0xFFFFF63C  }
.LBB2_1:
0x29: {  	s5 =	rddreg [dreg:$0x3]  }
0x2a: {  	[spmem:s11], [sflag:s6] =	dma.local [hbm:s5], $0x9C4  }
0x2b: {  	_ =	swait.ge [sflag:s12], $0x9C4  }
0x2c: {  	[sflag:s12] =	ssyncset.done $0x0  }
0x2d: {  	[sflag:s12] =	ssyncadd.s32 $0xFFFFF63C  }
0x2e: {  	[tilespmem:s3], [sflag:$0x3] =	stream.linear.gather [hbm4b:s7+s3], $0x2800, $0x38;
	[tilespmem:$0x11B20] =	vst v63  }
0x2f: {  	_ =	swait.ge [sflag:s12], $0x2800  }
0x30: {  	[sflag:s12] =	ssyncset.done $0x0  }
0x31: {  	s16 =	simm.s32 $0x2800;
	[sflag:s12] =	ssyncadd.s32 $0xFFFFD800  }
0x32: {  	[tilespmem:s16], [sflag:$0x3] =	stream.linear.gather [hbm4b:s8+s3], $0x2800, $0x38;
	[tilespmem:$0x11B20] =	vst v63  }
0x33: {  	_ =	swait.ge [sflag:s12], $0x2800  }
0x34: {  	[sflag:s12] =	ssyncset.done $0x0  }
0x35: {  	[sflag:s12] =	ssyncadd.s32 $0xFFFFD800  }
0x36: {  	[bflag:$0x0] =	sbarrier.arrive $0xFFFF  }
0x37: {  	[tilespmem:s15], [sflag:$0x1] =	stream.indirect.gather [hbm4b:s4+s14], $0x20, s3, s14, $0xb8;
	[tilespmem:$0x11B20] =	vst v63  }
0x38: {  	s17 =	simm.s32 $0x80;
	s13 =	simm.s32 $0x5FA0  }
0x39: {  	[tilespmem:s13], [sflag:$0x1] =	stream.indirect.gather [hbm4b:s4+s14], $0x20, s17, s14, $0xb8;
	[tilespmem:$0x11B20] =	vst v63  }
0x3a: {  	s18 =	simm.s32 $0x100  }
0x3b: {  	[tilespmem:s19], [sflag:$0x1] =	stream.indirect.gather [hbm4b:s4+s14], $0x20, s18, s14, $0xb8;
	[tilespmem:$0x11B20] =	vst v63  }
0x3c: {  	s20 =	simm.s32 $0x180  }
0x3d: {  	[tilespmem:s21], [sflag:$0x1] =	stream.indirect.gather [hbm4b:s4+s14], $0x20, s20, s14, $0xb8;
	[tilespmem:$0x11B20] =	vst v63  }
0x3e: {  	s22 =	simm.s32 $0x200  }
0x3f: {  	[tilespmem:s23], [sflag:$0x1] =	stream.indirect.gather [hbm4b:s4+s14], $0x20, s22, s14, $0xb8;
	[tilespmem:$0x11B20] =	vst v63  }
0x40: {  	s24 =	simm.s32 $0x280;
	s25 =	simm.s32 $0x9E20  }
0x41: {  	[tilespmem:s25], [sflag:$0x1] =	stream.indirect.gather [hbm4b:s4+s14], $0x20, s24, s14, $0xb8;
	[tilespmem:$0x11B20] =	vst v63  }
0x42: {  	s26 =	simm.s32 $0x300  }
0x43: {  	[tilespmem:s28], [sflag:$0x1] =	stream.indirect.gather [hbm4b:s4+s14], $0x20, s26, s14, $0xb8;
	[tilespmem:$0x11B20] =	vst v63  }
0x44: {  	s29 =	simm.s32 $0x380;
	s13 =	simm.s32 $0x0  }
0x45: {  	[tilespmem:s30], [sflag:$0x1] =	stream.indirect.gather [hbm4b:s4+s14], $0x20, s29, s14, $0xb8;
	[tilespmem:$0x11B20] =	vst v63  }
.LBB2_2:
0x46: {  	_ =	swait.ge [sflag:s31], $0xFA0  }
0x47: {  	s16 =	sshra.s32 s13, $0x2;
	[sflag:s31] =	ssyncset.done $0x0  }
0x48: {  	p0 =	seq.s32 s13, $0x0;
	s17 =	sadd.s32 $0x2800, s16;
	[sflag:s31] =	ssyncadd.s32 $0xFFFFF060  }
0x49: {  	[spmem:s2] =	stream.indirect.scatter.add.bf16 [tilespmem:s15], [sflag:$0x2], $0x20, s17, s14, $0xb8;
	[tilespmem:$0x11B20] =	vst v63  }
0x4a: {  	s17 =	simm.s32 @p0 $0x1  }
0x4b: {  	_ =	swait.ge @p0 [sflag:s17], $0xFA0  }
0x4c: {  	s18 =	sshra.s32 @p0 s13, $0x2;
	s22 =	simm.s32 @p0 $0x7D;
	[sflag:s17] =	ssyncset.done @p0 $0x0  }
0x4d: {  	s24 =	simm.s32 @p0 $0x5FA0;
	s20 =	sadd.s32 @p0 $0x2880, s18;
	[sflag:s17] =	ssyncadd.s32 @p0 $0xFFFFF060  }
0x4e: {  	[spmem:s2] =	stream.indirect.scatter.add.bf16 @p0 [tilespmem:s24], [sflag:$0x2], $0x20, s20, s22, $0xb8;
	[tilespmem:$0x11B20] =	vst v63  }
0x4f: {  	s20 =	simm.s32 @!p0 $0x2  }
0x50: {  	_ =	swait.ge @!p0 [sflag:s20], $0xFA0  }
0x51: {  	s26 =	simm.s32 @!p0 $0x7D;
	s24 =	sshra.s32 @!p0 s13, $0x2;
	[sflag:s20] =	ssyncset.done @!p0 $0x0  }
0x52: {  	s29 =	simm.s32 @!p0 $0x8E80;
	s25 =	sadd.s32 @!p0 $0x200, s24;
	[sflag:s20] =	ssyncadd.s32 @!p0 $0xFFFFF060  }
0x53: {  	[tilespmem:s29], [sflag:$0x1] =	stream.indirect.gather @!p0 [hbm4b:s4+s26], $0x20, s25, s26, $0xb8;
	[tilespmem:$0x11B20] =	vst v63  }
0x54: {  	s25 =	simm.s32 @!p0 $0x1  }
0x55: {  	_ =	swait.ge @!p0 [sflag:s25], $0xFA0  }
0x56: {  	[sflag:s25] =	ssyncset.done @!p0 $0x0  }
0x57: {  	s5 =	simm.s32 @!p0 $0x5FA0;
	s29 =	sadd.s32 @!p0 $0x2880, s24;
	[sflag:s25] =	ssyncadd.s32 @!p0 $0xFFFFF060  }
0x58: {  	[spmem:s2] =	stream.indirect.scatter.add.bf16 @!p0 [tilespmem:s5], [sflag:$0x2], $0x20, s29, s26, $0xb8;
	[tilespmem:$0x11B20] =	vst v63  }
0x59: {  	_ =	swait.ge @!p0 [sflag:s20], $0xFA0  }
0x5a: {  	[sflag:s20] =	ssyncset.done @!p0 $0x0  }
0x5b: {  	s5 =	sadd.s32 @!p0 $0x280, s24;
	s29 =	simm.s32 @!p0 $0x9E20;
	[sflag:s20] =	ssyncadd.s32 @!p0 $0xFFFFF060  }
0x5c: {  	[tilespmem:s29], [sflag:$0x1] =	stream.indirect.gather @!p0 [hbm4b:s4+s26], $0x20, s5, s26, $0xb8;
	[tilespmem:$0x11B20] =	vst v63  }
0x5d: {  	_ =	swait.ge [sflag:s31], $0xFA0  }
0x5e: {  	[sflag:s31] =	ssyncset.done $0x0  }
0x5f: {  	s29 =	sadd.s32 $0x2900, s16;
	[sflag:s31] =	ssyncadd.s32 $0xFFFFF060  }
0x60: {  	[spmem:s2] =	stream.indirect.scatter.add.bf16 [tilespmem:s19], [sflag:$0x2], $0x20, s29, s14, $0xb8;
	[tilespmem:$0x11B20] =	vst v63  }
0x61: {  	_ =	swait.ge @p0 [sflag:s17], $0xFA0  }
0x62: {  	[sflag:s17] =	ssyncset.done @p0 $0x0  }
0x63: {  	s5 =	sadd.s32 @p0 $0x2980, s18;
	[sflag:s17] =	ssyncadd.s32 @p0 $0xFFFFF060;
	s17 =	simm.s32 @p0 $0x7EE0  }
0x64: {  	[spmem:s2] =	stream.indirect.scatter.add.bf16 @p0 [tilespmem:s17], [sflag:$0x2], $0x20, s5, s22, $0xb8;
	[tilespmem:$0x11B20] =	vst v63  }
0x65: {  	_ =	swait.ge @!p0 [sflag:s20], $0xFA0  }
0x66: {  	[sflag:s20] =	ssyncset.done @!p0 $0x0  }
0x67: {  	s5 =	sadd.s32 @!p0 $0x300, s24;
	s17 =	simm.s32 @!p0 $0xADC0;
	[sflag:s20] =	ssyncadd.s32 @!p0 $0xFFFFF060  }
0x68: {  	[tilespmem:s17], [sflag:$0x1] =	stream.indirect.gather @!p0 [hbm4b:s4+s26], $0x20, s5, s26, $0xb8;
	[tilespmem:$0x11B20] =	vst v63  }
0x69: {  	_ =	swait.ge @!p0 [sflag:s25], $0xFA0  }
0x6a: {  	[sflag:s25] =	ssyncset.done @!p0 $0x0  }
0x6b: {  	s5 =	sadd.s32 @!p0 $0x2980, s24;
	s17 =	simm.s32 @!p0 $0x7EE0;
	[sflag:s25] =	ssyncadd.s32 @!p0 $0xFFFFF060  }
0x6c: {  	[spmem:s2] =	stream.indirect.scatter.add.bf16 @!p0 [tilespmem:s17], [sflag:$0x2], $0x20, s5, s26, $0xb8;
	[tilespmem:$0x11B20] =	vst v63  }
0x6d: {  	_ =	swait.ge @!p0 [sflag:s20], $0xFA0  }
0x6e: {  	[sflag:s20] =	ssyncset.done @!p0 $0x0  }
0x6f: {  	s5 =	sadd.s32 @!p0 $0x380, s24;
	s17 =	simm.s32 @!p0 $0xBD60;
	[sflag:s20] =	ssyncadd.s32 @!p0 $0xFFFFF060  }
0x70: {  	[tilespmem:s17], [sflag:$0x1] =	stream.indirect.gather @!p0 [hbm4b:s4+s26], $0x20, s5, s26, $0xb8;
	[tilespmem:$0x11B20] =	vst v63  }
0x71: {  	_ =	swait.ge [sflag:s31], $0xFA0  }
0x72: {  	[sflag:s31] =	ssyncset.done $0x0  }
0x73: {  	s26 =	sadd.s32 $0x2A00, s16;
	[sflag:s31] =	ssyncadd.s32 $0xFFFFF060  }
0x74: {  	[spmem:s2] =	stream.indirect.scatter.add.bf16 [tilespmem:s23], [sflag:$0x2], $0x20, s26, s14, $0xb8;
	[tilespmem:$0x11B20] =	vst v63  }
0x75: {  	_ =	swait.ge [sflag:s1], $0xFA0  }
0x76: {  	p0 =	seq.s32 s13, $0x9000;
	[sflag:s1] =	ssyncset.done $0x0  }
0x77: {  	s5 =	simm.s32 @p0 $0x1;
	[sflag:s1] =	ssyncadd.s32 $0xFFFFF060  }
0x78: {  	_ =	swait.ge @p0 [sflag:s5], $0xFA0  }
0x79: {  	[sflag:s5] =	ssyncset.done @p0 $0x0  }
0x7a: {  	[sflag:s5] =	ssyncadd.s32 @p0 $0xFFFFF060;
	s5 =	sshra.s32 @p0 s13, $0x2  }
0x7b: {  	s17 =	simm.s32 @p0 $0x7D;
	s18 =	simm.s32 @p0 $0x9E20;
	s5 =	sadd.s32 @p0 $0x2A80, s5  }
0x7c: {  	[spmem:s2] =	stream.indirect.scatter.add.bf16 @p0 [tilespmem:s18], [sflag:$0x2], $0x20, s5, s17, $0xb8;
	[tilespmem:$0x11B20] =	vst v63  }
0x7d: {  	s5 =	simm.s32 @p0 $0x2  }
0x7e: {  	_ =	swait.ge @p0 [sflag:s5], $0xFA0  }
0x7f: {  	[sflag:s5] =	ssyncset.done @p0 $0x0  }
0x80: {  	[sflag:s5] =	ssyncadd.s32 @p0 $0xFFFFF060;
	s5 =	sshra.s32 @!p0 s13, $0x2  }
0x81: {  	s20 =	simm.s32 @!p0 $0x5000;
	s18 =	simm.s32 @!p0 $0x7D;
	s17 =	sadd.s32 @!p0 $0x400, s5  }
0x82: {  	[tilespmem:s20], [sflag:$0x1] =	stream.indirect.gather @!p0 [hbm4b:s4+s18], $0x20, s17, s18, $0xb8;
	[tilespmem:$0x11B20] =	vst v63  }
0x83: {  	s17 =	simm.s32 @!p0 $0x1  }
0x84: {  	_ =	swait.ge @!p0 [sflag:s17], $0xFA0  }
0x85: {  	[sflag:s17] =	ssyncset.done @!p0 $0x0  }
0x86: {  	s20 =	simm.s32 @!p0 $0x9E20;
	[sflag:s17] =	ssyncadd.s32 @!p0 $0xFFFFF060;
	s17 =	sadd.s32 @!p0 $0x2A80, s5  }
0x87: {  	[spmem:s2] =	stream.indirect.scatter.add.bf16 @!p0 [tilespmem:s20], [sflag:$0x2], $0x20, s17, s18, $0xb8;
	[tilespmem:$0x11B20] =	vst v63  }
0x88: {  	s17 =	simm.s32 @!p0 $0x2  }
0x89: {  	_ =	swait.ge @!p0 [sflag:s17], $0xFA0  }
0x8a: {  	[sflag:s17] =	ssyncset.done @!p0 $0x0  }
0x8b: {  	s5 =	sadd.s32 @!p0 $0x480, s5;
	[sflag:s17] =	ssyncadd.s32 @!p0 $0xFFFFF060;
	s17 =	simm.s32 @!p0 $0x5FA0  }
0x8c: {  	[tilespmem:s17], [sflag:$0x1] =	stream.indirect.gather @!p0 [hbm4b:s4+s18], $0x20, s5, s18, $0xb8;
	[tilespmem:$0x11B20] =	vst v63  }
0x8d: {  	_ =	swait.ge [sflag:s31], $0xFA0  }
0x8e: {  	[sflag:s31] =	ssyncset.done $0x0  }
.Ltmp2:
0x8f: {  	s29 =	sadd.s32 $0x2B00, s16;
	[sflag:s31] =	ssyncadd.s32 $0xFFFFF060;
	(pc) =	sbr.rel @p0 .LBB2_4-.Ltmp2, $4  }
0x90: {  	[spmem:s2] =	stream.indirect.scatter.add.bf16 [tilespmem:s28], [sflag:$0x2], $0x20, s29, s14, $0xb8;
	[tilespmem:$0x11B20] =	vst v63  }
0x91: {  	_ =	swait.ge [sflag:s1], $0xFA0  }
0x92: {  	[sflag:s1] =	ssyncset.done $0x0  }
0x93: {  	s17 =	sadd.s32 $0x2B80, s16;
	[sflag:s1] =	ssyncadd.s32 $0xFFFFF060  }
0x94: {  	s5 =	sadd.s32 $0x500, s16  }
0x95: {  	[tilespmem:s19], [sflag:$0x1] =	stream.indirect.gather [hbm4b:s4+s14], $0x20, s5, s14, $0xb8;
	[tilespmem:$0x11B20] =	vst v63  }
0x96: {  	_ =	swait.ge [sflag:s31], $0xFA0  }
0x97: {  	[sflag:s31] =	ssyncset.done $0x0  }
0x98: {  	[sflag:s31] =	ssyncadd.s32 $0xFFFFF060  }
0x99: {  	[spmem:s2] =	stream.indirect.scatter.add.bf16 [tilespmem:s30], [sflag:$0x2], $0x20, s17, s14, $0xb8;
	[tilespmem:$0x11B20] =	vst v63  }
.Ltmp3:
0x9a: {  	_ = 	snop;
	(pc) =	sbr.rel .LBB2_2-.Ltmp3, $4  }
0x9b: {  	_ =	swait.ge [sflag:s1], $0xFA0  }
0x9c: {  	[sflag:s1] =	ssyncset.done $0x0  }
0x9d: {  	s29 =	sadd.s32 $0x580, s16;
	s13 =	sadd.s32 $0x1000, s13;
	[sflag:s1] =	ssyncadd.s32 $0xFFFFF060  }
0x9e: {  	[tilespmem:s21], [sflag:$0x1] =	stream.indirect.gather [hbm4b:s4+s14], $0x20, s29, s14, $0xb8;
	[tilespmem:$0x11B20] =	vst v63  }
.LBB2_5:
0x9f: {  	_ =	sfence.sel $0x180000  }
0xa0: {  	[bflag:$0x0] =	sbarrier.arrive $0xFFFF  }
0xa1: {  	_ =	strace $0x9000004A  }
0xa2: {  	s0 =	stileid.u32;
	[bflag:$0x2] =	sbarrier.arrive $0xFFFF  }
0xa3: {  	p0 =	sne.s32 s0, $0x0;
	s0 =	rddreg [dreg:$0x2]  }
0xa4: {  	s0 =	sadd.s32 @!p0 $0x100000, s0  }
0xa5: {  	[sflag:s0] =	ssyncadd.tile.s32 @!p0 $0x1;
	_ =	shalt  }
.Lfunc_end2:
_tile_overlayer_lowered:
.L_overlay_start_2:
0xa6: {  	(tag) =	ssettag $0x2  }
0xa7: {  	s0 =	rddreg [dreg:$0x0];
	s2 =	stileid.u32  }
0xa8: {  	s1 =	rddreg [dreg:$0x1];
	p0 =	sne.s32 s2, $0x0  }
0xa9: {  	s3 =	rddreg [dreg:$0x2];
	[bflag:$0x3] =	sbarrier.arrive $0xFFFF;
	s2 =	simm.s32 @!p0 $0x1C03  }
0xaa: {  	[timem:s3], [sflag:s2] =	dma.local @!p0 [hbm:s0], s1  }
0xab: {  	s0 =	simm.s32 @!p0 $0x3  }
0xac: {  	_ =	swait.ge @!p0 [sflag:s0], s1  }
0xad: {  	s1 =	ssub.s32 @!p0 $0x0, s1;
	[sflag:s0] =	ssyncset.done @!p0 $0x0  }
0xae: {  	[sflag:s0] =	ssyncadd.s32 @!p0 s1  }
0xaf: {  	[bflag:$0x3] =	sbarrier.arrive $0xFFFF  }
0xb0: {  	_ =	shalt  }

// kernel: kernel.17.cloned.1.call-start
scs
__scs_entry_jumppad:
0x0: {  	(pc) =	sbr.rel $0x88, $3  }
0x1: {  	(tag) =	ssettag $0x0;
	lr =	simm.s32 $0x1  }
0x2: {  	[smem:$0x3F97] =	sst lr;
	_ =	strace $0xD0000000  }
0x3: {  	_ = 	snop  }
0x4: {  	_ = 	snop  }
0x5: {  	_ = 	snop  }
0x6: {  	_ = 	snop  }
0x7: {  	_ = 	snop  }
__scs_overlays_trampoline_lowered:
0x8: {  	[smem:$0x3FA6] =	sst s0  }
0x9: {  	[smem:$0x3FA7] =	sst s1  }
0xa: {  	[smem:$0x3FA8] =	sst s2  }
0xb: {  	[smem:$0x3FA9] =	sst s3  }
0xc: {  	[smem:$0x3FAA] =	sst s4  }
0xd: {  	[smem:$0x3FAB] =	sst s5  }
0xe: {  	[smem:$0x3FAC] =	sst s6  }
0xf: {  	[smem:$0x3FAD] =	sst s7  }
0x10: {  	[smem:$0x3FAE] =	sst s8  }
0x11: {  	[smem:$0x3FAF] =	sst s9;
	s0 =	simm.s32 @!p0 $0x0  }
0x12: {  	s1 =	sld [smem:$0x3F95];
	s0 =	simm.s32 @p0 $0x1  }
0x13: {  	[smem:$0x3FB0] =	sst s0;
	s0 =	simm.s32 @!p1 $0x0  }
0x14: {  	s2 =	sld [smem:$0x3F94];
	s0 =	simm.s32 @p1 $0x1  }
0x15: {  	[smem:$0x3FB1] =	sst s0;
	s0 =	simm.s32 @!p2 $0x0  }
0x16: {  	s3 =	sld [smem:$0x3FDB];
	s0 =	simm.s32 @p2 $0x1  }
0x17: {  	s4 =	simm.s32 $0x1BF5;
	[smem:$0x3FB3] =	sst s0  }
0x18: {  	s0 =	sld [smem:$0x3F96];
	_ =	swait.ge [sflag:s4], $0x0  }
0x19: {  	s7 =	sld [smem:$0x3F97]  }
0x1a: {  	s8 =	sadd.s32 $0xFFFFE003, lr  }
0x1b: {  	s9 =	sadd.s32 $0xFFFFFEF7, lr;
	s5 =	simm.s32 $0xFFFFFFFF;
	p2 =	slt.u32 s8, $0xFFFFF086  }
0x1c: {  	p1 =	slt.u32 s9, $0xF7A;
	s5 =	simm.s32 @!p2 $0x0  }
0x1d: {  	s5 =	simm.s32 @p1 $0x1;
	p0 =	seq.s32 s7, s2  }
0x1e: {  	s7 =	smul.u32 @!p0 $0xF7A, s2;
	p2 =	seq.s32 @!p0 s5, $0x0  }
0x1f: {  	s9 =	smul.u32 $0xF7A, s1;
	s8 =	simm.s32 @!p0 $0x1BF5;
	p2 =	por !p2, p0  }
0x20: {  	[sflag:s8] =	ssyncset.s32 @!p0 $0xFFFFF086;
	s6 =	sadd.s32 @!p0 s3, s7;
	s7 =	simm.s32 @!p0 $0x108  }
0x21: {  	s3 =	sadd.s32 s3, s9;
	s6 =	sadd.s32 @!p0 $0x88, s6;
	s7 =	simm.s32 @p2 $0x1082  }
0x22: {  	[simem:s7], [sflag:s8] =	dma.local @!p0 [hbm:s6], $0xF7A  }
0x23: {  	s9 =	sor.u32 $0xD0000000, s2;
	s6 =	simm.s32 $0x108;
	_ =	swait.ge @!p0 [sflag:s8], $0x0  }
0x24: {  	s3 =	sadd.s32 $0x88, s3;
	s6 =	simm.s32 @!p1 $0x1082;
	[sflag:s4] =	ssyncset.s32 $0xFFFFF086  }
0x25: {  	[simem:s6], [sflag:s4] =	dma.local [hbm:s3], $0xF7A  }
0x26: {  	[smem:$0x3F97] =	sst s1;
	(tag) =	ssettag s2;
	_ =	strace s9  }
0x27: {  	s1 =	sld [smem:$0x3FA7]  }
0x28: {  	s2 =	sld [smem:$0x3FA8]  }
0x29: {  	s4 =	sld [smem:$0x3FAA]  }
0x2a: {  	p0 =	seq.s32 s5, $0x0;
	s5 =	sld [smem:$0x3FAB]  }
0x2b: {  	s6 =	sld [smem:$0x3FAC]  }
0x2c: {  	s7 =	sld [smem:$0x3FAD]  }
0x2d: {  	s3 =	simm.s32 $0x108;
	s8 =	sld [smem:$0x3FAE]  }
0x2e: {  	s3 =	simm.s32 @!p0 $0x1082;
	s9 =	sld [smem:$0x3FAF]  }
0x2f: {  	lr =	sadd.s32 s0, s3;
	s0 =	sld [smem:$0x3FA6]  }
0x30: {  	s3 =	sld [smem:$0x3FA9]  }
0x31: {  	[smem:$0x3FB2] =	sst s10  }
0x32: {  	s10 =	sld [smem:$0x3FB0];
	_ =	sdelay $0x3  }
0x33: {  	p0 =	seq.s32 s10, $0x1;
	s10 =	sld [smem:$0x3FB2];
	_ =	sdelay $0x3  }
0x34: {  	[smem:$0x3FB2] =	sst s10  }
0x35: {  	s10 =	sld [smem:$0x3FB1];
	_ =	sdelay $0x3  }
0x36: {  	p1 =	seq.s32 s10, $0x1;
	s10 =	sld [smem:$0x3FB2];
	_ =	sdelay $0x3  }
0x37: {  	[smem:$0x3FB2] =	sst s10  }
0x38: {  	s10 =	sld [smem:$0x3FB3]  }
0x39: {  	_ = 	snop;
	(pc) =	sbr.ind lr, $3  }
0x3a: {  	_ = 	snop  }
0x3b: {  	_ = 	snop  }
0x3c: {  	p2 =	seq.s32 s10, $0x1;
	s10 =	sld [smem:$0x3FB2]  }
0x3d: {  	_ =	shalt  }
0x3e: {  	_ =	shalt  }
0x3f: {  	_ =	shalt  }
0x40: {  	_ =	shalt  }
0x41: {  	_ =	shalt  }
0x42: {  	_ =	shalt  }
0x43: {  	_ =	shalt  }
0x44: {  	_ =	shalt  }
0x45: {  	_ =	shalt  }
0x46: {  	_ =	shalt  }
0x47: {  	_ =	shalt  }
0x48: {  	_ =	shalt  }
0x49: {  	_ =	shalt  }
0x4a: {  	_ =	shalt  }
0x4b: {  	_ =	shalt  }
0x4c: {  	_ =	shalt  }
0x4d: {  	_ =	shalt  }
0x4e: {  	_ =	shalt  }
0x4f: {  	_ =	shalt  }
0x50: {  	_ =	shalt  }
0x51: {  	_ =	shalt  }
0x52: {  	_ =	shalt  }
0x53: {  	_ =	shalt  }
0x54: {  	_ =	shalt  }
0x55: {  	_ =	shalt  }
0x56: {  	_ =	shalt  }
0x57: {  	_ =	shalt  }
0x58: {  	_ =	shalt  }
0x59: {  	_ =	shalt  }
0x5a: {  	_ =	shalt  }
0x5b: {  	_ =	shalt  }
0x5c: {  	_ =	shalt  }
0x5d: {  	_ =	shalt  }
0x5e: {  	_ =	shalt  }
0x5f: {  	_ =	shalt  }
0x60: {  	_ =	shalt  }
0x61: {  	_ =	shalt  }
0x62: {  	_ =	shalt  }
0x63: {  	_ =	shalt  }
0x64: {  	_ =	shalt  }
0x65: {  	_ =	shalt  }
0x66: {  	_ =	shalt  }
0x67: {  	_ =	shalt  }
0x68: {  	_ =	shalt  }
0x69: {  	_ =	shalt  }
0x6a: {  	_ =	shalt  }
0x6b: {  	_ =	shalt  }
0x6c: {  	_ =	shalt  }
0x6d: {  	_ =	shalt  }
0x6e: {  	_ =	shalt  }
0x6f: {  	_ =	shalt  }
0x70: {  	_ =	shalt  }
0x71: {  	_ =	shalt  }
0x72: {  	_ =	shalt  }
0x73: {  	_ =	shalt  }
0x74: {  	_ =	shalt  }
0x75: {  	_ =	shalt  }
0x76: {  	_ =	shalt  }
0x77: {  	_ =	shalt  }
0x78: {  	_ =	shalt  }
0x79: {  	_ =	shalt  }
0x7a: {  	_ =	shalt  }
0x7b: {  	_ =	shalt  }
0x7c: {  	_ =	shalt  }
0x7d: {  	_ =	shalt  }
0x7e: {  	_ =	shalt  }
0x7f: {  	_ =	shalt  }
0x80: {  	_ =	shalt  }
0x81: {  	_ =	shalt  }
0x82: {  	_ =	shalt  }
0x83: {  	_ =	shalt  }
0x84: {  	_ =	shalt  }
0x85: {  	_ =	shalt  }
0x86: {  	_ =	shalt  }
0x87: {  	_ =	shalt  }
.Lfunc_end0:
.L_simem_size_0:
called_computation.2_lowered:
.L_overlay_start_0:
0x88: {  	s2 =	sld [smem:$0x3FD9]  }
0x89: {  	s3 =	sld [smem:$0x3FFE];
	_ =	sdelay $0x1  }
0x8a: {  	s1 =	srdreg.scid  }
0x8b: {  	s0 =	sand.u32 $0x1, s1  }
0x8c: {  	s16 =	sshll.u32 s0, $0xA;
	s2 =	sadd.s32 s3, s2  }
0x8d: {  	s2 =	sadd.s32 s2, s16  }
0x8e: {  	[smem:$0x3FBE] =	sst s2  }
0x8f: {  	_ = 	snop  }
0x90: {  	(tm) =	ssettm $0x1  }
0x91: {  	s17 =	sld [smem:$0x3FFB];
	_ =	sdelay $0x3  }
0x92: {  	_ =	strace s17  }
0x93: {  	s2 =	sld [smem:$0x3FFC];
	_ =	sdelay $0x3  }
0x94: {  	_ =	strace s2  }
0x95: {  	s2 =	sld [smem:$0x3FFD];
	_ =	sdelay $0x3  }
0x96: {  	_ =	strace s2  }
0x97: {  	_ =	strace $0x8FFFFFFF  }
0x98: {  	s18 =	sld [smem:$0x3FDB];
	_ =	sdelay $0x1  }
0x99: {  	s19 =	simm.s32 $_scs_section_size  }
0x9a: {  	s4 =	simm.s32 $_size__tile_overlayer_lowered;
	s5 =	simm.s32 $_tile_overlayer_lowered  }
0x9b: {  	s22 =	simm.s32 $0x1BFF;
	s21 =	sshll.u32 s5, $0x1;
	s2 =	sadd.s32 s19, s18  }
0x9c: {  	s6 =	simm.s32 $0x0;
	s20 =	sshll.u32 s4, $0x1;
	s4 =	sadd.s32 s21, s2  }
0x9d: {  	[timem:s6], [sflag:s22] =	dma.local [hbm:s4], s20  }
0x9e: {  	_ =	swait.ge [sflag:s22], s20  }
0x9f: {  	s3 =	ssub.s32 $0x0, s20;
	[sflag:s22] =	ssyncset.done $0x0  }
0xa0: {  	[sflag:s22] =	ssyncadd.s32 s3;
	_ =	sdelay $0x1  }
0xa1: {  	s23 =	simm.s32 $0x1B8B  }
0xa2: {  	_ =	swait.ge [sflag:s23], $0x1  }
0xa3: {  	[sflag:s23] =	ssyncset.done $0x0  }
0xa4: {  	s25 =	simm.s32 $0x1B8E;
	s24 =	sld [smem:$0x3FFE];
	[sflag:s23] =	ssyncadd.s32 $0xFFFFFFFF  }
0xa5: {  	s26 =	simm.s32 $execute0_lowered;
	[smem:$0x3FD2] =	sst s25  }
0xa6: {  	s4 =	sshll.u32 s26, $0x1;
	_ =	strace $0x8000004C;
	[dreg:$0x1] =	wrdreg $0xFFFFFFFF  }
0xa7: {  	s28 =	simm.s32 $_size_execute0_lowered;
	s2 =	sadd.s32 s2, s4;
	[dreg:$0x0] =	wrdreg $0x0  }
0xa8: {  	s4 =	sshll.u32 s28, $0x1;
	[dreg:$0x2] =	wrdreg s2  }
0xa9: {  	[dreg:$0x3] =	wrdreg s4  }
0xaa: {  	[dreg:$0x4] =	wrdreg $0xC0  }
0xab: {  	_ =	task [dreg:s6], $0x5FFFF  }
0xac: {  	[dreg:$0x1] =	wrdreg $0xFFFFFFFF  }
0xad: {  	[dreg:$0x0] =	wrdreg $0x60  }
0xae: {  	[dreg:$0x2] =	wrdreg s24  }
0xaf: {  	[dreg:$0x3] =	wrdreg $0xCD000  }
0xb0: {  	[dreg:$0x4] =	wrdreg $0x9  }
0xb1: {  	_ =	task.clear_ibuf [dreg:s6], $0x5FFFF;
	_ =	strace $0x9000004C  }
0xb2: {  	s29 =	simm.s32 $0x9;
	_ =	strace $0x8000004E  }
0xb3: {  	_ =	swait.ge [sflag:s29], $0x1  }
0xb4: {  	[sflag:s29] =	ssyncadd.s32 $0xFFFFFFFF  }
0xb5: {  	_ =	strace $0x9000004E  }
0xb6: {  	_ =	sfence  }
0xb7: {  	s30 =	sld [smem:$0x0];
	_ =	sdelay $0x2  }
0xb8: {  	s31 =	sshll.u32 s1, $0xD;
	s1 =	sshrl.u32 s1, $0x2  }
0xb9: {  	s3 =	sand.u32 $0x4000, s31;
	s1 =	sadd.s32 s1, s30  }
0xba: {  	s0 =	sor.u32 s3, s0;
	s1 =	sshll.u32 s1, $0x11  }
0xbb: {  	s0 =	sor.u32 s1, s0  }
0xbc: {  	s0 =	sadd.s32 $0x8F2B, s0  }
0xbd: {  	[sflag:s0] =	ssyncadd.remote.s32 $0x1  }
0xbe: {  	_ =	sfence.sel $0xFFFF  }
0xbf: {  	[dreg:$0x0] =	wrdreg $0xFFFFFFFF;
	(pc) =	sbr.abs _section_cstart, $3  }
0xc0: {  	[dreg:$0x1] =	wrdreg $0xFFFFFFFF  }
0xc1: {  	_ =	task.clear_ibuf [dreg:s6], $0x2FFFF;
	_ =	strace $0x9FFFFFFF  }
0xc2: {  	(tm) =	ssettm $0x7FFFFFFF  }
0xc3: {  	_ =	shalt  }
tec
execute0_lowered:
.L_overlay_start_1:
0x0: {  	(tag) =	ssettag $0x1  }
0x1: {  	s0 =	srdreg.scid  }
0x2: {  	s1 =	rddreg [dreg:$0x0];
	s10 =	stileid.u32  }
0x3: {  	s2 =	rddreg [dreg:$0x1];
	s12 =	simm.s32 $0x3;
	s14 =	simm.s32 $0x7D  }
0x4: {  	s15 =	simm.s32 $0x5000;
	s19 =	simm.s32 $0x6F40;
	s21 =	simm.s32 $0x7EE0  }
0x5: {  	s23 =	simm.s32 $0x8E80;
	s28 =	simm.s32 $0xADC0;
	s30 =	simm.s32 $0xBD60  }
0x6: {  	s31 =	simm.s32 $0x1;
	s0 =	sand.u32 $0x1, s0;
	s6 =	smul.u32 $0x9C40, s10  }
0x7: {  	s29 =	sshll.u32 s10, $0x6;
	s3 =	sshll.u32 s0, $0x4;
	s7 =	ssub.s32 $0x2, s0  }
0x8: {  	p0 =	seq.s32 s0, $0x1;
	s0 =	simm.s32 $0xDC00;
	s4 =	sor.u32 s10, s3  }
0x9: {  	s3 =	simm.s32 $0x0;
	s24 =	sshrl.u32 s6, $0x4;
	s9 =	sshrl.u32 s7, $0x1  }
0xa: {  	s25 =	sshrl.u32 s6, $0x1;
	s6 =	sor.u32 $0x1C03, s29;
	s0 =	simm.s32 @!p0 $0x36800  }
0xb: {  	s5 =	smul.u32 $0x500, s4;
	[smem:$0x7FF] =	sst s3;
	s4 =	sadd.s32 $0x3E00, s1  }
.Ltmp0:
0xc: {  	s9 =	ssub.s32 s7, s9;
	s11 =	sadd.s32 s25, s2;
	(pc) =	sbr.rel .LBB2_1-.Ltmp0, $4  }
0xd: {  	_ =	strace $0x8000004D;
	s8 =	sadd.s32 s5, s1;
	s1 =	sadd.s32 s24, s1  }
0xe: {  	s9 =	smax.u32 s9, $0x1;
	s11 =	sshrl.u32 s11, $0x3;
	s26 =	sadd.s32 $0x2CA00, s1  }
0xf: {  	s7 =	sadd.s32 $0x22A00, s8;
	s8 =	sadd.s32 $0x18A00, s8;
	s10 =	sadd.s32 s0, s1  }
0x10: {  	s1 =	simm.s32 $0x2;
	s0 =	simm.s32 $0x0;
	[dreg:$0x3] =	wrdreg s26  }
.LBB2_4:
0x11: {  	_ =	swait.ge [sflag:s31], $0xFA0  }
0x12: {  	[sflag:s31] =	ssyncset.done $0x0  }
0x13: {  	[sflag:s31] =	ssyncadd.s32 $0xFFFFF060  }
0x14: {  	[spmem:s2] =	stream.indirect.scatter.add.bf16 [tilespmem:s30], [sflag:$0x2], $0x20, s17, s14, $0xb8;
	[tilespmem:$0x11B20] =	vst v63  }
0x15: {  	_ =	swait.ge [sflag:s1], $0xFA0  }
0x16: {  	[sflag:s1] =	ssyncset.done $0x0  }
0x17: {  	[sflag:s1] =	ssyncadd.s32 $0xFFFFF060  }
0x18: {  	_ =	swait.ge [sflag:s1], $0xFA0  }
0x19: {  	[sflag:s1] =	ssyncset.done $0x0  }
0x1a: {  	[sflag:s1] =	ssyncadd.s32 $0xFFFFF060  }
0x1b: {  	_ =	swait.ge [sflag:s1], $0xFA0  }
0x1c: {  	[sflag:s1] =	ssyncset.done $0x0  }
0x1d: {  	[sflag:s1] =	ssyncadd.s32 $0xFFFFF060  }
0x1e: {  	_ =	swait.ge [sflag:s1], $0xFA0  }
0x1f: {  	[sflag:s1] =	ssyncset.done $0x0  }
0x20: {  	[sflag:s1] =	ssyncadd.s32 $0xFFFFF060  }
0x21: {  	_ =	swait.ge [sflag:s1], $0xFA0  }
0x22: {  	s0 =	sadd.s32 $0x1, s0;
	[sflag:s1] =	ssyncset.done $0x0  }
0x23: {  	p0 =	sne.s32 s0, s9;
	[sflag:s1] =	ssyncadd.s32 $0xFFFFF060  }
.Ltmp1:
0x24: {  	[bflag:$0x0] =	sbarrier.arrive $0xFFFF;
	(pc) =	sbr.rel @!p0 .LBB2_5-.Ltmp1, $4  }
0x25: {  	[hbm:s10], [sflag:s6] =	dma.local [spmem:s11], $0x9C4  }
0x26: {  	_ =	swait.ge [sflag:s12], $0x9C4  }
0x27: {  	[sflag:s12] =	ssyncset.done $0x0  }
0x28: {  	[sflag:s12] =	ssyncadd.s32 $0xFFFFF63C  }
.LBB2_1:
0x29: {  	s5 =	rddreg [dreg:$0x3]  }
0x2a: {  	[spmem:s11], [sflag:s6] =	dma.local [hbm:s5], $0x9C4  }
0x2b: {  	_ =	swait.ge [sflag:s12], $0x9C4  }
0x2c: {  	[sflag:s12] =	ssyncset.done $0x0  }
0x2d: {  	[sflag:s12] =	ssyncadd.s32 $0xFFFFF63C  }
0x2e: {  	[tilespmem:s3], [sflag:$0x3] =	stream.linear.gather [hbm4b:s7+s3], $0x2800, $0x38;
	[tilespmem:$0x11B20] =	vst v63  }
0x2f: {  	_ =	swait.ge [sflag:s12], $0x2800  }
0x30: {  	[sflag:s12] =	ssyncset.done $0x0  }
0x31: {  	s16 =	simm.s32 $0x2800;
	[sflag:s12] =	ssyncadd.s32 $0xFFFFD800  }
0x32: {  	[tilespmem:s16], [sflag:$0x3] =	stream.linear.gather [hbm4b:s8+s3], $0x2800, $0x38;
	[tilespmem:$0x11B20] =	vst v63  }
0x33: {  	_ =	swait.ge [sflag:s12], $0x2800  }
0x34: {  	[sflag:s12] =	ssyncset.done $0x0  }
0x35: {  	[sflag:s12] =	ssyncadd.s32 $0xFFFFD800  }
0x36: {  	[bflag:$0x0] =	sbarrier.arrive $0xFFFF  }
0x37: {  	[tilespmem:s15], [sflag:$0x1] =	stream.indirect.gather [hbm4b:s4+s14], $0x20, s3, s14, $0xb8;
	[tilespmem:$0x11B20] =	vst v63  }
0x38: {  	s17 =	simm.s32 $0x80;
	s13 =	simm.s32 $0x5FA0  }
0x39: {  	[tilespmem:s13], [sflag:$0x1] =	stream.indirect.gather [hbm4b:s4+s14], $0x20, s17, s14, $0xb8;
	[tilespmem:$0x11B20] =	vst v63  }
0x3a: {  	s18 =	simm.s32 $0x100  }
0x3b: {  	[tilespmem:s19], [sflag:$0x1] =	stream.indirect.gather [hbm4b:s4+s14], $0x20, s18, s14, $0xb8;
	[tilespmem:$0x11B20] =	vst v63  }
0x3c: {  	s20 =	simm.s32 $0x180  }
0x3d: {  	[tilespmem:s21], [sflag:$0x1] =	stream.indirect.gather [hbm4b:s4+s14], $0x20, s20, s14, $0xb8;
	[tilespmem:$0x11B20] =	vst v63  }
0x3e: {  	s22 =	simm.s32 $0x200  }
0x3f: {  	[tilespmem:s23], [sflag:$0x1] =	stream.indirect.gather [hbm4b:s4+s14], $0x20, s22, s14, $0xb8;
	[tilespmem:$0x11B20] =	vst v63  }
0x40: {  	s24 =	simm.s32 $0x280;
	s25 =	simm.s32 $0x9E20  }
0x41: {  	[tilespmem:s25], [sflag:$0x1] =	stream.indirect.gather [hbm4b:s4+s14], $0x20, s24, s14, $0xb8;
	[tilespmem:$0x11B20] =	vst v63  }
0x42: {  	s26 =	simm.s32 $0x300  }
0x43: {  	[tilespmem:s28], [sflag:$0x1] =	stream.indirect.gather [hbm4b:s4+s14], $0x20, s26, s14, $0xb8;
	[tilespmem:$0x11B20] =	vst v63  }
0x44: {  	s29 =	simm.s32 $0x380;
	s13 =	simm.s32 $0x0  }
0x45: {  	[tilespmem:s30], [sflag:$0x1] =	stream.indirect.gather [hbm4b:s4+s14], $0x20, s29, s14, $0xb8;
	[tilespmem:$0x11B20] =	vst v63  }
.LBB2_2:
0x46: {  	_ =	swait.ge [sflag:s31], $0xFA0  }
0x47: {  	s16 =	sshra.s32 s13, $0x2;
	[sflag:s31] =	ssyncset.done $0x0  }
0x48: {  	p0 =	seq.s32 s13, $0x0;
	s17 =	sadd.s32 $0x2800, s16;
	[sflag:s31] =	ssyncadd.s32 $0xFFFFF060  }
0x49: {  	[spmem:s2] =	stream.indirect.scatter.add.bf16 [tilespmem:s15], [sflag:$0x2], $0x20, s17, s14, $0xb8;
	[tilespmem:$0x11B20] =	vst v63  }
0x4a: {  	s17 =	simm.s32 @p0 $0x1  }
0x4b: {  	_ =	swait.ge @p0 [sflag:s17], $0xFA0  }
0x4c: {  	s18 =	sshra.s32 @p0 s13, $0x2;
	s22 =	simm.s32 @p0 $0x7D;
	[sflag:s17] =	ssyncset.done @p0 $0x0  }
0x4d: {  	s24 =	simm.s32 @p0 $0x5FA0;
	s20 =	sadd.s32 @p0 $0x2880, s18;
	[sflag:s17] =	ssyncadd.s32 @p0 $0xFFFFF060  }
0x4e: {  	[spmem:s2] =	stream.indirect.scatter.add.bf16 @p0 [tilespmem:s24], [sflag:$0x2], $0x20, s20, s22, $0xb8;
	[tilespmem:$0x11B20] =	vst v63  }
0x4f: {  	s20 =	simm.s32 @!p0 $0x2  }
0x50: {  	_ =	swait.ge @!p0 [sflag:s20], $0xFA0  }
0x51: {  	s26 =	simm.s32 @!p0 $0x7D;
	s24 =	sshra.s32 @!p0 s13, $0x2;
	[sflag:s20] =	ssyncset.done @!p0 $0x0  }
0x52: {  	s29 =	simm.s32 @!p0 $0x8E80;
	s25 =	sadd.s32 @!p0 $0x200, s24;
	[sflag:s20] =	ssyncadd.s32 @!p0 $0xFFFFF060  }
0x53: {  	[tilespmem:s29], [sflag:$0x1] =	stream.indirect.gather @!p0 [hbm4b:s4+s26], $0x20, s25, s26, $0xb8;
	[tilespmem:$0x11B20] =	vst v63  }
0x54: {  	s25 =	simm.s32 @!p0 $0x1  }
0x55: {  	_ =	swait.ge @!p0 [sflag:s25], $0xFA0  }
0x56: {  	[sflag:s25] =	ssyncset.done @!p0 $0x0  }
0x57: {  	s5 =	simm.s32 @!p0 $0x5FA0;
	s29 =	sadd.s32 @!p0 $0x2880, s24;
	[sflag:s25] =	ssyncadd.s32 @!p0 $0xFFFFF060  }
0x58: {  	[spmem:s2] =	stream.indirect.scatter.add.bf16 @!p0 [tilespmem:s5], [sflag:$0x2], $0x20, s29, s26, $0xb8;
	[tilespmem:$0x11B20] =	vst v63  }
0x59: {  	_ =	swait.ge @!p0 [sflag:s20], $0xFA0  }
0x5a: {  	[sflag:s20] =	ssyncset.done @!p0 $0x0  }
0x5b: {  	s5 =	sadd.s32 @!p0 $0x280, s24;
	s29 =	simm.s32 @!p0 $0x9E20;
	[sflag:s20] =	ssyncadd.s32 @!p0 $0xFFFFF060  }
0x5c: {  	[tilespmem:s29], [sflag:$0x1] =	stream.indirect.gather @!p0 [hbm4b:s4+s26], $0x20, s5, s26, $0xb8;
	[tilespmem:$0x11B20] =	vst v63  }
0x5d: {  	_ =	swait.ge [sflag:s31], $0xFA0  }
0x5e: {  	[sflag:s31] =	ssyncset.done $0x0  }
0x5f: {  	s29 =	sadd.s32 $0x2900, s16;
	[sflag:s31] =	ssyncadd.s32 $0xFFFFF060  }
0x60: {  	[spmem:s2] =	stream.indirect.scatter.add.bf16 [tilespmem:s19], [sflag:$0x2], $0x20, s29, s14, $0xb8;
	[tilespmem:$0x11B20] =	vst v63  }
0x61: {  	_ =	swait.ge @p0 [sflag:s17], $0xFA0  }
0x62: {  	[sflag:s17] =	ssyncset.done @p0 $0x0  }
0x63: {  	s5 =	sadd.s32 @p0 $0x2980, s18;
	[sflag:s17] =	ssyncadd.s32 @p0 $0xFFFFF060;
	s17 =	simm.s32 @p0 $0x7EE0  }
0x64: {  	[spmem:s2] =	stream.indirect.scatter.add.bf16 @p0 [tilespmem:s17], [sflag:$0x2], $0x20, s5, s22, $0xb8;
	[tilespmem:$0x11B20] =	vst v63  }
0x65: {  	_ =	swait.ge @!p0 [sflag:s20], $0xFA0  }
0x66: {  	[sflag:s20] =	ssyncset.done @!p0 $0x0  }
0x67: {  	s5 =	sadd.s32 @!p0 $0x300, s24;
	s17 =	simm.s32 @!p0 $0xADC0;
	[sflag:s20] =	ssyncadd.s32 @!p0 $0xFFFFF060  }
0x68: {  	[tilespmem:s17], [sflag:$0x1] =	stream.indirect.gather @!p0 [hbm4b:s4+s26], $0x20, s5, s26, $0xb8;
	[tilespmem:$0x11B20] =	vst v63  }
0x69: {  	_ =	swait.ge @!p0 [sflag:s25], $0xFA0  }
0x6a: {  	[sflag:s25] =	ssyncset.done @!p0 $0x0  }
0x6b: {  	s5 =	sadd.s32 @!p0 $0x2980, s24;
	s17 =	simm.s32 @!p0 $0x7EE0;
	[sflag:s25] =	ssyncadd.s32 @!p0 $0xFFFFF060  }
0x6c: {  	[spmem:s2] =	stream.indirect.scatter.add.bf16 @!p0 [tilespmem:s17], [sflag:$0x2], $0x20, s5, s26, $0xb8;
	[tilespmem:$0x11B20] =	vst v63  }
0x6d: {  	_ =	swait.ge @!p0 [sflag:s20], $0xFA0  }
0x6e: {  	[sflag:s20] =	ssyncset.done @!p0 $0x0  }
0x6f: {  	s5 =	sadd.s32 @!p0 $0x380, s24;
	s17 =	simm.s32 @!p0 $0xBD60;
	[sflag:s20] =	ssyncadd.s32 @!p0 $0xFFFFF060  }
0x70: {  	[tilespmem:s17], [sflag:$0x1] =	stream.indirect.gather @!p0 [hbm4b:s4+s26], $0x20, s5, s26, $0xb8;
	[tilespmem:$0x11B20] =	vst v63  }
0x71: {  	_ =	swait.ge [sflag:s31], $0xFA0  }
0x72: {  	[sflag:s31] =	ssyncset.done $0x0  }
0x73: {  	s26 =	sadd.s32 $0x2A00, s16;
	[sflag:s31] =	ssyncadd.s32 $0xFFFFF060  }
0x74: {  	[spmem:s2] =	stream.indirect.scatter.add.bf16 [tilespmem:s23], [sflag:$0x2], $0x20, s26, s14, $0xb8;
	[tilespmem:$0x11B20] =	vst v63  }
0x75: {  	_ =	swait.ge [sflag:s1], $0xFA0  }
0x76: {  	p0 =	seq.s32 s13, $0x9000;
	[sflag:s1] =	ssyncset.done $0x0  }
0x77: {  	s5 =	simm.s32 @p0 $0x1;
	[sflag:s1] =	ssyncadd.s32 $0xFFFFF060  }
0x78: {  	_ =	swait.ge @p0 [sflag:s5], $0xFA0  }
0x79: {  	[sflag:s5] =	ssyncset.done @p0 $0x0  }
0x7a: {  	[sflag:s5] =	ssyncadd.s32 @p0 $0xFFFFF060;
	s5 =	sshra.s32 @p0 s13, $0x2  }
0x7b: {  	s17 =	simm.s32 @p0 $0x7D;
	s18 =	simm.s32 @p0 $0x9E20;
	s5 =	sadd.s32 @p0 $0x2A80, s5  }
0x7c: {  	[spmem:s2] =	stream.indirect.scatter.add.bf16 @p0 [tilespmem:s18], [sflag:$0x2], $0x20, s5, s17, $0xb8;
	[tilespmem:$0x11B20] =	vst v63  }
0x7d: {  	s5 =	simm.s32 @p0 $0x2  }
0x7e: {  	_ =	swait.ge @p0 [sflag:s5], $0xFA0  }
0x7f: {  	[sflag:s5] =	ssyncset.done @p0 $0x0  }
0x80: {  	[sflag:s5] =	ssyncadd.s32 @p0 $0xFFFFF060;
	s5 =	sshra.s32 @!p0 s13, $0x2  }
0x81: {  	s20 =	simm.s32 @!p0 $0x5000;
	s18 =	simm.s32 @!p0 $0x7D;
	s17 =	sadd.s32 @!p0 $0x400, s5  }
0x82: {  	[tilespmem:s20], [sflag:$0x1] =	stream.indirect.gather @!p0 [hbm4b:s4+s18], $0x20, s17, s18, $0xb8;
	[tilespmem:$0x11B20] =	vst v63  }
0x83: {  	s17 =	simm.s32 @!p0 $0x1  }
0x84: {  	_ =	swait.ge @!p0 [sflag:s17], $0xFA0  }
0x85: {  	[sflag:s17] =	ssyncset.done @!p0 $0x0  }
0x86: {  	s20 =	simm.s32 @!p0 $0x9E20;
	[sflag:s17] =	ssyncadd.s32 @!p0 $0xFFFFF060;
	s17 =	sadd.s32 @!p0 $0x2A80, s5  }
0x87: {  	[spmem:s2] =	stream.indirect.scatter.add.bf16 @!p0 [tilespmem:s20], [sflag:$0x2], $0x20, s17, s18, $0xb8;
	[tilespmem:$0x11B20] =	vst v63  }
0x88: {  	s17 =	simm.s32 @!p0 $0x2  }
0x89: {  	_ =	swait.ge @!p0 [sflag:s17], $0xFA0  }
0x8a: {  	[sflag:s17] =	ssyncset.done @!p0 $0x0  }
0x8b: {  	s5 =	sadd.s32 @!p0 $0x480, s5;
	[sflag:s17] =	ssyncadd.s32 @!p0 $0xFFFFF060;
	s17 =	simm.s32 @!p0 $0x5FA0  }
0x8c: {  	[tilespmem:s17], [sflag:$0x1] =	stream.indirect.gather @!p0 [hbm4b:s4+s18], $0x20, s5, s18, $0xb8;
	[tilespmem:$0x11B20] =	vst v63  }
0x8d: {  	_ =	swait.ge [sflag:s31], $0xFA0  }
0x8e: {  	[sflag:s31] =	ssyncset.done $0x0  }
.Ltmp2:
0x8f: {  	s29 =	sadd.s32 $0x2B00, s16;
	[sflag:s31] =	ssyncadd.s32 $0xFFFFF060;
	(pc) =	sbr.rel @p0 .LBB2_4-.Ltmp2, $4  }
0x90: {  	[spmem:s2] =	stream.indirect.scatter.add.bf16 [tilespmem:s28], [sflag:$0x2], $0x20, s29, s14, $0xb8;
	[tilespmem:$0x11B20] =	vst v63  }
0x91: {  	_ =	swait.ge [sflag:s1], $0xFA0  }
0x92: {  	[sflag:s1] =	ssyncset.done $0x0  }
0x93: {  	s17 =	sadd.s32 $0x2B80, s16;
	[sflag:s1] =	ssyncadd.s32 $0xFFFFF060  }
0x94: {  	s5 =	sadd.s32 $0x500, s16  }
0x95: {  	[tilespmem:s19], [sflag:$0x1] =	stream.indirect.gather [hbm4b:s4+s14], $0x20, s5, s14, $0xb8;
	[tilespmem:$0x11B20] =	vst v63  }
0x96: {  	_ =	swait.ge [sflag:s31], $0xFA0  }
0x97: {  	[sflag:s31] =	ssyncset.done $0x0  }
0x98: {  	[sflag:s31] =	ssyncadd.s32 $0xFFFFF060  }
0x99: {  	[spmem:s2] =	stream.indirect.scatter.add.bf16 [tilespmem:s30], [sflag:$0x2], $0x20, s17, s14, $0xb8;
	[tilespmem:$0x11B20] =	vst v63  }
.Ltmp3:
0x9a: {  	_ = 	snop;
	(pc) =	sbr.rel .LBB2_2-.Ltmp3, $4  }
0x9b: {  	_ =	swait.ge [sflag:s1], $0xFA0  }
0x9c: {  	[sflag:s1] =	ssyncset.done $0x0  }
0x9d: {  	s29 =	sadd.s32 $0x580, s16;
	s13 =	sadd.s32 $0x1000, s13;
	[sflag:s1] =	ssyncadd.s32 $0xFFFFF060  }
0x9e: {  	[tilespmem:s21], [sflag:$0x1] =	stream.indirect.gather [hbm4b:s4+s14], $0x20, s29, s14, $0xb8;
	[tilespmem:$0x11B20] =	vst v63  }
.LBB2_5:
0x9f: {  	_ =	sfence.sel $0x180000  }
0xa0: {  	[bflag:$0x0] =	sbarrier.arrive $0xFFFF  }
0xa1: {  	_ =	strace $0x9000004D  }
0xa2: {  	s0 =	stileid.u32;
	[bflag:$0x2] =	sbarrier.arrive $0xFFFF  }
0xa3: {  	p0 =	sne.s32 s0, $0x0;
	s0 =	rddreg [dreg:$0x2]  }
0xa4: {  	s0 =	sadd.s32 @!p0 $0x100000, s0  }
0xa5: {  	[sflag:s0] =	ssyncadd.tile.s32 @!p0 $0x1;
	_ =	shalt  }
.Lfunc_end2:
_tile_overlayer_lowered:
.L_overlay_start_2:
0xa6: {  	(tag) =	ssettag $0x2  }
0xa7: {  	s0 =	rddreg [dreg:$0x0];
	s2 =	stileid.u32  }
0xa8: {  	s1 =	rddreg [dreg:$0x1];
	p0 =	sne.s32 s2, $0x0  }
0xa9: {  	s3 =	rddreg [dreg:$0x2];
	[bflag:$0x3] =	sbarrier.arrive $0xFFFF;
	s2 =	simm.s32 @!p0 $0x1C03  }
0xaa: {  	[timem:s3], [sflag:s2] =	dma.local @!p0 [hbm:s0], s1  }
0xab: {  	s0 =	simm.s32 @!p0 $0x3  }
0xac: {  	_ =	swait.ge @!p0 [sflag:s0], s1  }
0xad: {  	s1 =	ssub.s32 @!p0 $0x0, s1;
	[sflag:s0] =	ssyncset.done @!p0 $0x0  }
0xae: {  	[sflag:s0] =	ssyncadd.s32 @!p0 s1  }
0xaf: {  	[bflag:$0x3] =	sbarrier.arrive $0xFFFF  }
0xb0: {  	_ =	shalt  }

// kernel: kernel.20.cloned.1.call-start
scs
__scs_entry_jumppad:
0x0: {  	(pc) =	sbr.rel $0x88, $3  }
0x1: {  	(tag) =	ssettag $0x0;
	lr =	simm.s32 $0x1  }
0x2: {  	[smem:$0x3F97] =	sst lr;
	_ =	strace $0xD0000000  }
0x3: {  	_ = 	snop  }
0x4: {  	_ = 	snop  }
0x5: {  	_ = 	snop  }
0x6: {  	_ = 	snop  }
0x7: {  	_ = 	snop  }
__scs_overlays_trampoline_lowered:
0x8: {  	[smem:$0x3FA6] =	sst s0  }
0x9: {  	[smem:$0x3FA7] =	sst s1  }
0xa: {  	[smem:$0x3FA8] =	sst s2  }
0xb: {  	[smem:$0x3FA9] =	sst s3  }
0xc: {  	[smem:$0x3FAA] =	sst s4  }
0xd: {  	[smem:$0x3FAB] =	sst s5  }
0xe: {  	[smem:$0x3FAC] =	sst s6  }
0xf: {  	[smem:$0x3FAD] =	sst s7  }
0x10: {  	[smem:$0x3FAE] =	sst s8  }
0x11: {  	[smem:$0x3FAF] =	sst s9;
	s0 =	simm.s32 @!p0 $0x0  }
0x12: {  	s1 =	sld [smem:$0x3F95];
	s0 =	simm.s32 @p0 $0x1  }
0x13: {  	[smem:$0x3FB0] =	sst s0;
	s0 =	simm.s32 @!p1 $0x0  }
0x14: {  	s2 =	sld [smem:$0x3F94];
	s0 =	simm.s32 @p1 $0x1  }
0x15: {  	[smem:$0x3FB1] =	sst s0;
	s0 =	simm.s32 @!p2 $0x0  }
0x16: {  	s3 =	sld [smem:$0x3FDB];
	s0 =	simm.s32 @p2 $0x1  }
0x17: {  	s4 =	simm.s32 $0x1BF5;
	[smem:$0x3FB3] =	sst s0  }
0x18: {  	s0 =	sld [smem:$0x3F96];
	_ =	swait.ge [sflag:s4], $0x0  }
0x19: {  	s7 =	sld [smem:$0x3F97]  }
0x1a: {  	s8 =	sadd.s32 $0xFFFFE003, lr  }
0x1b: {  	s9 =	sadd.s32 $0xFFFFFEF7, lr;
	s5 =	simm.s32 $0xFFFFFFFF;
	p2 =	slt.u32 s8, $0xFFFFF086  }
0x1c: {  	p1 =	slt.u32 s9, $0xF7A;
	s5 =	simm.s32 @!p2 $0x0  }
0x1d: {  	s5 =	simm.s32 @p1 $0x1;
	p0 =	seq.s32 s7, s2  }
0x1e: {  	s7 =	smul.u32 @!p0 $0xF7A, s2;
	p2 =	seq.s32 @!p0 s5, $0x0  }
0x1f: {  	s9 =	smul.u32 $0xF7A, s1;
	s8 =	simm.s32 @!p0 $0x1BF5;
	p2 =	por !p2, p0  }
0x20: {  	[sflag:s8] =	ssyncset.s32 @!p0 $0xFFFFF086;
	s6 =	sadd.s32 @!p0 s3, s7;
	s7 =	simm.s32 @!p0 $0x108  }
0x21: {  	s3 =	sadd.s32 s3, s9;
	s6 =	sadd.s32 @!p0 $0x88, s6;
	s7 =	simm.s32 @p2 $0x1082  }
0x22: {  	[simem:s7], [sflag:s8] =	dma.local @!p0 [hbm:s6], $0xF7A  }
0x23: {  	s9 =	sor.u32 $0xD0000000, s2;
	s6 =	simm.s32 $0x108;
	_ =	swait.ge @!p0 [sflag:s8], $0x0  }
0x24: {  	s3 =	sadd.s32 $0x88, s3;
	s6 =	simm.s32 @!p1 $0x1082;
	[sflag:s4] =	ssyncset.s32 $0xFFFFF086  }
0x25: {  	[simem:s6], [sflag:s4] =	dma.local [hbm:s3], $0xF7A  }
0x26: {  	[smem:$0x3F97] =	sst s1;
	(tag) =	ssettag s2;
	_ =	strace s9  }
0x27: {  	s1 =	sld [smem:$0x3FA7]  }
0x28: {  	s2 =	sld [smem:$0x3FA8]  }
0x29: {  	s4 =	sld [smem:$0x3FAA]  }
0x2a: {  	p0 =	seq.s32 s5, $0x0;
	s5 =	sld [smem:$0x3FAB]  }
0x2b: {  	s6 =	sld [smem:$0x3FAC]  }
0x2c: {  	s7 =	sld [smem:$0x3FAD]  }
0x2d: {  	s3 =	simm.s32 $0x108;
	s8 =	sld [smem:$0x3FAE]  }
0x2e: {  	s3 =	simm.s32 @!p0 $0x1082;
	s9 =	sld [smem:$0x3FAF]  }
0x2f: {  	lr =	sadd.s32 s0, s3;
	s0 =	sld [smem:$0x3FA6]  }
0x30: {  	s3 =	sld [smem:$0x3FA9]  }
0x31: {  	[smem:$0x3FB2] =	sst s10  }
0x32: {  	s10 =	sld [smem:$0x3FB0];
	_ =	sdelay $0x3  }
0x33: {  	p0 =	seq.s32 s10, $0x1;
	s10 =	sld [smem:$0x3FB2];
	_ =	sdelay $0x3  }
0x34: {  	[smem:$0x3FB2] =	sst s10  }
0x35: {  	s10 =	sld [smem:$0x3FB1];
	_ =	sdelay $0x3  }
0x36: {  	p1 =	seq.s32 s10, $0x1;
	s10 =	sld [smem:$0x3FB2];
	_ =	sdelay $0x3  }
0x37: {  	[smem:$0x3FB2] =	sst s10  }
0x38: {  	s10 =	sld [smem:$0x3FB3]  }
0x39: {  	_ = 	snop;
	(pc) =	sbr.ind lr, $3  }
0x3a: {  	_ = 	snop  }
0x3b: {  	_ = 	snop  }
0x3c: {  	p2 =	seq.s32 s10, $0x1;
	s10 =	sld [smem:$0x3FB2]  }
0x3d: {  	_ =	shalt  }
0x3e: {  	_ =	shalt  }
0x3f: {  	_ =	shalt  }
0x40: {  	_ =	shalt  }
0x41: {  	_ =	shalt  }
0x42: {  	_ =	shalt  }
0x43: {  	_ =	shalt  }
0x44: {  	_ =	shalt  }
0x45: {  	_ =	shalt  }
0x46: {  	_ =	shalt  }
0x47: {  	_ =	shalt  }
0x48: {  	_ =	shalt  }
0x49: {  	_ =	shalt  }
0x4a: {  	_ =	shalt  }
0x4b: {  	_ =	shalt  }
0x4c: {  	_ =	shalt  }
0x4d: {  	_ =	shalt  }
0x4e: {  	_ =	shalt  }
0x4f: {  	_ =	shalt  }
0x50: {  	_ =	shalt  }
0x51: {  	_ =	shalt  }
0x52: {  	_ =	shalt  }
0x53: {  	_ =	shalt  }
0x54: {  	_ =	shalt  }
0x55: {  	_ =	shalt  }
0x56: {  	_ =	shalt  }
0x57: {  	_ =	shalt  }
0x58: {  	_ =	shalt  }
0x59: {  	_ =	shalt  }
0x5a: {  	_ =	shalt  }
0x5b: {  	_ =	shalt  }
0x5c: {  	_ =	shalt  }
0x5d: {  	_ =	shalt  }
0x5e: {  	_ =	shalt  }
0x5f: {  	_ =	shalt  }
0x60: {  	_ =	shalt  }
0x61: {  	_ =	shalt  }
0x62: {  	_ =	shalt  }
0x63: {  	_ =	shalt  }
0x64: {  	_ =	shalt  }
0x65: {  	_ =	shalt  }
0x66: {  	_ =	shalt  }
0x67: {  	_ =	shalt  }
0x68: {  	_ =	shalt  }
0x69: {  	_ =	shalt  }
0x6a: {  	_ =	shalt  }
0x6b: {  	_ =	shalt  }
0x6c: {  	_ =	shalt  }
0x6d: {  	_ =	shalt  }
0x6e: {  	_ =	shalt  }
0x6f: {  	_ =	shalt  }
0x70: {  	_ =	shalt  }
0x71: {  	_ =	shalt  }
0x72: {  	_ =	shalt  }
0x73: {  	_ =	shalt  }
0x74: {  	_ =	shalt  }
0x75: {  	_ =	shalt  }
0x76: {  	_ =	shalt  }
0x77: {  	_ =	shalt  }
0x78: {  	_ =	shalt  }
0x79: {  	_ =	shalt  }
0x7a: {  	_ =	shalt  }
0x7b: {  	_ =	shalt  }
0x7c: {  	_ =	shalt  }
0x7d: {  	_ =	shalt  }
0x7e: {  	_ =	shalt  }
0x7f: {  	_ =	shalt  }
0x80: {  	_ =	shalt  }
0x81: {  	_ =	shalt  }
0x82: {  	_ =	shalt  }
0x83: {  	_ =	shalt  }
0x84: {  	_ =	shalt  }
0x85: {  	_ =	shalt  }
0x86: {  	_ =	shalt  }
0x87: {  	_ =	shalt  }
.Lfunc_end0:
.L_simem_size_0:
called_computation.3_lowered:
.L_overlay_start_0:
0x88: {  	s2 =	sld [smem:$0x3FD9]  }
0x89: {  	s3 =	sld [smem:$0x3FFE];
	_ =	sdelay $0x1  }
0x8a: {  	s1 =	srdreg.scid  }
0x8b: {  	s0 =	sand.u32 $0x1, s1  }
0x8c: {  	s16 =	sshll.u32 s0, $0xA;
	s2 =	sadd.s32 s3, s2  }
0x8d: {  	s2 =	sadd.s32 s2, s16  }
0x8e: {  	[smem:$0x3FBE] =	sst s2  }
0x8f: {  	_ = 	snop  }
0x90: {  	(tm) =	ssettm $0x1  }
0x91: {  	s17 =	sld [smem:$0x3FFB];
	_ =	sdelay $0x3  }
0x92: {  	_ =	strace s17  }
0x93: {  	s2 =	sld [smem:$0x3FFC];
	_ =	sdelay $0x3  }
0x94: {  	_ =	strace s2  }
0x95: {  	s2 =	sld [smem:$0x3FFD];
	_ =	sdelay $0x3  }
0x96: {  	_ =	strace s2  }
0x97: {  	_ =	strace $0x8FFFFFFF  }
0x98: {  	s18 =	sld [smem:$0x3FDB];
	_ =	sdelay $0x1  }
0x99: {  	s19 =	simm.s32 $_scs_section_size  }
0x9a: {  	s4 =	simm.s32 $_size__tile_overlayer_lowered;
	s5 =	simm.s32 $_tile_overlayer_lowered  }
0x9b: {  	s22 =	simm.s32 $0x1BFF;
	s21 =	sshll.u32 s5, $0x1;
	s2 =	sadd.s32 s19, s18  }
0x9c: {  	s6 =	simm.s32 $0x0;
	s20 =	sshll.u32 s4, $0x1;
	s4 =	sadd.s32 s21, s2  }
0x9d: {  	[timem:s6], [sflag:s22] =	dma.local [hbm:s4], s20  }
0x9e: {  	_ =	swait.ge [sflag:s22], s20  }
0x9f: {  	s3 =	ssub.s32 $0x0, s20;
	[sflag:s22] =	ssyncset.done $0x0  }
0xa0: {  	[sflag:s22] =	ssyncadd.s32 s3;
	_ =	sdelay $0x1  }
0xa1: {  	s23 =	simm.s32 $0x1B8B  }
0xa2: {  	_ =	swait.ge [sflag:s23], $0x1  }
0xa3: {  	[sflag:s23] =	ssyncset.done $0x0  }
0xa4: {  	s25 =	simm.s32 $0x1B8E;
	s24 =	sld [smem:$0x3FFE];
	[sflag:s23] =	ssyncadd.s32 $0xFFFFFFFF  }
0xa5: {  	s26 =	simm.s32 $execute0_lowered;
	[smem:$0x3FD2] =	sst s25  }
0xa6: {  	s4 =	sshll.u32 s26, $0x1;
	_ =	strace $0x8000004F;
	[dreg:$0x1] =	wrdreg $0xFFFFFFFF  }
0xa7: {  	s28 =	simm.s32 $_size_execute0_lowered;
	s2 =	sadd.s32 s2, s4;
	[dreg:$0x0] =	wrdreg $0x0  }
0xa8: {  	s4 =	sshll.u32 s28, $0x1;
	[dreg:$0x2] =	wrdreg s2  }
0xa9: {  	[dreg:$0x3] =	wrdreg s4  }
0xaa: {  	[dreg:$0x4] =	wrdreg $0xC0  }
0xab: {  	_ =	task [dreg:s6], $0x5FFFF  }
0xac: {  	[dreg:$0x1] =	wrdreg $0xFFFFFFFF  }
0xad: {  	[dreg:$0x0] =	wrdreg $0x60  }
0xae: {  	[dreg:$0x2] =	wrdreg s24  }
0xaf: {  	[dreg:$0x3] =	wrdreg $0xCD000  }
0xb0: {  	[dreg:$0x4] =	wrdreg $0x9  }
0xb1: {  	_ =	task.clear_ibuf [dreg:s6], $0x5FFFF;
	_ =	strace $0x9000004F  }
0xb2: {  	s29 =	simm.s32 $0x9;
	_ =	strace $0x80000051  }
0xb3: {  	_ =	swait.ge [sflag:s29], $0x1  }
0xb4: {  	[sflag:s29] =	ssyncadd.s32 $0xFFFFFFFF  }
0xb5: {  	_ =	strace $0x90000051  }
0xb6: {  	_ =	sfence  }
0xb7: {  	s30 =	sld [smem:$0x0];
	_ =	sdelay $0x2  }
0xb8: {  	s31 =	sshll.u32 s1, $0xD;
	s1 =	sshrl.u32 s1, $0x2  }
0xb9: {  	s3 =	sand.u32 $0x4000, s31;
	s1 =	sadd.s32 s1, s30  }
0xba: {  	s0 =	sor.u32 s3, s0;
	s1 =	sshll.u32 s1, $0x11  }
0xbb: {  	s0 =	sor.u32 s1, s0  }
0xbc: {  	s0 =	sadd.s32 $0x8F2B, s0  }
0xbd: {  	[sflag:s0] =	ssyncadd.remote.s32 $0x1  }
0xbe: {  	_ =	sfence.sel $0xFFFF  }
0xbf: {  	[dreg:$0x0] =	wrdreg $0xFFFFFFFF;
	(pc) =	sbr.abs _section_cstart, $3  }
0xc0: {  	[dreg:$0x1] =	wrdreg $0xFFFFFFFF  }
0xc1: {  	_ =	task.clear_ibuf [dreg:s6], $0x2FFFF;
	_ =	strace $0x9FFFFFFF  }
0xc2: {  	(tm) =	ssettm $0x7FFFFFFF  }
0xc3: {  	_ =	shalt  }
tec
execute0_lowered:
.L_overlay_start_1:
0x0: {  	(tag) =	ssettag $0x1  }
0x1: {  	s0 =	srdreg.scid  }
0x2: {  	s1 =	rddreg [dreg:$0x0];
	s10 =	stileid.u32  }
0x3: {  	s2 =	rddreg [dreg:$0x1];
	s12 =	simm.s32 $0x3;
	s14 =	simm.s32 $0x7D  }
0x4: {  	s15 =	simm.s32 $0x5000;
	s19 =	simm.s32 $0x6F40;
	s21 =	simm.s32 $0x7EE0  }
0x5: {  	s23 =	simm.s32 $0x8E80;
	s28 =	simm.s32 $0xADC0;
	s30 =	simm.s32 $0xBD60  }
0x6: {  	s31 =	simm.s32 $0x1;
	s0 =	sand.u32 $0x1, s0;
	s6 =	smul.u32 $0x9C40, s10  }
0x7: {  	s29 =	sshll.u32 s10, $0x6;
	s3 =	sshll.u32 s0, $0x4;
	s7 =	ssub.s32 $0x2, s0  }
0x8: {  	p0 =	seq.s32 s0, $0x1;
	s0 =	simm.s32 $0xDC00;
	s4 =	sor.u32 s10, s3  }
0x9: {  	s3 =	simm.s32 $0x0;
	s24 =	sshrl.u32 s6, $0x4;
	s9 =	sshrl.u32 s7, $0x1  }
0xa: {  	s25 =	sshrl.u32 s6, $0x1;
	s6 =	sor.u32 $0x1C03, s29;
	s0 =	simm.s32 @!p0 $0x36800  }
0xb: {  	s5 =	smul.u32 $0x500, s4;
	[smem:$0x7FF] =	sst s3;
	s4 =	sadd.s32 $0x3E00, s1  }
.Ltmp0:
0xc: {  	s9 =	ssub.s32 s7, s9;
	s11 =	sadd.s32 s25, s2;
	(pc) =	sbr.rel .LBB2_1-.Ltmp0, $4  }
0xd: {  	_ =	strace $0x80000050;
	s8 =	sadd.s32 s5, s1;
	s1 =	sadd.s32 s24, s1  }
0xe: {  	s9 =	smax.u32 s9, $0x1;
	s11 =	sshrl.u32 s11, $0x3;
	s26 =	sadd.s32 $0x2CA00, s1  }
0xf: {  	s7 =	sadd.s32 $0x22A00, s8;
	s8 =	sadd.s32 $0x18A00, s8;
	s10 =	sadd.s32 s0, s1  }
0x10: {  	s1 =	simm.s32 $0x2;
	s0 =	simm.s32 $0x0;
	[dreg:$0x3] =	wrdreg s26  }
.LBB2_4:
0x11: {  	_ =	swait.ge [sflag:s31], $0xFA0  }
0x12: {  	[sflag:s31] =	ssyncset.done $0x0  }
0x13: {  	[sflag:s31] =	ssyncadd.s32 $0xFFFFF060  }
0x14: {  	[spmem:s2] =	stream.indirect.scatter.add.bf16 [tilespmem:s30], [sflag:$0x2], $0x20, s17, s14, $0xb8;
	[tilespmem:$0x11B20] =	vst v63  }
0x15: {  	_ =	swait.ge [sflag:s1], $0xFA0  }
0x16: {  	[sflag:s1] =	ssyncset.done $0x0  }
0x17: {  	[sflag:s1] =	ssyncadd.s32 $0xFFFFF060  }
0x18: {  	_ =	swait.ge [sflag:s1], $0xFA0  }
0x19: {  	[sflag:s1] =	ssyncset.done $0x0  }
0x1a: {  	[sflag:s1] =	ssyncadd.s32 $0xFFFFF060  }
0x1b: {  	_ =	swait.ge [sflag:s1], $0xFA0  }
0x1c: {  	[sflag:s1] =	ssyncset.done $0x0  }
0x1d: {  	[sflag:s1] =	ssyncadd.s32 $0xFFFFF060  }
0x1e: {  	_ =	swait.ge [sflag:s1], $0xFA0  }
0x1f: {  	[sflag:s1] =	ssyncset.done $0x0  }
0x20: {  	[sflag:s1] =	ssyncadd.s32 $0xFFFFF060  }
0x21: {  	_ =	swait.ge [sflag:s1], $0xFA0  }
0x22: {  	s0 =	sadd.s32 $0x1, s0;
	[sflag:s1] =	ssyncset.done $0x0  }
0x23: {  	p0 =	sne.s32 s0, s9;
	[sflag:s1] =	ssyncadd.s32 $0xFFFFF060  }
.Ltmp1:
0x24: {  	[bflag:$0x0] =	sbarrier.arrive $0xFFFF;
	(pc) =	sbr.rel @!p0 .LBB2_5-.Ltmp1, $4  }
0x25: {  	[hbm:s10], [sflag:s6] =	dma.local [spmem:s11], $0x9C4  }
0x26: {  	_ =	swait.ge [sflag:s12], $0x9C4  }
0x27: {  	[sflag:s12] =	ssyncset.done $0x0  }
0x28: {  	[sflag:s12] =	ssyncadd.s32 $0xFFFFF63C  }
.LBB2_1:
0x29: {  	s5 =	rddreg [dreg:$0x3]  }
0x2a: {  	[spmem:s11], [sflag:s6] =	dma.local [hbm:s5], $0x9C4  }
0x2b: {  	_ =	swait.ge [sflag:s12], $0x9C4  }
0x2c: {  	[sflag:s12] =	ssyncset.done $0x0  }
0x2d: {  	[sflag:s12] =	ssyncadd.s32 $0xFFFFF63C  }
0x2e: {  	[tilespmem:s3], [sflag:$0x3] =	stream.linear.gather [hbm4b:s7+s3], $0x2800, $0x38;
	[tilespmem:$0x11B20] =	vst v63  }
0x2f: {  	_ =	swait.ge [sflag:s12], $0x2800  }
0x30: {  	[sflag:s12] =	ssyncset.done $0x0  }
0x31: {  	s16 =	simm.s32 $0x2800;
	[sflag:s12] =	ssyncadd.s32 $0xFFFFD800  }
0x32: {  	[tilespmem:s16], [sflag:$0x3] =	stream.linear.gather [hbm4b:s8+s3], $0x2800, $0x38;
	[tilespmem:$0x11B20] =	vst v63  }
0x33: {  	_ =	swait.ge [sflag:s12], $0x2800  }
0x34: {  	[sflag:s12] =	ssyncset.done $0x0  }
0x35: {  	[sflag:s12] =	ssyncadd.s32 $0xFFFFD800  }
0x36: {  	[bflag:$0x0] =	sbarrier.arrive $0xFFFF  }
0x37: {  	[tilespmem:s15], [sflag:$0x1] =	stream.indirect.gather [hbm4b:s4+s14], $0x20, s3, s14, $0xb8;
	[tilespmem:$0x11B20] =	vst v63  }
0x38: {  	s17 =	simm.s32 $0x80;
	s13 =	simm.s32 $0x5FA0  }
0x39: {  	[tilespmem:s13], [sflag:$0x1] =	stream.indirect.gather [hbm4b:s4+s14], $0x20, s17, s14, $0xb8;
	[tilespmem:$0x11B20] =	vst v63  }
0x3a: {  	s18 =	simm.s32 $0x100  }
0x3b: {  	[tilespmem:s19], [sflag:$0x1] =	stream.indirect.gather [hbm4b:s4+s14], $0x20, s18, s14, $0xb8;
	[tilespmem:$0x11B20] =	vst v63  }
0x3c: {  	s20 =	simm.s32 $0x180  }
0x3d: {  	[tilespmem:s21], [sflag:$0x1] =	stream.indirect.gather [hbm4b:s4+s14], $0x20, s20, s14, $0xb8;
	[tilespmem:$0x11B20] =	vst v63  }
0x3e: {  	s22 =	simm.s32 $0x200  }
0x3f: {  	[tilespmem:s23], [sflag:$0x1] =	stream.indirect.gather [hbm4b:s4+s14], $0x20, s22, s14, $0xb8;
	[tilespmem:$0x11B20] =	vst v63  }
0x40: {  	s24 =	simm.s32 $0x280;
	s25 =	simm.s32 $0x9E20  }
0x41: {  	[tilespmem:s25], [sflag:$0x1] =	stream.indirect.gather [hbm4b:s4+s14], $0x20, s24, s14, $0xb8;
	[tilespmem:$0x11B20] =	vst v63  }
0x42: {  	s26 =	simm.s32 $0x300  }
0x43: {  	[tilespmem:s28], [sflag:$0x1] =	stream.indirect.gather [hbm4b:s4+s14], $0x20, s26, s14, $0xb8;
	[tilespmem:$0x11B20] =	vst v63  }
0x44: {  	s29 =	simm.s32 $0x380;
	s13 =	simm.s32 $0x0  }
0x45: {  	[tilespmem:s30], [sflag:$0x1] =	stream.indirect.gather [hbm4b:s4+s14], $0x20, s29, s14, $0xb8;
	[tilespmem:$0x11B20] =	vst v63  }
.LBB2_2:
0x46: {  	_ =	swait.ge [sflag:s31], $0xFA0  }
0x47: {  	s16 =	sshra.s32 s13, $0x2;
	[sflag:s31] =	ssyncset.done $0x0  }
0x48: {  	p0 =	seq.s32 s13, $0x0;
	s17 =	sadd.s32 $0x2800, s16;
	[sflag:s31] =	ssyncadd.s32 $0xFFFFF060  }
0x49: {  	[spmem:s2] =	stream.indirect.scatter.add.bf16 [tilespmem:s15], [sflag:$0x2], $0x20, s17, s14, $0xb8;
	[tilespmem:$0x11B20] =	vst v63  }
0x4a: {  	s17 =	simm.s32 @p0 $0x1  }
0x4b: {  	_ =	swait.ge @p0 [sflag:s17], $0xFA0  }
0x4c: {  	s18 =	sshra.s32 @p0 s13, $0x2;
	s22 =	simm.s32 @p0 $0x7D;
	[sflag:s17] =	ssyncset.done @p0 $0x0  }
0x4d: {  	s24 =	simm.s32 @p0 $0x5FA0;
	s20 =	sadd.s32 @p0 $0x2880, s18;
	[sflag:s17] =	ssyncadd.s32 @p0 $0xFFFFF060  }
0x4e: {  	[spmem:s2] =	stream.indirect.scatter.add.bf16 @p0 [tilespmem:s24], [sflag:$0x2], $0x20, s20, s22, $0xb8;
	[tilespmem:$0x11B20] =	vst v63  }
0x4f: {  	s20 =	simm.s32 @!p0 $0x2  }
0x50: {  	_ =	swait.ge @!p0 [sflag:s20], $0xFA0  }
0x51: {  	s26 =	simm.s32 @!p0 $0x7D;
	s24 =	sshra.s32 @!p0 s13, $0x2;
	[sflag:s20] =	ssyncset.done @!p0 $0x0  }
0x52: {  	s29 =	simm.s32 @!p0 $0x8E80;
	s25 =	sadd.s32 @!p0 $0x200, s24;
	[sflag:s20] =	ssyncadd.s32 @!p0 $0xFFFFF060  }
0x53: {  	[tilespmem:s29], [sflag:$0x1] =	stream.indirect.gather @!p0 [hbm4b:s4+s26], $0x20, s25, s26, $0xb8;
	[tilespmem:$0x11B20] =	vst v63  }
0x54: {  	s25 =	simm.s32 @!p0 $0x1  }
0x55: {  	_ =	swait.ge @!p0 [sflag:s25], $0xFA0  }
0x56: {  	[sflag:s25] =	ssyncset.done @!p0 $0x0  }
0x57: {  	s5 =	simm.s32 @!p0 $0x5FA0;
	s29 =	sadd.s32 @!p0 $0x2880, s24;
	[sflag:s25] =	ssyncadd.s32 @!p0 $0xFFFFF060  }
0x58: {  	[spmem:s2] =	stream.indirect.scatter.add.bf16 @!p0 [tilespmem:s5], [sflag:$0x2], $0x20, s29, s26, $0xb8;
	[tilespmem:$0x11B20] =	vst v63  }
0x59: {  	_ =	swait.ge @!p0 [sflag:s20], $0xFA0  }
0x5a: {  	[sflag:s20] =	ssyncset.done @!p0 $0x0  }
0x5b: {  	s5 =	sadd.s32 @!p0 $0x280, s24;
	s29 =	simm.s32 @!p0 $0x9E20;
	[sflag:s20] =	ssyncadd.s32 @!p0 $0xFFFFF060  }
0x5c: {  	[tilespmem:s29], [sflag:$0x1] =	stream.indirect.gather @!p0 [hbm4b:s4+s26], $0x20, s5, s26, $0xb8;
	[tilespmem:$0x11B20] =	vst v63  }
0x5d: {  	_ =	swait.ge [sflag:s31], $0xFA0  }
0x5e: {  	[sflag:s31] =	ssyncset.done $0x0  }
0x5f: {  	s29 =	sadd.s32 $0x2900, s16;
	[sflag:s31] =	ssyncadd.s32 $0xFFFFF060  }
0x60: {  	[spmem:s2] =	stream.indirect.scatter.add.bf16 [tilespmem:s19], [sflag:$0x2], $0x20, s29, s14, $0xb8;
	[tilespmem:$0x11B20] =	vst v63  }
0x61: {  	_ =	swait.ge @p0 [sflag:s17], $0xFA0  }
0x62: {  	[sflag:s17] =	ssyncset.done @p0 $0x0  }
0x63: {  	s5 =	sadd.s32 @p0 $0x2980, s18;
	[sflag:s17] =	ssyncadd.s32 @p0 $0xFFFFF060;
	s17 =	simm.s32 @p0 $0x7EE0  }
0x64: {  	[spmem:s2] =	stream.indirect.scatter.add.bf16 @p0 [tilespmem:s17], [sflag:$0x2], $0x20, s5, s22, $0xb8;
	[tilespmem:$0x11B20] =	vst v63  }
0x65: {  	_ =	swait.ge @!p0 [sflag:s20], $0xFA0  }
0x66: {  	[sflag:s20] =	ssyncset.done @!p0 $0x0  }
0x67: {  	s5 =	sadd.s32 @!p0 $0x300, s24;
	s17 =	simm.s32 @!p0 $0xADC0;
	[sflag:s20] =	ssyncadd.s32 @!p0 $0xFFFFF060  }
0x68: {  	[tilespmem:s17], [sflag:$0x1] =	stream.indirect.gather @!p0 [hbm4b:s4+s26], $0x20, s5, s26, $0xb8;
	[tilespmem:$0x11B20] =	vst v63  }
0x69: {  	_ =	swait.ge @!p0 [sflag:s25], $0xFA0  }
0x6a: {  	[sflag:s25] =	ssyncset.done @!p0 $0x0  }
0x6b: {  	s5 =	sadd.s32 @!p0 $0x2980, s24;
	s17 =	simm.s32 @!p0 $0x7EE0;
	[sflag:s25] =	ssyncadd.s32 @!p0 $0xFFFFF060  }
0x6c: {  	[spmem:s2] =	stream.indirect.scatter.add.bf16 @!p0 [tilespmem:s17], [sflag:$0x2], $0x20, s5, s26, $0xb8;
	[tilespmem:$0x11B20] =	vst v63  }
0x6d: {  	_ =	swait.ge @!p0 [sflag:s20], $0xFA0  }
0x6e: {  	[sflag:s20] =	ssyncset.done @!p0 $0x0  }
0x6f: {  	s5 =	sadd.s32 @!p0 $0x380, s24;
	s17 =	simm.s32 @!p0 $0xBD60;
	[sflag:s20] =	ssyncadd.s32 @!p0 $0xFFFFF060  }
0x70: {  	[tilespmem:s17], [sflag:$0x1] =	stream.indirect.gather @!p0 [hbm4b:s4+s26], $0x20, s5, s26, $0xb8;
	[tilespmem:$0x11B20] =	vst v63  }
0x71: {  	_ =	swait.ge [sflag:s31], $0xFA0  }
0x72: {  	[sflag:s31] =	ssyncset.done $0x0  }
0x73: {  	s26 =	sadd.s32 $0x2A00, s16;
	[sflag:s31] =	ssyncadd.s32 $0xFFFFF060  }
0x74: {  	[spmem:s2] =	stream.indirect.scatter.add.bf16 [tilespmem:s23], [sflag:$0x2], $0x20, s26, s14, $0xb8;
	[tilespmem:$0x11B20] =	vst v63  }
0x75: {  	_ =	swait.ge [sflag:s1], $0xFA0  }
0x76: {  	p0 =	seq.s32 s13, $0x9000;
	[sflag:s1] =	ssyncset.done $0x0  }
0x77: {  	s5 =	simm.s32 @p0 $0x1;
	[sflag:s1] =	ssyncadd.s32 $0xFFFFF060  }
0x78: {  	_ =	swait.ge @p0 [sflag:s5], $0xFA0  }
0x79: {  	[sflag:s5] =	ssyncset.done @p0 $0x0  }
0x7a: {  	[sflag:s5] =	ssyncadd.s32 @p0 $0xFFFFF060;
	s5 =	sshra.s32 @p0 s13, $0x2  }
0x7b: {  	s17 =	simm.s32 @p0 $0x7D;
	s18 =	simm.s32 @p0 $0x9E20;
	s5 =	sadd.s32 @p0 $0x2A80, s5  }
0x7c: {  	[spmem:s2] =	stream.indirect.scatter.add.bf16 @p0 [tilespmem:s18], [sflag:$0x2], $0x20, s5, s17, $0xb8;
	[tilespmem:$0x11B20] =	vst v63  }
0x7d: {  	s5 =	simm.s32 @p0 $0x2  }
0x7e: {  	_ =	swait.ge @p0 [sflag:s5], $0xFA0  }
0x7f: {  	[sflag:s5] =	ssyncset.done @p0 $0x0  }
0x80: {  	[sflag:s5] =	ssyncadd.s32 @p0 $0xFFFFF060;
	s5 =	sshra.s32 @!p0 s13, $0x2  }
0x81: {  	s20 =	simm.s32 @!p0 $0x5000;
	s18 =	simm.s32 @!p0 $0x7D;
	s17 =	sadd.s32 @!p0 $0x400, s5  }
0x82: {  	[tilespmem:s20], [sflag:$0x1] =	stream.indirect.gather @!p0 [hbm4b:s4+s18], $0x20, s17, s18, $0xb8;
	[tilespmem:$0x11B20] =	vst v63  }
0x83: {  	s17 =	simm.s32 @!p0 $0x1  }
0x84: {  	_ =	swait.ge @!p0 [sflag:s17], $0xFA0  }
0x85: {  	[sflag:s17] =	ssyncset.done @!p0 $0x0  }
0x86: {  	s20 =	simm.s32 @!p0 $0x9E20;
	[sflag:s17] =	ssyncadd.s32 @!p0 $0xFFFFF060;
	s17 =	sadd.s32 @!p0 $0x2A80, s5  }
0x87: {  	[spmem:s2] =	stream.indirect.scatter.add.bf16 @!p0 [tilespmem:s20], [sflag:$0x2], $0x20, s17, s18, $0xb8;
	[tilespmem:$0x11B20] =	vst v63  }
0x88: {  	s17 =	simm.s32 @!p0 $0x2  }
0x89: {  	_ =	swait.ge @!p0 [sflag:s17], $0xFA0  }
0x8a: {  	[sflag:s17] =	ssyncset.done @!p0 $0x0  }
0x8b: {  	s5 =	sadd.s32 @!p0 $0x480, s5;
	[sflag:s17] =	ssyncadd.s32 @!p0 $0xFFFFF060;
	s17 =	simm.s32 @!p0 $0x5FA0  }
0x8c: {  	[tilespmem:s17], [sflag:$0x1] =	stream.indirect.gather @!p0 [hbm4b:s4+s18], $0x20, s5, s18, $0xb8;
	[tilespmem:$0x11B20] =	vst v63  }
0x8d: {  	_ =	swait.ge [sflag:s31], $0xFA0  }
0x8e: {  	[sflag:s31] =	ssyncset.done $0x0  }
.Ltmp2:
0x8f: {  	s29 =	sadd.s32 $0x2B00, s16;
	[sflag:s31] =	ssyncadd.s32 $0xFFFFF060;
	(pc) =	sbr.rel @p0 .LBB2_4-.Ltmp2, $4  }
0x90: {  	[spmem:s2] =	stream.indirect.scatter.add.bf16 [tilespmem:s28], [sflag:$0x2], $0x20, s29, s14, $0xb8;
	[tilespmem:$0x11B20] =	vst v63  }
0x91: {  	_ =	swait.ge [sflag:s1], $0xFA0  }
0x92: {  	[sflag:s1] =	ssyncset.done $0x0  }
0x93: {  	s17 =	sadd.s32 $0x2B80, s16;
	[sflag:s1] =	ssyncadd.s32 $0xFFFFF060  }
0x94: {  	s5 =	sadd.s32 $0x500, s16  }
0x95: {  	[tilespmem:s19], [sflag:$0x1] =	stream.indirect.gather [hbm4b:s4+s14], $0x20, s5, s14, $0xb8;
	[tilespmem:$0x11B20] =	vst v63  }
0x96: {  	_ =	swait.ge [sflag:s31], $0xFA0  }
0x97: {  	[sflag:s31] =	ssyncset.done $0x0  }
0x98: {  	[sflag:s31] =	ssyncadd.s32 $0xFFFFF060  }
0x99: {  	[spmem:s2] =	stream.indirect.scatter.add.bf16 [tilespmem:s30], [sflag:$0x2], $0x20, s17, s14, $0xb8;
	[tilespmem:$0x11B20] =	vst v63  }
.Ltmp3:
0x9a: {  	_ = 	snop;
	(pc) =	sbr.rel .LBB2_2-.Ltmp3, $4  }
0x9b: {  	_ =	swait.ge [sflag:s1], $0xFA0  }
0x9c: {  	[sflag:s1] =	ssyncset.done $0x0  }
0x9d: {  	s29 =	sadd.s32 $0x580, s16;
	s13 =	sadd.s32 $0x1000, s13;
	[sflag:s1] =	ssyncadd.s32 $0xFFFFF060  }
0x9e: {  	[tilespmem:s21], [sflag:$0x1] =	stream.indirect.gather [hbm4b:s4+s14], $0x20, s29, s14, $0xb8;
	[tilespmem:$0x11B20] =	vst v63  }
.LBB2_5:
0x9f: {  	_ =	sfence.sel $0x180000  }
0xa0: {  	[bflag:$0x0] =	sbarrier.arrive $0xFFFF  }
0xa1: {  	_ =	strace $0x90000050  }
0xa2: {  	s0 =	stileid.u32;
	[bflag:$0x2] =	sbarrier.arrive $0xFFFF  }
0xa3: {  	p0 =	sne.s32 s0, $0x0;
	s0 =	rddreg [dreg:$0x2]  }
0xa4: {  	s0 =	sadd.s32 @!p0 $0x100000, s0  }
0xa5: {  	[sflag:s0] =	ssyncadd.tile.s32 @!p0 $0x1;
	_ =	shalt  }
.Lfunc_end2:
_tile_overlayer_lowered:
.L_overlay_start_2:
0xa6: {  	(tag) =	ssettag $0x2  }
0xa7: {  	s0 =	rddreg [dreg:$0x0];
	s2 =	stileid.u32  }
0xa8: {  	s1 =	rddreg [dreg:$0x1];
	p0 =	sne.s32 s2, $0x0  }
0xa9: {  	s3 =	rddreg [dreg:$0x2];
	[bflag:$0x3] =	sbarrier.arrive $0xFFFF;
	s2 =	simm.s32 @!p0 $0x1C03  }
0xaa: {  	[timem:s3], [sflag:s2] =	dma.local @!p0 [hbm:s0], s1  }
0xab: {  	s0 =	simm.s32 @!p0 $0x3  }
0xac: {  	_ =	swait.ge @!p0 [sflag:s0], s1  }
0xad: {  	s1 =	ssub.s32 @!p0 $0x0, s1;
	[sflag:s0] =	ssyncset.done @!p0 $0x0  }
0xae: {  	[sflag:s0] =	ssyncadd.s32 @!p0 s1  }
0xaf: {  	[bflag:$0x3] =	sbarrier.arrive $0xFFFF  }
0xb0: {  	_ =	shalt  }

</sc_bundles>
